<compile_context>
chip_gen: v7x
topology: tpu7x:2x2x1
jax: 0.10.2.dev20260603
libtpu: 0.0.44.dev20260713+nightly
codegen_flags: <defaults>
</compile_context>

<pallas_src>
import functools

import jax
import jax.numpy as jnp
from jax import lax
from jax.experimental import pallas as pl
from jax.experimental.pallas import tpu as pltpu
from jax.experimental.pallas import tpu_sc as plsc

N = 10000
E = 320000
D = 128
NC = 2
NS = 16
NW = NC * NS
B = 80
CPW = 125
PH = 64
DB = 80
DCPW = E // NW // DB
NPAD = NS * 640
RPS = 640
ZR = 128

_MESH = plsc.VectorSubcoreMesh(core_axis_name="c", subcore_axis_name="s")


@functools.partial(
    pl.kernel,
    out_type=jax.ShapeDtypeStruct((NC * NPAD,), jnp.float32),
    mesh=_MESH,
    scratch_types=[
        pltpu.VMEM((DCPW, DB), jnp.int32),
        pltpu.VMEM((DB,), jnp.float32),
        pltpu.VMEM((DB,), jnp.float32),
        pltpu.VMEM_SHARED((NPAD,), jnp.float32),
        pltpu.SemaphoreType.DMA,
    ],
)
def _deg_call(dst_hbm, out_hbm, dstv, onesv, zerosv, acc, sem):
    c = lax.axis_index("c")
    s = lax.axis_index("s")
    w = s * NC + c
    for i in range(DB // 16):
        onesv[pl.ds(i * 16, 16)] = jnp.ones((16,), jnp.float32)
        zerosv[pl.ds(i * 16, 16)] = jnp.zeros((16,), jnp.float32)
    for k in range(640 // DB):
        pltpu.sync_copy(zerosv, acc.at[pl.ds(s * 640 + k * DB, DB)])
    plsc.subcore_barrier()
    pltpu.sync_copy(dst_hbm.at[w], dstv)

    def body(j, carry):
        pltpu.async_copy(onesv, acc.at[dstv.at[j]], sem, add=True)
        return carry

    lax.fori_loop(0, DCPW, body, 0)

    def drain(j, carry):
        pltpu.make_async_copy(onesv, acc.at[dstv.at[j]], sem).wait()
        return carry

    lax.fori_loop(0, DCPW, drain, 0)
    plsc.subcore_barrier()
    pltpu.sync_copy(
        acc.at[pl.ds(s * 640, 640)], out_hbm.at[pl.ds(c * NPAD + s * 640, 640)]
    )


@functools.partial(
    pl.kernel,
    out_type=jax.ShapeDtypeStruct((NC, NPAD, D), jnp.float32),
    mesh=_MESH,
    scratch_types=[
        pltpu.VMEM((PH, B), jnp.int32),
        pltpu.VMEM((PH, B), jnp.int32),
        pltpu.VMEM((B, D), jnp.float32),
        pltpu.VMEM((B, D), jnp.float32),
        pltpu.VMEM((B, D), jnp.float32),
        pltpu.VMEM_SHARED((NPAD, D), jnp.float32),
        pltpu.SemaphoreType.DMA,
        pltpu.SemaphoreType.DMA,
        pltpu.SemaphoreType.DMA,
    ],
)
def _agg_call(g_hbm, src_hbm, dst_hbm, out_hbm, srcv, dstv, ra, rb, rc, acc, g0, g1, g2):
    c = lax.axis_index("c")
    s = lax.axis_index("s")
    w = s * NC + c
    rows = (ra, rb, rc)
    gsem = (g0, g1, g2)
    zv = jnp.zeros((16,), jnp.float32)

    def zbody(i, carry):
        for j in range(D // 16):
            ra[i, pl.ds(j * 16, 16)] = zv
        return carry

    lax.fori_loop(0, B, zbody, 0)
    for k in range(RPS // B):
        pltpu.sync_copy(ra, acc.at[pl.ds(s * RPS + k * B, B)])
    plsc.subcore_barrier()

    def gissue(b, j):
        pltpu.async_copy(g_hbm.at[srcv.at[j]], rows[b], gsem[b])

    def gwait(b, j):
        pltpu.make_async_copy(g_hbm.at[srcv.at[j]], rows[b], gsem[b]).wait()

    def step(b, j, j2):
        gwait(b, j)
        if j2 is not None:
            gissue((b + 2) % 3, j2)
        pltpu.sync_copy(rows[b], acc.at[dstv.at[j]], add=True)

    def run_phase(np_chunks):
        gissue(0, 0)
        gissue(1, 1)
        ntrip = (np_chunks - 2) // 3

        def body(i, carry):
            for k in range(3):
                j = 3 * i + k
                step(k, j, j + 2)
            return carry

        lax.fori_loop(0, ntrip, body, 0)
        for j in range(3 * ntrip, np_chunks):
            step(j % 3, j, j + 2 if j + 2 < np_chunks else None)

    pltpu.sync_copy(src_hbm.at[w, pl.ds(0, PH)], srcv)
    pltpu.sync_copy(dst_hbm.at[w, pl.ds(0, PH)], dstv)
    run_phase(PH)
    nb = CPW - PH
    pltpu.sync_copy(src_hbm.at[w, pl.ds(PH, nb)], srcv.at[pl.ds(0, nb)])
    pltpu.sync_copy(dst_hbm.at[w, pl.ds(PH, nb)], dstv.at[pl.ds(0, nb)])
    run_phase(nb)
    plsc.subcore_barrier()
    for k in range(RPS // ZR):
        base = s * RPS + k * ZR
        pltpu.sync_copy(acc.at[pl.ds(base, ZR)], out_hbm.at[c, pl.ds(base, ZR)])


BM = 2000


def _prep_body(dega_ref, degb_ref, x_ref, w1_ref, dinv_ref, g_ref):
    deg = dega_ref[...] + degb_ref[...]
    dinv = jnp.where(deg > 0, 1.0 / jnp.sqrt(jnp.maximum(deg, 1.0)), 0.0)
    dinv_ref[...] = dinv
    g_ref[...] = (
        jnp.dot(x_ref[...], w1_ref[...], preferred_element_type=jnp.float32) * dinv
    )


def _prep(dega, degb, x, w1):
    return pl.pallas_call(
        _prep_body,
        grid=(N // BM,),
        in_specs=[
            pl.BlockSpec((BM, 1), lambda i: (i, 0)),
            pl.BlockSpec((BM, 1), lambda i: (i, 0)),
            pl.BlockSpec((BM, D), lambda i: (i, 0)),
            pl.BlockSpec((D, D), lambda i: (0, 0)),
        ],
        out_specs=[
            pl.BlockSpec((BM, 1), lambda i: (i, 0)),
            pl.BlockSpec((BM, D), lambda i: (i, 0)),
        ],
        out_shape=[
            jax.ShapeDtypeStruct((N, 1), jnp.float32),
            jax.ShapeDtypeStruct((N, D), jnp.float32),
        ],
    )(dega, degb, x, w1)


def _mid_body(s1_ref, dinv_ref, b1_ref, w2_ref, h1_ref, g2_ref):
    stot = s1_ref[0] + s1_ref[1]
    h1 = jnp.maximum(stot * dinv_ref[...] + b1_ref[...], 0.0)
    h1_ref[...] = h1
    g2_ref[...] = (
        jnp.dot(h1, w2_ref[...], preferred_element_type=jnp.float32) * dinv_ref[...]
    )


def _mid(s1, dinv, b1, w2):
    return pl.pallas_call(
        _mid_body,
        grid=(N // BM,),
        in_specs=[
            pl.BlockSpec((NC, BM, D), lambda i: (0, i, 0)),
            pl.BlockSpec((BM, 1), lambda i: (i, 0)),
            pl.BlockSpec((1, D), lambda i: (0, 0)),
            pl.BlockSpec((D, D), lambda i: (0, 0)),
        ],
        out_specs=[
            pl.BlockSpec((BM, D), lambda i: (i, 0)),
            pl.BlockSpec((BM, D), lambda i: (i, 0)),
        ],
        out_shape=[
            jax.ShapeDtypeStruct((N, D), jnp.float32),
            jax.ShapeDtypeStruct((N, D), jnp.float32),
        ],
    )(s1, dinv, b1, w2)


def _out_body(s2_ref, dinv_ref, b2_ref, h2_ref):
    h2_ref[...] = (s2_ref[0] + s2_ref[1]) * dinv_ref[...] + b2_ref[...]


def _out(s2, dinv, b2):
    return pl.pallas_call(
        _out_body,
        grid=(N // BM,),
        in_specs=[
            pl.BlockSpec((NC, BM, D), lambda i: (0, i, 0)),
            pl.BlockSpec((BM, 1), lambda i: (i, 0)),
            pl.BlockSpec((1, D), lambda i: (0, 0)),
        ],
        out_specs=pl.BlockSpec((BM, D), lambda i: (i, 0)),
        out_shape=jax.ShapeDtypeStruct((N, D), jnp.float32),
    )(s2, dinv, b2)


def kernel(x, edge_index, W1, b1, W2, b2):
    src3 = edge_index[0].reshape(NW, CPW, B)
    dst3 = edge_index[1].reshape(NW, CPW, B)
    deg1d = _deg_call(dst3)
    dega = deg1d[:N].reshape(N, 1)
    degb = deg1d[NPAD : NPAD + N].reshape(N, 1)
    dinv, g1 = _prep(dega, degb, x, W1)
    s1 = _agg_call(g1, src3, dst3)
    h1, g2 = _mid(s1, dinv, b1.reshape(1, D), W2)
    s2 = _agg_call(g2, src3, dst3)
    h2 = _out(s2, dinv, b2.reshape(1, D))
    return (h1, h2)

# --- scband reference (transcript-rebuilt; emitter-appended) ---
"""Pipeline reference for scband-graph-mae2-88957362634900 (READ-ONLY COPY).

The authoritative reference and input builder live on the scoring server;
editing this copy changes nothing except your own understanding.
"""

import jax, jax.numpy as jnp
import numpy as np

N_NODES = 10000
N_EDGES = 320000
D_FEAT = 128


def setup_inputs(seed: int = 0) -> dict:
    key = jax.random.key(seed)
    k1, k2, k3, k4, k5, k6 = jax.random.split(key, 6)
    x = jax.random.normal(k1, (N_NODES, D_FEAT), dtype=jnp.float32)
    edge_index = jax.random.randint(k2, (2, N_EDGES), 0, N_NODES, dtype=jnp.int32)
    scale = 1.0 / np.sqrt(D_FEAT)
    W1 = jax.random.normal(k3, (D_FEAT, D_FEAT), dtype=jnp.float32) * scale
    b1 = jnp.zeros((D_FEAT,), dtype=jnp.float32)
    W2 = jax.random.normal(k4, (D_FEAT, D_FEAT), dtype=jnp.float32) * scale
    b2 = jnp.zeros((D_FEAT,), dtype=jnp.float32)
    return {"x": x, "edge_index": edge_index, "W1": W1, "b1": b1, "W2": W2, "b2": b2}


def _gcn_conv(h, src, dst, W, b, num_nodes):
    # h' = D^{-1/2} A D^{-1/2} (h W) + b, via gather + scatter-add
    h = h @ W
    ones = jnp.ones(src.shape[0], dtype=h.dtype)
    deg = jax.ops.segment_sum(ones, dst, num_segments=num_nodes)
    deg_inv_sqrt = jnp.where(deg > 0, 1.0 / jnp.sqrt(jnp.maximum(deg, 1.0)), 0.0)
    coef = deg_inv_sqrt[src] * deg_inv_sqrt[dst]
    msg = h[src] * coef[:, None]
    agg = jax.ops.segment_sum(msg, dst, num_segments=num_nodes)
    return agg + b


def reference(x, edge_index, W1, b1, W2, b2):
    # GraphMAE2.forward(x, edge_index) == self.encoder(x, edge_index)
    # Encoder: 2-layer GCN returning list of hidden states (as per in_channels/out_channels attrs).
    src = edge_index[0]
    dst = edge_index[1]
    n = x.shape[0]
    h1 = jax.nn.relu(_gcn_conv(x, src, dst, W1, b1, n))
    h2 = _gcn_conv(h1, src, dst, W2, b2, n)
    return (h1, h2)

if __name__ == "__main__":
    import jax
    _d = setup_inputs()
    print(jax.jit(kernel)(*tuple(_d.values())))

</pallas_src>

<mosaic_0001>
#map = affine_map<(d0, d1) -> (0, 0, 0)>
#map1 = affine_map<(d0, d1) -> (0)>
module attributes {stable_mosaic.version = 14 : i64} {
  func.func @_deg_call(%arg0: i32, %arg1: i32, %arg2: memref<32x125x80xi32, #tpu.memory_space<hbm>>, %arg3: memref<20480xf32, #tpu.memory_space<hbm>>, %arg4: memref<125x80xi32, #tpu.memory_space<vmem>>, %arg5: memref<80xf32, #tpu.memory_space<vmem>>, %arg6: memref<80xf32, #tpu.memory_space<vmem>>, %arg7: memref<10240xf32, #tpu.memory_space<vmem_shared>>, %arg8: memref<!tpu.dma_semaphore, #tpu.memory_space<semaphore_mem>>) attributes {dimension_semantics = [#tpu.dimension_semantics<core_parallel>, #tpu.dimension_semantics<subcore_parallel>], iteration_bounds = array<i64: 2, 16>, scalar_prefetch = 0 : i64, scratch_operands = 5 : i64, tpu.core_type = #tpu.core_type<sc_vector_subcore>, window_params = [{transform_indices = #map}, {transform_indices = #map1}]} {
    %mul3A = arith.constant 2 : i32
    %mul3A_0 = arith.muli %arg1, %mul3A : i32
    %add3A = arith.addi %mul3A_0, %arg0 : i32
    %broadcast_in_dim3A = arith.constant 1.000000e+00 : f32
    %broadcast_in_dim3A_1 = vector.broadcast %broadcast_in_dim3A : f32 to vector<16xf32>
    %swap3A = arith.constant 0 : index
    %swap3A_2 = tpu.vector_load %arg5[%swap3A] {strides = array<i32>} : memref<80xf32, #tpu.memory_space<vmem>>, vector<16xf32>,
    %swap3A_3 = vector.shape_cast %swap3A_2 : vector<16xf32> to vector<16xf32>
    %swap3A_4 = vector.shape_cast %broadcast_in_dim3A_1 : vector<16xf32> to vector<16xf32>
    tpu.vector_store %arg5[%swap3A], %swap3A_4 {strides = array<i32>} : memref<80xf32, #tpu.memory_space<vmem>>, vector<16xf32>,
    %broadcast_in_dim3A_5 = arith.constant 0.000000e+00 : f32
    %broadcast_in_dim3A_6 = vector.broadcast %broadcast_in_dim3A_5 : f32 to vector<16xf32>
    %swap3A_7 = arith.constant 0 : index
    %swap3A_8 = tpu.vector_load %arg6[%swap3A_7] {strides = array<i32>} : memref<80xf32, #tpu.memory_space<vmem>>, vector<16xf32>,
    %swap3A_9 = vector.shape_cast %swap3A_8 : vector<16xf32> to vector<16xf32>
    %swap3A_10 = vector.shape_cast %broadcast_in_dim3A_6 : vector<16xf32> to vector<16xf32>
    tpu.vector_store %arg6[%swap3A_7], %swap3A_10 {strides = array<i32>} : memref<80xf32, #tpu.memory_space<vmem>>, vector<16xf32>,
    %broadcast_in_dim3A_11 = arith.constant 1.000000e+00 : f32
    %broadcast_in_dim3A_12 = vector.broadcast %broadcast_in_dim3A_11 : f32 to vector<16xf32>
    %swap3A_13 = arith.constant 16 : index
    %swap3A_14 = tpu.vector_load %arg5[%swap3A_13] {strides = array<i32>} : memref<80xf32, #tpu.memory_space<vmem>>, vector<16xf32>,
    %swap3A_15 = vector.shape_cast %swap3A_14 : vector<16xf32> to vector<16xf32>
    %swap3A_16 = vector.shape_cast %broadcast_in_dim3A_12 : vector<16xf32> to vector<16xf32>
    tpu.vector_store %arg5[%swap3A_13], %swap3A_16 {strides = array<i32>} : memref<80xf32, #tpu.memory_space<vmem>>, vector<16xf32>,
    %broadcast_in_dim3A_17 = arith.constant 0.000000e+00 : f32
    %broadcast_in_dim3A_18 = vector.broadcast %broadcast_in_dim3A_17 : f32 to vector<16xf32>
    %swap3A_19 = arith.constant 16 : index
    %swap3A_20 = tpu.vector_load %arg6[%swap3A_19] {strides = array<i32>} : memref<80xf32, #tpu.memory_space<vmem>>, vector<16xf32>,
    %swap3A_21 = vector.shape_cast %swap3A_20 : vector<16xf32> to vector<16xf32>
    %swap3A_22 = vector.shape_cast %broadcast_in_dim3A_18 : vector<16xf32> to vector<16xf32>
    tpu.vector_store %arg6[%swap3A_19], %swap3A_22 {strides = array<i32>} : memref<80xf32, #tpu.memory_space<vmem>>, vector<16xf32>,
    %broadcast_in_dim3A_23 = arith.constant 1.000000e+00 : f32
    %broadcast_in_dim3A_24 = vector.broadcast %broadcast_in_dim3A_23 : f32 to vector<16xf32>
    %swap3A_25 = arith.constant 32 : index
    %swap3A_26 = tpu.vector_load %arg5[%swap3A_25] {strides = array<i32>} : memref<80xf32, #tpu.memory_space<vmem>>, vector<16xf32>,
    %swap3A_27 = vector.shape_cast %swap3A_26 : vector<16xf32> to vector<16xf32>
    %swap3A_28 = vector.shape_cast %broadcast_in_dim3A_24 : vector<16xf32> to vector<16xf32>
    tpu.vector_store %arg5[%swap3A_25], %swap3A_28 {strides = array<i32>} : memref<80xf32, #tpu.memory_space<vmem>>, vector<16xf32>,
    %broadcast_in_dim3A_29 = arith.constant 0.000000e+00 : f32
    %broadcast_in_dim3A_30 = vector.broadcast %broadcast_in_dim3A_29 : f32 to vector<16xf32>
    %swap3A_31 = arith.constant 32 : index
    %swap3A_32 = tpu.vector_load %arg6[%swap3A_31] {strides = array<i32>} : memref<80xf32, #tpu.memory_space<vmem>>, vector<16xf32>,
    %swap3A_33 = vector.shape_cast %swap3A_32 : vector<16xf32> to vector<16xf32>
    %swap3A_34 = vector.shape_cast %broadcast_in_dim3A_30 : vector<16xf32> to vector<16xf32>
    tpu.vector_store %arg6[%swap3A_31], %swap3A_34 {strides = array<i32>} : memref<80xf32, #tpu.memory_space<vmem>>, vector<16xf32>,
    %broadcast_in_dim3A_35 = arith.constant 1.000000e+00 : f32
    %broadcast_in_dim3A_36 = vector.broadcast %broadcast_in_dim3A_35 : f32 to vector<16xf32>
    %swap3A_37 = arith.constant 48 : index
    %swap3A_38 = tpu.vector_load %arg5[%swap3A_37] {strides = array<i32>} : memref<80xf32, #tpu.memory_space<vmem>>, vector<16xf32>,
    %swap3A_39 = vector.shape_cast %swap3A_38 : vector<16xf32> to vector<16xf32>
    %swap3A_40 = vector.shape_cast %broadcast_in_dim3A_36 : vector<16xf32> to vector<16xf32>
    tpu.vector_store %arg5[%swap3A_37], %swap3A_40 {strides = array<i32>} : memref<80xf32, #tpu.memory_space<vmem>>, vector<16xf32>,
    %broadcast_in_dim3A_41 = arith.constant 0.000000e+00 : f32
    %broadcast_in_dim3A_42 = vector.broadcast %broadcast_in_dim3A_41 : f32 to vector<16xf32>
    %swap3A_43 = arith.constant 48 : index
    %swap3A_44 = tpu.vector_load %arg6[%swap3A_43] {strides = array<i32>} : memref<80xf32, #tpu.memory_space<vmem>>, vector<16xf32>,
    %swap3A_45 = vector.shape_cast %swap3A_44 : vector<16xf32> to vector<16xf32>
    %swap3A_46 = vector.shape_cast %broadcast_in_dim3A_42 : vector<16xf32> to vector<16xf32>
    tpu.vector_store %arg6[%swap3A_43], %swap3A_46 {strides = array<i32>} : memref<80xf32, #tpu.memory_space<vmem>>, vector<16xf32>,
    %broadcast_in_dim3A_47 = arith.constant 1.000000e+00 : f32
    %broadcast_in_dim3A_48 = vector.broadcast %broadcast_in_dim3A_47 : f32 to vector<16xf32>
    %swap3A_49 = arith.constant 64 : index
    %swap3A_50 = tpu.vector_load %arg5[%swap3A_49] {strides = array<i32>} : memref<80xf32, #tpu.memory_space<vmem>>, vector<16xf32>,
    %swap3A_51 = vector.shape_cast %swap3A_50 : vector<16xf32> to vector<16xf32>
    %swap3A_52 = vector.shape_cast %broadcast_in_dim3A_48 : vector<16xf32> to vector<16xf32>
    tpu.vector_store %arg5[%swap3A_49], %swap3A_52 {strides = array<i32>} : memref<80xf32, #tpu.memory_space<vmem>>, vector<16xf32>,
    %broadcast_in_dim3A_53 = arith.constant 0.000000e+00 : f32
    %broadcast_in_dim3A_54 = vector.broadcast %broadcast_in_dim3A_53 : f32 to vector<16xf32>
    %swap3A_55 = arith.constant 64 : index
    %swap3A_56 = tpu.vector_load %arg6[%swap3A_55] {strides = array<i32>} : memref<80xf32, #tpu.memory_space<vmem>>, vector<16xf32>,
    %swap3A_57 = vector.shape_cast %swap3A_56 : vector<16xf32> to vector<16xf32>
    %swap3A_58 = vector.shape_cast %broadcast_in_dim3A_54 : vector<16xf32> to vector<16xf32>
    tpu.vector_store %arg6[%swap3A_55], %swap3A_58 {strides = array<i32>} : memref<80xf32, #tpu.memory_space<vmem>>, vector<16xf32>,
    %mul3A_59 = arith.constant 640 : i32
    %mul3A_60 = arith.muli %arg1, %mul3A_59 : i32
    %add3A_61 = arith.constant 0 : i32
    %add3A_62 = arith.addi %mul3A_60, %add3A_61 : i32
    "tpu.region"() ({
      %run_scoped3A = tpu.sem_alloc : memref<!tpu.dma_semaphore, #tpu.memory_space<semaphore_mem>>
      %dma_start3A = tpu.memref_slice %arg7[%add3A_62] : memref<10240xf32, #tpu.memory_space<vmem_shared>> -> memref<80xf32, #tpu.memory_space<vmem_shared>>
      %dma_start3A_110 = tpu.memref_slice %arg7[%add3A_62] : memref<10240xf32, #tpu.memory_space<vmem_shared>> -> memref<80xf32, #tpu.memory_space<vmem_shared>>
      tpu.enqueue_dma source(%arg6 : memref<80xf32, #tpu.memory_space<vmem>>) target(%dma_start3A_110 : memref<80xf32, #tpu.memory_space<vmem_shared>>) target_semaphore(%run_scoped3A : memref<!tpu.dma_semaphore, #tpu.memory_space<semaphore_mem>>)
      %dma_wait3A = tpu.memref_slice %arg7[%add3A_62] : memref<10240xf32, #tpu.memory_space<vmem_shared>> -> memref<80xf32, #tpu.memory_space<vmem_shared>>
      %dma_wait3A_111 = tpu.memref_slice %arg7[%add3A_62] : memref<10240xf32, #tpu.memory_space<vmem_shared>> -> memref<80xf32, #tpu.memory_space<vmem_shared>>
      tpu.wait_dma2 semaphore(%run_scoped3A : memref<!tpu.dma_semaphore, #tpu.memory_space<semaphore_mem>>) src(%arg6 : memref<80xf32, #tpu.memory_space<vmem>>) dst(%dma_wait3A_111 : memref<80xf32, #tpu.memory_space<vmem_shared>>)
      tpu.yield
    }) : () -> ()
    %mul3A_63 = arith.constant 640 : i32
    %mul3A_64 = arith.muli %arg1, %mul3A_63 : i32
    %add3A_65 = arith.constant 80 : i32
    %add3A_66 = arith.addi %mul3A_64, %add3A_65 : i32
    "tpu.region"() ({
      %run_scoped3A = tpu.sem_alloc : memref<!tpu.dma_semaphore, #tpu.memory_space<semaphore_mem>>
      %dma_start3A = tpu.memref_slice %arg7[%add3A_66] : memref<10240xf32, #tpu.memory_space<vmem_shared>> -> memref<80xf32, #tpu.memory_space<vmem_shared>>
      %dma_start3A_110 = tpu.memref_slice %arg7[%add3A_66] : memref<10240xf32, #tpu.memory_space<vmem_shared>> -> memref<80xf32, #tpu.memory_space<vmem_shared>>
      tpu.enqueue_dma source(%arg6 : memref<80xf32, #tpu.memory_space<vmem>>) target(%dma_start3A_110 : memref<80xf32, #tpu.memory_space<vmem_shared>>) target_semaphore(%run_scoped3A : memref<!tpu.dma_semaphore, #tpu.memory_space<semaphore_mem>>)
      %dma_wait3A = tpu.memref_slice %arg7[%add3A_66] : memref<10240xf32, #tpu.memory_space<vmem_shared>> -> memref<80xf32, #tpu.memory_space<vmem_shared>>
      %dma_wait3A_111 = tpu.memref_slice %arg7[%add3A_66] : memref<10240xf32, #tpu.memory_space<vmem_shared>> -> memref<80xf32, #tpu.memory_space<vmem_shared>>
      tpu.wait_dma2 semaphore(%run_scoped3A : memref<!tpu.dma_semaphore, #tpu.memory_space<semaphore_mem>>) src(%arg6 : memref<80xf32, #tpu.memory_space<vmem>>) dst(%dma_wait3A_111 : memref<80xf32, #tpu.memory_space<vmem_shared>>)
      tpu.yield
    }) : () -> ()
    %mul3A_67 = arith.constant 640 : i32
    %mul3A_68 = arith.muli %arg1, %mul3A_67 : i32
    %add3A_69 = arith.constant 160 : i32
    %add3A_70 = arith.addi %mul3A_68, %add3A_69 : i32
    "tpu.region"() ({
      %run_scoped3A = tpu.sem_alloc : memref<!tpu.dma_semaphore, #tpu.memory_space<semaphore_mem>>
      %dma_start3A = tpu.memref_slice %arg7[%add3A_70] : memref<10240xf32, #tpu.memory_space<vmem_shared>> -> memref<80xf32, #tpu.memory_space<vmem_shared>>
      %dma_start3A_110 = tpu.memref_slice %arg7[%add3A_70] : memref<10240xf32, #tpu.memory_space<vmem_shared>> -> memref<80xf32, #tpu.memory_space<vmem_shared>>
      tpu.enqueue_dma source(%arg6 : memref<80xf32, #tpu.memory_space<vmem>>) target(%dma_start3A_110 : memref<80xf32, #tpu.memory_space<vmem_shared>>) target_semaphore(%run_scoped3A : memref<!tpu.dma_semaphore, #tpu.memory_space<semaphore_mem>>)
      %dma_wait3A = tpu.memref_slice %arg7[%add3A_70] : memref<10240xf32, #tpu.memory_space<vmem_shared>> -> memref<80xf32, #tpu.memory_space<vmem_shared>>
      %dma_wait3A_111 = tpu.memref_slice %arg7[%add3A_70] : memref<10240xf32, #tpu.memory_space<vmem_shared>> -> memref<80xf32, #tpu.memory_space<vmem_shared>>
      tpu.wait_dma2 semaphore(%run_scoped3A : memref<!tpu.dma_semaphore, #tpu.memory_space<semaphore_mem>>) src(%arg6 : memref<80xf32, #tpu.memory_space<vmem>>) dst(%dma_wait3A_111 : memref<80xf32, #tpu.memory_space<vmem_shared>>)
      tpu.yield
    }) : () -> ()
    %mul3A_71 = arith.constant 640 : i32
    %mul3A_72 = arith.muli %arg1, %mul3A_71 : i32
    %add3A_73 = arith.constant 240 : i32
    %add3A_74 = arith.addi %mul3A_72, %add3A_73 : i32
    "tpu.region"() ({
      %run_scoped3A = tpu.sem_alloc : memref<!tpu.dma_semaphore, #tpu.memory_space<semaphore_mem>>
      %dma_start3A = tpu.memref_slice %arg7[%add3A_74] : memref<10240xf32, #tpu.memory_space<vmem_shared>> -> memref<80xf32, #tpu.memory_space<vmem_shared>>
      %dma_start3A_110 = tpu.memref_slice %arg7[%add3A_74] : memref<10240xf32, #tpu.memory_space<vmem_shared>> -> memref<80xf32, #tpu.memory_space<vmem_shared>>
      tpu.enqueue_dma source(%arg6 : memref<80xf32, #tpu.memory_space<vmem>>) target(%dma_start3A_110 : memref<80xf32, #tpu.memory_space<vmem_shared>>) target_semaphore(%run_scoped3A : memref<!tpu.dma_semaphore, #tpu.memory_space<semaphore_mem>>)
      %dma_wait3A = tpu.memref_slice %arg7[%add3A_74] : memref<10240xf32, #tpu.memory_space<vmem_shared>> -> memref<80xf32, #tpu.memory_space<vmem_shared>>
      %dma_wait3A_111 = tpu.memref_slice %arg7[%add3A_74] : memref<10240xf32, #tpu.memory_space<vmem_shared>> -> memref<80xf32, #tpu.memory_space<vmem_shared>>
      tpu.wait_dma2 semaphore(%run_scoped3A : memref<!tpu.dma_semaphore, #tpu.memory_space<semaphore_mem>>) src(%arg6 : memref<80xf32, #tpu.memory_space<vmem>>) dst(%dma_wait3A_111 : memref<80xf32, #tpu.memory_space<vmem_shared>>)
      tpu.yield
    }) : () -> ()
    %mul3A_75 = arith.constant 640 : i32
    %mul3A_76 = arith.muli %arg1, %mul3A_75 : i32
    %add3A_77 = arith.constant 320 : i32
    %add3A_78 = arith.addi %mul3A_76, %add3A_77 : i32
    "tpu.region"() ({
      %run_scoped3A = tpu.sem_alloc : memref<!tpu.dma_semaphore, #tpu.memory_space<semaphore_mem>>
      %dma_start3A = tpu.memref_slice %arg7[%add3A_78] : memref<10240xf32, #tpu.memory_space<vmem_shared>> -> memref<80xf32, #tpu.memory_space<vmem_shared>>
      %dma_start3A_110 = tpu.memref_slice %arg7[%add3A_78] : memref<10240xf32, #tpu.memory_space<vmem_shared>> -> memref<80xf32, #tpu.memory_space<vmem_shared>>
      tpu.enqueue_dma source(%arg6 : memref<80xf32, #tpu.memory_space<vmem>>) target(%dma_start3A_110 : memref<80xf32, #tpu.memory_space<vmem_shared>>) target_semaphore(%run_scoped3A : memref<!tpu.dma_semaphore, #tpu.memory_space<semaphore_mem>>)
      %dma_wait3A = tpu.memref_slice %arg7[%add3A_78] : memref<10240xf32, #tpu.memory_space<vmem_shared>> -> memref<80xf32, #tpu.memory_space<vmem_shared>>
      %dma_wait3A_111 = tpu.memref_slice %arg7[%add3A_78] : memref<10240xf32, #tpu.memory_space<vmem_shared>> -> memref<80xf32, #tpu.memory_space<vmem_shared>>
      tpu.wait_dma2 semaphore(%run_scoped3A : memref<!tpu.dma_semaphore, #tpu.memory_space<semaphore_mem>>) src(%arg6 : memref<80xf32, #tpu.memory_space<vmem>>) dst(%dma_wait3A_111 : memref<80xf32, #tpu.memory_space<vmem_shared>>)
      tpu.yield
    }) : () -> ()
    %mul3A_79 = arith.constant 640 : i32
    %mul3A_80 = arith.muli %arg1, %mul3A_79 : i32
    %add3A_81 = arith.constant 400 : i32
    %add3A_82 = arith.addi %mul3A_80, %add3A_81 : i32
    "tpu.region"() ({
      %run_scoped3A = tpu.sem_alloc : memref<!tpu.dma_semaphore, #tpu.memory_space<semaphore_mem>>
      %dma_start3A = tpu.memref_slice %arg7[%add3A_82] : memref<10240xf32, #tpu.memory_space<vmem_shared>> -> memref<80xf32, #tpu.memory_space<vmem_shared>>
      %dma_start3A_110 = tpu.memref_slice %arg7[%add3A_82] : memref<10240xf32, #tpu.memory_space<vmem_shared>> -> memref<80xf32, #tpu.memory_space<vmem_shared>>
      tpu.enqueue_dma source(%arg6 : memref<80xf32, #tpu.memory_space<vmem>>) target(%dma_start3A_110 : memref<80xf32, #tpu.memory_space<vmem_shared>>) target_semaphore(%run_scoped3A : memref<!tpu.dma_semaphore, #tpu.memory_space<semaphore_mem>>)
      %dma_wait3A = tpu.memref_slice %arg7[%add3A_82] : memref<10240xf32, #tpu.memory_space<vmem_shared>> -> memref<80xf32, #tpu.memory_space<vmem_shared>>
      %dma_wait3A_111 = tpu.memref_slice %arg7[%add3A_82] : memref<10240xf32, #tpu.memory_space<vmem_shared>> -> memref<80xf32, #tpu.memory_space<vmem_shared>>
      tpu.wait_dma2 semaphore(%run_scoped3A : memref<!tpu.dma_semaphore, #tpu.memory_space<semaphore_mem>>) src(%arg6 : memref<80xf32, #tpu.memory_space<vmem>>) dst(%dma_wait3A_111 : memref<80xf32, #tpu.memory_space<vmem_shared>>)
      tpu.yield
    }) : () -> ()
    %mul3A_83 = arith.constant 640 : i32
    %mul3A_84 = arith.muli %arg1, %mul3A_83 : i32
    %add3A_85 = arith.constant 480 : i32
    %add3A_86 = arith.addi %mul3A_84, %add3A_85 : i32
    "tpu.region"() ({
      %run_scoped3A = tpu.sem_alloc : memref<!tpu.dma_semaphore, #tpu.memory_space<semaphore_mem>>
      %dma_start3A = tpu.memref_slice %arg7[%add3A_86] : memref<10240xf32, #tpu.memory_space<vmem_shared>> -> memref<80xf32, #tpu.memory_space<vmem_shared>>
      %dma_start3A_110 = tpu.memref_slice %arg7[%add3A_86] : memref<10240xf32, #tpu.memory_space<vmem_shared>> -> memref<80xf32, #tpu.memory_space<vmem_shared>>
      tpu.enqueue_dma source(%arg6 : memref<80xf32, #tpu.memory_space<vmem>>) target(%dma_start3A_110 : memref<80xf32, #tpu.memory_space<vmem_shared>>) target_semaphore(%run_scoped3A : memref<!tpu.dma_semaphore, #tpu.memory_space<semaphore_mem>>)
      %dma_wait3A = tpu.memref_slice %arg7[%add3A_86] : memref<10240xf32, #tpu.memory_space<vmem_shared>> -> memref<80xf32, #tpu.memory_space<vmem_shared>>
      %dma_wait3A_111 = tpu.memref_slice %arg7[%add3A_86] : memref<10240xf32, #tpu.memory_space<vmem_shared>> -> memref<80xf32, #tpu.memory_space<vmem_shared>>
      tpu.wait_dma2 semaphore(%run_scoped3A : memref<!tpu.dma_semaphore, #tpu.memory_space<semaphore_mem>>) src(%arg6 : memref<80xf32, #tpu.memory_space<vmem>>) dst(%dma_wait3A_111 : memref<80xf32, #tpu.memory_space<vmem_shared>>)
      tpu.yield
    }) : () -> ()
    %mul3A_87 = arith.constant 640 : i32
    %mul3A_88 = arith.muli %arg1, %mul3A_87 : i32
    %add3A_89 = arith.constant 560 : i32
    %add3A_90 = arith.addi %mul3A_88, %add3A_89 : i32
    "tpu.region"() ({
      %run_scoped3A = tpu.sem_alloc : memref<!tpu.dma_semaphore, #tpu.memory_space<semaphore_mem>>
      %dma_start3A = tpu.memref_slice %arg7[%add3A_90] : memref<10240xf32, #tpu.memory_space<vmem_shared>> -> memref<80xf32, #tpu.memory_space<vmem_shared>>
      %dma_start3A_110 = tpu.memref_slice %arg7[%add3A_90] : memref<10240xf32, #tpu.memory_space<vmem_shared>> -> memref<80xf32, #tpu.memory_space<vmem_shared>>
      tpu.enqueue_dma source(%arg6 : memref<80xf32, #tpu.memory_space<vmem>>) target(%dma_start3A_110 : memref<80xf32, #tpu.memory_space<vmem_shared>>) target_semaphore(%run_scoped3A : memref<!tpu.dma_semaphore, #tpu.memory_space<semaphore_mem>>)
      %dma_wait3A = tpu.memref_slice %arg7[%add3A_90] : memref<10240xf32, #tpu.memory_space<vmem_shared>> -> memref<80xf32, #tpu.memory_space<vmem_shared>>
      %dma_wait3A_111 = tpu.memref_slice %arg7[%add3A_90] : memref<10240xf32, #tpu.memory_space<vmem_shared>> -> memref<80xf32, #tpu.memory_space<vmem_shared>>
      tpu.wait_dma2 semaphore(%run_scoped3A : memref<!tpu.dma_semaphore, #tpu.memory_space<semaphore_mem>>) src(%arg6 : memref<80xf32, #tpu.memory_space<vmem>>) dst(%dma_wait3A_111 : memref<80xf32, #tpu.memory_space<vmem_shared>>)
      tpu.yield
    }) : () -> ()
    %barrier3A = arith.constant 0 : index
    tpu.barrier barrier_id(%barrier3A)
    "tpu.region"() ({
      %run_scoped3A = tpu.sem_alloc : memref<!tpu.dma_semaphore, #tpu.memory_space<semaphore_mem>>
      %dma_start3A = arith.constant 0 : i32
      %dma_start3A_110 = arith.constant 0 : i32
      %dma_start3A_111 = tpu.memref_slice %arg2[%add3A, %dma_start3A, %dma_start3A_110] : memref<32x125x80xi32, #tpu.memory_space<hbm>> -> memref<1x125x80xi32, #tpu.memory_space<hbm>>
      %dma_start3A_112 = tpu.memref_squeeze %dma_start3A_111 : memref<1x125x80xi32, #tpu.memory_space<hbm>> -> memref<125x80xi32, #tpu.memory_space<hbm>>
      %dma_start3A_113 = arith.constant 0 : i32
      %dma_start3A_114 = arith.constant 0 : i32
      %dma_start3A_115 = tpu.memref_slice %arg2[%add3A, %dma_start3A_113, %dma_start3A_114] : memref<32x125x80xi32, #tpu.memory_space<hbm>> -> memref<1x125x80xi32, #tpu.memory_space<hbm>>
      %dma_start3A_116 = tpu.memref_squeeze %dma_start3A_115 : memref<1x125x80xi32, #tpu.memory_space<hbm>> -> memref<125x80xi32, #tpu.memory_space<hbm>>
      tpu.enqueue_dma source(%dma_start3A_116 : memref<125x80xi32, #tpu.memory_space<hbm>>) target(%arg4 : memref<125x80xi32, #tpu.memory_space<vmem>>) target_semaphore(%run_scoped3A : memref<!tpu.dma_semaphore, #tpu.memory_space<semaphore_mem>>)
      %dma_wait3A = arith.constant 0 : i32
      %dma_wait3A_117 = arith.constant 0 : i32
      %dma_wait3A_118 = tpu.memref_slice %arg2[%add3A, %dma_wait3A, %dma_wait3A_117] : memref<32x125x80xi32, #tpu.memory_space<hbm>> -> memref<1x125x80xi32, #tpu.memory_space<hbm>>
      %dma_wait3A_119 = tpu.memref_squeeze %dma_wait3A_118 : memref<1x125x80xi32, #tpu.memory_space<hbm>> -> memref<125x80xi32, #tpu.memory_space<hbm>>
      %dma_wait3A_120 = arith.constant 0 : i32
      %dma_wait3A_121 = arith.constant 0 : i32
      %dma_wait3A_122 = tpu.memref_slice %arg2[%add3A, %dma_wait3A_120, %dma_wait3A_121] : memref<32x125x80xi32, #tpu.memory_space<hbm>> -> memref<1x125x80xi32, #tpu.memory_space<hbm>>
      %dma_wait3A_123 = tpu.memref_squeeze %dma_wait3A_122 : memref<1x125x80xi32, #tpu.memory_space<hbm>> -> memref<125x80xi32, #tpu.memory_space<hbm>>
      tpu.wait_dma2 semaphore(%run_scoped3A : memref<!tpu.dma_semaphore, #tpu.memory_space<semaphore_mem>>) src(%dma_wait3A_123 : memref<125x80xi32, #tpu.memory_space<hbm>>) dst(%arg4 : memref<125x80xi32, #tpu.memory_space<vmem>>)
      tpu.yield
    }) : () -> ()
    %scan3A = arith.constant 0 : i32
    %scan3A_91 = arith.constant 0 : i32
    %scan3A_92 = arith.constant 125 : i32
    %scan3A_93 = arith.addi %scan3A_91, %scan3A_92 : i32
    %scan3A_94 = arith.constant 1 : i32
    scf.for %scan3A_110 = %scan3A_91 to %scan3A_93 step %scan3A_94  : i32 {
      %dma_start3A = arith.constant 0 : i32
      %dma_start3A_111 = tpu.memref_slice %arg4[%scan3A_110, %dma_start3A] : memref<125x80xi32, #tpu.memory_space<vmem>> -> memref<1x80xi32, #tpu.memory_space<vmem>>
      %dma_start3A_112 = tpu.memref_squeeze %dma_start3A_111 : memref<1x80xi32, #tpu.memory_space<vmem>> -> memref<80xi32, #tpu.memory_space<vmem>>
      %dma_start3A_113 = arith.constant 0 : i32
      %dma_start3A_114 = tpu.memref_slice %arg7[%dma_start3A_113] : memref<10240xf32, #tpu.memory_space<vmem_shared>> -> memref<10240xf32, #tpu.memory_space<vmem_shared>>
      tpu.enqueue_indirect_dma source(%arg5 : memref<80xf32, #tpu.memory_space<vmem>>) target(%dma_start3A_114 : memref<10240xf32, #tpu.memory_space<vmem_shared>>) offsets(%dma_start3A_112 : memref<80xi32, #tpu.memory_space<vmem>>) semaphore(%arg8 : memref<!tpu.dma_semaphore, #tpu.memory_space<semaphore_mem>>) {add = true}
    }
    %scan3A_95 = arith.constant 125 : i32
    %scan3A_96 = arith.constant 0 : i32
    %scan3A_97 = arith.constant 0 : i32
    %scan3A_98 = arith.constant 125 : i32
    %scan3A_99 = arith.addi %scan3A_97, %scan3A_98 : i32
    %scan3A_100 = arith.constant 1 : i32
    scf.for %scan3A_110 = %scan3A_97 to %scan3A_99 step %scan3A_100  : i32 {
      %dma_wait3A = arith.constant 0 : i32
      %dma_wait3A_111 = tpu.memref_slice %arg4[%scan3A_110, %dma_wait3A] : memref<125x80xi32, #tpu.memory_space<vmem>> -> memref<1x80xi32, #tpu.memory_space<vmem>>
      %dma_wait3A_112 = tpu.memref_squeeze %dma_wait3A_111 : memref<1x80xi32, #tpu.memory_space<vmem>> -> memref<80xi32, #tpu.memory_space<vmem>>
      %dma_wait3A_113 = arith.constant 0 : i32
      %dma_wait3A_114 = tpu.memref_slice %arg7[%dma_wait3A_113] : memref<10240xf32, #tpu.memory_space<vmem_shared>> -> memref<10240xf32, #tpu.memory_space<vmem_shared>>
      tpu.wait_indirect_dma semaphore(%arg8 : memref<!tpu.dma_semaphore, #tpu.memory_space<semaphore_mem>>) src(%arg5 : memref<80xf32, #tpu.memory_space<vmem>>) dst(%dma_wait3A_114 : memref<10240xf32, #tpu.memory_space<vmem_shared>>)
    }
    %scan3A_101 = arith.constant 125 : i32
    %barrier3A_102 = arith.constant 0 : index
    tpu.barrier barrier_id(%barrier3A_102)
    %mul3A_103 = arith.constant 640 : i32
    %mul3A_104 = arith.muli %arg1, %mul3A_103 : i32
    %mul3A_105 = arith.constant 10240 : i32
    %mul3A_106 = arith.muli %arg0, %mul3A_105 : i32
    %mul3A_107 = arith.constant 640 : i32
    %mul3A_108 = arith.muli %arg1, %mul3A_107 : i32
    %add3A_109 = arith.addi %mul3A_106, %mul3A_108 : i32
    "tpu.region"() ({
      %run_scoped3A = tpu.sem_alloc : memref<!tpu.dma_semaphore, #tpu.memory_space<semaphore_mem>>
      %dma_start3A = tpu.memref_slice %arg3[%add3A_109] : memref<20480xf32, #tpu.memory_space<hbm>> -> memref<640xf32, #tpu.memory_space<hbm>>
      %dma_start3A_110 = tpu.memref_slice %arg7[%mul3A_104] : memref<10240xf32, #tpu.memory_space<vmem_shared>> -> memref<640xf32, #tpu.memory_space<vmem_shared>>
      tpu.enqueue_dma source(%dma_start3A_110 : memref<640xf32, #tpu.memory_space<vmem_shared>>) target(%dma_start3A : memref<640xf32, #tpu.memory_space<hbm>>) target_semaphore(%run_scoped3A : memref<!tpu.dma_semaphore, #tpu.memory_space<semaphore_mem>>)
      %dma_wait3A = tpu.memref_slice %arg3[%add3A_109] : memref<20480xf32, #tpu.memory_space<hbm>> -> memref<640xf32, #tpu.memory_space<hbm>>
      %dma_wait3A_111 = tpu.memref_slice %arg7[%mul3A_104] : memref<10240xf32, #tpu.memory_space<vmem_shared>> -> memref<640xf32, #tpu.memory_space<vmem_shared>>
      tpu.wait_dma2 semaphore(%run_scoped3A : memref<!tpu.dma_semaphore, #tpu.memory_space<semaphore_mem>>) src(%dma_wait3A_111 : memref<640xf32, #tpu.memory_space<vmem_shared>>) dst(%dma_wait3A : memref<640xf32, #tpu.memory_space<hbm>>)
      tpu.yield
    }) : () -> ()
    return
  }
}

#map = affine_map<(d0, d1) -> (0, 0)>
#map1 = affine_map<(d0, d1) -> (0, 0, 0)>
module attributes {stable_mosaic.version = 14 : i64} {
  func.func @_agg_call(%arg0: i32, %arg1: i32, %arg2: memref<10000x128xf32, #tpu.memory_space<hbm>>, %arg3: memref<32x125x80xi32, #tpu.memory_space<hbm>>, %arg4: memref<32x125x80xi32, #tpu.memory_space<hbm>>, %arg5: memref<2x10240x128xf32, #tpu.memory_space<hbm>>, %arg6: memref<64x80xi32, #tpu.memory_space<vmem>>, %arg7: memref<64x80xi32, #tpu.memory_space<vmem>>, %arg8: memref<80x128xf32, #tpu.memory_space<vmem>>, %arg9: memref<80x128xf32, #tpu.memory_space<vmem>>, %arg10: memref<80x128xf32, #tpu.memory_space<vmem>>, %arg11: memref<10240x128xf32, #tpu.memory_space<vmem_shared>>, %arg12: memref<!tpu.dma_semaphore, #tpu.memory_space<semaphore_mem>>, %arg13: memref<!tpu.dma_semaphore, #tpu.memory_space<semaphore_mem>>, %arg14: memref<!tpu.dma_semaphore, #tpu.memory_space<semaphore_mem>>) attributes {dimension_semantics = [#tpu.dimension_semantics<core_parallel>, #tpu.dimension_semantics<subcore_parallel>], iteration_bounds = array<i64: 2, 16>, scalar_prefetch = 0 : i64, scratch_operands = 9 : i64, tpu.core_type = #tpu.core_type<sc_vector_subcore>, window_params = [{transform_indices = #map}, {transform_indices = #map1}, {transform_indices = #map1}, {transform_indices = #map1}]} {
    %mul3A = arith.constant 2 : i32
    %mul3A_0 = arith.muli %arg1, %mul3A : i32
    %add3A = arith.addi %mul3A_0, %arg0 : i32
    %broadcast_in_dim3A = arith.constant 0.000000e+00 : f32
    %broadcast_in_dim3A_1 = vector.broadcast %broadcast_in_dim3A : f32 to vector<16xf32>
    %scan3A = arith.constant 0 : i32
    %scan3A_2 = arith.constant 0 : i32
    %scan3A_3 = arith.constant 80 : i32
    %scan3A_4 = arith.addi %scan3A_2, %scan3A_3 : i32
    %scan3A_5 = arith.constant 1 : i32
    scf.for %scan3A_189 = %scan3A_2 to %scan3A_4 step %scan3A_5  : i32 {
      %swap3A = arith.index_cast %scan3A_189 : i32 to index
      %swap3A_190 = arith.constant 0 : index
      %swap3A_191 = tpu.vector_load %arg8[%swap3A, %swap3A_190] {strides = array<i32>} : memref<80x128xf32, #tpu.memory_space<vmem>>, vector<1x16xf32>,
      %swap3A_192 = vector.shape_cast %swap3A_191 : vector<1x16xf32> to vector<16xf32>
      %swap3A_193 = vector.shape_cast %broadcast_in_dim3A_1 : vector<16xf32> to vector<1x16xf32>
      tpu.vector_store %arg8[%swap3A, %swap3A_190], %swap3A_193 {strides = array<i32>} : memref<80x128xf32, #tpu.memory_space<vmem>>, vector<1x16xf32>,
      %swap3A_194 = arith.index_cast %scan3A_189 : i32 to index
      %swap3A_195 = arith.constant 16 : index
      %swap3A_196 = tpu.vector_load %arg8[%swap3A_194, %swap3A_195] {strides = array<i32>} : memref<80x128xf32, #tpu.memory_space<vmem>>, vector<1x16xf32>,
      %swap3A_197 = vector.shape_cast %swap3A_196 : vector<1x16xf32> to vector<16xf32>
      %swap3A_198 = vector.shape_cast %broadcast_in_dim3A_1 : vector<16xf32> to vector<1x16xf32>
      tpu.vector_store %arg8[%swap3A_194, %swap3A_195], %swap3A_198 {strides = array<i32>} : memref<80x128xf32, #tpu.memory_space<vmem>>, vector<1x16xf32>,
      %swap3A_199 = arith.index_cast %scan3A_189 : i32 to index
      %swap3A_200 = arith.constant 32 : index
      %swap3A_201 = tpu.vector_load %arg8[%swap3A_199, %swap3A_200] {strides = array<i32>} : memref<80x128xf32, #tpu.memory_space<vmem>>, vector<1x16xf32>,
      %swap3A_202 = vector.shape_cast %swap3A_201 : vector<1x16xf32> to vector<16xf32>
      %swap3A_203 = vector.shape_cast %broadcast_in_dim3A_1 : vector<16xf32> to vector<1x16xf32>
      tpu.vector_store %arg8[%swap3A_199, %swap3A_200], %swap3A_203 {strides = array<i32>} : memref<80x128xf32, #tpu.memory_space<vmem>>, vector<1x16xf32>,
      %swap3A_204 = arith.index_cast %scan3A_189 : i32 to index
      %swap3A_205 = arith.constant 48 : index
      %swap3A_206 = tpu.vector_load %arg8[%swap3A_204, %swap3A_205] {strides = array<i32>} : memref<80x128xf32, #tpu.memory_space<vmem>>, vector<1x16xf32>,
      %swap3A_207 = vector.shape_cast %swap3A_206 : vector<1x16xf32> to vector<16xf32>
      %swap3A_208 = vector.shape_cast %broadcast_in_dim3A_1 : vector<16xf32> to vector<1x16xf32>
      tpu.vector_store %arg8[%swap3A_204, %swap3A_205], %swap3A_208 {strides = array<i32>} : memref<80x128xf32, #tpu.memory_space<vmem>>, vector<1x16xf32>,
      %swap3A_209 = arith.index_cast %scan3A_189 : i32 to index
      %swap3A_210 = arith.constant 64 : index
      %swap3A_211 = tpu.vector_load %arg8[%swap3A_209, %swap3A_210] {strides = array<i32>} : memref<80x128xf32, #tpu.memory_space<vmem>>, vector<1x16xf32>,
      %swap3A_212 = vector.shape_cast %swap3A_211 : vector<1x16xf32> to vector<16xf32>
      %swap3A_213 = vector.shape_cast %broadcast_in_dim3A_1 : vector<16xf32> to vector<1x16xf32>
      tpu.vector_store %arg8[%swap3A_209, %swap3A_210], %swap3A_213 {strides = array<i32>} : memref<80x128xf32, #tpu.memory_space<vmem>>, vector<1x16xf32>,
      %swap3A_214 = arith.index_cast %scan3A_189 : i32 to index
      %swap3A_215 = arith.constant 80 : index
      %swap3A_216 = tpu.vector_load %arg8[%swap3A_214, %swap3A_215] {strides = array<i32>} : memref<80x128xf32, #tpu.memory_space<vmem>>, vector<1x16xf32>,
      %swap3A_217 = vector.shape_cast %swap3A_216 : vector<1x16xf32> to vector<16xf32>
      %swap3A_218 = vector.shape_cast %broadcast_in_dim3A_1 : vector<16xf32> to vector<1x16xf32>
      tpu.vector_store %arg8[%swap3A_214, %swap3A_215], %swap3A_218 {strides = array<i32>} : memref<80x128xf32, #tpu.memory_space<vmem>>, vector<1x16xf32>,
      %swap3A_219 = arith.index_cast %scan3A_189 : i32 to index
      %swap3A_220 = arith.constant 96 : index
      %swap3A_221 = tpu.vector_load %arg8[%swap3A_219, %swap3A_220] {strides = array<i32>} : memref<80x128xf32, #tpu.memory_space<vmem>>, vector<1x16xf32>,
      %swap3A_222 = vector.shape_cast %swap3A_221 : vector<1x16xf32> to vector<16xf32>
      %swap3A_223 = vector.shape_cast %broadcast_in_dim3A_1 : vector<16xf32> to vector<1x16xf32>
      tpu.vector_store %arg8[%swap3A_219, %swap3A_220], %swap3A_223 {strides = array<i32>} : memref<80x128xf32, #tpu.memory_space<vmem>>, vector<1x16xf32>,
      %swap3A_224 = arith.index_cast %scan3A_189 : i32 to index
      %swap3A_225 = arith.constant 112 : index
      %swap3A_226 = tpu.vector_load %arg8[%swap3A_224, %swap3A_225] {strides = array<i32>} : memref<80x128xf32, #tpu.memory_space<vmem>>, vector<1x16xf32>,
      %swap3A_227 = vector.shape_cast %swap3A_226 : vector<1x16xf32> to vector<16xf32>
      %swap3A_228 = vector.shape_cast %broadcast_in_dim3A_1 : vector<16xf32> to vector<1x16xf32>
      tpu.vector_store %arg8[%swap3A_224, %swap3A_225], %swap3A_228 {strides = array<i32>} : memref<80x128xf32, #tpu.memory_space<vmem>>, vector<1x16xf32>,
    }
    %scan3A_6 = arith.constant 80 : i32
    %mul3A_7 = arith.constant 640 : i32
    %mul3A_8 = arith.muli %arg1, %mul3A_7 : i32
    %add3A_9 = arith.constant 0 : i32
    %add3A_10 = arith.addi %mul3A_8, %add3A_9 : i32
    "tpu.region"() ({
      %run_scoped3A_189 = tpu.sem_alloc : memref<!tpu.dma_semaphore, #tpu.memory_space<semaphore_mem>>
      %dma_start3A_190 = arith.constant 0 : i32
      %dma_start3A_191 = tpu.memref_slice %arg11[%add3A_10, %dma_start3A_190] : memref<10240x128xf32, #tpu.memory_space<vmem_shared>> -> memref<80x128xf32, #tpu.memory_space<vmem_shared>>
      %dma_start3A_192 = arith.constant 0 : i32
      %dma_start3A_193 = tpu.memref_slice %arg11[%add3A_10, %dma_start3A_192] : memref<10240x128xf32, #tpu.memory_space<vmem_shared>> -> memref<80x128xf32, #tpu.memory_space<vmem_shared>>
      tpu.enqueue_dma source(%arg8 : memref<80x128xf32, #tpu.memory_space<vmem>>) target(%dma_start3A_193 : memref<80x128xf32, #tpu.memory_space<vmem_shared>>) target_semaphore(%run_scoped3A_189 : memref<!tpu.dma_semaphore, #tpu.memory_space<semaphore_mem>>)
      %dma_wait3A_194 = arith.constant 0 : i32
      %dma_wait3A_195 = tpu.memref_slice %arg11[%add3A_10, %dma_wait3A_194] : memref<10240x128xf32, #tpu.memory_space<vmem_shared>> -> memref<80x128xf32, #tpu.memory_space<vmem_shared>>
      %dma_wait3A_196 = arith.constant 0 : i32
      %dma_wait3A_197 = tpu.memref_slice %arg11[%add3A_10, %dma_wait3A_196] : memref<10240x128xf32, #tpu.memory_space<vmem_shared>> -> memref<80x128xf32, #tpu.memory_space<vmem_shared>>
      tpu.wait_dma2 semaphore(%run_scoped3A_189 : memref<!tpu.dma_semaphore, #tpu.memory_space<semaphore_mem>>) src(%arg8 : memref<80x128xf32, #tpu.memory_space<vmem>>) dst(%dma_wait3A_197 : memref<80x128xf32, #tpu.memory_space<vmem_shared>>)
      tpu.yield
    }) : () -> ()
    %mul3A_11 = arith.constant 640 : i32
    %mul3A_12 = arith.muli %arg1, %mul3A_11 : i32
    %add3A_13 = arith.constant 80 : i32
    %add3A_14 = arith.addi %mul3A_12, %add3A_13 : i32
    "tpu.region"() ({
      %run_scoped3A_189 = tpu.sem_alloc : memref<!tpu.dma_semaphore, #tpu.memory_space<semaphore_mem>>
      %dma_start3A_190 = arith.constant 0 : i32
      %dma_start3A_191 = tpu.memref_slice %arg11[%add3A_14, %dma_start3A_190] : memref<10240x128xf32, #tpu.memory_space<vmem_shared>> -> memref<80x128xf32, #tpu.memory_space<vmem_shared>>
      %dma_start3A_192 = arith.constant 0 : i32
      %dma_start3A_193 = tpu.memref_slice %arg11[%add3A_14, %dma_start3A_192] : memref<10240x128xf32, #tpu.memory_space<vmem_shared>> -> memref<80x128xf32, #tpu.memory_space<vmem_shared>>
      tpu.enqueue_dma source(%arg8 : memref<80x128xf32, #tpu.memory_space<vmem>>) target(%dma_start3A_193 : memref<80x128xf32, #tpu.memory_space<vmem_shared>>) target_semaphore(%run_scoped3A_189 : memref<!tpu.dma_semaphore, #tpu.memory_space<semaphore_mem>>)
      %dma_wait3A_194 = arith.constant 0 : i32
      %dma_wait3A_195 = tpu.memref_slice %arg11[%add3A_14, %dma_wait3A_194] : memref<10240x128xf32, #tpu.memory_space<vmem_shared>> -> memref<80x128xf32, #tpu.memory_space<vmem_shared>>
      %dma_wait3A_196 = arith.constant 0 : i32
      %dma_wait3A_197 = tpu.memref_slice %arg11[%add3A_14, %dma_wait3A_196] : memref<10240x128xf32, #tpu.memory_space<vmem_shared>> -> memref<80x128xf32, #tpu.memory_space<vmem_shared>>
      tpu.wait_dma2 semaphore(%run_scoped3A_189 : memref<!tpu.dma_semaphore, #tpu.memory_space<semaphore_mem>>) src(%arg8 : memref<80x128xf32, #tpu.memory_space<vmem>>) dst(%dma_wait3A_197 : memref<80x128xf32, #tpu.memory_space<vmem_shared>>)
      tpu.yield
    }) : () -> ()
    %mul3A_15 = arith.constant 640 : i32
    %mul3A_16 = arith.muli %arg1, %mul3A_15 : i32
    %add3A_17 = arith.constant 160 : i32
    %add3A_18 = arith.addi %mul3A_16, %add3A_17 : i32
    "tpu.region"() ({
      %run_scoped3A_189 = tpu.sem_alloc : memref<!tpu.dma_semaphore, #tpu.memory_space<semaphore_mem>>
      %dma_start3A_190 = arith.constant 0 : i32
      %dma_start3A_191 = tpu.memref_slice %arg11[%add3A_18, %dma_start3A_190] : memref<10240x128xf32, #tpu.memory_space<vmem_shared>> -> memref<80x128xf32, #tpu.memory_space<vmem_shared>>
      %dma_start3A_192 = arith.constant 0 : i32
      %dma_start3A_193 = tpu.memref_slice %arg11[%add3A_18, %dma_start3A_192] : memref<10240x128xf32, #tpu.memory_space<vmem_shared>> -> memref<80x128xf32, #tpu.memory_space<vmem_shared>>
      tpu.enqueue_dma source(%arg8 : memref<80x128xf32, #tpu.memory_space<vmem>>) target(%dma_start3A_193 : memref<80x128xf32, #tpu.memory_space<vmem_shared>>) target_semaphore(%run_scoped3A_189 : memref<!tpu.dma_semaphore, #tpu.memory_space<semaphore_mem>>)
      %dma_wait3A_194 = arith.constant 0 : i32
      %dma_wait3A_195 = tpu.memref_slice %arg11[%add3A_18, %dma_wait3A_194] : memref<10240x128xf32, #tpu.memory_space<vmem_shared>> -> memref<80x128xf32, #tpu.memory_space<vmem_shared>>
      %dma_wait3A_196 = arith.constant 0 : i32
      %dma_wait3A_197 = tpu.memref_slice %arg11[%add3A_18, %dma_wait3A_196] : memref<10240x128xf32, #tpu.memory_space<vmem_shared>> -> memref<80x128xf32, #tpu.memory_space<vmem_shared>>
      tpu.wait_dma2 semaphore(%run_scoped3A_189 : memref<!tpu.dma_semaphore, #tpu.memory_space<semaphore_mem>>) src(%arg8 : memref<80x128xf32, #tpu.memory_space<vmem>>) dst(%dma_wait3A_197 : memref<80x128xf32, #tpu.memory_space<vmem_shared>>)
      tpu.yield
    }) : () -> ()
    %mul3A_19 = arith.constant 640 : i32
    %mul3A_20 = arith.muli %arg1, %mul3A_19 : i32
    %add3A_21 = arith.constant 240 : i32
    %add3A_22 = arith.addi %mul3A_20, %add3A_21 : i32
    "tpu.region"() ({
      %run_scoped3A_189 = tpu.sem_alloc : memref<!tpu.dma_semaphore, #tpu.memory_space<semaphore_mem>>
      %dma_start3A_190 = arith.constant 0 : i32
      %dma_start3A_191 = tpu.memref_slice %arg11[%add3A_22, %dma_start3A_190] : memref<10240x128xf32, #tpu.memory_space<vmem_shared>> -> memref<80x128xf32, #tpu.memory_space<vmem_shared>>
      %dma_start3A_192 = arith.constant 0 : i32
      %dma_start3A_193 = tpu.memref_slice %arg11[%add3A_22, %dma_start3A_192] : memref<10240x128xf32, #tpu.memory_space<vmem_shared>> -> memref<80x128xf32, #tpu.memory_space<vmem_shared>>
      tpu.enqueue_dma source(%arg8 : memref<80x128xf32, #tpu.memory_space<vmem>>) target(%dma_start3A_193 : memref<80x128xf32, #tpu.memory_space<vmem_shared>>) target_semaphore(%run_scoped3A_189 : memref<!tpu.dma_semaphore, #tpu.memory_space<semaphore_mem>>)
      %dma_wait3A_194 = arith.constant 0 : i32
      %dma_wait3A_195 = tpu.memref_slice %arg11[%add3A_22, %dma_wait3A_194] : memref<10240x128xf32, #tpu.memory_space<vmem_shared>> -> memref<80x128xf32, #tpu.memory_space<vmem_shared>>
      %dma_wait3A_196 = arith.constant 0 : i32
      %dma_wait3A_197 = tpu.memref_slice %arg11[%add3A_22, %dma_wait3A_196] : memref<10240x128xf32, #tpu.memory_space<vmem_shared>> -> memref<80x128xf32, #tpu.memory_space<vmem_shared>>
      tpu.wait_dma2 semaphore(%run_scoped3A_189 : memref<!tpu.dma_semaphore, #tpu.memory_space<semaphore_mem>>) src(%arg8 : memref<80x128xf32, #tpu.memory_space<vmem>>) dst(%dma_wait3A_197 : memref<80x128xf32, #tpu.memory_space<vmem_shared>>)
      tpu.yield
    }) : () -> ()
    %mul3A_23 = arith.constant 640 : i32
    %mul3A_24 = arith.muli %arg1, %mul3A_23 : i32
    %add3A_25 = arith.constant 320 : i32
    %add3A_26 = arith.addi %mul3A_24, %add3A_25 : i32
    "tpu.region"() ({
      %run_scoped3A_189 = tpu.sem_alloc : memref<!tpu.dma_semaphore, #tpu.memory_space<semaphore_mem>>
      %dma_start3A_190 = arith.constant 0 : i32
      %dma_start3A_191 = tpu.memref_slice %arg11[%add3A_26, %dma_start3A_190] : memref<10240x128xf32, #tpu.memory_space<vmem_shared>> -> memref<80x128xf32, #tpu.memory_space<vmem_shared>>
      %dma_start3A_192 = arith.constant 0 : i32
      %dma_start3A_193 = tpu.memref_slice %arg11[%add3A_26, %dma_start3A_192] : memref<10240x128xf32, #tpu.memory_space<vmem_shared>> -> memref<80x128xf32, #tpu.memory_space<vmem_shared>>
      tpu.enqueue_dma source(%arg8 : memref<80x128xf32, #tpu.memory_space<vmem>>) target(%dma_start3A_193 : memref<80x128xf32, #tpu.memory_space<vmem_shared>>) target_semaphore(%run_scoped3A_189 : memref<!tpu.dma_semaphore, #tpu.memory_space<semaphore_mem>>)
      %dma_wait3A_194 = arith.constant 0 : i32
      %dma_wait3A_195 = tpu.memref_slice %arg11[%add3A_26, %dma_wait3A_194] : memref<10240x128xf32, #tpu.memory_space<vmem_shared>> -> memref<80x128xf32, #tpu.memory_space<vmem_shared>>
      %dma_wait3A_196 = arith.constant 0 : i32
      %dma_wait3A_197 = tpu.memref_slice %arg11[%add3A_26, %dma_wait3A_196] : memref<10240x128xf32, #tpu.memory_space<vmem_shared>> -> memref<80x128xf32, #tpu.memory_space<vmem_shared>>
      tpu.wait_dma2 semaphore(%run_scoped3A_189 : memref<!tpu.dma_semaphore, #tpu.memory_space<semaphore_mem>>) src(%arg8 : memref<80x128xf32, #tpu.memory_space<vmem>>) dst(%dma_wait3A_197 : memref<80x128xf32, #tpu.memory_space<vmem_shared>>)
      tpu.yield
    }) : () -> ()
    %mul3A_27 = arith.constant 640 : i32
    %mul3A_28 = arith.muli %arg1, %mul3A_27 : i32
    %add3A_29 = arith.constant 400 : i32
    %add3A_30 = arith.addi %mul3A_28, %add3A_29 : i32
    "tpu.region"() ({
      %run_scoped3A_189 = tpu.sem_alloc : memref<!tpu.dma_semaphore, #tpu.memory_space<semaphore_mem>>
      %dma_start3A_190 = arith.constant 0 : i32
      %dma_start3A_191 = tpu.memref_slice %arg11[%add3A_30, %dma_start3A_190] : memref<10240x128xf32, #tpu.memory_space<vmem_shared>> -> memref<80x128xf32, #tpu.memory_space<vmem_shared>>
      %dma_start3A_192 = arith.constant 0 : i32
      %dma_start3A_193 = tpu.memref_slice %arg11[%add3A_30, %dma_start3A_192] : memref<10240x128xf32, #tpu.memory_space<vmem_shared>> -> memref<80x128xf32, #tpu.memory_space<vmem_shared>>
      tpu.enqueue_dma source(%arg8 : memref<80x128xf32, #tpu.memory_space<vmem>>) target(%dma_start3A_193 : memref<80x128xf32, #tpu.memory_space<vmem_shared>>) target_semaphore(%run_scoped3A_189 : memref<!tpu.dma_semaphore, #tpu.memory_space<semaphore_mem>>)
      %dma_wait3A_194 = arith.constant 0 : i32
      %dma_wait3A_195 = tpu.memref_slice %arg11[%add3A_30, %dma_wait3A_194] : memref<10240x128xf32, #tpu.memory_space<vmem_shared>> -> memref<80x128xf32, #tpu.memory_space<vmem_shared>>
      %dma_wait3A_196 = arith.constant 0 : i32
      %dma_wait3A_197 = tpu.memref_slice %arg11[%add3A_30, %dma_wait3A_196] : memref<10240x128xf32, #tpu.memory_space<vmem_shared>> -> memref<80x128xf32, #tpu.memory_space<vmem_shared>>
      tpu.wait_dma2 semaphore(%run_scoped3A_189 : memref<!tpu.dma_semaphore, #tpu.memory_space<semaphore_mem>>) src(%arg8 : memref<80x128xf32, #tpu.memory_space<vmem>>) dst(%dma_wait3A_197 : memref<80x128xf32, #tpu.memory_space<vmem_shared>>)
      tpu.yield
    }) : () -> ()
    %mul3A_31 = arith.constant 640 : i32
    %mul3A_32 = arith.muli %arg1, %mul3A_31 : i32
    %add3A_33 = arith.constant 480 : i32
    %add3A_34 = arith.addi %mul3A_32, %add3A_33 : i32
    "tpu.region"() ({
      %run_scoped3A_189 = tpu.sem_alloc : memref<!tpu.dma_semaphore, #tpu.memory_space<semaphore_mem>>
      %dma_start3A_190 = arith.constant 0 : i32
      %dma_start3A_191 = tpu.memref_slice %arg11[%add3A_34, %dma_start3A_190] : memref<10240x128xf32, #tpu.memory_space<vmem_shared>> -> memref<80x128xf32, #tpu.memory_space<vmem_shared>>
      %dma_start3A_192 = arith.constant 0 : i32
      %dma_start3A_193 = tpu.memref_slice %arg11[%add3A_34, %dma_start3A_192] : memref<10240x128xf32, #tpu.memory_space<vmem_shared>> -> memref<80x128xf32, #tpu.memory_space<vmem_shared>>
      tpu.enqueue_dma source(%arg8 : memref<80x128xf32, #tpu.memory_space<vmem>>) target(%dma_start3A_193 : memref<80x128xf32, #tpu.memory_space<vmem_shared>>) target_semaphore(%run_scoped3A_189 : memref<!tpu.dma_semaphore, #tpu.memory_space<semaphore_mem>>)
      %dma_wait3A_194 = arith.constant 0 : i32
      %dma_wait3A_195 = tpu.memref_slice %arg11[%add3A_34, %dma_wait3A_194] : memref<10240x128xf32, #tpu.memory_space<vmem_shared>> -> memref<80x128xf32, #tpu.memory_space<vmem_shared>>
      %dma_wait3A_196 = arith.constant 0 : i32
      %dma_wait3A_197 = tpu.memref_slice %arg11[%add3A_34, %dma_wait3A_196] : memref<10240x128xf32, #tpu.memory_space<vmem_shared>> -> memref<80x128xf32, #tpu.memory_space<vmem_shared>>
      tpu.wait_dma2 semaphore(%run_scoped3A_189 : memref<!tpu.dma_semaphore, #tpu.memory_space<semaphore_mem>>) src(%arg8 : memref<80x128xf32, #tpu.memory_space<vmem>>) dst(%dma_wait3A_197 : memref<80x128xf32, #tpu.memory_space<vmem_shared>>)
      tpu.yield
    }) : () -> ()
    %mul3A_35 = arith.constant 640 : i32
    %mul3A_36 = arith.muli %arg1, %mul3A_35 : i32
    %add3A_37 = arith.constant 560 : i32
    %add3A_38 = arith.addi %mul3A_36, %add3A_37 : i32
    "tpu.region"() ({
      %run_scoped3A_189 = tpu.sem_alloc : memref<!tpu.dma_semaphore, #tpu.memory_space<semaphore_mem>>
      %dma_start3A_190 = arith.constant 0 : i32
      %dma_start3A_191 = tpu.memref_slice %arg11[%add3A_38, %dma_start3A_190] : memref<10240x128xf32, #tpu.memory_space<vmem_shared>> -> memref<80x128xf32, #tpu.memory_space<vmem_shared>>
      %dma_start3A_192 = arith.constant 0 : i32
      %dma_start3A_193 = tpu.memref_slice %arg11[%add3A_38, %dma_start3A_192] : memref<10240x128xf32, #tpu.memory_space<vmem_shared>> -> memref<80x128xf32, #tpu.memory_space<vmem_shared>>
      tpu.enqueue_dma source(%arg8 : memref<80x128xf32, #tpu.memory_space<vmem>>) target(%dma_start3A_193 : memref<80x128xf32, #tpu.memory_space<vmem_shared>>) target_semaphore(%run_scoped3A_189 : memref<!tpu.dma_semaphore, #tpu.memory_space<semaphore_mem>>)
      %dma_wait3A_194 = arith.constant 0 : i32
      %dma_wait3A_195 = tpu.memref_slice %arg11[%add3A_38, %dma_wait3A_194] : memref<10240x128xf32, #tpu.memory_space<vmem_shared>> -> memref<80x128xf32, #tpu.memory_space<vmem_shared>>
      %dma_wait3A_196 = arith.constant 0 : i32
      %dma_wait3A_197 = tpu.memref_slice %arg11[%add3A_38, %dma_wait3A_196] : memref<10240x128xf32, #tpu.memory_space<vmem_shared>> -> memref<80x128xf32, #tpu.memory_space<vmem_shared>>
      tpu.wait_dma2 semaphore(%run_scoped3A_189 : memref<!tpu.dma_semaphore, #tpu.memory_space<semaphore_mem>>) src(%arg8 : memref<80x128xf32, #tpu.memory_space<vmem>>) dst(%dma_wait3A_197 : memref<80x128xf32, #tpu.memory_space<vmem_shared>>)
      tpu.yield
    }) : () -> ()
    %barrier3A = arith.constant 0 : index
    tpu.barrier barrier_id(%barrier3A)
    "tpu.region"() ({
      %run_scoped3A_189 = tpu.sem_alloc : memref<!tpu.dma_semaphore, #tpu.memory_space<semaphore_mem>>
      %dma_start3A_190 = arith.constant 0 : i32
      %dma_start3A_191 = arith.constant 0 : i32
      %dma_start3A_192 = tpu.memref_slice %arg3[%add3A, %dma_start3A_190, %dma_start3A_191] : memref<32x125x80xi32, #tpu.memory_space<hbm>> -> memref<1x64x80xi32, #tpu.memory_space<hbm>>
      %dma_start3A_193 = tpu.memref_squeeze %dma_start3A_192 : memref<1x64x80xi32, #tpu.memory_space<hbm>> -> memref<64x80xi32, #tpu.memory_space<hbm>>
      %dma_start3A_194 = arith.constant 0 : i32
      %dma_start3A_195 = arith.constant 0 : i32
      %dma_start3A_196 = tpu.memref_slice %arg3[%add3A, %dma_start3A_194, %dma_start3A_195] : memref<32x125x80xi32, #tpu.memory_space<hbm>> -> memref<1x64x80xi32, #tpu.memory_space<hbm>>
      %dma_start3A_197 = tpu.memref_squeeze %dma_start3A_196 : memref<1x64x80xi32, #tpu.memory_space<hbm>> -> memref<64x80xi32, #tpu.memory_space<hbm>>
      tpu.enqueue_dma source(%dma_start3A_197 : memref<64x80xi32, #tpu.memory_space<hbm>>) target(%arg6 : memref<64x80xi32, #tpu.memory_space<vmem>>) target_semaphore(%run_scoped3A_189 : memref<!tpu.dma_semaphore, #tpu.memory_space<semaphore_mem>>)
      %dma_wait3A_198 = arith.constant 0 : i32
      %dma_wait3A_199 = arith.constant 0 : i32
      %dma_wait3A_200 = tpu.memref_slice %arg3[%add3A, %dma_wait3A_198, %dma_wait3A_199] : memref<32x125x80xi32, #tpu.memory_space<hbm>> -> memref<1x64x80xi32, #tpu.memory_space<hbm>>
      %dma_wait3A_201 = tpu.memref_squeeze %dma_wait3A_200 : memref<1x64x80xi32, #tpu.memory_space<hbm>> -> memref<64x80xi32, #tpu.memory_space<hbm>>
      %dma_wait3A_202 = arith.constant 0 : i32
      %dma_wait3A_203 = arith.constant 0 : i32
      %dma_wait3A_204 = tpu.memref_slice %arg3[%add3A, %dma_wait3A_202, %dma_wait3A_203] : memref<32x125x80xi32, #tpu.memory_space<hbm>> -> memref<1x64x80xi32, #tpu.memory_space<hbm>>
      %dma_wait3A_205 = tpu.memref_squeeze %dma_wait3A_204 : memref<1x64x80xi32, #tpu.memory_space<hbm>> -> memref<64x80xi32, #tpu.memory_space<hbm>>
      tpu.wait_dma2 semaphore(%run_scoped3A_189 : memref<!tpu.dma_semaphore, #tpu.memory_space<semaphore_mem>>) src(%dma_wait3A_205 : memref<64x80xi32, #tpu.memory_space<hbm>>) dst(%arg6 : memref<64x80xi32, #tpu.memory_space<vmem>>)
      tpu.yield
    }) : () -> ()
    "tpu.region"() ({
      %run_scoped3A_189 = tpu.sem_alloc : memref<!tpu.dma_semaphore, #tpu.memory_space<semaphore_mem>>
      %dma_start3A_190 = arith.constant 0 : i32
      %dma_start3A_191 = arith.constant 0 : i32
      %dma_start3A_192 = tpu.memref_slice %arg4[%add3A, %dma_start3A_190, %dma_start3A_191] : memref<32x125x80xi32, #tpu.memory_space<hbm>> -> memref<1x64x80xi32, #tpu.memory_space<hbm>>
      %dma_start3A_193 = tpu.memref_squeeze %dma_start3A_192 : memref<1x64x80xi32, #tpu.memory_space<hbm>> -> memref<64x80xi32, #tpu.memory_space<hbm>>
      %dma_start3A_194 = arith.constant 0 : i32
      %dma_start3A_195 = arith.constant 0 : i32
      %dma_start3A_196 = tpu.memref_slice %arg4[%add3A, %dma_start3A_194, %dma_start3A_195] : memref<32x125x80xi32, #tpu.memory_space<hbm>> -> memref<1x64x80xi32, #tpu.memory_space<hbm>>
      %dma_start3A_197 = tpu.memref_squeeze %dma_start3A_196 : memref<1x64x80xi32, #tpu.memory_space<hbm>> -> memref<64x80xi32, #tpu.memory_space<hbm>>
      tpu.enqueue_dma source(%dma_start3A_197 : memref<64x80xi32, #tpu.memory_space<hbm>>) target(%arg7 : memref<64x80xi32, #tpu.memory_space<vmem>>) target_semaphore(%run_scoped3A_189 : memref<!tpu.dma_semaphore, #tpu.memory_space<semaphore_mem>>)
      %dma_wait3A_198 = arith.constant 0 : i32
      %dma_wait3A_199 = arith.constant 0 : i32
      %dma_wait3A_200 = tpu.memref_slice %arg4[%add3A, %dma_wait3A_198, %dma_wait3A_199] : memref<32x125x80xi32, #tpu.memory_space<hbm>> -> memref<1x64x80xi32, #tpu.memory_space<hbm>>
      %dma_wait3A_201 = tpu.memref_squeeze %dma_wait3A_200 : memref<1x64x80xi32, #tpu.memory_space<hbm>> -> memref<64x80xi32, #tpu.memory_space<hbm>>
      %dma_wait3A_202 = arith.constant 0 : i32
      %dma_wait3A_203 = arith.constant 0 : i32
      %dma_wait3A_204 = tpu.memref_slice %arg4[%add3A, %dma_wait3A_202, %dma_wait3A_203] : memref<32x125x80xi32, #tpu.memory_space<hbm>> -> memref<1x64x80xi32, #tpu.memory_space<hbm>>
      %dma_wait3A_205 = tpu.memref_squeeze %dma_wait3A_204 : memref<1x64x80xi32, #tpu.memory_space<hbm>> -> memref<64x80xi32, #tpu.memory_space<hbm>>
      tpu.wait_dma2 semaphore(%run_scoped3A_189 : memref<!tpu.dma_semaphore, #tpu.memory_space<semaphore_mem>>) src(%dma_wait3A_205 : memref<64x80xi32, #tpu.memory_space<hbm>>) dst(%arg7 : memref<64x80xi32, #tpu.memory_space<vmem>>)
      tpu.yield
    }) : () -> ()
    %dma_start3A = arith.constant 0 : i32
    %dma_start3A_39 = arith.constant 0 : i32
    %dma_start3A_40 = tpu.memref_slice %arg6[%dma_start3A, %dma_start3A_39] : memref<64x80xi32, #tpu.memory_space<vmem>> -> memref<1x80xi32, #tpu.memory_space<vmem>>
    %dma_start3A_41 = tpu.memref_squeeze %dma_start3A_40 : memref<1x80xi32, #tpu.memory_space<vmem>> -> memref<80xi32, #tpu.memory_space<vmem>>
    %dma_start3A_42 = arith.constant 0 : i32
    %dma_start3A_43 = arith.constant 0 : i32
    %dma_start3A_44 = tpu.memref_slice %arg2[%dma_start3A_42, %dma_start3A_43] : memref<10000x128xf32, #tpu.memory_space<hbm>> -> memref<10000x128xf32, #tpu.memory_space<hbm>>
    tpu.enqueue_indirect_dma source(%dma_start3A_44 : memref<10000x128xf32, #tpu.memory_space<hbm>>) target(%arg8 : memref<80x128xf32, #tpu.memory_space<vmem>>) offsets(%dma_start3A_41 : memref<80xi32, #tpu.memory_space<vmem>>) semaphore(%arg12 : memref<!tpu.dma_semaphore, #tpu.memory_space<semaphore_mem>>)
    %dma_start3A_45 = arith.constant 1 : i32
    %dma_start3A_46 = arith.constant 0 : i32
    %dma_start3A_47 = tpu.memref_slice %arg6[%dma_start3A_45, %dma_start3A_46] : memref<64x80xi32, #tpu.memory_space<vmem>> -> memref<1x80xi32, #tpu.memory_space<vmem>>
    %dma_start3A_48 = tpu.memref_squeeze %dma_start3A_47 : memref<1x80xi32, #tpu.memory_space<vmem>> -> memref<80xi32, #tpu.memory_space<vmem>>
    %dma_start3A_49 = arith.constant 0 : i32
    %dma_start3A_50 = arith.constant 0 : i32
    %dma_start3A_51 = tpu.memref_slice %arg2[%dma_start3A_49, %dma_start3A_50] : memref<10000x128xf32, #tpu.memory_space<hbm>> -> memref<10000x128xf32, #tpu.memory_space<hbm>>
    tpu.enqueue_indirect_dma source(%dma_start3A_51 : memref<10000x128xf32, #tpu.memory_space<hbm>>) target(%arg9 : memref<80x128xf32, #tpu.memory_space<vmem>>) offsets(%dma_start3A_48 : memref<80xi32, #tpu.memory_space<vmem>>) semaphore(%arg13 : memref<!tpu.dma_semaphore, #tpu.memory_space<semaphore_mem>>)
    %scan3A_52 = arith.constant 0 : i32
    %scan3A_53 = arith.constant 0 : i32
    %scan3A_54 = arith.constant 20 : i32
    %scan3A_55 = arith.addi %scan3A_53, %scan3A_54 : i32
    %scan3A_56 = arith.constant 1 : i32
    scf.for %scan3A_189 = %scan3A_53 to %scan3A_55 step %scan3A_56  : i32 {
      %mul3A_190 = arith.constant 3 : i32
      %mul3A_191 = arith.muli %mul3A_190, %scan3A_189 : i32
      %add3A_192 = arith.constant 0 : i32
      %add3A_193 = arith.addi %mul3A_191, %add3A_192 : i32
      %add3A_194 = arith.constant 2 : i32
      %add3A_195 = arith.addi %add3A_193, %add3A_194 : i32
      %dma_wait3A_196 = arith.constant 0 : i32
      %dma_wait3A_197 = tpu.memref_slice %arg6[%add3A_193, %dma_wait3A_196] : memref<64x80xi32, #tpu.memory_space<vmem>> -> memref<1x80xi32, #tpu.memory_space<vmem>>
      %dma_wait3A_198 = tpu.memref_squeeze %dma_wait3A_197 : memref<1x80xi32, #tpu.memory_space<vmem>> -> memref<80xi32, #tpu.memory_space<vmem>>
      %dma_wait3A_199 = arith.constant 0 : i32
      %dma_wait3A_200 = arith.constant 0 : i32
      %dma_wait3A_201 = tpu.memref_slice %arg2[%dma_wait3A_199, %dma_wait3A_200] : memref<10000x128xf32, #tpu.memory_space<hbm>> -> memref<10000x128xf32, #tpu.memory_space<hbm>>
      tpu.wait_indirect_dma semaphore(%arg12 : memref<!tpu.dma_semaphore, #tpu.memory_space<semaphore_mem>>) src(%dma_wait3A_201 : memref<10000x128xf32, #tpu.memory_space<hbm>>) dst(%arg8 : memref<80x128xf32, #tpu.memory_space<vmem>>)
      %dma_start3A_202 = arith.constant 0 : i32
      %dma_start3A_203 = tpu.memref_slice %arg6[%add3A_195, %dma_start3A_202] : memref<64x80xi32, #tpu.memory_space<vmem>> -> memref<1x80xi32, #tpu.memory_space<vmem>>
      %dma_start3A_204 = tpu.memref_squeeze %dma_start3A_203 : memref<1x80xi32, #tpu.memory_space<vmem>> -> memref<80xi32, #tpu.memory_space<vmem>>
      %dma_start3A_205 = arith.constant 0 : i32
      %dma_start3A_206 = arith.constant 0 : i32
      %dma_start3A_207 = tpu.memref_slice %arg2[%dma_start3A_205, %dma_start3A_206] : memref<10000x128xf32, #tpu.memory_space<hbm>> -> memref<10000x128xf32, #tpu.memory_space<hbm>>
      tpu.enqueue_indirect_dma source(%dma_start3A_207 : memref<10000x128xf32, #tpu.memory_space<hbm>>) target(%arg10 : memref<80x128xf32, #tpu.memory_space<vmem>>) offsets(%dma_start3A_204 : memref<80xi32, #tpu.memory_space<vmem>>) semaphore(%arg14 : memref<!tpu.dma_semaphore, #tpu.memory_space<semaphore_mem>>)
      "tpu.region"() ({
        %run_scoped3A_244 = tpu.sem_alloc : memref<!tpu.dma_semaphore, #tpu.memory_space<semaphore_mem>>
        %dma_start3A_245 = arith.constant 0 : i32
        %dma_start3A_246 = tpu.memref_slice %arg7[%add3A_193, %dma_start3A_245] : memref<64x80xi32, #tpu.memory_space<vmem>> -> memref<1x80xi32, #tpu.memory_space<vmem>>
        %dma_start3A_247 = tpu.memref_squeeze %dma_start3A_246 : memref<1x80xi32, #tpu.memory_space<vmem>> -> memref<80xi32, #tpu.memory_space<vmem>>
        %dma_start3A_248 = arith.constant 0 : i32
        %dma_start3A_249 = arith.constant 0 : i32
        %dma_start3A_250 = tpu.memref_slice %arg11[%dma_start3A_248, %dma_start3A_249] : memref<10240x128xf32, #tpu.memory_space<vmem_shared>> -> memref<10240x128xf32, #tpu.memory_space<vmem_shared>>
        tpu.enqueue_indirect_dma source(%arg8 : memref<80x128xf32, #tpu.memory_space<vmem>>) target(%dma_start3A_250 : memref<10240x128xf32, #tpu.memory_space<vmem_shared>>) offsets(%dma_start3A_247 : memref<80xi32, #tpu.memory_space<vmem>>) semaphore(%run_scoped3A_244 : memref<!tpu.dma_semaphore, #tpu.memory_space<semaphore_mem>>) {add = true}
        %dma_wait3A_251 = arith.constant 0 : i32
        %dma_wait3A_252 = tpu.memref_slice %arg7[%add3A_193, %dma_wait3A_251] : memref<64x80xi32, #tpu.memory_space<vmem>> -> memref<1x80xi32, #tpu.memory_space<vmem>>
        %dma_wait3A_253 = tpu.memref_squeeze %dma_wait3A_252 : memref<1x80xi32, #tpu.memory_space<vmem>> -> memref<80xi32, #tpu.memory_space<vmem>>
        %dma_wait3A_254 = arith.constant 0 : i32
        %dma_wait3A_255 = arith.constant 0 : i32
        %dma_wait3A_256 = tpu.memref_slice %arg11[%dma_wait3A_254, %dma_wait3A_255] : memref<10240x128xf32, #tpu.memory_space<vmem_shared>> -> memref<10240x128xf32, #tpu.memory_space<vmem_shared>>
        tpu.wait_indirect_dma semaphore(%run_scoped3A_244 : memref<!tpu.dma_semaphore, #tpu.memory_space<semaphore_mem>>) src(%arg8 : memref<80x128xf32, #tpu.memory_space<vmem>>) dst(%dma_wait3A_256 : memref<10240x128xf32, #tpu.memory_space<vmem_shared>>)
        tpu.yield
      }) : () -> ()
      %mul3A_208 = arith.constant 3 : i32
      %mul3A_209 = arith.muli %mul3A_208, %scan3A_189 : i32
      %add3A_210 = arith.constant 1 : i32
      %add3A_211 = arith.addi %mul3A_209, %add3A_210 : i32
      %add3A_212 = arith.constant 2 : i32
      %add3A_213 = arith.addi %add3A_211, %add3A_212 : i32
      %dma_wait3A_214 = arith.constant 0 : i32
      %dma_wait3A_215 = tpu.memref_slice %arg6[%add3A_211, %dma_wait3A_214] : memref<64x80xi32, #tpu.memory_space<vmem>> -> memref<1x80xi32, #tpu.memory_space<vmem>>
      %dma_wait3A_216 = tpu.memref_squeeze %dma_wait3A_215 : memref<1x80xi32, #tpu.memory_space<vmem>> -> memref<80xi32, #tpu.memory_space<vmem>>
      %dma_wait3A_217 = arith.constant 0 : i32
      %dma_wait3A_218 = arith.constant 0 : i32
      %dma_wait3A_219 = tpu.memref_slice %arg2[%dma_wait3A_217, %dma_wait3A_218] : memref<10000x128xf32, #tpu.memory_space<hbm>> -> memref<10000x128xf32, #tpu.memory_space<hbm>>
      tpu.wait_indirect_dma semaphore(%arg13 : memref<!tpu.dma_semaphore, #tpu.memory_space<semaphore_mem>>) src(%dma_wait3A_219 : memref<10000x128xf32, #tpu.memory_space<hbm>>) dst(%arg9 : memref<80x128xf32, #tpu.memory_space<vmem>>)
      %dma_start3A_220 = arith.constant 0 : i32
      %dma_start3A_221 = tpu.memref_slice %arg6[%add3A_213, %dma_start3A_220] : memref<64x80xi32, #tpu.memory_space<vmem>> -> memref<1x80xi32, #tpu.memory_space<vmem>>
      %dma_start3A_222 = tpu.memref_squeeze %dma_start3A_221 : memref<1x80xi32, #tpu.memory_space<vmem>> -> memref<80xi32, #tpu.memory_space<vmem>>
      %dma_start3A_223 = arith.constant 0 : i32
      %dma_start3A_224 = arith.constant 0 : i32
      %dma_start3A_225 = tpu.memref_slice %arg2[%dma_start3A_223, %dma_start3A_224] : memref<10000x128xf32, #tpu.memory_space<hbm>> -> memref<10000x128xf32, #tpu.memory_space<hbm>>
      tpu.enqueue_indirect_dma source(%dma_start3A_225 : memref<10000x128xf32, #tpu.memory_space<hbm>>) target(%arg8 : memref<80x128xf32, #tpu.memory_space<vmem>>) offsets(%dma_start3A_222 : memref<80xi32, #tpu.memory_space<vmem>>) semaphore(%arg12 : memref<!tpu.dma_semaphore, #tpu.memory_space<semaphore_mem>>)
      "tpu.region"() ({
        %run_scoped3A_244 = tpu.sem_alloc : memref<!tpu.dma_semaphore, #tpu.memory_space<semaphore_mem>>
        %dma_start3A_245 = arith.constant 0 : i32
        %dma_start3A_246 = tpu.memref_slice %arg7[%add3A_211, %dma_start3A_245] : memref<64x80xi32, #tpu.memory_space<vmem>> -> memref<1x80xi32, #tpu.memory_space<vmem>>
        %dma_start3A_247 = tpu.memref_squeeze %dma_start3A_246 : memref<1x80xi32, #tpu.memory_space<vmem>> -> memref<80xi32, #tpu.memory_space<vmem>>
        %dma_start3A_248 = arith.constant 0 : i32
        %dma_start3A_249 = arith.constant 0 : i32
        %dma_start3A_250 = tpu.memref_slice %arg11[%dma_start3A_248, %dma_start3A_249] : memref<10240x128xf32, #tpu.memory_space<vmem_shared>> -> memref<10240x128xf32, #tpu.memory_space<vmem_shared>>
        tpu.enqueue_indirect_dma source(%arg9 : memref<80x128xf32, #tpu.memory_space<vmem>>) target(%dma_start3A_250 : memref<10240x128xf32, #tpu.memory_space<vmem_shared>>) offsets(%dma_start3A_247 : memref<80xi32, #tpu.memory_space<vmem>>) semaphore(%run_scoped3A_244 : memref<!tpu.dma_semaphore, #tpu.memory_space<semaphore_mem>>) {add = true}
        %dma_wait3A_251 = arith.constant 0 : i32
        %dma_wait3A_252 = tpu.memref_slice %arg7[%add3A_211, %dma_wait3A_251] : memref<64x80xi32, #tpu.memory_space<vmem>> -> memref<1x80xi32, #tpu.memory_space<vmem>>
        %dma_wait3A_253 = tpu.memref_squeeze %dma_wait3A_252 : memref<1x80xi32, #tpu.memory_space<vmem>> -> memref<80xi32, #tpu.memory_space<vmem>>
        %dma_wait3A_254 = arith.constant 0 : i32
        %dma_wait3A_255 = arith.constant 0 : i32
        %dma_wait3A_256 = tpu.memref_slice %arg11[%dma_wait3A_254, %dma_wait3A_255] : memref<10240x128xf32, #tpu.memory_space<vmem_shared>> -> memref<10240x128xf32, #tpu.memory_space<vmem_shared>>
        tpu.wait_indirect_dma semaphore(%run_scoped3A_244 : memref<!tpu.dma_semaphore, #tpu.memory_space<semaphore_mem>>) src(%arg9 : memref<80x128xf32, #tpu.memory_space<vmem>>) dst(%dma_wait3A_256 : memref<10240x128xf32, #tpu.memory_space<vmem_shared>>)
        tpu.yield
      }) : () -> ()
      %mul3A_226 = arith.constant 3 : i32
      %mul3A_227 = arith.muli %mul3A_226, %scan3A_189 : i32
      %add3A_228 = arith.constant 2 : i32
      %add3A_229 = arith.addi %mul3A_227, %add3A_228 : i32
      %add3A_230 = arith.constant 2 : i32
      %add3A_231 = arith.addi %add3A_229, %add3A_230 : i32
      %dma_wait3A_232 = arith.constant 0 : i32
      %dma_wait3A_233 = tpu.memref_slice %arg6[%add3A_229, %dma_wait3A_232] : memref<64x80xi32, #tpu.memory_space<vmem>> -> memref<1x80xi32, #tpu.memory_space<vmem>>
      %dma_wait3A_234 = tpu.memref_squeeze %dma_wait3A_233 : memref<1x80xi32, #tpu.memory_space<vmem>> -> memref<80xi32, #tpu.memory_space<vmem>>
      %dma_wait3A_235 = arith.constant 0 : i32
      %dma_wait3A_236 = arith.constant 0 : i32
      %dma_wait3A_237 = tpu.memref_slice %arg2[%dma_wait3A_235, %dma_wait3A_236] : memref<10000x128xf32, #tpu.memory_space<hbm>> -> memref<10000x128xf32, #tpu.memory_space<hbm>>
      tpu.wait_indirect_dma semaphore(%arg14 : memref<!tpu.dma_semaphore, #tpu.memory_space<semaphore_mem>>) src(%dma_wait3A_237 : memref<10000x128xf32, #tpu.memory_space<hbm>>) dst(%arg10 : memref<80x128xf32, #tpu.memory_space<vmem>>)
      %dma_start3A_238 = arith.constant 0 : i32
      %dma_start3A_239 = tpu.memref_slice %arg6[%add3A_231, %dma_start3A_238] : memref<64x80xi32, #tpu.memory_space<vmem>> -> memref<1x80xi32, #tpu.memory_space<vmem>>
      %dma_start3A_240 = tpu.memref_squeeze %dma_start3A_239 : memref<1x80xi32, #tpu.memory_space<vmem>> -> memref<80xi32, #tpu.memory_space<vmem>>
      %dma_start3A_241 = arith.constant 0 : i32
      %dma_start3A_242 = arith.constant 0 : i32
      %dma_start3A_243 = tpu.memref_slice %arg2[%dma_start3A_241, %dma_start3A_242] : memref<10000x128xf32, #tpu.memory_space<hbm>> -> memref<10000x128xf32, #tpu.memory_space<hbm>>
      tpu.enqueue_indirect_dma source(%dma_start3A_243 : memref<10000x128xf32, #tpu.memory_space<hbm>>) target(%arg9 : memref<80x128xf32, #tpu.memory_space<vmem>>) offsets(%dma_start3A_240 : memref<80xi32, #tpu.memory_space<vmem>>) semaphore(%arg13 : memref<!tpu.dma_semaphore, #tpu.memory_space<semaphore_mem>>)
      "tpu.region"() ({
        %run_scoped3A_244 = tpu.sem_alloc : memref<!tpu.dma_semaphore, #tpu.memory_space<semaphore_mem>>
        %dma_start3A_245 = arith.constant 0 : i32
        %dma_start3A_246 = tpu.memref_slice %arg7[%add3A_229, %dma_start3A_245] : memref<64x80xi32, #tpu.memory_space<vmem>> -> memref<1x80xi32, #tpu.memory_space<vmem>>
        %dma_start3A_247 = tpu.memref_squeeze %dma_start3A_246 : memref<1x80xi32, #tpu.memory_space<vmem>> -> memref<80xi32, #tpu.memory_space<vmem>>
        %dma_start3A_248 = arith.constant 0 : i32
        %dma_start3A_249 = arith.constant 0 : i32
        %dma_start3A_250 = tpu.memref_slice %arg11[%dma_start3A_248, %dma_start3A_249] : memref<10240x128xf32, #tpu.memory_space<vmem_shared>> -> memref<10240x128xf32, #tpu.memory_space<vmem_shared>>
        tpu.enqueue_indirect_dma source(%arg10 : memref<80x128xf32, #tpu.memory_space<vmem>>) target(%dma_start3A_250 : memref<10240x128xf32, #tpu.memory_space<vmem_shared>>) offsets(%dma_start3A_247 : memref<80xi32, #tpu.memory_space<vmem>>) semaphore(%run_scoped3A_244 : memref<!tpu.dma_semaphore, #tpu.memory_space<semaphore_mem>>) {add = true}
        %dma_wait3A_251 = arith.constant 0 : i32
        %dma_wait3A_252 = tpu.memref_slice %arg7[%add3A_229, %dma_wait3A_251] : memref<64x80xi32, #tpu.memory_space<vmem>> -> memref<1x80xi32, #tpu.memory_space<vmem>>
        %dma_wait3A_253 = tpu.memref_squeeze %dma_wait3A_252 : memref<1x80xi32, #tpu.memory_space<vmem>> -> memref<80xi32, #tpu.memory_space<vmem>>
        %dma_wait3A_254 = arith.constant 0 : i32
        %dma_wait3A_255 = arith.constant 0 : i32
        %dma_wait3A_256 = tpu.memref_slice %arg11[%dma_wait3A_254, %dma_wait3A_255] : memref<10240x128xf32, #tpu.memory_space<vmem_shared>> -> memref<10240x128xf32, #tpu.memory_space<vmem_shared>>
        tpu.wait_indirect_dma semaphore(%run_scoped3A_244 : memref<!tpu.dma_semaphore, #tpu.memory_space<semaphore_mem>>) src(%arg10 : memref<80x128xf32, #tpu.memory_space<vmem>>) dst(%dma_wait3A_256 : memref<10240x128xf32, #tpu.memory_space<vmem_shared>>)
        tpu.yield
      }) : () -> ()
    }
    %scan3A_57 = arith.constant 20 : i32
    %dma_wait3A = arith.constant 60 : i32
    %dma_wait3A_58 = arith.constant 0 : i32
    %dma_wait3A_59 = tpu.memref_slice %arg6[%dma_wait3A, %dma_wait3A_58] : memref<64x80xi32, #tpu.memory_space<vmem>> -> memref<1x80xi32, #tpu.memory_space<vmem>>
    %dma_wait3A_60 = tpu.memref_squeeze %dma_wait3A_59 : memref<1x80xi32, #tpu.memory_space<vmem>> -> memref<80xi32, #tpu.memory_space<vmem>>
    %dma_wait3A_61 = arith.constant 0 : i32
    %dma_wait3A_62 = arith.constant 0 : i32
    %dma_wait3A_63 = tpu.memref_slice %arg2[%dma_wait3A_61, %dma_wait3A_62] : memref<10000x128xf32, #tpu.memory_space<hbm>> -> memref<10000x128xf32, #tpu.memory_space<hbm>>
    tpu.wait_indirect_dma semaphore(%arg12 : memref<!tpu.dma_semaphore, #tpu.memory_space<semaphore_mem>>) src(%dma_wait3A_63 : memref<10000x128xf32, #tpu.memory_space<hbm>>) dst(%arg8 : memref<80x128xf32, #tpu.memory_space<vmem>>)
    %dma_start3A_64 = arith.constant 62 : i32
    %dma_start3A_65 = arith.constant 0 : i32
    %dma_start3A_66 = tpu.memref_slice %arg6[%dma_start3A_64, %dma_start3A_65] : memref<64x80xi32, #tpu.memory_space<vmem>> -> memref<1x80xi32, #tpu.memory_space<vmem>>
    %dma_start3A_67 = tpu.memref_squeeze %dma_start3A_66 : memref<1x80xi32, #tpu.memory_space<vmem>> -> memref<80xi32, #tpu.memory_space<vmem>>
    %dma_start3A_68 = arith.constant 0 : i32
    %dma_start3A_69 = arith.constant 0 : i32
    %dma_start3A_70 = tpu.memref_slice %arg2[%dma_start3A_68, %dma_start3A_69] : memref<10000x128xf32, #tpu.memory_space<hbm>> -> memref<10000x128xf32, #tpu.memory_space<hbm>>
    tpu.enqueue_indirect_dma source(%dma_start3A_70 : memref<10000x128xf32, #tpu.memory_space<hbm>>) target(%arg10 : memref<80x128xf32, #tpu.memory_space<vmem>>) offsets(%dma_start3A_67 : memref<80xi32, #tpu.memory_space<vmem>>) semaphore(%arg14 : memref<!tpu.dma_semaphore, #tpu.memory_space<semaphore_mem>>)
    %run_scoped3A = arith.constant 60 : i32
    "tpu.region"() ({
      %run_scoped3A_189 = tpu.sem_alloc : memref<!tpu.dma_semaphore, #tpu.memory_space<semaphore_mem>>
      %dma_start3A_190 = arith.constant 0 : i32
      %dma_start3A_191 = tpu.memref_slice %arg7[%run_scoped3A, %dma_start3A_190] : memref<64x80xi32, #tpu.memory_space<vmem>> -> memref<1x80xi32, #tpu.memory_space<vmem>>
      %dma_start3A_192 = tpu.memref_squeeze %dma_start3A_191 : memref<1x80xi32, #tpu.memory_space<vmem>> -> memref<80xi32, #tpu.memory_space<vmem>>
      %dma_start3A_193 = arith.constant 0 : i32
      %dma_start3A_194 = arith.constant 0 : i32
      %dma_start3A_195 = tpu.memref_slice %arg11[%dma_start3A_193, %dma_start3A_194] : memref<10240x128xf32, #tpu.memory_space<vmem_shared>> -> memref<10240x128xf32, #tpu.memory_space<vmem_shared>>
      tpu.enqueue_indirect_dma source(%arg8 : memref<80x128xf32, #tpu.memory_space<vmem>>) target(%dma_start3A_195 : memref<10240x128xf32, #tpu.memory_space<vmem_shared>>) offsets(%dma_start3A_192 : memref<80xi32, #tpu.memory_space<vmem>>) semaphore(%run_scoped3A_189 : memref<!tpu.dma_semaphore, #tpu.memory_space<semaphore_mem>>) {add = true}
      %dma_wait3A_196 = arith.constant 0 : i32
      %dma_wait3A_197 = tpu.memref_slice %arg7[%run_scoped3A, %dma_wait3A_196] : memref<64x80xi32, #tpu.memory_space<vmem>> -> memref<1x80xi32, #tpu.memory_space<vmem>>
      %dma_wait3A_198 = tpu.memref_squeeze %dma_wait3A_197 : memref<1x80xi32, #tpu.memory_space<vmem>> -> memref<80xi32, #tpu.memory_space<vmem>>
      %dma_wait3A_199 = arith.constant 0 : i32
      %dma_wait3A_200 = arith.constant 0 : i32
      %dma_wait3A_201 = tpu.memref_slice %arg11[%dma_wait3A_199, %dma_wait3A_200] : memref<10240x128xf32, #tpu.memory_space<vmem_shared>> -> memref<10240x128xf32, #tpu.memory_space<vmem_shared>>
      tpu.wait_indirect_dma semaphore(%run_scoped3A_189 : memref<!tpu.dma_semaphore, #tpu.memory_space<semaphore_mem>>) src(%arg8 : memref<80x128xf32, #tpu.memory_space<vmem>>) dst(%dma_wait3A_201 : memref<10240x128xf32, #tpu.memory_space<vmem_shared>>)
      tpu.yield
    }) : () -> ()
    %dma_wait3A_71 = arith.constant 61 : i32
    %dma_wait3A_72 = arith.constant 0 : i32
    %dma_wait3A_73 = tpu.memref_slice %arg6[%dma_wait3A_71, %dma_wait3A_72] : memref<64x80xi32, #tpu.memory_space<vmem>> -> memref<1x80xi32, #tpu.memory_space<vmem>>
    %dma_wait3A_74 = tpu.memref_squeeze %dma_wait3A_73 : memref<1x80xi32, #tpu.memory_space<vmem>> -> memref<80xi32, #tpu.memory_space<vmem>>
    %dma_wait3A_75 = arith.constant 0 : i32
    %dma_wait3A_76 = arith.constant 0 : i32
    %dma_wait3A_77 = tpu.memref_slice %arg2[%dma_wait3A_75, %dma_wait3A_76] : memref<10000x128xf32, #tpu.memory_space<hbm>> -> memref<10000x128xf32, #tpu.memory_space<hbm>>
    tpu.wait_indirect_dma semaphore(%arg13 : memref<!tpu.dma_semaphore, #tpu.memory_space<semaphore_mem>>) src(%dma_wait3A_77 : memref<10000x128xf32, #tpu.memory_space<hbm>>) dst(%arg9 : memref<80x128xf32, #tpu.memory_space<vmem>>)
    %dma_start3A_78 = arith.constant 63 : i32
    %dma_start3A_79 = arith.constant 0 : i32
    %dma_start3A_80 = tpu.memref_slice %arg6[%dma_start3A_78, %dma_start3A_79] : memref<64x80xi32, #tpu.memory_space<vmem>> -> memref<1x80xi32, #tpu.memory_space<vmem>>
    %dma_start3A_81 = tpu.memref_squeeze %dma_start3A_80 : memref<1x80xi32, #tpu.memory_space<vmem>> -> memref<80xi32, #tpu.memory_space<vmem>>
    %dma_start3A_82 = arith.constant 0 : i32
    %dma_start3A_83 = arith.constant 0 : i32
    %dma_start3A_84 = tpu.memref_slice %arg2[%dma_start3A_82, %dma_start3A_83] : memref<10000x128xf32, #tpu.memory_space<hbm>> -> memref<10000x128xf32, #tpu.memory_space<hbm>>
    tpu.enqueue_indirect_dma source(%dma_start3A_84 : memref<10000x128xf32, #tpu.memory_space<hbm>>) target(%arg8 : memref<80x128xf32, #tpu.memory_space<vmem>>) offsets(%dma_start3A_81 : memref<80xi32, #tpu.memory_space<vmem>>) semaphore(%arg12 : memref<!tpu.dma_semaphore, #tpu.memory_space<semaphore_mem>>)
    %run_scoped3A_85 = arith.constant 61 : i32
    "tpu.region"() ({
      %run_scoped3A_189 = tpu.sem_alloc : memref<!tpu.dma_semaphore, #tpu.memory_space<semaphore_mem>>
      %dma_start3A_190 = arith.constant 0 : i32
      %dma_start3A_191 = tpu.memref_slice %arg7[%run_scoped3A_85, %dma_start3A_190] : memref<64x80xi32, #tpu.memory_space<vmem>> -> memref<1x80xi32, #tpu.memory_space<vmem>>
      %dma_start3A_192 = tpu.memref_squeeze %dma_start3A_191 : memref<1x80xi32, #tpu.memory_space<vmem>> -> memref<80xi32, #tpu.memory_space<vmem>>
      %dma_start3A_193 = arith.constant 0 : i32
      %dma_start3A_194 = arith.constant 0 : i32
      %dma_start3A_195 = tpu.memref_slice %arg11[%dma_start3A_193, %dma_start3A_194] : memref<10240x128xf32, #tpu.memory_space<vmem_shared>> -> memref<10240x128xf32, #tpu.memory_space<vmem_shared>>
      tpu.enqueue_indirect_dma source(%arg9 : memref<80x128xf32, #tpu.memory_space<vmem>>) target(%dma_start3A_195 : memref<10240x128xf32, #tpu.memory_space<vmem_shared>>) offsets(%dma_start3A_192 : memref<80xi32, #tpu.memory_space<vmem>>) semaphore(%run_scoped3A_189 : memref<!tpu.dma_semaphore, #tpu.memory_space<semaphore_mem>>) {add = true}
      %dma_wait3A_196 = arith.constant 0 : i32
      %dma_wait3A_197 = tpu.memref_slice %arg7[%run_scoped3A_85, %dma_wait3A_196] : memref<64x80xi32, #tpu.memory_space<vmem>> -> memref<1x80xi32, #tpu.memory_space<vmem>>
      %dma_wait3A_198 = tpu.memref_squeeze %dma_wait3A_197 : memref<1x80xi32, #tpu.memory_space<vmem>> -> memref<80xi32, #tpu.memory_space<vmem>>
      %dma_wait3A_199 = arith.constant 0 : i32
      %dma_wait3A_200 = arith.constant 0 : i32
      %dma_wait3A_201 = tpu.memref_slice %arg11[%dma_wait3A_199, %dma_wait3A_200] : memref<10240x128xf32, #tpu.memory_space<vmem_shared>> -> memref<10240x128xf32, #tpu.memory_space<vmem_shared>>
      tpu.wait_indirect_dma semaphore(%run_scoped3A_189 : memref<!tpu.dma_semaphore, #tpu.memory_space<semaphore_mem>>) src(%arg9 : memref<80x128xf32, #tpu.memory_space<vmem>>) dst(%dma_wait3A_201 : memref<10240x128xf32, #tpu.memory_space<vmem_shared>>)
      tpu.yield
    }) : () -> ()
    %dma_wait3A_86 = arith.constant 62 : i32
    %dma_wait3A_87 = arith.constant 0 : i32
    %dma_wait3A_88 = tpu.memref_slice %arg6[%dma_wait3A_86, %dma_wait3A_87] : memref<64x80xi32, #tpu.memory_space<vmem>> -> memref<1x80xi32, #tpu.memory_space<vmem>>
    %dma_wait3A_89 = tpu.memref_squeeze %dma_wait3A_88 : memref<1x80xi32, #tpu.memory_space<vmem>> -> memref<80xi32, #tpu.memory_space<vmem>>
    %dma_wait3A_90 = arith.constant 0 : i32
    %dma_wait3A_91 = arith.constant 0 : i32
    %dma_wait3A_92 = tpu.memref_slice %arg2[%dma_wait3A_90, %dma_wait3A_91] : memref<10000x128xf32, #tpu.memory_space<hbm>> -> memref<10000x128xf32, #tpu.memory_space<hbm>>
    tpu.wait_indirect_dma semaphore(%arg14 : memref<!tpu.dma_semaphore, #tpu.memory_space<semaphore_mem>>) src(%dma_wait3A_92 : memref<10000x128xf32, #tpu.memory_space<hbm>>) dst(%arg10 : memref<80x128xf32, #tpu.memory_space<vmem>>)
    %run_scoped3A_93 = arith.constant 62 : i32
    "tpu.region"() ({
      %run_scoped3A_189 = tpu.sem_alloc : memref<!tpu.dma_semaphore, #tpu.memory_space<semaphore_mem>>
      %dma_start3A_190 = arith.constant 0 : i32
      %dma_start3A_191 = tpu.memref_slice %arg7[%run_scoped3A_93, %dma_start3A_190] : memref<64x80xi32, #tpu.memory_space<vmem>> -> memref<1x80xi32, #tpu.memory_space<vmem>>
      %dma_start3A_192 = tpu.memref_squeeze %dma_start3A_191 : memref<1x80xi32, #tpu.memory_space<vmem>> -> memref<80xi32, #tpu.memory_space<vmem>>
      %dma_start3A_193 = arith.constant 0 : i32
      %dma_start3A_194 = arith.constant 0 : i32
      %dma_start3A_195 = tpu.memref_slice %arg11[%dma_start3A_193, %dma_start3A_194] : memref<10240x128xf32, #tpu.memory_space<vmem_shared>> -> memref<10240x128xf32, #tpu.memory_space<vmem_shared>>
      tpu.enqueue_indirect_dma source(%arg10 : memref<80x128xf32, #tpu.memory_space<vmem>>) target(%dma_start3A_195 : memref<10240x128xf32, #tpu.memory_space<vmem_shared>>) offsets(%dma_start3A_192 : memref<80xi32, #tpu.memory_space<vmem>>) semaphore(%run_scoped3A_189 : memref<!tpu.dma_semaphore, #tpu.memory_space<semaphore_mem>>) {add = true}
      %dma_wait3A_196 = arith.constant 0 : i32
      %dma_wait3A_197 = tpu.memref_slice %arg7[%run_scoped3A_93, %dma_wait3A_196] : memref<64x80xi32, #tpu.memory_space<vmem>> -> memref<1x80xi32, #tpu.memory_space<vmem>>
      %dma_wait3A_198 = tpu.memref_squeeze %dma_wait3A_197 : memref<1x80xi32, #tpu.memory_space<vmem>> -> memref<80xi32, #tpu.memory_space<vmem>>
      %dma_wait3A_199 = arith.constant 0 : i32
      %dma_wait3A_200 = arith.constant 0 : i32
      %dma_wait3A_201 = tpu.memref_slice %arg11[%dma_wait3A_199, %dma_wait3A_200] : memref<10240x128xf32, #tpu.memory_space<vmem_shared>> -> memref<10240x128xf32, #tpu.memory_space<vmem_shared>>
      tpu.wait_indirect_dma semaphore(%run_scoped3A_189 : memref<!tpu.dma_semaphore, #tpu.memory_space<semaphore_mem>>) src(%arg10 : memref<80x128xf32, #tpu.memory_space<vmem>>) dst(%dma_wait3A_201 : memref<10240x128xf32, #tpu.memory_space<vmem_shared>>)
      tpu.yield
    }) : () -> ()
    %dma_wait3A_94 = arith.constant 63 : i32
    %dma_wait3A_95 = arith.constant 0 : i32
    %dma_wait3A_96 = tpu.memref_slice %arg6[%dma_wait3A_94, %dma_wait3A_95] : memref<64x80xi32, #tpu.memory_space<vmem>> -> memref<1x80xi32, #tpu.memory_space<vmem>>
    %dma_wait3A_97 = tpu.memref_squeeze %dma_wait3A_96 : memref<1x80xi32, #tpu.memory_space<vmem>> -> memref<80xi32, #tpu.memory_space<vmem>>
    %dma_wait3A_98 = arith.constant 0 : i32
    %dma_wait3A_99 = arith.constant 0 : i32
    %dma_wait3A_100 = tpu.memref_slice %arg2[%dma_wait3A_98, %dma_wait3A_99] : memref<10000x128xf32, #tpu.memory_space<hbm>> -> memref<10000x128xf32, #tpu.memory_space<hbm>>
    tpu.wait_indirect_dma semaphore(%arg12 : memref<!tpu.dma_semaphore, #tpu.memory_space<semaphore_mem>>) src(%dma_wait3A_100 : memref<10000x128xf32, #tpu.memory_space<hbm>>) dst(%arg8 : memref<80x128xf32, #tpu.memory_space<vmem>>)
    %run_scoped3A_101 = arith.constant 63 : i32
    "tpu.region"() ({
      %run_scoped3A_189 = tpu.sem_alloc : memref<!tpu.dma_semaphore, #tpu.memory_space<semaphore_mem>>
      %dma_start3A_190 = arith.constant 0 : i32
      %dma_start3A_191 = tpu.memref_slice %arg7[%run_scoped3A_101, %dma_start3A_190] : memref<64x80xi32, #tpu.memory_space<vmem>> -> memref<1x80xi32, #tpu.memory_space<vmem>>
      %dma_start3A_192 = tpu.memref_squeeze %dma_start3A_191 : memref<1x80xi32, #tpu.memory_space<vmem>> -> memref<80xi32, #tpu.memory_space<vmem>>
      %dma_start3A_193 = arith.constant 0 : i32
      %dma_start3A_194 = arith.constant 0 : i32
      %dma_start3A_195 = tpu.memref_slice %arg11[%dma_start3A_193, %dma_start3A_194] : memref<10240x128xf32, #tpu.memory_space<vmem_shared>> -> memref<10240x128xf32, #tpu.memory_space<vmem_shared>>
      tpu.enqueue_indirect_dma source(%arg8 : memref<80x128xf32, #tpu.memory_space<vmem>>) target(%dma_start3A_195 : memref<10240x128xf32, #tpu.memory_space<vmem_shared>>) offsets(%dma_start3A_192 : memref<80xi32, #tpu.memory_space<vmem>>) semaphore(%run_scoped3A_189 : memref<!tpu.dma_semaphore, #tpu.memory_space<semaphore_mem>>) {add = true}
      %dma_wait3A_196 = arith.constant 0 : i32
      %dma_wait3A_197 = tpu.memref_slice %arg7[%run_scoped3A_101, %dma_wait3A_196] : memref<64x80xi32, #tpu.memory_space<vmem>> -> memref<1x80xi32, #tpu.memory_space<vmem>>
      %dma_wait3A_198 = tpu.memref_squeeze %dma_wait3A_197 : memref<1x80xi32, #tpu.memory_space<vmem>> -> memref<80xi32, #tpu.memory_space<vmem>>
      %dma_wait3A_199 = arith.constant 0 : i32
      %dma_wait3A_200 = arith.constant 0 : i32
      %dma_wait3A_201 = tpu.memref_slice %arg11[%dma_wait3A_199, %dma_wait3A_200] : memref<10240x128xf32, #tpu.memory_space<vmem_shared>> -> memref<10240x128xf32, #tpu.memory_space<vmem_shared>>
      tpu.wait_indirect_dma semaphore(%run_scoped3A_189 : memref<!tpu.dma_semaphore, #tpu.memory_space<semaphore_mem>>) src(%arg8 : memref<80x128xf32, #tpu.memory_space<vmem>>) dst(%dma_wait3A_201 : memref<10240x128xf32, #tpu.memory_space<vmem_shared>>)
      tpu.yield
    }) : () -> ()
    "tpu.region"() ({
      %run_scoped3A_189 = tpu.sem_alloc : memref<!tpu.dma_semaphore, #tpu.memory_space<semaphore_mem>>
      %dma_start3A_190 = arith.constant 0 : i32
      %dma_start3A_191 = arith.constant 0 : i32
      %dma_start3A_192 = tpu.memref_slice %arg6[%dma_start3A_190, %dma_start3A_191] : memref<64x80xi32, #tpu.memory_space<vmem>> -> memref<61x80xi32, #tpu.memory_space<vmem>>
      %dma_start3A_193 = arith.constant 64 : i32
      %dma_start3A_194 = arith.constant 0 : i32
      %dma_start3A_195 = tpu.memref_slice %arg3[%add3A, %dma_start3A_193, %dma_start3A_194] : memref<32x125x80xi32, #tpu.memory_space<hbm>> -> memref<1x61x80xi32, #tpu.memory_space<hbm>>
      %dma_start3A_196 = tpu.memref_squeeze %dma_start3A_195 : memref<1x61x80xi32, #tpu.memory_space<hbm>> -> memref<61x80xi32, #tpu.memory_space<hbm>>
      %dma_start3A_197 = arith.constant 0 : i32
      %dma_start3A_198 = arith.constant 0 : i32
      %dma_start3A_199 = tpu.memref_slice %arg6[%dma_start3A_197, %dma_start3A_198] : memref<64x80xi32, #tpu.memory_space<vmem>> -> memref<61x80xi32, #tpu.memory_space<vmem>>
      %dma_start3A_200 = arith.constant 64 : i32
      %dma_start3A_201 = arith.constant 0 : i32
      %dma_start3A_202 = tpu.memref_slice %arg3[%add3A, %dma_start3A_200, %dma_start3A_201] : memref<32x125x80xi32, #tpu.memory_space<hbm>> -> memref<1x61x80xi32, #tpu.memory_space<hbm>>
      %dma_start3A_203 = tpu.memref_squeeze %dma_start3A_202 : memref<1x61x80xi32, #tpu.memory_space<hbm>> -> memref<61x80xi32, #tpu.memory_space<hbm>>
      tpu.enqueue_dma source(%dma_start3A_203 : memref<61x80xi32, #tpu.memory_space<hbm>>) target(%dma_start3A_199 : memref<61x80xi32, #tpu.memory_space<vmem>>) target_semaphore(%run_scoped3A_189 : memref<!tpu.dma_semaphore, #tpu.memory_space<semaphore_mem>>)
      %dma_wait3A_204 = arith.constant 0 : i32
      %dma_wait3A_205 = arith.constant 0 : i32
      %dma_wait3A_206 = tpu.memref_slice %arg6[%dma_wait3A_204, %dma_wait3A_205] : memref<64x80xi32, #tpu.memory_space<vmem>> -> memref<61x80xi32, #tpu.memory_space<vmem>>
      %dma_wait3A_207 = arith.constant 64 : i32
      %dma_wait3A_208 = arith.constant 0 : i32
      %dma_wait3A_209 = tpu.memref_slice %arg3[%add3A, %dma_wait3A_207, %dma_wait3A_208] : memref<32x125x80xi32, #tpu.memory_space<hbm>> -> memref<1x61x80xi32, #tpu.memory_space<hbm>>
      %dma_wait3A_210 = tpu.memref_squeeze %dma_wait3A_209 : memref<1x61x80xi32, #tpu.memory_space<hbm>> -> memref<61x80xi32, #tpu.memory_space<hbm>>
      %dma_wait3A_211 = arith.constant 0 : i32
      %dma_wait3A_212 = arith.constant 0 : i32
      %dma_wait3A_213 = tpu.memref_slice %arg6[%dma_wait3A_211, %dma_wait3A_212] : memref<64x80xi32, #tpu.memory_space<vmem>> -> memref<61x80xi32, #tpu.memory_space<vmem>>
      %dma_wait3A_214 = arith.constant 64 : i32
      %dma_wait3A_215 = arith.constant 0 : i32
      %dma_wait3A_216 = tpu.memref_slice %arg3[%add3A, %dma_wait3A_214, %dma_wait3A_215] : memref<32x125x80xi32, #tpu.memory_space<hbm>> -> memref<1x61x80xi32, #tpu.memory_space<hbm>>
      %dma_wait3A_217 = tpu.memref_squeeze %dma_wait3A_216 : memref<1x61x80xi32, #tpu.memory_space<hbm>> -> memref<61x80xi32, #tpu.memory_space<hbm>>
      tpu.wait_dma2 semaphore(%run_scoped3A_189 : memref<!tpu.dma_semaphore, #tpu.memory_space<semaphore_mem>>) src(%dma_wait3A_217 : memref<61x80xi32, #tpu.memory_space<hbm>>) dst(%dma_wait3A_213 : memref<61x80xi32, #tpu.memory_space<vmem>>)
      tpu.yield
    }) : () -> ()
    "tpu.region"() ({
      %run_scoped3A_189 = tpu.sem_alloc : memref<!tpu.dma_semaphore, #tpu.memory_space<semaphore_mem>>
      %dma_start3A_190 = arith.constant 0 : i32
      %dma_start3A_191 = arith.constant 0 : i32
      %dma_start3A_192 = tpu.memref_slice %arg7[%dma_start3A_190, %dma_start3A_191] : memref<64x80xi32, #tpu.memory_space<vmem>> -> memref<61x80xi32, #tpu.memory_space<vmem>>
      %dma_start3A_193 = arith.constant 64 : i32
      %dma_start3A_194 = arith.constant 0 : i32
      %dma_start3A_195 = tpu.memref_slice %arg4[%add3A, %dma_start3A_193, %dma_start3A_194] : memref<32x125x80xi32, #tpu.memory_space<hbm>> -> memref<1x61x80xi32, #tpu.memory_space<hbm>>
      %dma_start3A_196 = tpu.memref_squeeze %dma_start3A_195 : memref<1x61x80xi32, #tpu.memory_space<hbm>> -> memref<61x80xi32, #tpu.memory_space<hbm>>
      %dma_start3A_197 = arith.constant 0 : i32
      %dma_start3A_198 = arith.constant 0 : i32
      %dma_start3A_199 = tpu.memref_slice %arg7[%dma_start3A_197, %dma_start3A_198] : memref<64x80xi32, #tpu.memory_space<vmem>> -> memref<61x80xi32, #tpu.memory_space<vmem>>
      %dma_start3A_200 = arith.constant 64 : i32
      %dma_start3A_201 = arith.constant 0 : i32
      %dma_start3A_202 = tpu.memref_slice %arg4[%add3A, %dma_start3A_200, %dma_start3A_201] : memref<32x125x80xi32, #tpu.memory_space<hbm>> -> memref<1x61x80xi32, #tpu.memory_space<hbm>>
      %dma_start3A_203 = tpu.memref_squeeze %dma_start3A_202 : memref<1x61x80xi32, #tpu.memory_space<hbm>> -> memref<61x80xi32, #tpu.memory_space<hbm>>
      tpu.enqueue_dma source(%dma_start3A_203 : memref<61x80xi32, #tpu.memory_space<hbm>>) target(%dma_start3A_199 : memref<61x80xi32, #tpu.memory_space<vmem>>) target_semaphore(%run_scoped3A_189 : memref<!tpu.dma_semaphore, #tpu.memory_space<semaphore_mem>>)
      %dma_wait3A_204 = arith.constant 0 : i32
      %dma_wait3A_205 = arith.constant 0 : i32
      %dma_wait3A_206 = tpu.memref_slice %arg7[%dma_wait3A_204, %dma_wait3A_205] : memref<64x80xi32, #tpu.memory_space<vmem>> -> memref<61x80xi32, #tpu.memory_space<vmem>>
      %dma_wait3A_207 = arith.constant 64 : i32
      %dma_wait3A_208 = arith.constant 0 : i32
      %dma_wait3A_209 = tpu.memref_slice %arg4[%add3A, %dma_wait3A_207, %dma_wait3A_208] : memref<32x125x80xi32, #tpu.memory_space<hbm>> -> memref<1x61x80xi32, #tpu.memory_space<hbm>>
      %dma_wait3A_210 = tpu.memref_squeeze %dma_wait3A_209 : memref<1x61x80xi32, #tpu.memory_space<hbm>> -> memref<61x80xi32, #tpu.memory_space<hbm>>
      %dma_wait3A_211 = arith.constant 0 : i32
      %dma_wait3A_212 = arith.constant 0 : i32
      %dma_wait3A_213 = tpu.memref_slice %arg7[%dma_wait3A_211, %dma_wait3A_212] : memref<64x80xi32, #tpu.memory_space<vmem>> -> memref<61x80xi32, #tpu.memory_space<vmem>>
      %dma_wait3A_214 = arith.constant 64 : i32
      %dma_wait3A_215 = arith.constant 0 : i32
      %dma_wait3A_216 = tpu.memref_slice %arg4[%add3A, %dma_wait3A_214, %dma_wait3A_215] : memref<32x125x80xi32, #tpu.memory_space<hbm>> -> memref<1x61x80xi32, #tpu.memory_space<hbm>>
      %dma_wait3A_217 = tpu.memref_squeeze %dma_wait3A_216 : memref<1x61x80xi32, #tpu.memory_space<hbm>> -> memref<61x80xi32, #tpu.memory_space<hbm>>
      tpu.wait_dma2 semaphore(%run_scoped3A_189 : memref<!tpu.dma_semaphore, #tpu.memory_space<semaphore_mem>>) src(%dma_wait3A_217 : memref<61x80xi32, #tpu.memory_space<hbm>>) dst(%dma_wait3A_213 : memref<61x80xi32, #tpu.memory_space<vmem>>)
      tpu.yield
    }) : () -> ()
    %dma_start3A_102 = arith.constant 0 : i32
    %dma_start3A_103 = arith.constant 0 : i32
    %dma_start3A_104 = tpu.memref_slice %arg6[%dma_start3A_102, %dma_start3A_103] : memref<64x80xi32, #tpu.memory_space<vmem>> -> memref<1x80xi32, #tpu.memory_space<vmem>>
    %dma_start3A_105 = tpu.memref_squeeze %dma_start3A_104 : memref<1x80xi32, #tpu.memory_space<vmem>> -> memref<80xi32, #tpu.memory_space<vmem>>
    %dma_start3A_106 = arith.constant 0 : i32
    %dma_start3A_107 = arith.constant 0 : i32
    %dma_start3A_108 = tpu.memref_slice %arg2[%dma_start3A_106, %dma_start3A_107] : memref<10000x128xf32, #tpu.memory_space<hbm>> -> memref<10000x128xf32, #tpu.memory_space<hbm>>
    tpu.enqueue_indirect_dma source(%dma_start3A_108 : memref<10000x128xf32, #tpu.memory_space<hbm>>) target(%arg8 : memref<80x128xf32, #tpu.memory_space<vmem>>) offsets(%dma_start3A_105 : memref<80xi32, #tpu.memory_space<vmem>>) semaphore(%arg12 : memref<!tpu.dma_semaphore, #tpu.memory_space<semaphore_mem>>)
    %dma_start3A_109 = arith.constant 1 : i32
    %dma_start3A_110 = arith.constant 0 : i32
    %dma_start3A_111 = tpu.memref_slice %arg6[%dma_start3A_109, %dma_start3A_110] : memref<64x80xi32, #tpu.memory_space<vmem>> -> memref<1x80xi32, #tpu.memory_space<vmem>>
    %dma_start3A_112 = tpu.memref_squeeze %dma_start3A_111 : memref<1x80xi32, #tpu.memory_space<vmem>> -> memref<80xi32, #tpu.memory_space<vmem>>
    %dma_start3A_113 = arith.constant 0 : i32
    %dma_start3A_114 = arith.constant 0 : i32
    %dma_start3A_115 = tpu.memref_slice %arg2[%dma_start3A_113, %dma_start3A_114] : memref<10000x128xf32, #tpu.memory_space<hbm>> -> memref<10000x128xf32, #tpu.memory_space<hbm>>
    tpu.enqueue_indirect_dma source(%dma_start3A_115 : memref<10000x128xf32, #tpu.memory_space<hbm>>) target(%arg9 : memref<80x128xf32, #tpu.memory_space<vmem>>) offsets(%dma_start3A_112 : memref<80xi32, #tpu.memory_space<vmem>>) semaphore(%arg13 : memref<!tpu.dma_semaphore, #tpu.memory_space<semaphore_mem>>)
    %scan3A_116 = arith.constant 0 : i32
    %scan3A_117 = arith.constant 0 : i32
    %scan3A_118 = arith.constant 19 : i32
    %scan3A_119 = arith.addi %scan3A_117, %scan3A_118 : i32
    %scan3A_120 = arith.constant 1 : i32
    scf.for %scan3A_189 = %scan3A_117 to %scan3A_119 step %scan3A_120  : i32 {
      %mul3A_190 = arith.constant 3 : i32
      %mul3A_191 = arith.muli %mul3A_190, %scan3A_189 : i32
      %add3A_192 = arith.constant 0 : i32
      %add3A_193 = arith.addi %mul3A_191, %add3A_192 : i32
      %add3A_194 = arith.constant 2 : i32
      %add3A_195 = arith.addi %add3A_193, %add3A_194 : i32
      %dma_wait3A_196 = arith.constant 0 : i32
      %dma_wait3A_197 = tpu.memref_slice %arg6[%add3A_193, %dma_wait3A_196] : memref<64x80xi32, #tpu.memory_space<vmem>> -> memref<1x80xi32, #tpu.memory_space<vmem>>
      %dma_wait3A_198 = tpu.memref_squeeze %dma_wait3A_197 : memref<1x80xi32, #tpu.memory_space<vmem>> -> memref<80xi32, #tpu.memory_space<vmem>>
      %dma_wait3A_199 = arith.constant 0 : i32
      %dma_wait3A_200 = arith.constant 0 : i32
      %dma_wait3A_201 = tpu.memref_slice %arg2[%dma_wait3A_199, %dma_wait3A_200] : memref<10000x128xf32, #tpu.memory_space<hbm>> -> memref<10000x128xf32, #tpu.memory_space<hbm>>
      tpu.wait_indirect_dma semaphore(%arg12 : memref<!tpu.dma_semaphore, #tpu.memory_space<semaphore_mem>>) src(%dma_wait3A_201 : memref<10000x128xf32, #tpu.memory_space<hbm>>) dst(%arg8 : memref<80x128xf32, #tpu.memory_space<vmem>>)
      %dma_start3A_202 = arith.constant 0 : i32
      %dma_start3A_203 = tpu.memref_slice %arg6[%add3A_195, %dma_start3A_202] : memref<64x80xi32, #tpu.memory_space<vmem>> -> memref<1x80xi32, #tpu.memory_space<vmem>>
      %dma_start3A_204 = tpu.memref_squeeze %dma_start3A_203 : memref<1x80xi32, #tpu.memory_space<vmem>> -> memref<80xi32, #tpu.memory_space<vmem>>
      %dma_start3A_205 = arith.constant 0 : i32
      %dma_start3A_206 = arith.constant 0 : i32
      %dma_start3A_207 = tpu.memref_slice %arg2[%dma_start3A_205, %dma_start3A_206] : memref<10000x128xf32, #tpu.memory_space<hbm>> -> memref<10000x128xf32, #tpu.memory_space<hbm>>
      tpu.enqueue_indirect_dma source(%dma_start3A_207 : memref<10000x128xf32, #tpu.memory_space<hbm>>) target(%arg10 : memref<80x128xf32, #tpu.memory_space<vmem>>) offsets(%dma_start3A_204 : memref<80xi32, #tpu.memory_space<vmem>>) semaphore(%arg14 : memref<!tpu.dma_semaphore, #tpu.memory_space<semaphore_mem>>)
      "tpu.region"() ({
        %run_scoped3A_244 = tpu.sem_alloc : memref<!tpu.dma_semaphore, #tpu.memory_space<semaphore_mem>>
        %dma_start3A_245 = arith.constant 0 : i32
        %dma_start3A_246 = tpu.memref_slice %arg7[%add3A_193, %dma_start3A_245] : memref<64x80xi32, #tpu.memory_space<vmem>> -> memref<1x80xi32, #tpu.memory_space<vmem>>
        %dma_start3A_247 = tpu.memref_squeeze %dma_start3A_246 : memref<1x80xi32, #tpu.memory_space<vmem>> -> memref<80xi32, #tpu.memory_space<vmem>>
        %dma_start3A_248 = arith.constant 0 : i32
        %dma_start3A_249 = arith.constant 0 : i32
        %dma_start3A_250 = tpu.memref_slice %arg11[%dma_start3A_248, %dma_start3A_249] : memref<10240x128xf32, #tpu.memory_space<vmem_shared>> -> memref<10240x128xf32, #tpu.memory_space<vmem_shared>>
        tpu.enqueue_indirect_dma source(%arg8 : memref<80x128xf32, #tpu.memory_space<vmem>>) target(%dma_start3A_250 : memref<10240x128xf32, #tpu.memory_space<vmem_shared>>) offsets(%dma_start3A_247 : memref<80xi32, #tpu.memory_space<vmem>>) semaphore(%run_scoped3A_244 : memref<!tpu.dma_semaphore, #tpu.memory_space<semaphore_mem>>) {add = true}
        %dma_wait3A_251 = arith.constant 0 : i32
        %dma_wait3A_252 = tpu.memref_slice %arg7[%add3A_193, %dma_wait3A_251] : memref<64x80xi32, #tpu.memory_space<vmem>> -> memref<1x80xi32, #tpu.memory_space<vmem>>
        %dma_wait3A_253 = tpu.memref_squeeze %dma_wait3A_252 : memref<1x80xi32, #tpu.memory_space<vmem>> -> memref<80xi32, #tpu.memory_space<vmem>>
        %dma_wait3A_254 = arith.constant 0 : i32
        %dma_wait3A_255 = arith.constant 0 : i32
        %dma_wait3A_256 = tpu.memref_slice %arg11[%dma_wait3A_254, %dma_wait3A_255] : memref<10240x128xf32, #tpu.memory_space<vmem_shared>> -> memref<10240x128xf32, #tpu.memory_space<vmem_shared>>
        tpu.wait_indirect_dma semaphore(%run_scoped3A_244 : memref<!tpu.dma_semaphore, #tpu.memory_space<semaphore_mem>>) src(%arg8 : memref<80x128xf32, #tpu.memory_space<vmem>>) dst(%dma_wait3A_256 : memref<10240x128xf32, #tpu.memory_space<vmem_shared>>)
        tpu.yield
      }) : () -> ()
      %mul3A_208 = arith.constant 3 : i32
      %mul3A_209 = arith.muli %mul3A_208, %scan3A_189 : i32
      %add3A_210 = arith.constant 1 : i32
      %add3A_211 = arith.addi %mul3A_209, %add3A_210 : i32
      %add3A_212 = arith.constant 2 : i32
      %add3A_213 = arith.addi %add3A_211, %add3A_212 : i32
      %dma_wait3A_214 = arith.constant 0 : i32
      %dma_wait3A_215 = tpu.memref_slice %arg6[%add3A_211, %dma_wait3A_214] : memref<64x80xi32, #tpu.memory_space<vmem>> -> memref<1x80xi32, #tpu.memory_space<vmem>>
      %dma_wait3A_216 = tpu.memref_squeeze %dma_wait3A_215 : memref<1x80xi32, #tpu.memory_space<vmem>> -> memref<80xi32, #tpu.memory_space<vmem>>
      %dma_wait3A_217 = arith.constant 0 : i32
      %dma_wait3A_218 = arith.constant 0 : i32
      %dma_wait3A_219 = tpu.memref_slice %arg2[%dma_wait3A_217, %dma_wait3A_218] : memref<10000x128xf32, #tpu.memory_space<hbm>> -> memref<10000x128xf32, #tpu.memory_space<hbm>>
      tpu.wait_indirect_dma semaphore(%arg13 : memref<!tpu.dma_semaphore, #tpu.memory_space<semaphore_mem>>) src(%dma_wait3A_219 : memref<10000x128xf32, #tpu.memory_space<hbm>>) dst(%arg9 : memref<80x128xf32, #tpu.memory_space<vmem>>)
      %dma_start3A_220 = arith.constant 0 : i32
      %dma_start3A_221 = tpu.memref_slice %arg6[%add3A_213, %dma_start3A_220] : memref<64x80xi32, #tpu.memory_space<vmem>> -> memref<1x80xi32, #tpu.memory_space<vmem>>
      %dma_start3A_222 = tpu.memref_squeeze %dma_start3A_221 : memref<1x80xi32, #tpu.memory_space<vmem>> -> memref<80xi32, #tpu.memory_space<vmem>>
      %dma_start3A_223 = arith.constant 0 : i32
      %dma_start3A_224 = arith.constant 0 : i32
      %dma_start3A_225 = tpu.memref_slice %arg2[%dma_start3A_223, %dma_start3A_224] : memref<10000x128xf32, #tpu.memory_space<hbm>> -> memref<10000x128xf32, #tpu.memory_space<hbm>>
      tpu.enqueue_indirect_dma source(%dma_start3A_225 : memref<10000x128xf32, #tpu.memory_space<hbm>>) target(%arg8 : memref<80x128xf32, #tpu.memory_space<vmem>>) offsets(%dma_start3A_222 : memref<80xi32, #tpu.memory_space<vmem>>) semaphore(%arg12 : memref<!tpu.dma_semaphore, #tpu.memory_space<semaphore_mem>>)
      "tpu.region"() ({
        %run_scoped3A_244 = tpu.sem_alloc : memref<!tpu.dma_semaphore, #tpu.memory_space<semaphore_mem>>
        %dma_start3A_245 = arith.constant 0 : i32
        %dma_start3A_246 = tpu.memref_slice %arg7[%add3A_211, %dma_start3A_245] : memref<64x80xi32, #tpu.memory_space<vmem>> -> memref<1x80xi32, #tpu.memory_space<vmem>>
        %dma_start3A_247 = tpu.memref_squeeze %dma_start3A_246 : memref<1x80xi32, #tpu.memory_space<vmem>> -> memref<80xi32, #tpu.memory_space<vmem>>
        %dma_start3A_248 = arith.constant 0 : i32
        %dma_start3A_249 = arith.constant 0 : i32
        %dma_start3A_250 = tpu.memref_slice %arg11[%dma_start3A_248, %dma_start3A_249] : memref<10240x128xf32, #tpu.memory_space<vmem_shared>> -> memref<10240x128xf32, #tpu.memory_space<vmem_shared>>
        tpu.enqueue_indirect_dma source(%arg9 : memref<80x128xf32, #tpu.memory_space<vmem>>) target(%dma_start3A_250 : memref<10240x128xf32, #tpu.memory_space<vmem_shared>>) offsets(%dma_start3A_247 : memref<80xi32, #tpu.memory_space<vmem>>) semaphore(%run_scoped3A_244 : memref<!tpu.dma_semaphore, #tpu.memory_space<semaphore_mem>>) {add = true}
        %dma_wait3A_251 = arith.constant 0 : i32
        %dma_wait3A_252 = tpu.memref_slice %arg7[%add3A_211, %dma_wait3A_251] : memref<64x80xi32, #tpu.memory_space<vmem>> -> memref<1x80xi32, #tpu.memory_space<vmem>>
        %dma_wait3A_253 = tpu.memref_squeeze %dma_wait3A_252 : memref<1x80xi32, #tpu.memory_space<vmem>> -> memref<80xi32, #tpu.memory_space<vmem>>
        %dma_wait3A_254 = arith.constant 0 : i32
        %dma_wait3A_255 = arith.constant 0 : i32
        %dma_wait3A_256 = tpu.memref_slice %arg11[%dma_wait3A_254, %dma_wait3A_255] : memref<10240x128xf32, #tpu.memory_space<vmem_shared>> -> memref<10240x128xf32, #tpu.memory_space<vmem_shared>>
        tpu.wait_indirect_dma semaphore(%run_scoped3A_244 : memref<!tpu.dma_semaphore, #tpu.memory_space<semaphore_mem>>) src(%arg9 : memref<80x128xf32, #tpu.memory_space<vmem>>) dst(%dma_wait3A_256 : memref<10240x128xf32, #tpu.memory_space<vmem_shared>>)
        tpu.yield
      }) : () -> ()
      %mul3A_226 = arith.constant 3 : i32
      %mul3A_227 = arith.muli %mul3A_226, %scan3A_189 : i32
      %add3A_228 = arith.constant 2 : i32
      %add3A_229 = arith.addi %mul3A_227, %add3A_228 : i32
      %add3A_230 = arith.constant 2 : i32
      %add3A_231 = arith.addi %add3A_229, %add3A_230 : i32
      %dma_wait3A_232 = arith.constant 0 : i32
      %dma_wait3A_233 = tpu.memref_slice %arg6[%add3A_229, %dma_wait3A_232] : memref<64x80xi32, #tpu.memory_space<vmem>> -> memref<1x80xi32, #tpu.memory_space<vmem>>
      %dma_wait3A_234 = tpu.memref_squeeze %dma_wait3A_233 : memref<1x80xi32, #tpu.memory_space<vmem>> -> memref<80xi32, #tpu.memory_space<vmem>>
      %dma_wait3A_235 = arith.constant 0 : i32
      %dma_wait3A_236 = arith.constant 0 : i32
      %dma_wait3A_237 = tpu.memref_slice %arg2[%dma_wait3A_235, %dma_wait3A_236] : memref<10000x128xf32, #tpu.memory_space<hbm>> -> memref<10000x128xf32, #tpu.memory_space<hbm>>
      tpu.wait_indirect_dma semaphore(%arg14 : memref<!tpu.dma_semaphore, #tpu.memory_space<semaphore_mem>>) src(%dma_wait3A_237 : memref<10000x128xf32, #tpu.memory_space<hbm>>) dst(%arg10 : memref<80x128xf32, #tpu.memory_space<vmem>>)
      %dma_start3A_238 = arith.constant 0 : i32
      %dma_start3A_239 = tpu.memref_slice %arg6[%add3A_231, %dma_start3A_238] : memref<64x80xi32, #tpu.memory_space<vmem>> -> memref<1x80xi32, #tpu.memory_space<vmem>>
      %dma_start3A_240 = tpu.memref_squeeze %dma_start3A_239 : memref<1x80xi32, #tpu.memory_space<vmem>> -> memref<80xi32, #tpu.memory_space<vmem>>
      %dma_start3A_241 = arith.constant 0 : i32
      %dma_start3A_242 = arith.constant 0 : i32
      %dma_start3A_243 = tpu.memref_slice %arg2[%dma_start3A_241, %dma_start3A_242] : memref<10000x128xf32, #tpu.memory_space<hbm>> -> memref<10000x128xf32, #tpu.memory_space<hbm>>
      tpu.enqueue_indirect_dma source(%dma_start3A_243 : memref<10000x128xf32, #tpu.memory_space<hbm>>) target(%arg9 : memref<80x128xf32, #tpu.memory_space<vmem>>) offsets(%dma_start3A_240 : memref<80xi32, #tpu.memory_space<vmem>>) semaphore(%arg13 : memref<!tpu.dma_semaphore, #tpu.memory_space<semaphore_mem>>)
      "tpu.region"() ({
        %run_scoped3A_244 = tpu.sem_alloc : memref<!tpu.dma_semaphore, #tpu.memory_space<semaphore_mem>>
        %dma_start3A_245 = arith.constant 0 : i32
        %dma_start3A_246 = tpu.memref_slice %arg7[%add3A_229, %dma_start3A_245] : memref<64x80xi32, #tpu.memory_space<vmem>> -> memref<1x80xi32, #tpu.memory_space<vmem>>
        %dma_start3A_247 = tpu.memref_squeeze %dma_start3A_246 : memref<1x80xi32, #tpu.memory_space<vmem>> -> memref<80xi32, #tpu.memory_space<vmem>>
        %dma_start3A_248 = arith.constant 0 : i32
        %dma_start3A_249 = arith.constant 0 : i32
        %dma_start3A_250 = tpu.memref_slice %arg11[%dma_start3A_248, %dma_start3A_249] : memref<10240x128xf32, #tpu.memory_space<vmem_shared>> -> memref<10240x128xf32, #tpu.memory_space<vmem_shared>>
        tpu.enqueue_indirect_dma source(%arg10 : memref<80x128xf32, #tpu.memory_space<vmem>>) target(%dma_start3A_250 : memref<10240x128xf32, #tpu.memory_space<vmem_shared>>) offsets(%dma_start3A_247 : memref<80xi32, #tpu.memory_space<vmem>>) semaphore(%run_scoped3A_244 : memref<!tpu.dma_semaphore, #tpu.memory_space<semaphore_mem>>) {add = true}
        %dma_wait3A_251 = arith.constant 0 : i32
        %dma_wait3A_252 = tpu.memref_slice %arg7[%add3A_229, %dma_wait3A_251] : memref<64x80xi32, #tpu.memory_space<vmem>> -> memref<1x80xi32, #tpu.memory_space<vmem>>
        %dma_wait3A_253 = tpu.memref_squeeze %dma_wait3A_252 : memref<1x80xi32, #tpu.memory_space<vmem>> -> memref<80xi32, #tpu.memory_space<vmem>>
        %dma_wait3A_254 = arith.constant 0 : i32
        %dma_wait3A_255 = arith.constant 0 : i32
        %dma_wait3A_256 = tpu.memref_slice %arg11[%dma_wait3A_254, %dma_wait3A_255] : memref<10240x128xf32, #tpu.memory_space<vmem_shared>> -> memref<10240x128xf32, #tpu.memory_space<vmem_shared>>
        tpu.wait_indirect_dma semaphore(%run_scoped3A_244 : memref<!tpu.dma_semaphore, #tpu.memory_space<semaphore_mem>>) src(%arg10 : memref<80x128xf32, #tpu.memory_space<vmem>>) dst(%dma_wait3A_256 : memref<10240x128xf32, #tpu.memory_space<vmem_shared>>)
        tpu.yield
      }) : () -> ()
    }
    %scan3A_121 = arith.constant 19 : i32
    %dma_wait3A_122 = arith.constant 57 : i32
    %dma_wait3A_123 = arith.constant 0 : i32
    %dma_wait3A_124 = tpu.memref_slice %arg6[%dma_wait3A_122, %dma_wait3A_123] : memref<64x80xi32, #tpu.memory_space<vmem>> -> memref<1x80xi32, #tpu.memory_space<vmem>>
    %dma_wait3A_125 = tpu.memref_squeeze %dma_wait3A_124 : memref<1x80xi32, #tpu.memory_space<vmem>> -> memref<80xi32, #tpu.memory_space<vmem>>
    %dma_wait3A_126 = arith.constant 0 : i32
    %dma_wait3A_127 = arith.constant 0 : i32
    %dma_wait3A_128 = tpu.memref_slice %arg2[%dma_wait3A_126, %dma_wait3A_127] : memref<10000x128xf32, #tpu.memory_space<hbm>> -> memref<10000x128xf32, #tpu.memory_space<hbm>>
    tpu.wait_indirect_dma semaphore(%arg12 : memref<!tpu.dma_semaphore, #tpu.memory_space<semaphore_mem>>) src(%dma_wait3A_128 : memref<10000x128xf32, #tpu.memory_space<hbm>>) dst(%arg8 : memref<80x128xf32, #tpu.memory_space<vmem>>)
    %dma_start3A_129 = arith.constant 59 : i32
    %dma_start3A_130 = arith.constant 0 : i32
    %dma_start3A_131 = tpu.memref_slice %arg6[%dma_start3A_129, %dma_start3A_130] : memref<64x80xi32, #tpu.memory_space<vmem>> -> memref<1x80xi32, #tpu.memory_space<vmem>>
    %dma_start3A_132 = tpu.memref_squeeze %dma_start3A_131 : memref<1x80xi32, #tpu.memory_space<vmem>> -> memref<80xi32, #tpu.memory_space<vmem>>
    %dma_start3A_133 = arith.constant 0 : i32
    %dma_start3A_134 = arith.constant 0 : i32
    %dma_start3A_135 = tpu.memref_slice %arg2[%dma_start3A_133, %dma_start3A_134] : memref<10000x128xf32, #tpu.memory_space<hbm>> -> memref<10000x128xf32, #tpu.memory_space<hbm>>
    tpu.enqueue_indirect_dma source(%dma_start3A_135 : memref<10000x128xf32, #tpu.memory_space<hbm>>) target(%arg10 : memref<80x128xf32, #tpu.memory_space<vmem>>) offsets(%dma_start3A_132 : memref<80xi32, #tpu.memory_space<vmem>>) semaphore(%arg14 : memref<!tpu.dma_semaphore, #tpu.memory_space<semaphore_mem>>)
    %run_scoped3A_136 = arith.constant 57 : i32
    "tpu.region"() ({
      %run_scoped3A_189 = tpu.sem_alloc : memref<!tpu.dma_semaphore, #tpu.memory_space<semaphore_mem>>
      %dma_start3A_190 = arith.constant 0 : i32
      %dma_start3A_191 = tpu.memref_slice %arg7[%run_scoped3A_136, %dma_start3A_190] : memref<64x80xi32, #tpu.memory_space<vmem>> -> memref<1x80xi32, #tpu.memory_space<vmem>>
      %dma_start3A_192 = tpu.memref_squeeze %dma_start3A_191 : memref<1x80xi32, #tpu.memory_space<vmem>> -> memref<80xi32, #tpu.memory_space<vmem>>
      %dma_start3A_193 = arith.constant 0 : i32
      %dma_start3A_194 = arith.constant 0 : i32
      %dma_start3A_195 = tpu.memref_slice %arg11[%dma_start3A_193, %dma_start3A_194] : memref<10240x128xf32, #tpu.memory_space<vmem_shared>> -> memref<10240x128xf32, #tpu.memory_space<vmem_shared>>
      tpu.enqueue_indirect_dma source(%arg8 : memref<80x128xf32, #tpu.memory_space<vmem>>) target(%dma_start3A_195 : memref<10240x128xf32, #tpu.memory_space<vmem_shared>>) offsets(%dma_start3A_192 : memref<80xi32, #tpu.memory_space<vmem>>) semaphore(%run_scoped3A_189 : memref<!tpu.dma_semaphore, #tpu.memory_space<semaphore_mem>>) {add = true}
      %dma_wait3A_196 = arith.constant 0 : i32
      %dma_wait3A_197 = tpu.memref_slice %arg7[%run_scoped3A_136, %dma_wait3A_196] : memref<64x80xi32, #tpu.memory_space<vmem>> -> memref<1x80xi32, #tpu.memory_space<vmem>>
      %dma_wait3A_198 = tpu.memref_squeeze %dma_wait3A_197 : memref<1x80xi32, #tpu.memory_space<vmem>> -> memref<80xi32, #tpu.memory_space<vmem>>
      %dma_wait3A_199 = arith.constant 0 : i32
      %dma_wait3A_200 = arith.constant 0 : i32
      %dma_wait3A_201 = tpu.memref_slice %arg11[%dma_wait3A_199, %dma_wait3A_200] : memref<10240x128xf32, #tpu.memory_space<vmem_shared>> -> memref<10240x128xf32, #tpu.memory_space<vmem_shared>>
      tpu.wait_indirect_dma semaphore(%run_scoped3A_189 : memref<!tpu.dma_semaphore, #tpu.memory_space<semaphore_mem>>) src(%arg8 : memref<80x128xf32, #tpu.memory_space<vmem>>) dst(%dma_wait3A_201 : memref<10240x128xf32, #tpu.memory_space<vmem_shared>>)
      tpu.yield
    }) : () -> ()
    %dma_wait3A_137 = arith.constant 58 : i32
    %dma_wait3A_138 = arith.constant 0 : i32
    %dma_wait3A_139 = tpu.memref_slice %arg6[%dma_wait3A_137, %dma_wait3A_138] : memref<64x80xi32, #tpu.memory_space<vmem>> -> memref<1x80xi32, #tpu.memory_space<vmem>>
    %dma_wait3A_140 = tpu.memref_squeeze %dma_wait3A_139 : memref<1x80xi32, #tpu.memory_space<vmem>> -> memref<80xi32, #tpu.memory_space<vmem>>
    %dma_wait3A_141 = arith.constant 0 : i32
    %dma_wait3A_142 = arith.constant 0 : i32
    %dma_wait3A_143 = tpu.memref_slice %arg2[%dma_wait3A_141, %dma_wait3A_142] : memref<10000x128xf32, #tpu.memory_space<hbm>> -> memref<10000x128xf32, #tpu.memory_space<hbm>>
    tpu.wait_indirect_dma semaphore(%arg13 : memref<!tpu.dma_semaphore, #tpu.memory_space<semaphore_mem>>) src(%dma_wait3A_143 : memref<10000x128xf32, #tpu.memory_space<hbm>>) dst(%arg9 : memref<80x128xf32, #tpu.memory_space<vmem>>)
    %dma_start3A_144 = arith.constant 60 : i32
    %dma_start3A_145 = arith.constant 0 : i32
    %dma_start3A_146 = tpu.memref_slice %arg6[%dma_start3A_144, %dma_start3A_145] : memref<64x80xi32, #tpu.memory_space<vmem>> -> memref<1x80xi32, #tpu.memory_space<vmem>>
    %dma_start3A_147 = tpu.memref_squeeze %dma_start3A_146 : memref<1x80xi32, #tpu.memory_space<vmem>> -> memref<80xi32, #tpu.memory_space<vmem>>
    %dma_start3A_148 = arith.constant 0 : i32
    %dma_start3A_149 = arith.constant 0 : i32
    %dma_start3A_150 = tpu.memref_slice %arg2[%dma_start3A_148, %dma_start3A_149] : memref<10000x128xf32, #tpu.memory_space<hbm>> -> memref<10000x128xf32, #tpu.memory_space<hbm>>
    tpu.enqueue_indirect_dma source(%dma_start3A_150 : memref<10000x128xf32, #tpu.memory_space<hbm>>) target(%arg8 : memref<80x128xf32, #tpu.memory_space<vmem>>) offsets(%dma_start3A_147 : memref<80xi32, #tpu.memory_space<vmem>>) semaphore(%arg12 : memref<!tpu.dma_semaphore, #tpu.memory_space<semaphore_mem>>)
    %run_scoped3A_151 = arith.constant 58 : i32
    "tpu.region"() ({
      %run_scoped3A_189 = tpu.sem_alloc : memref<!tpu.dma_semaphore, #tpu.memory_space<semaphore_mem>>
      %dma_start3A_190 = arith.constant 0 : i32
      %dma_start3A_191 = tpu.memref_slice %arg7[%run_scoped3A_151, %dma_start3A_190] : memref<64x80xi32, #tpu.memory_space<vmem>> -> memref<1x80xi32, #tpu.memory_space<vmem>>
      %dma_start3A_192 = tpu.memref_squeeze %dma_start3A_191 : memref<1x80xi32, #tpu.memory_space<vmem>> -> memref<80xi32, #tpu.memory_space<vmem>>
      %dma_start3A_193 = arith.constant 0 : i32
      %dma_start3A_194 = arith.constant 0 : i32
      %dma_start3A_195 = tpu.memref_slice %arg11[%dma_start3A_193, %dma_start3A_194] : memref<10240x128xf32, #tpu.memory_space<vmem_shared>> -> memref<10240x128xf32, #tpu.memory_space<vmem_shared>>
      tpu.enqueue_indirect_dma source(%arg9 : memref<80x128xf32, #tpu.memory_space<vmem>>) target(%dma_start3A_195 : memref<10240x128xf32, #tpu.memory_space<vmem_shared>>) offsets(%dma_start3A_192 : memref<80xi32, #tpu.memory_space<vmem>>) semaphore(%run_scoped3A_189 : memref<!tpu.dma_semaphore, #tpu.memory_space<semaphore_mem>>) {add = true}
      %dma_wait3A_196 = arith.constant 0 : i32
      %dma_wait3A_197 = tpu.memref_slice %arg7[%run_scoped3A_151, %dma_wait3A_196] : memref<64x80xi32, #tpu.memory_space<vmem>> -> memref<1x80xi32, #tpu.memory_space<vmem>>
      %dma_wait3A_198 = tpu.memref_squeeze %dma_wait3A_197 : memref<1x80xi32, #tpu.memory_space<vmem>> -> memref<80xi32, #tpu.memory_space<vmem>>
      %dma_wait3A_199 = arith.constant 0 : i32
      %dma_wait3A_200 = arith.constant 0 : i32
      %dma_wait3A_201 = tpu.memref_slice %arg11[%dma_wait3A_199, %dma_wait3A_200] : memref<10240x128xf32, #tpu.memory_space<vmem_shared>> -> memref<10240x128xf32, #tpu.memory_space<vmem_shared>>
      tpu.wait_indirect_dma semaphore(%run_scoped3A_189 : memref<!tpu.dma_semaphore, #tpu.memory_space<semaphore_mem>>) src(%arg9 : memref<80x128xf32, #tpu.memory_space<vmem>>) dst(%dma_wait3A_201 : memref<10240x128xf32, #tpu.memory_space<vmem_shared>>)
      tpu.yield
    }) : () -> ()
    %dma_wait3A_152 = arith.constant 59 : i32
    %dma_wait3A_153 = arith.constant 0 : i32
    %dma_wait3A_154 = tpu.memref_slice %arg6[%dma_wait3A_152, %dma_wait3A_153] : memref<64x80xi32, #tpu.memory_space<vmem>> -> memref<1x80xi32, #tpu.memory_space<vmem>>
    %dma_wait3A_155 = tpu.memref_squeeze %dma_wait3A_154 : memref<1x80xi32, #tpu.memory_space<vmem>> -> memref<80xi32, #tpu.memory_space<vmem>>
    %dma_wait3A_156 = arith.constant 0 : i32
    %dma_wait3A_157 = arith.constant 0 : i32
    %dma_wait3A_158 = tpu.memref_slice %arg2[%dma_wait3A_156, %dma_wait3A_157] : memref<10000x128xf32, #tpu.memory_space<hbm>> -> memref<10000x128xf32, #tpu.memory_space<hbm>>
    tpu.wait_indirect_dma semaphore(%arg14 : memref<!tpu.dma_semaphore, #tpu.memory_space<semaphore_mem>>) src(%dma_wait3A_158 : memref<10000x128xf32, #tpu.memory_space<hbm>>) dst(%arg10 : memref<80x128xf32, #tpu.memory_space<vmem>>)
    %run_scoped3A_159 = arith.constant 59 : i32
    "tpu.region"() ({
      %run_scoped3A_189 = tpu.sem_alloc : memref<!tpu.dma_semaphore, #tpu.memory_space<semaphore_mem>>
      %dma_start3A_190 = arith.constant 0 : i32
      %dma_start3A_191 = tpu.memref_slice %arg7[%run_scoped3A_159, %dma_start3A_190] : memref<64x80xi32, #tpu.memory_space<vmem>> -> memref<1x80xi32, #tpu.memory_space<vmem>>
      %dma_start3A_192 = tpu.memref_squeeze %dma_start3A_191 : memref<1x80xi32, #tpu.memory_space<vmem>> -> memref<80xi32, #tpu.memory_space<vmem>>
      %dma_start3A_193 = arith.constant 0 : i32
      %dma_start3A_194 = arith.constant 0 : i32
      %dma_start3A_195 = tpu.memref_slice %arg11[%dma_start3A_193, %dma_start3A_194] : memref<10240x128xf32, #tpu.memory_space<vmem_shared>> -> memref<10240x128xf32, #tpu.memory_space<vmem_shared>>
      tpu.enqueue_indirect_dma source(%arg10 : memref<80x128xf32, #tpu.memory_space<vmem>>) target(%dma_start3A_195 : memref<10240x128xf32, #tpu.memory_space<vmem_shared>>) offsets(%dma_start3A_192 : memref<80xi32, #tpu.memory_space<vmem>>) semaphore(%run_scoped3A_189 : memref<!tpu.dma_semaphore, #tpu.memory_space<semaphore_mem>>) {add = true}
      %dma_wait3A_196 = arith.constant 0 : i32
      %dma_wait3A_197 = tpu.memref_slice %arg7[%run_scoped3A_159, %dma_wait3A_196] : memref<64x80xi32, #tpu.memory_space<vmem>> -> memref<1x80xi32, #tpu.memory_space<vmem>>
      %dma_wait3A_198 = tpu.memref_squeeze %dma_wait3A_197 : memref<1x80xi32, #tpu.memory_space<vmem>> -> memref<80xi32, #tpu.memory_space<vmem>>
      %dma_wait3A_199 = arith.constant 0 : i32
      %dma_wait3A_200 = arith.constant 0 : i32
      %dma_wait3A_201 = tpu.memref_slice %arg11[%dma_wait3A_199, %dma_wait3A_200] : memref<10240x128xf32, #tpu.memory_space<vmem_shared>> -> memref<10240x128xf32, #tpu.memory_space<vmem_shared>>
      tpu.wait_indirect_dma semaphore(%run_scoped3A_189 : memref<!tpu.dma_semaphore, #tpu.memory_space<semaphore_mem>>) src(%arg10 : memref<80x128xf32, #tpu.memory_space<vmem>>) dst(%dma_wait3A_201 : memref<10240x128xf32, #tpu.memory_space<vmem_shared>>)
      tpu.yield
    }) : () -> ()
    %dma_wait3A_160 = arith.constant 60 : i32
    %dma_wait3A_161 = arith.constant 0 : i32
    %dma_wait3A_162 = tpu.memref_slice %arg6[%dma_wait3A_160, %dma_wait3A_161] : memref<64x80xi32, #tpu.memory_space<vmem>> -> memref<1x80xi32, #tpu.memory_space<vmem>>
    %dma_wait3A_163 = tpu.memref_squeeze %dma_wait3A_162 : memref<1x80xi32, #tpu.memory_space<vmem>> -> memref<80xi32, #tpu.memory_space<vmem>>
    %dma_wait3A_164 = arith.constant 0 : i32
    %dma_wait3A_165 = arith.constant 0 : i32
    %dma_wait3A_166 = tpu.memref_slice %arg2[%dma_wait3A_164, %dma_wait3A_165] : memref<10000x128xf32, #tpu.memory_space<hbm>> -> memref<10000x128xf32, #tpu.memory_space<hbm>>
    tpu.wait_indirect_dma semaphore(%arg12 : memref<!tpu.dma_semaphore, #tpu.memory_space<semaphore_mem>>) src(%dma_wait3A_166 : memref<10000x128xf32, #tpu.memory_space<hbm>>) dst(%arg8 : memref<80x128xf32, #tpu.memory_space<vmem>>)
    %run_scoped3A_167 = arith.constant 60 : i32
    "tpu.region"() ({
      %run_scoped3A_189 = tpu.sem_alloc : memref<!tpu.dma_semaphore, #tpu.memory_space<semaphore_mem>>
      %dma_start3A_190 = arith.constant 0 : i32
      %dma_start3A_191 = tpu.memref_slice %arg7[%run_scoped3A_167, %dma_start3A_190] : memref<64x80xi32, #tpu.memory_space<vmem>> -> memref<1x80xi32, #tpu.memory_space<vmem>>
      %dma_start3A_192 = tpu.memref_squeeze %dma_start3A_191 : memref<1x80xi32, #tpu.memory_space<vmem>> -> memref<80xi32, #tpu.memory_space<vmem>>
      %dma_start3A_193 = arith.constant 0 : i32
      %dma_start3A_194 = arith.constant 0 : i32
      %dma_start3A_195 = tpu.memref_slice %arg11[%dma_start3A_193, %dma_start3A_194] : memref<10240x128xf32, #tpu.memory_space<vmem_shared>> -> memref<10240x128xf32, #tpu.memory_space<vmem_shared>>
      tpu.enqueue_indirect_dma source(%arg8 : memref<80x128xf32, #tpu.memory_space<vmem>>) target(%dma_start3A_195 : memref<10240x128xf32, #tpu.memory_space<vmem_shared>>) offsets(%dma_start3A_192 : memref<80xi32, #tpu.memory_space<vmem>>) semaphore(%run_scoped3A_189 : memref<!tpu.dma_semaphore, #tpu.memory_space<semaphore_mem>>) {add = true}
      %dma_wait3A_196 = arith.constant 0 : i32
      %dma_wait3A_197 = tpu.memref_slice %arg7[%run_scoped3A_167, %dma_wait3A_196] : memref<64x80xi32, #tpu.memory_space<vmem>> -> memref<1x80xi32, #tpu.memory_space<vmem>>
      %dma_wait3A_198 = tpu.memref_squeeze %dma_wait3A_197 : memref<1x80xi32, #tpu.memory_space<vmem>> -> memref<80xi32, #tpu.memory_space<vmem>>
      %dma_wait3A_199 = arith.constant 0 : i32
      %dma_wait3A_200 = arith.constant 0 : i32
      %dma_wait3A_201 = tpu.memref_slice %arg11[%dma_wait3A_199, %dma_wait3A_200] : memref<10240x128xf32, #tpu.memory_space<vmem_shared>> -> memref<10240x128xf32, #tpu.memory_space<vmem_shared>>
      tpu.wait_indirect_dma semaphore(%run_scoped3A_189 : memref<!tpu.dma_semaphore, #tpu.memory_space<semaphore_mem>>) src(%arg8 : memref<80x128xf32, #tpu.memory_space<vmem>>) dst(%dma_wait3A_201 : memref<10240x128xf32, #tpu.memory_space<vmem_shared>>)
      tpu.yield
    }) : () -> ()
    %barrier3A_168 = arith.constant 0 : index
    tpu.barrier barrier_id(%barrier3A_168)
    %mul3A_169 = arith.constant 640 : i32
    %mul3A_170 = arith.muli %arg1, %mul3A_169 : i32
    %add3A_171 = arith.constant 0 : i32
    %add3A_172 = arith.addi %mul3A_170, %add3A_171 : i32
    "tpu.region"() ({
      %run_scoped3A_189 = tpu.sem_alloc : memref<!tpu.dma_semaphore, #tpu.memory_space<semaphore_mem>>
      %dma_start3A_190 = arith.constant 0 : i32
      %dma_start3A_191 = tpu.memref_slice %arg5[%arg0, %add3A_172, %dma_start3A_190] : memref<2x10240x128xf32, #tpu.memory_space<hbm>> -> memref<1x128x128xf32, #tpu.memory_space<hbm>>
      %dma_start3A_192 = tpu.memref_squeeze %dma_start3A_191 : memref<1x128x128xf32, #tpu.memory_space<hbm>> -> memref<128x128xf32, #tpu.memory_space<hbm>>
      %dma_start3A_193 = arith.constant 0 : i32
      %dma_start3A_194 = tpu.memref_slice %arg11[%add3A_172, %dma_start3A_193] : memref<10240x128xf32, #tpu.memory_space<vmem_shared>> -> memref<128x128xf32, #tpu.memory_space<vmem_shared>>
      tpu.enqueue_dma source(%dma_start3A_194 : memref<128x128xf32, #tpu.memory_space<vmem_shared>>) target(%dma_start3A_192 : memref<128x128xf32, #tpu.memory_space<hbm>>) target_semaphore(%run_scoped3A_189 : memref<!tpu.dma_semaphore, #tpu.memory_space<semaphore_mem>>)
      %dma_wait3A_195 = arith.constant 0 : i32
      %dma_wait3A_196 = tpu.memref_slice %arg5[%arg0, %add3A_172, %dma_wait3A_195] : memref<2x10240x128xf32, #tpu.memory_space<hbm>> -> memref<1x128x128xf32, #tpu.memory_space<hbm>>
      %dma_wait3A_197 = tpu.memref_squeeze %dma_wait3A_196 : memref<1x128x128xf32, #tpu.memory_space<hbm>> -> memref<128x128xf32, #tpu.memory_space<hbm>>
      %dma_wait3A_198 = arith.constant 0 : i32
      %dma_wait3A_199 = tpu.memref_slice %arg11[%add3A_172, %dma_wait3A_198] : memref<10240x128xf32, #tpu.memory_space<vmem_shared>> -> memref<128x128xf32, #tpu.memory_space<vmem_shared>>
      tpu.wait_dma2 semaphore(%run_scoped3A_189 : memref<!tpu.dma_semaphore, #tpu.memory_space<semaphore_mem>>) src(%dma_wait3A_199 : memref<128x128xf32, #tpu.memory_space<vmem_shared>>) dst(%dma_wait3A_197 : memref<128x128xf32, #tpu.memory_space<hbm>>)
      tpu.yield
    }) : () -> ()
    %mul3A_173 = arith.constant 640 : i32
    %mul3A_174 = arith.muli %arg1, %mul3A_173 : i32
    %add3A_175 = arith.constant 128 : i32
    %add3A_176 = arith.addi %mul3A_174, %add3A_175 : i32
    "tpu.region"() ({
      %run_scoped3A_189 = tpu.sem_alloc : memref<!tpu.dma_semaphore, #tpu.memory_space<semaphore_mem>>
      %dma_start3A_190 = arith.constant 0 : i32
      %dma_start3A_191 = tpu.memref_slice %arg5[%arg0, %add3A_176, %dma_start3A_190] : memref<2x10240x128xf32, #tpu.memory_space<hbm>> -> memref<1x128x128xf32, #tpu.memory_space<hbm>>
      %dma_start3A_192 = tpu.memref_squeeze %dma_start3A_191 : memref<1x128x128xf32, #tpu.memory_space<hbm>> -> memref<128x128xf32, #tpu.memory_space<hbm>>
      %dma_start3A_193 = arith.constant 0 : i32
      %dma_start3A_194 = tpu.memref_slice %arg11[%add3A_176, %dma_start3A_193] : memref<10240x128xf32, #tpu.memory_space<vmem_shared>> -> memref<128x128xf32, #tpu.memory_space<vmem_shared>>
      tpu.enqueue_dma source(%dma_start3A_194 : memref<128x128xf32, #tpu.memory_space<vmem_shared>>) target(%dma_start3A_192 : memref<128x128xf32, #tpu.memory_space<hbm>>) target_semaphore(%run_scoped3A_189 : memref<!tpu.dma_semaphore, #tpu.memory_space<semaphore_mem>>)
      %dma_wait3A_195 = arith.constant 0 : i32
      %dma_wait3A_196 = tpu.memref_slice %arg5[%arg0, %add3A_176, %dma_wait3A_195] : memref<2x10240x128xf32, #tpu.memory_space<hbm>> -> memref<1x128x128xf32, #tpu.memory_space<hbm>>
      %dma_wait3A_197 = tpu.memref_squeeze %dma_wait3A_196 : memref<1x128x128xf32, #tpu.memory_space<hbm>> -> memref<128x128xf32, #tpu.memory_space<hbm>>
      %dma_wait3A_198 = arith.constant 0 : i32
      %dma_wait3A_199 = tpu.memref_slice %arg11[%add3A_176, %dma_wait3A_198] : memref<10240x128xf32, #tpu.memory_space<vmem_shared>> -> memref<128x128xf32, #tpu.memory_space<vmem_shared>>
      tpu.wait_dma2 semaphore(%run_scoped3A_189 : memref<!tpu.dma_semaphore, #tpu.memory_space<semaphore_mem>>) src(%dma_wait3A_199 : memref<128x128xf32, #tpu.memory_space<vmem_shared>>) dst(%dma_wait3A_197 : memref<128x128xf32, #tpu.memory_space<hbm>>)
      tpu.yield
    }) : () -> ()
    %mul3A_177 = arith.constant 640 : i32
    %mul3A_178 = arith.muli %arg1, %mul3A_177 : i32
    %add3A_179 = arith.constant 256 : i32
    %add3A_180 = arith.addi %mul3A_178, %add3A_179 : i32
    "tpu.region"() ({
      %run_scoped3A_189 = tpu.sem_alloc : memref<!tpu.dma_semaphore, #tpu.memory_space<semaphore_mem>>
      %dma_start3A_190 = arith.constant 0 : i32
      %dma_start3A_191 = tpu.memref_slice %arg5[%arg0, %add3A_180, %dma_start3A_190] : memref<2x10240x128xf32, #tpu.memory_space<hbm>> -> memref<1x128x128xf32, #tpu.memory_space<hbm>>
      %dma_start3A_192 = tpu.memref_squeeze %dma_start3A_191 : memref<1x128x128xf32, #tpu.memory_space<hbm>> -> memref<128x128xf32, #tpu.memory_space<hbm>>
      %dma_start3A_193 = arith.constant 0 : i32
      %dma_start3A_194 = tpu.memref_slice %arg11[%add3A_180, %dma_start3A_193] : memref<10240x128xf32, #tpu.memory_space<vmem_shared>> -> memref<128x128xf32, #tpu.memory_space<vmem_shared>>
      tpu.enqueue_dma source(%dma_start3A_194 : memref<128x128xf32, #tpu.memory_space<vmem_shared>>) target(%dma_start3A_192 : memref<128x128xf32, #tpu.memory_space<hbm>>) target_semaphore(%run_scoped3A_189 : memref<!tpu.dma_semaphore, #tpu.memory_space<semaphore_mem>>)
      %dma_wait3A_195 = arith.constant 0 : i32
      %dma_wait3A_196 = tpu.memref_slice %arg5[%arg0, %add3A_180, %dma_wait3A_195] : memref<2x10240x128xf32, #tpu.memory_space<hbm>> -> memref<1x128x128xf32, #tpu.memory_space<hbm>>
      %dma_wait3A_197 = tpu.memref_squeeze %dma_wait3A_196 : memref<1x128x128xf32, #tpu.memory_space<hbm>> -> memref<128x128xf32, #tpu.memory_space<hbm>>
      %dma_wait3A_198 = arith.constant 0 : i32
      %dma_wait3A_199 = tpu.memref_slice %arg11[%add3A_180, %dma_wait3A_198] : memref<10240x128xf32, #tpu.memory_space<vmem_shared>> -> memref<128x128xf32, #tpu.memory_space<vmem_shared>>
      tpu.wait_dma2 semaphore(%run_scoped3A_189 : memref<!tpu.dma_semaphore, #tpu.memory_space<semaphore_mem>>) src(%dma_wait3A_199 : memref<128x128xf32, #tpu.memory_space<vmem_shared>>) dst(%dma_wait3A_197 : memref<128x128xf32, #tpu.memory_space<hbm>>)
      tpu.yield
    }) : () -> ()
    %mul3A_181 = arith.constant 640 : i32
    %mul3A_182 = arith.muli %arg1, %mul3A_181 : i32
    %add3A_183 = arith.constant 384 : i32
    %add3A_184 = arith.addi %mul3A_182, %add3A_183 : i32
    "tpu.region"() ({
      %run_scoped3A_189 = tpu.sem_alloc : memref<!tpu.dma_semaphore, #tpu.memory_space<semaphore_mem>>
      %dma_start3A_190 = arith.constant 0 : i32
      %dma_start3A_191 = tpu.memref_slice %arg5[%arg0, %add3A_184, %dma_start3A_190] : memref<2x10240x128xf32, #tpu.memory_space<hbm>> -> memref<1x128x128xf32, #tpu.memory_space<hbm>>
      %dma_start3A_192 = tpu.memref_squeeze %dma_start3A_191 : memref<1x128x128xf32, #tpu.memory_space<hbm>> -> memref<128x128xf32, #tpu.memory_space<hbm>>
      %dma_start3A_193 = arith.constant 0 : i32
      %dma_start3A_194 = tpu.memref_slice %arg11[%add3A_184, %dma_start3A_193] : memref<10240x128xf32, #tpu.memory_space<vmem_shared>> -> memref<128x128xf32, #tpu.memory_space<vmem_shared>>
      tpu.enqueue_dma source(%dma_start3A_194 : memref<128x128xf32, #tpu.memory_space<vmem_shared>>) target(%dma_start3A_192 : memref<128x128xf32, #tpu.memory_space<hbm>>) target_semaphore(%run_scoped3A_189 : memref<!tpu.dma_semaphore, #tpu.memory_space<semaphore_mem>>)
      %dma_wait3A_195 = arith.constant 0 : i32
      %dma_wait3A_196 = tpu.memref_slice %arg5[%arg0, %add3A_184, %dma_wait3A_195] : memref<2x10240x128xf32, #tpu.memory_space<hbm>> -> memref<1x128x128xf32, #tpu.memory_space<hbm>>
      %dma_wait3A_197 = tpu.memref_squeeze %dma_wait3A_196 : memref<1x128x128xf32, #tpu.memory_space<hbm>> -> memref<128x128xf32, #tpu.memory_space<hbm>>
      %dma_wait3A_198 = arith.constant 0 : i32
      %dma_wait3A_199 = tpu.memref_slice %arg11[%add3A_184, %dma_wait3A_198] : memref<10240x128xf32, #tpu.memory_space<vmem_shared>> -> memref<128x128xf32, #tpu.memory_space<vmem_shared>>
      tpu.wait_dma2 semaphore(%run_scoped3A_189 : memref<!tpu.dma_semaphore, #tpu.memory_space<semaphore_mem>>) src(%dma_wait3A_199 : memref<128x128xf32, #tpu.memory_space<vmem_shared>>) dst(%dma_wait3A_197 : memref<128x128xf32, #tpu.memory_space<hbm>>)
      tpu.yield
    }) : () -> ()
    %mul3A_185 = arith.constant 640 : i32
    %mul3A_186 = arith.muli %arg1, %mul3A_185 : i32
    %add3A_187 = arith.constant 512 : i32
    %add3A_188 = arith.addi %mul3A_186, %add3A_187 : i32
    "tpu.region"() ({
      %run_scoped3A_189 = tpu.sem_alloc : memref<!tpu.dma_semaphore, #tpu.memory_space<semaphore_mem>>
      %dma_start3A_190 = arith.constant 0 : i32
      %dma_start3A_191 = tpu.memref_slice %arg5[%arg0, %add3A_188, %dma_start3A_190] : memref<2x10240x128xf32, #tpu.memory_space<hbm>> -> memref<1x128x128xf32, #tpu.memory_space<hbm>>
      %dma_start3A_192 = tpu.memref_squeeze %dma_start3A_191 : memref<1x128x128xf32, #tpu.memory_space<hbm>> -> memref<128x128xf32, #tpu.memory_space<hbm>>
      %dma_start3A_193 = arith.constant 0 : i32
      %dma_start3A_194 = tpu.memref_slice %arg11[%add3A_188, %dma_start3A_193] : memref<10240x128xf32, #tpu.memory_space<vmem_shared>> -> memref<128x128xf32, #tpu.memory_space<vmem_shared>>
      tpu.enqueue_dma source(%dma_start3A_194 : memref<128x128xf32, #tpu.memory_space<vmem_shared>>) target(%dma_start3A_192 : memref<128x128xf32, #tpu.memory_space<hbm>>) target_semaphore(%run_scoped3A_189 : memref<!tpu.dma_semaphore, #tpu.memory_space<semaphore_mem>>)
      %dma_wait3A_195 = arith.constant 0 : i32
      %dma_wait3A_196 = tpu.memref_slice %arg5[%arg0, %add3A_188, %dma_wait3A_195] : memref<2x10240x128xf32, #tpu.memory_space<hbm>> -> memref<1x128x128xf32, #tpu.memory_space<hbm>>
      %dma_wait3A_197 = tpu.memref_squeeze %dma_wait3A_196 : memref<1x128x128xf32, #tpu.memory_space<hbm>> -> memref<128x128xf32, #tpu.memory_space<hbm>>
      %dma_wait3A_198 = arith.constant 0 : i32
      %dma_wait3A_199 = tpu.memref_slice %arg11[%add3A_188, %dma_wait3A_198] : memref<10240x128xf32, #tpu.memory_space<vmem_shared>> -> memref<128x128xf32, #tpu.memory_space<vmem_shared>>
      tpu.wait_dma2 semaphore(%run_scoped3A_189 : memref<!tpu.dma_semaphore, #tpu.memory_space<semaphore_mem>>) src(%dma_wait3A_199 : memref<128x128xf32, #tpu.memory_space<vmem_shared>>) dst(%dma_wait3A_197 : memref<128x128xf32, #tpu.memory_space<hbm>>)
      tpu.yield
    }) : () -> ()
    return
  }
}

#map = affine_map<(d0, d1) -> (0, 0)>
#map1 = affine_map<(d0, d1) -> (0, 0, 0)>
module attributes {stable_mosaic.version = 14 : i64} {
  func.func @_agg_call(%arg0: i32, %arg1: i32, %arg2: memref<10000x128xf32, #tpu.memory_space<hbm>>, %arg3: memref<32x125x80xi32, #tpu.memory_space<hbm>>, %arg4: memref<32x125x80xi32, #tpu.memory_space<hbm>>, %arg5: memref<2x10240x128xf32, #tpu.memory_space<hbm>>, %arg6: memref<64x80xi32, #tpu.memory_space<vmem>>, %arg7: memref<64x80xi32, #tpu.memory_space<vmem>>, %arg8: memref<80x128xf32, #tpu.memory_space<vmem>>, %arg9: memref<80x128xf32, #tpu.memory_space<vmem>>, %arg10: memref<80x128xf32, #tpu.memory_space<vmem>>, %arg11: memref<10240x128xf32, #tpu.memory_space<vmem_shared>>, %arg12: memref<!tpu.dma_semaphore, #tpu.memory_space<semaphore_mem>>, %arg13: memref<!tpu.dma_semaphore, #tpu.memory_space<semaphore_mem>>, %arg14: memref<!tpu.dma_semaphore, #tpu.memory_space<semaphore_mem>>) attributes {dimension_semantics = [#tpu.dimension_semantics<core_parallel>, #tpu.dimension_semantics<subcore_parallel>], iteration_bounds = array<i64: 2, 16>, scalar_prefetch = 0 : i64, scratch_operands = 9 : i64, tpu.core_type = #tpu.core_type<sc_vector_subcore>, window_params = [{transform_indices = #map}, {transform_indices = #map1}, {transform_indices = #map1}, {transform_indices = #map1}]} {
    %mul3A = arith.constant 2 : i32
    %mul3A_0 = arith.muli %arg1, %mul3A : i32
    %add3A = arith.addi %mul3A_0, %arg0 : i32
    %broadcast_in_dim3A = arith.constant 0.000000e+00 : f32
    %broadcast_in_dim3A_1 = vector.broadcast %broadcast_in_dim3A : f32 to vector<16xf32>
    %scan3A = arith.constant 0 : i32
    %scan3A_2 = arith.constant 0 : i32
    %scan3A_3 = arith.constant 80 : i32
    %scan3A_4 = arith.addi %scan3A_2, %scan3A_3 : i32
    %scan3A_5 = arith.constant 1 : i32
    scf.for %scan3A_189 = %scan3A_2 to %scan3A_4 step %scan3A_5  : i32 {
      %swap3A = arith.index_cast %scan3A_189 : i32 to index
      %swap3A_190 = arith.constant 0 : index
      %swap3A_191 = tpu.vector_load %arg8[%swap3A, %swap3A_190] {strides = array<i32>} : memref<80x128xf32, #tpu.memory_space<vmem>>, vector<1x16xf32>,
      %swap3A_192 = vector.shape_cast %swap3A_191 : vector<1x16xf32> to vector<16xf32>
      %swap3A_193 = vector.shape_cast %broadcast_in_dim3A_1 : vector<16xf32> to vector<1x16xf32>
      tpu.vector_store %arg8[%swap3A, %swap3A_190], %swap3A_193 {strides = array<i32>} : memref<80x128xf32, #tpu.memory_space<vmem>>, vector<1x16xf32>,
      %swap3A_194 = arith.index_cast %scan3A_189 : i32 to index
      %swap3A_195 = arith.constant 16 : index
      %swap3A_196 = tpu.vector_load %arg8[%swap3A_194, %swap3A_195] {strides = array<i32>} : memref<80x128xf32, #tpu.memory_space<vmem>>, vector<1x16xf32>,
      %swap3A_197 = vector.shape_cast %swap3A_196 : vector<1x16xf32> to vector<16xf32>
      %swap3A_198 = vector.shape_cast %broadcast_in_dim3A_1 : vector<16xf32> to vector<1x16xf32>
      tpu.vector_store %arg8[%swap3A_194, %swap3A_195], %swap3A_198 {strides = array<i32>} : memref<80x128xf32, #tpu.memory_space<vmem>>, vector<1x16xf32>,
      %swap3A_199 = arith.index_cast %scan3A_189 : i32 to index
      %swap3A_200 = arith.constant 32 : index
      %swap3A_201 = tpu.vector_load %arg8[%swap3A_199, %swap3A_200] {strides = array<i32>} : memref<80x128xf32, #tpu.memory_space<vmem>>, vector<1x16xf32>,
      %swap3A_202 = vector.shape_cast %swap3A_201 : vector<1x16xf32> to vector<16xf32>
      %swap3A_203 = vector.shape_cast %broadcast_in_dim3A_1 : vector<16xf32> to vector<1x16xf32>
      tpu.vector_store %arg8[%swap3A_199, %swap3A_200], %swap3A_203 {strides = array<i32>} : memref<80x128xf32, #tpu.memory_space<vmem>>, vector<1x16xf32>,
      %swap3A_204 = arith.index_cast %scan3A_189 : i32 to index
      %swap3A_205 = arith.constant 48 : index
      %swap3A_206 = tpu.vector_load %arg8[%swap3A_204, %swap3A_205] {strides = array<i32>} : memref<80x128xf32, #tpu.memory_space<vmem>>, vector<1x16xf32>,
      %swap3A_207 = vector.shape_cast %swap3A_206 : vector<1x16xf32> to vector<16xf32>
      %swap3A_208 = vector.shape_cast %broadcast_in_dim3A_1 : vector<16xf32> to vector<1x16xf32>
      tpu.vector_store %arg8[%swap3A_204, %swap3A_205], %swap3A_208 {strides = array<i32>} : memref<80x128xf32, #tpu.memory_space<vmem>>, vector<1x16xf32>,
      %swap3A_209 = arith.index_cast %scan3A_189 : i32 to index
      %swap3A_210 = arith.constant 64 : index
      %swap3A_211 = tpu.vector_load %arg8[%swap3A_209, %swap3A_210] {strides = array<i32>} : memref<80x128xf32, #tpu.memory_space<vmem>>, vector<1x16xf32>,
      %swap3A_212 = vector.shape_cast %swap3A_211 : vector<1x16xf32> to vector<16xf32>
      %swap3A_213 = vector.shape_cast %broadcast_in_dim3A_1 : vector<16xf32> to vector<1x16xf32>
      tpu.vector_store %arg8[%swap3A_209, %swap3A_210], %swap3A_213 {strides = array<i32>} : memref<80x128xf32, #tpu.memory_space<vmem>>, vector<1x16xf32>,
      %swap3A_214 = arith.index_cast %scan3A_189 : i32 to index
      %swap3A_215 = arith.constant 80 : index
      %swap3A_216 = tpu.vector_load %arg8[%swap3A_214, %swap3A_215] {strides = array<i32>} : memref<80x128xf32, #tpu.memory_space<vmem>>, vector<1x16xf32>,
      %swap3A_217 = vector.shape_cast %swap3A_216 : vector<1x16xf32> to vector<16xf32>
      %swap3A_218 = vector.shape_cast %broadcast_in_dim3A_1 : vector<16xf32> to vector<1x16xf32>
      tpu.vector_store %arg8[%swap3A_214, %swap3A_215], %swap3A_218 {strides = array<i32>} : memref<80x128xf32, #tpu.memory_space<vmem>>, vector<1x16xf32>,
      %swap3A_219 = arith.index_cast %scan3A_189 : i32 to index
      %swap3A_220 = arith.constant 96 : index
      %swap3A_221 = tpu.vector_load %arg8[%swap3A_219, %swap3A_220] {strides = array<i32>} : memref<80x128xf32, #tpu.memory_space<vmem>>, vector<1x16xf32>,
      %swap3A_222 = vector.shape_cast %swap3A_221 : vector<1x16xf32> to vector<16xf32>
      %swap3A_223 = vector.shape_cast %broadcast_in_dim3A_1 : vector<16xf32> to vector<1x16xf32>
      tpu.vector_store %arg8[%swap3A_219, %swap3A_220], %swap3A_223 {strides = array<i32>} : memref<80x128xf32, #tpu.memory_space<vmem>>, vector<1x16xf32>,
      %swap3A_224 = arith.index_cast %scan3A_189 : i32 to index
      %swap3A_225 = arith.constant 112 : index
      %swap3A_226 = tpu.vector_load %arg8[%swap3A_224, %swap3A_225] {strides = array<i32>} : memref<80x128xf32, #tpu.memory_space<vmem>>, vector<1x16xf32>,
      %swap3A_227 = vector.shape_cast %swap3A_226 : vector<1x16xf32> to vector<16xf32>
      %swap3A_228 = vector.shape_cast %broadcast_in_dim3A_1 : vector<16xf32> to vector<1x16xf32>
      tpu.vector_store %arg8[%swap3A_224, %swap3A_225], %swap3A_228 {strides = array<i32>} : memref<80x128xf32, #tpu.memory_space<vmem>>, vector<1x16xf32>,
    }
    %scan3A_6 = arith.constant 80 : i32
    %mul3A_7 = arith.constant 640 : i32
    %mul3A_8 = arith.muli %arg1, %mul3A_7 : i32
    %add3A_9 = arith.constant 0 : i32
    %add3A_10 = arith.addi %mul3A_8, %add3A_9 : i32
    "tpu.region"() ({
      %run_scoped3A_189 = tpu.sem_alloc : memref<!tpu.dma_semaphore, #tpu.memory_space<semaphore_mem>>
      %dma_start3A_190 = arith.constant 0 : i32
      %dma_start3A_191 = tpu.memref_slice %arg11[%add3A_10, %dma_start3A_190] : memref<10240x128xf32, #tpu.memory_space<vmem_shared>> -> memref<80x128xf32, #tpu.memory_space<vmem_shared>>
      %dma_start3A_192 = arith.constant 0 : i32
      %dma_start3A_193 = tpu.memref_slice %arg11[%add3A_10, %dma_start3A_192] : memref<10240x128xf32, #tpu.memory_space<vmem_shared>> -> memref<80x128xf32, #tpu.memory_space<vmem_shared>>
      tpu.enqueue_dma source(%arg8 : memref<80x128xf32, #tpu.memory_space<vmem>>) target(%dma_start3A_193 : memref<80x128xf32, #tpu.memory_space<vmem_shared>>) target_semaphore(%run_scoped3A_189 : memref<!tpu.dma_semaphore, #tpu.memory_space<semaphore_mem>>)
      %dma_wait3A_194 = arith.constant 0 : i32
      %dma_wait3A_195 = tpu.memref_slice %arg11[%add3A_10, %dma_wait3A_194] : memref<10240x128xf32, #tpu.memory_space<vmem_shared>> -> memref<80x128xf32, #tpu.memory_space<vmem_shared>>
      %dma_wait3A_196 = arith.constant 0 : i32
      %dma_wait3A_197 = tpu.memref_slice %arg11[%add3A_10, %dma_wait3A_196] : memref<10240x128xf32, #tpu.memory_space<vmem_shared>> -> memref<80x128xf32, #tpu.memory_space<vmem_shared>>
      tpu.wait_dma2 semaphore(%run_scoped3A_189 : memref<!tpu.dma_semaphore, #tpu.memory_space<semaphore_mem>>) src(%arg8 : memref<80x128xf32, #tpu.memory_space<vmem>>) dst(%dma_wait3A_197 : memref<80x128xf32, #tpu.memory_space<vmem_shared>>)
      tpu.yield
    }) : () -> ()
    %mul3A_11 = arith.constant 640 : i32
    %mul3A_12 = arith.muli %arg1, %mul3A_11 : i32
    %add3A_13 = arith.constant 80 : i32
    %add3A_14 = arith.addi %mul3A_12, %add3A_13 : i32
    "tpu.region"() ({
      %run_scoped3A_189 = tpu.sem_alloc : memref<!tpu.dma_semaphore, #tpu.memory_space<semaphore_mem>>
      %dma_start3A_190 = arith.constant 0 : i32
      %dma_start3A_191 = tpu.memref_slice %arg11[%add3A_14, %dma_start3A_190] : memref<10240x128xf32, #tpu.memory_space<vmem_shared>> -> memref<80x128xf32, #tpu.memory_space<vmem_shared>>
      %dma_start3A_192 = arith.constant 0 : i32
      %dma_start3A_193 = tpu.memref_slice %arg11[%add3A_14, %dma_start3A_192] : memref<10240x128xf32, #tpu.memory_space<vmem_shared>> -> memref<80x128xf32, #tpu.memory_space<vmem_shared>>
      tpu.enqueue_dma source(%arg8 : memref<80x128xf32, #tpu.memory_space<vmem>>) target(%dma_start3A_193 : memref<80x128xf32, #tpu.memory_space<vmem_shared>>) target_semaphore(%run_scoped3A_189 : memref<!tpu.dma_semaphore, #tpu.memory_space<semaphore_mem>>)
      %dma_wait3A_194 = arith.constant 0 : i32
      %dma_wait3A_195 = tpu.memref_slice %arg11[%add3A_14, %dma_wait3A_194] : memref<10240x128xf32, #tpu.memory_space<vmem_shared>> -> memref<80x128xf32, #tpu.memory_space<vmem_shared>>
      %dma_wait3A_196 = arith.constant 0 : i32
      %dma_wait3A_197 = tpu.memref_slice %arg11[%add3A_14, %dma_wait3A_196] : memref<10240x128xf32, #tpu.memory_space<vmem_shared>> -> memref<80x128xf32, #tpu.memory_space<vmem_shared>>
      tpu.wait_dma2 semaphore(%run_scoped3A_189 : memref<!tpu.dma_semaphore, #tpu.memory_space<semaphore_mem>>) src(%arg8 : memref<80x128xf32, #tpu.memory_space<vmem>>) dst(%dma_wait3A_197 : memref<80x128xf32, #tpu.memory_space<vmem_shared>>)
      tpu.yield
    }) : () -> ()
    %mul3A_15 = arith.constant 640 : i32
    %mul3A_16 = arith.muli %arg1, %mul3A_15 : i32
    %add3A_17 = arith.constant 160 : i32
    %add3A_18 = arith.addi %mul3A_16, %add3A_17 : i32
    "tpu.region"() ({
      %run_scoped3A_189 = tpu.sem_alloc : memref<!tpu.dma_semaphore, #tpu.memory_space<semaphore_mem>>
      %dma_start3A_190 = arith.constant 0 : i32
      %dma_start3A_191 = tpu.memref_slice %arg11[%add3A_18, %dma_start3A_190] : memref<10240x128xf32, #tpu.memory_space<vmem_shared>> -> memref<80x128xf32, #tpu.memory_space<vmem_shared>>
      %dma_start3A_192 = arith.constant 0 : i32
      %dma_start3A_193 = tpu.memref_slice %arg11[%add3A_18, %dma_start3A_192] : memref<10240x128xf32, #tpu.memory_space<vmem_shared>> -> memref<80x128xf32, #tpu.memory_space<vmem_shared>>
      tpu.enqueue_dma source(%arg8 : memref<80x128xf32, #tpu.memory_space<vmem>>) target(%dma_start3A_193 : memref<80x128xf32, #tpu.memory_space<vmem_shared>>) target_semaphore(%run_scoped3A_189 : memref<!tpu.dma_semaphore, #tpu.memory_space<semaphore_mem>>)
      %dma_wait3A_194 = arith.constant 0 : i32
      %dma_wait3A_195 = tpu.memref_slice %arg11[%add3A_18, %dma_wait3A_194] : memref<10240x128xf32, #tpu.memory_space<vmem_shared>> -> memref<80x128xf32, #tpu.memory_space<vmem_shared>>
      %dma_wait3A_196 = arith.constant 0 : i32
      %dma_wait3A_197 = tpu.memref_slice %arg11[%add3A_18, %dma_wait3A_196] : memref<10240x128xf32, #tpu.memory_space<vmem_shared>> -> memref<80x128xf32, #tpu.memory_space<vmem_shared>>
      tpu.wait_dma2 semaphore(%run_scoped3A_189 : memref<!tpu.dma_semaphore, #tpu.memory_space<semaphore_mem>>) src(%arg8 : memref<80x128xf32, #tpu.memory_space<vmem>>) dst(%dma_wait3A_197 : memref<80x128xf32, #tpu.memory_space<vmem_shared>>)
      tpu.yield
    }) : () -> ()
    %mul3A_19 = arith.constant 640 : i32
    %mul3A_20 = arith.muli %arg1, %mul3A_19 : i32
    %add3A_21 = arith.constant 240 : i32
    %add3A_22 = arith.addi %mul3A_20, %add3A_21 : i32
    "tpu.region"() ({
      %run_scoped3A_189 = tpu.sem_alloc : memref<!tpu.dma_semaphore, #tpu.memory_space<semaphore_mem>>
      %dma_start3A_190 = arith.constant 0 : i32
      %dma_start3A_191 = tpu.memref_slice %arg11[%add3A_22, %dma_start3A_190] : memref<10240x128xf32, #tpu.memory_space<vmem_shared>> -> memref<80x128xf32, #tpu.memory_space<vmem_shared>>
      %dma_start3A_192 = arith.constant 0 : i32
      %dma_start3A_193 = tpu.memref_slice %arg11[%add3A_22, %dma_start3A_192] : memref<10240x128xf32, #tpu.memory_space<vmem_shared>> -> memref<80x128xf32, #tpu.memory_space<vmem_shared>>
      tpu.enqueue_dma source(%arg8 : memref<80x128xf32, #tpu.memory_space<vmem>>) target(%dma_start3A_193 : memref<80x128xf32, #tpu.memory_space<vmem_shared>>) target_semaphore(%run_scoped3A_189 : memref<!tpu.dma_semaphore, #tpu.memory_space<semaphore_mem>>)
      %dma_wait3A_194 = arith.constant 0 : i32
      %dma_wait3A_195 = tpu.memref_slice %arg11[%add3A_22, %dma_wait3A_194] : memref<10240x128xf32, #tpu.memory_space<vmem_shared>> -> memref<80x128xf32, #tpu.memory_space<vmem_shared>>
      %dma_wait3A_196 = arith.constant 0 : i32
      %dma_wait3A_197 = tpu.memref_slice %arg11[%add3A_22, %dma_wait3A_196] : memref<10240x128xf32, #tpu.memory_space<vmem_shared>> -> memref<80x128xf32, #tpu.memory_space<vmem_shared>>
      tpu.wait_dma2 semaphore(%run_scoped3A_189 : memref<!tpu.dma_semaphore, #tpu.memory_space<semaphore_mem>>) src(%arg8 : memref<80x128xf32, #tpu.memory_space<vmem>>) dst(%dma_wait3A_197 : memref<80x128xf32, #tpu.memory_space<vmem_shared>>)
      tpu.yield
    }) : () -> ()
    %mul3A_23 = arith.constant 640 : i32
    %mul3A_24 = arith.muli %arg1, %mul3A_23 : i32
    %add3A_25 = arith.constant 320 : i32
    %add3A_26 = arith.addi %mul3A_24, %add3A_25 : i32
    "tpu.region"() ({
      %run_scoped3A_189 = tpu.sem_alloc : memref<!tpu.dma_semaphore, #tpu.memory_space<semaphore_mem>>
      %dma_start3A_190 = arith.constant 0 : i32
      %dma_start3A_191 = tpu.memref_slice %arg11[%add3A_26, %dma_start3A_190] : memref<10240x128xf32, #tpu.memory_space<vmem_shared>> -> memref<80x128xf32, #tpu.memory_space<vmem_shared>>
      %dma_start3A_192 = arith.constant 0 : i32
      %dma_start3A_193 = tpu.memref_slice %arg11[%add3A_26, %dma_start3A_192] : memref<10240x128xf32, #tpu.memory_space<vmem_shared>> -> memref<80x128xf32, #tpu.memory_space<vmem_shared>>
      tpu.enqueue_dma source(%arg8 : memref<80x128xf32, #tpu.memory_space<vmem>>) target(%dma_start3A_193 : memref<80x128xf32, #tpu.memory_space<vmem_shared>>) target_semaphore(%run_scoped3A_189 : memref<!tpu.dma_semaphore, #tpu.memory_space<semaphore_mem>>)
      %dma_wait3A_194 = arith.constant 0 : i32
      %dma_wait3A_195 = tpu.memref_slice %arg11[%add3A_26, %dma_wait3A_194] : memref<10240x128xf32, #tpu.memory_space<vmem_shared>> -> memref<80x128xf32, #tpu.memory_space<vmem_shared>>
      %dma_wait3A_196 = arith.constant 0 : i32
      %dma_wait3A_197 = tpu.memref_slice %arg11[%add3A_26, %dma_wait3A_196] : memref<10240x128xf32, #tpu.memory_space<vmem_shared>> -> memref<80x128xf32, #tpu.memory_space<vmem_shared>>
      tpu.wait_dma2 semaphore(%run_scoped3A_189 : memref<!tpu.dma_semaphore, #tpu.memory_space<semaphore_mem>>) src(%arg8 : memref<80x128xf32, #tpu.memory_space<vmem>>) dst(%dma_wait3A_197 : memref<80x128xf32, #tpu.memory_space<vmem_shared>>)
      tpu.yield
    }) : () -> ()
    %mul3A_27 = arith.constant 640 : i32
    %mul3A_28 = arith.muli %arg1, %mul3A_27 : i32
    %add3A_29 = arith.constant 400 : i32
    %add3A_30 = arith.addi %mul3A_28, %add3A_29 : i32
    "tpu.region"() ({
      %run_scoped3A_189 = tpu.sem_alloc : memref<!tpu.dma_semaphore, #tpu.memory_space<semaphore_mem>>
      %dma_start3A_190 = arith.constant 0 : i32
      %dma_start3A_191 = tpu.memref_slice %arg11[%add3A_30, %dma_start3A_190] : memref<10240x128xf32, #tpu.memory_space<vmem_shared>> -> memref<80x128xf32, #tpu.memory_space<vmem_shared>>
      %dma_start3A_192 = arith.constant 0 : i32
      %dma_start3A_193 = tpu.memref_slice %arg11[%add3A_30, %dma_start3A_192] : memref<10240x128xf32, #tpu.memory_space<vmem_shared>> -> memref<80x128xf32, #tpu.memory_space<vmem_shared>>
      tpu.enqueue_dma source(%arg8 : memref<80x128xf32, #tpu.memory_space<vmem>>) target(%dma_start3A_193 : memref<80x128xf32, #tpu.memory_space<vmem_shared>>) target_semaphore(%run_scoped3A_189 : memref<!tpu.dma_semaphore, #tpu.memory_space<semaphore_mem>>)
      %dma_wait3A_194 = arith.constant 0 : i32
      %dma_wait3A_195 = tpu.memref_slice %arg11[%add3A_30, %dma_wait3A_194] : memref<10240x128xf32, #tpu.memory_space<vmem_shared>> -> memref<80x128xf32, #tpu.memory_space<vmem_shared>>
      %dma_wait3A_196 = arith.constant 0 : i32
      %dma_wait3A_197 = tpu.memref_slice %arg11[%add3A_30, %dma_wait3A_196] : memref<10240x128xf32, #tpu.memory_space<vmem_shared>> -> memref<80x128xf32, #tpu.memory_space<vmem_shared>>
      tpu.wait_dma2 semaphore(%run_scoped3A_189 : memref<!tpu.dma_semaphore, #tpu.memory_space<semaphore_mem>>) src(%arg8 : memref<80x128xf32, #tpu.memory_space<vmem>>) dst(%dma_wait3A_197 : memref<80x128xf32, #tpu.memory_space<vmem_shared>>)
      tpu.yield
    }) : () -> ()
    %mul3A_31 = arith.constant 640 : i32
    %mul3A_32 = arith.muli %arg1, %mul3A_31 : i32
    %add3A_33 = arith.constant 480 : i32
    %add3A_34 = arith.addi %mul3A_32, %add3A_33 : i32
    "tpu.region"() ({
      %run_scoped3A_189 = tpu.sem_alloc : memref<!tpu.dma_semaphore, #tpu.memory_space<semaphore_mem>>
      %dma_start3A_190 = arith.constant 0 : i32
      %dma_start3A_191 = tpu.memref_slice %arg11[%add3A_34, %dma_start3A_190] : memref<10240x128xf32, #tpu.memory_space<vmem_shared>> -> memref<80x128xf32, #tpu.memory_space<vmem_shared>>
      %dma_start3A_192 = arith.constant 0 : i32
      %dma_start3A_193 = tpu.memref_slice %arg11[%add3A_34, %dma_start3A_192] : memref<10240x128xf32, #tpu.memory_space<vmem_shared>> -> memref<80x128xf32, #tpu.memory_space<vmem_shared>>
      tpu.enqueue_dma source(%arg8 : memref<80x128xf32, #tpu.memory_space<vmem>>) target(%dma_start3A_193 : memref<80x128xf32, #tpu.memory_space<vmem_shared>>) target_semaphore(%run_scoped3A_189 : memref<!tpu.dma_semaphore, #tpu.memory_space<semaphore_mem>>)
      %dma_wait3A_194 = arith.constant 0 : i32
      %dma_wait3A_195 = tpu.memref_slice %arg11[%add3A_34, %dma_wait3A_194] : memref<10240x128xf32, #tpu.memory_space<vmem_shared>> -> memref<80x128xf32, #tpu.memory_space<vmem_shared>>
      %dma_wait3A_196 = arith.constant 0 : i32
      %dma_wait3A_197 = tpu.memref_slice %arg11[%add3A_34, %dma_wait3A_196] : memref<10240x128xf32, #tpu.memory_space<vmem_shared>> -> memref<80x128xf32, #tpu.memory_space<vmem_shared>>
      tpu.wait_dma2 semaphore(%run_scoped3A_189 : memref<!tpu.dma_semaphore, #tpu.memory_space<semaphore_mem>>) src(%arg8 : memref<80x128xf32, #tpu.memory_space<vmem>>) dst(%dma_wait3A_197 : memref<80x128xf32, #tpu.memory_space<vmem_shared>>)
      tpu.yield
    }) : () -> ()
    %mul3A_35 = arith.constant 640 : i32
    %mul3A_36 = arith.muli %arg1, %mul3A_35 : i32
    %add3A_37 = arith.constant 560 : i32
    %add3A_38 = arith.addi %mul3A_36, %add3A_37 : i32
    "tpu.region"() ({
      %run_scoped3A_189 = tpu.sem_alloc : memref<!tpu.dma_semaphore, #tpu.memory_space<semaphore_mem>>
      %dma_start3A_190 = arith.constant 0 : i32
      %dma_start3A_191 = tpu.memref_slice %arg11[%add3A_38, %dma_start3A_190] : memref<10240x128xf32, #tpu.memory_space<vmem_shared>> -> memref<80x128xf32, #tpu.memory_space<vmem_shared>>
      %dma_start3A_192 = arith.constant 0 : i32
      %dma_start3A_193 = tpu.memref_slice %arg11[%add3A_38, %dma_start3A_192] : memref<10240x128xf32, #tpu.memory_space<vmem_shared>> -> memref<80x128xf32, #tpu.memory_space<vmem_shared>>
      tpu.enqueue_dma source(%arg8 : memref<80x128xf32, #tpu.memory_space<vmem>>) target(%dma_start3A_193 : memref<80x128xf32, #tpu.memory_space<vmem_shared>>) target_semaphore(%run_scoped3A_189 : memref<!tpu.dma_semaphore, #tpu.memory_space<semaphore_mem>>)
      %dma_wait3A_194 = arith.constant 0 : i32
      %dma_wait3A_195 = tpu.memref_slice %arg11[%add3A_38, %dma_wait3A_194] : memref<10240x128xf32, #tpu.memory_space<vmem_shared>> -> memref<80x128xf32, #tpu.memory_space<vmem_shared>>
      %dma_wait3A_196 = arith.constant 0 : i32
      %dma_wait3A_197 = tpu.memref_slice %arg11[%add3A_38, %dma_wait3A_196] : memref<10240x128xf32, #tpu.memory_space<vmem_shared>> -> memref<80x128xf32, #tpu.memory_space<vmem_shared>>
      tpu.wait_dma2 semaphore(%run_scoped3A_189 : memref<!tpu.dma_semaphore, #tpu.memory_space<semaphore_mem>>) src(%arg8 : memref<80x128xf32, #tpu.memory_space<vmem>>) dst(%dma_wait3A_197 : memref<80x128xf32, #tpu.memory_space<vmem_shared>>)
      tpu.yield
    }) : () -> ()
    %barrier3A = arith.constant 0 : index
    tpu.barrier barrier_id(%barrier3A)
    "tpu.region"() ({
      %run_scoped3A_189 = tpu.sem_alloc : memref<!tpu.dma_semaphore, #tpu.memory_space<semaphore_mem>>
      %dma_start3A_190 = arith.constant 0 : i32
      %dma_start3A_191 = arith.constant 0 : i32
      %dma_start3A_192 = tpu.memref_slice %arg3[%add3A, %dma_start3A_190, %dma_start3A_191] : memref<32x125x80xi32, #tpu.memory_space<hbm>> -> memref<1x64x80xi32, #tpu.memory_space<hbm>>
      %dma_start3A_193 = tpu.memref_squeeze %dma_start3A_192 : memref<1x64x80xi32, #tpu.memory_space<hbm>> -> memref<64x80xi32, #tpu.memory_space<hbm>>
      %dma_start3A_194 = arith.constant 0 : i32
      %dma_start3A_195 = arith.constant 0 : i32
      %dma_start3A_196 = tpu.memref_slice %arg3[%add3A, %dma_start3A_194, %dma_start3A_195] : memref<32x125x80xi32, #tpu.memory_space<hbm>> -> memref<1x64x80xi32, #tpu.memory_space<hbm>>
      %dma_start3A_197 = tpu.memref_squeeze %dma_start3A_196 : memref<1x64x80xi32, #tpu.memory_space<hbm>> -> memref<64x80xi32, #tpu.memory_space<hbm>>
      tpu.enqueue_dma source(%dma_start3A_197 : memref<64x80xi32, #tpu.memory_space<hbm>>) target(%arg6 : memref<64x80xi32, #tpu.memory_space<vmem>>) target_semaphore(%run_scoped3A_189 : memref<!tpu.dma_semaphore, #tpu.memory_space<semaphore_mem>>)
      %dma_wait3A_198 = arith.constant 0 : i32
      %dma_wait3A_199 = arith.constant 0 : i32
      %dma_wait3A_200 = tpu.memref_slice %arg3[%add3A, %dma_wait3A_198, %dma_wait3A_199] : memref<32x125x80xi32, #tpu.memory_space<hbm>> -> memref<1x64x80xi32, #tpu.memory_space<hbm>>
      %dma_wait3A_201 = tpu.memref_squeeze %dma_wait3A_200 : memref<1x64x80xi32, #tpu.memory_space<hbm>> -> memref<64x80xi32, #tpu.memory_space<hbm>>
      %dma_wait3A_202 = arith.constant 0 : i32
      %dma_wait3A_203 = arith.constant 0 : i32
      %dma_wait3A_204 = tpu.memref_slice %arg3[%add3A, %dma_wait3A_202, %dma_wait3A_203] : memref<32x125x80xi32, #tpu.memory_space<hbm>> -> memref<1x64x80xi32, #tpu.memory_space<hbm>>
      %dma_wait3A_205 = tpu.memref_squeeze %dma_wait3A_204 : memref<1x64x80xi32, #tpu.memory_space<hbm>> -> memref<64x80xi32, #tpu.memory_space<hbm>>
      tpu.wait_dma2 semaphore(%run_scoped3A_189 : memref<!tpu.dma_semaphore, #tpu.memory_space<semaphore_mem>>) src(%dma_wait3A_205 : memref<64x80xi32, #tpu.memory_space<hbm>>) dst(%arg6 : memref<64x80xi32, #tpu.memory_space<vmem>>)
      tpu.yield
    }) : () -> ()
    "tpu.region"() ({
      %run_scoped3A_189 = tpu.sem_alloc : memref<!tpu.dma_semaphore, #tpu.memory_space<semaphore_mem>>
      %dma_start3A_190 = arith.constant 0 : i32
      %dma_start3A_191 = arith.constant 0 : i32
      %dma_start3A_192 = tpu.memref_slice %arg4[%add3A, %dma_start3A_190, %dma_start3A_191] : memref<32x125x80xi32, #tpu.memory_space<hbm>> -> memref<1x64x80xi32, #tpu.memory_space<hbm>>
      %dma_start3A_193 = tpu.memref_squeeze %dma_start3A_192 : memref<1x64x80xi32, #tpu.memory_space<hbm>> -> memref<64x80xi32, #tpu.memory_space<hbm>>
      %dma_start3A_194 = arith.constant 0 : i32
      %dma_start3A_195 = arith.constant 0 : i32
      %dma_start3A_196 = tpu.memref_slice %arg4[%add3A, %dma_start3A_194, %dma_start3A_195] : memref<32x125x80xi32, #tpu.memory_space<hbm>> -> memref<1x64x80xi32, #tpu.memory_space<hbm>>
      %dma_start3A_197 = tpu.memref_squeeze %dma_start3A_196 : memref<1x64x80xi32, #tpu.memory_space<hbm>> -> memref<64x80xi32, #tpu.memory_space<hbm>>
      tpu.enqueue_dma source(%dma_start3A_197 : memref<64x80xi32, #tpu.memory_space<hbm>>) target(%arg7 : memref<64x80xi32, #tpu.memory_space<vmem>>) target_semaphore(%run_scoped3A_189 : memref<!tpu.dma_semaphore, #tpu.memory_space<semaphore_mem>>)
      %dma_wait3A_198 = arith.constant 0 : i32
      %dma_wait3A_199 = arith.constant 0 : i32
      %dma_wait3A_200 = tpu.memref_slice %arg4[%add3A, %dma_wait3A_198, %dma_wait3A_199] : memref<32x125x80xi32, #tpu.memory_space<hbm>> -> memref<1x64x80xi32, #tpu.memory_space<hbm>>
      %dma_wait3A_201 = tpu.memref_squeeze %dma_wait3A_200 : memref<1x64x80xi32, #tpu.memory_space<hbm>> -> memref<64x80xi32, #tpu.memory_space<hbm>>
      %dma_wait3A_202 = arith.constant 0 : i32
      %dma_wait3A_203 = arith.constant 0 : i32
      %dma_wait3A_204 = tpu.memref_slice %arg4[%add3A, %dma_wait3A_202, %dma_wait3A_203] : memref<32x125x80xi32, #tpu.memory_space<hbm>> -> memref<1x64x80xi32, #tpu.memory_space<hbm>>
      %dma_wait3A_205 = tpu.memref_squeeze %dma_wait3A_204 : memref<1x64x80xi32, #tpu.memory_space<hbm>> -> memref<64x80xi32, #tpu.memory_space<hbm>>
      tpu.wait_dma2 semaphore(%run_scoped3A_189 : memref<!tpu.dma_semaphore, #tpu.memory_space<semaphore_mem>>) src(%dma_wait3A_205 : memref<64x80xi32, #tpu.memory_space<hbm>>) dst(%arg7 : memref<64x80xi32, #tpu.memory_space<vmem>>)
      tpu.yield
    }) : () -> ()
    %dma_start3A = arith.constant 0 : i32
    %dma_start3A_39 = arith.constant 0 : i32
    %dma_start3A_40 = tpu.memref_slice %arg6[%dma_start3A, %dma_start3A_39] : memref<64x80xi32, #tpu.memory_space<vmem>> -> memref<1x80xi32, #tpu.memory_space<vmem>>
    %dma_start3A_41 = tpu.memref_squeeze %dma_start3A_40 : memref<1x80xi32, #tpu.memory_space<vmem>> -> memref<80xi32, #tpu.memory_space<vmem>>
    %dma_start3A_42 = arith.constant 0 : i32
    %dma_start3A_43 = arith.constant 0 : i32
    %dma_start3A_44 = tpu.memref_slice %arg2[%dma_start3A_42, %dma_start3A_43] : memref<10000x128xf32, #tpu.memory_space<hbm>> -> memref<10000x128xf32, #tpu.memory_space<hbm>>
    tpu.enqueue_indirect_dma source(%dma_start3A_44 : memref<10000x128xf32, #tpu.memory_space<hbm>>) target(%arg8 : memref<80x128xf32, #tpu.memory_space<vmem>>) offsets(%dma_start3A_41 : memref<80xi32, #tpu.memory_space<vmem>>) semaphore(%arg12 : memref<!tpu.dma_semaphore, #tpu.memory_space<semaphore_mem>>)
    %dma_start3A_45 = arith.constant 1 : i32
    %dma_start3A_46 = arith.constant 0 : i32
    %dma_start3A_47 = tpu.memref_slice %arg6[%dma_start3A_45, %dma_start3A_46] : memref<64x80xi32, #tpu.memory_space<vmem>> -> memref<1x80xi32, #tpu.memory_space<vmem>>
    %dma_start3A_48 = tpu.memref_squeeze %dma_start3A_47 : memref<1x80xi32, #tpu.memory_space<vmem>> -> memref<80xi32, #tpu.memory_space<vmem>>
    %dma_start3A_49 = arith.constant 0 : i32
    %dma_start3A_50 = arith.constant 0 : i32
    %dma_start3A_51 = tpu.memref_slice %arg2[%dma_start3A_49, %dma_start3A_50] : memref<10000x128xf32, #tpu.memory_space<hbm>> -> memref<10000x128xf32, #tpu.memory_space<hbm>>
    tpu.enqueue_indirect_dma source(%dma_start3A_51 : memref<10000x128xf32, #tpu.memory_space<hbm>>) target(%arg9 : memref<80x128xf32, #tpu.memory_space<vmem>>) offsets(%dma_start3A_48 : memref<80xi32, #tpu.memory_space<vmem>>) semaphore(%arg13 : memref<!tpu.dma_semaphore, #tpu.memory_space<semaphore_mem>>)
    %scan3A_52 = arith.constant 0 : i32
    %scan3A_53 = arith.constant 0 : i32
    %scan3A_54 = arith.constant 20 : i32
    %scan3A_55 = arith.addi %scan3A_53, %scan3A_54 : i32
    %scan3A_56 = arith.constant 1 : i32
    scf.for %scan3A_189 = %scan3A_53 to %scan3A_55 step %scan3A_56  : i32 {
      %mul3A_190 = arith.constant 3 : i32
      %mul3A_191 = arith.muli %mul3A_190, %scan3A_189 : i32
      %add3A_192 = arith.constant 0 : i32
      %add3A_193 = arith.addi %mul3A_191, %add3A_192 : i32
      %add3A_194 = arith.constant 2 : i32
      %add3A_195 = arith.addi %add3A_193, %add3A_194 : i32
      %dma_wait3A_196 = arith.constant 0 : i32
      %dma_wait3A_197 = tpu.memref_slice %arg6[%add3A_193, %dma_wait3A_196] : memref<64x80xi32, #tpu.memory_space<vmem>> -> memref<1x80xi32, #tpu.memory_space<vmem>>
      %dma_wait3A_198 = tpu.memref_squeeze %dma_wait3A_197 : memref<1x80xi32, #tpu.memory_space<vmem>> -> memref<80xi32, #tpu.memory_space<vmem>>
      %dma_wait3A_199 = arith.constant 0 : i32
      %dma_wait3A_200 = arith.constant 0 : i32
      %dma_wait3A_201 = tpu.memref_slice %arg2[%dma_wait3A_199, %dma_wait3A_200] : memref<10000x128xf32, #tpu.memory_space<hbm>> -> memref<10000x128xf32, #tpu.memory_space<hbm>>
      tpu.wait_indirect_dma semaphore(%arg12 : memref<!tpu.dma_semaphore, #tpu.memory_space<semaphore_mem>>) src(%dma_wait3A_201 : memref<10000x128xf32, #tpu.memory_space<hbm>>) dst(%arg8 : memref<80x128xf32, #tpu.memory_space<vmem>>)
      %dma_start3A_202 = arith.constant 0 : i32
      %dma_start3A_203 = tpu.memref_slice %arg6[%add3A_195, %dma_start3A_202] : memref<64x80xi32, #tpu.memory_space<vmem>> -> memref<1x80xi32, #tpu.memory_space<vmem>>
      %dma_start3A_204 = tpu.memref_squeeze %dma_start3A_203 : memref<1x80xi32, #tpu.memory_space<vmem>> -> memref<80xi32, #tpu.memory_space<vmem>>
      %dma_start3A_205 = arith.constant 0 : i32
      %dma_start3A_206 = arith.constant 0 : i32
      %dma_start3A_207 = tpu.memref_slice %arg2[%dma_start3A_205, %dma_start3A_206] : memref<10000x128xf32, #tpu.memory_space<hbm>> -> memref<10000x128xf32, #tpu.memory_space<hbm>>
      tpu.enqueue_indirect_dma source(%dma_start3A_207 : memref<10000x128xf32, #tpu.memory_space<hbm>>) target(%arg10 : memref<80x128xf32, #tpu.memory_space<vmem>>) offsets(%dma_start3A_204 : memref<80xi32, #tpu.memory_space<vmem>>) semaphore(%arg14 : memref<!tpu.dma_semaphore, #tpu.memory_space<semaphore_mem>>)
      "tpu.region"() ({
        %run_scoped3A_244 = tpu.sem_alloc : memref<!tpu.dma_semaphore, #tpu.memory_space<semaphore_mem>>
        %dma_start3A_245 = arith.constant 0 : i32
        %dma_start3A_246 = tpu.memref_slice %arg7[%add3A_193, %dma_start3A_245] : memref<64x80xi32, #tpu.memory_space<vmem>> -> memref<1x80xi32, #tpu.memory_space<vmem>>
        %dma_start3A_247 = tpu.memref_squeeze %dma_start3A_246 : memref<1x80xi32, #tpu.memory_space<vmem>> -> memref<80xi32, #tpu.memory_space<vmem>>
        %dma_start3A_248 = arith.constant 0 : i32
        %dma_start3A_249 = arith.constant 0 : i32
        %dma_start3A_250 = tpu.memref_slice %arg11[%dma_start3A_248, %dma_start3A_249] : memref<10240x128xf32, #tpu.memory_space<vmem_shared>> -> memref<10240x128xf32, #tpu.memory_space<vmem_shared>>
        tpu.enqueue_indirect_dma source(%arg8 : memref<80x128xf32, #tpu.memory_space<vmem>>) target(%dma_start3A_250 : memref<10240x128xf32, #tpu.memory_space<vmem_shared>>) offsets(%dma_start3A_247 : memref<80xi32, #tpu.memory_space<vmem>>) semaphore(%run_scoped3A_244 : memref<!tpu.dma_semaphore, #tpu.memory_space<semaphore_mem>>) {add = true}
        %dma_wait3A_251 = arith.constant 0 : i32
        %dma_wait3A_252 = tpu.memref_slice %arg7[%add3A_193, %dma_wait3A_251] : memref<64x80xi32, #tpu.memory_space<vmem>> -> memref<1x80xi32, #tpu.memory_space<vmem>>
        %dma_wait3A_253 = tpu.memref_squeeze %dma_wait3A_252 : memref<1x80xi32, #tpu.memory_space<vmem>> -> memref<80xi32, #tpu.memory_space<vmem>>
        %dma_wait3A_254 = arith.constant 0 : i32
        %dma_wait3A_255 = arith.constant 0 : i32
        %dma_wait3A_256 = tpu.memref_slice %arg11[%dma_wait3A_254, %dma_wait3A_255] : memref<10240x128xf32, #tpu.memory_space<vmem_shared>> -> memref<10240x128xf32, #tpu.memory_space<vmem_shared>>
        tpu.wait_indirect_dma semaphore(%run_scoped3A_244 : memref<!tpu.dma_semaphore, #tpu.memory_space<semaphore_mem>>) src(%arg8 : memref<80x128xf32, #tpu.memory_space<vmem>>) dst(%dma_wait3A_256 : memref<10240x128xf32, #tpu.memory_space<vmem_shared>>)
        tpu.yield
      }) : () -> ()
      %mul3A_208 = arith.constant 3 : i32
      %mul3A_209 = arith.muli %mul3A_208, %scan3A_189 : i32
      %add3A_210 = arith.constant 1 : i32
      %add3A_211 = arith.addi %mul3A_209, %add3A_210 : i32
      %add3A_212 = arith.constant 2 : i32
      %add3A_213 = arith.addi %add3A_211, %add3A_212 : i32
      %dma_wait3A_214 = arith.constant 0 : i32
      %dma_wait3A_215 = tpu.memref_slice %arg6[%add3A_211, %dma_wait3A_214] : memref<64x80xi32, #tpu.memory_space<vmem>> -> memref<1x80xi32, #tpu.memory_space<vmem>>
      %dma_wait3A_216 = tpu.memref_squeeze %dma_wait3A_215 : memref<1x80xi32, #tpu.memory_space<vmem>> -> memref<80xi32, #tpu.memory_space<vmem>>
      %dma_wait3A_217 = arith.constant 0 : i32
      %dma_wait3A_218 = arith.constant 0 : i32
      %dma_wait3A_219 = tpu.memref_slice %arg2[%dma_wait3A_217, %dma_wait3A_218] : memref<10000x128xf32, #tpu.memory_space<hbm>> -> memref<10000x128xf32, #tpu.memory_space<hbm>>
      tpu.wait_indirect_dma semaphore(%arg13 : memref<!tpu.dma_semaphore, #tpu.memory_space<semaphore_mem>>) src(%dma_wait3A_219 : memref<10000x128xf32, #tpu.memory_space<hbm>>) dst(%arg9 : memref<80x128xf32, #tpu.memory_space<vmem>>)
      %dma_start3A_220 = arith.constant 0 : i32
      %dma_start3A_221 = tpu.memref_slice %arg6[%add3A_213, %dma_start3A_220] : memref<64x80xi32, #tpu.memory_space<vmem>> -> memref<1x80xi32, #tpu.memory_space<vmem>>
      %dma_start3A_222 = tpu.memref_squeeze %dma_start3A_221 : memref<1x80xi32, #tpu.memory_space<vmem>> -> memref<80xi32, #tpu.memory_space<vmem>>
      %dma_start3A_223 = arith.constant 0 : i32
      %dma_start3A_224 = arith.constant 0 : i32
      %dma_start3A_225 = tpu.memref_slice %arg2[%dma_start3A_223, %dma_start3A_224] : memref<10000x128xf32, #tpu.memory_space<hbm>> -> memref<10000x128xf32, #tpu.memory_space<hbm>>
      tpu.enqueue_indirect_dma source(%dma_start3A_225 : memref<10000x128xf32, #tpu.memory_space<hbm>>) target(%arg8 : memref<80x128xf32, #tpu.memory_space<vmem>>) offsets(%dma_start3A_222 : memref<80xi32, #tpu.memory_space<vmem>>) semaphore(%arg12 : memref<!tpu.dma_semaphore, #tpu.memory_space<semaphore_mem>>)
      "tpu.region"() ({
        %run_scoped3A_244 = tpu.sem_alloc : memref<!tpu.dma_semaphore, #tpu.memory_space<semaphore_mem>>
        %dma_start3A_245 = arith.constant 0 : i32
        %dma_start3A_246 = tpu.memref_slice %arg7[%add3A_211, %dma_start3A_245] : memref<64x80xi32, #tpu.memory_space<vmem>> -> memref<1x80xi32, #tpu.memory_space<vmem>>
        %dma_start3A_247 = tpu.memref_squeeze %dma_start3A_246 : memref<1x80xi32, #tpu.memory_space<vmem>> -> memref<80xi32, #tpu.memory_space<vmem>>
        %dma_start3A_248 = arith.constant 0 : i32
        %dma_start3A_249 = arith.constant 0 : i32
        %dma_start3A_250 = tpu.memref_slice %arg11[%dma_start3A_248, %dma_start3A_249] : memref<10240x128xf32, #tpu.memory_space<vmem_shared>> -> memref<10240x128xf32, #tpu.memory_space<vmem_shared>>
        tpu.enqueue_indirect_dma source(%arg9 : memref<80x128xf32, #tpu.memory_space<vmem>>) target(%dma_start3A_250 : memref<10240x128xf32, #tpu.memory_space<vmem_shared>>) offsets(%dma_start3A_247 : memref<80xi32, #tpu.memory_space<vmem>>) semaphore(%run_scoped3A_244 : memref<!tpu.dma_semaphore, #tpu.memory_space<semaphore_mem>>) {add = true}
        %dma_wait3A_251 = arith.constant 0 : i32
        %dma_wait3A_252 = tpu.memref_slice %arg7[%add3A_211, %dma_wait3A_251] : memref<64x80xi32, #tpu.memory_space<vmem>> -> memref<1x80xi32, #tpu.memory_space<vmem>>
        %dma_wait3A_253 = tpu.memref_squeeze %dma_wait3A_252 : memref<1x80xi32, #tpu.memory_space<vmem>> -> memref<80xi32, #tpu.memory_space<vmem>>
        %dma_wait3A_254 = arith.constant 0 : i32
        %dma_wait3A_255 = arith.constant 0 : i32
        %dma_wait3A_256 = tpu.memref_slice %arg11[%dma_wait3A_254, %dma_wait3A_255] : memref<10240x128xf32, #tpu.memory_space<vmem_shared>> -> memref<10240x128xf32, #tpu.memory_space<vmem_shared>>
        tpu.wait_indirect_dma semaphore(%run_scoped3A_244 : memref<!tpu.dma_semaphore, #tpu.memory_space<semaphore_mem>>) src(%arg9 : memref<80x128xf32, #tpu.memory_space<vmem>>) dst(%dma_wait3A_256 : memref<10240x128xf32, #tpu.memory_space<vmem_shared>>)
        tpu.yield
      }) : () -> ()
      %mul3A_226 = arith.constant 3 : i32
      %mul3A_227 = arith.muli %mul3A_226, %scan3A_189 : i32
      %add3A_228 = arith.constant 2 : i32
      %add3A_229 = arith.addi %mul3A_227, %add3A_228 : i32
      %add3A_230 = arith.constant 2 : i32
      %add3A_231 = arith.addi %add3A_229, %add3A_230 : i32
      %dma_wait3A_232 = arith.constant 0 : i32
      %dma_wait3A_233 = tpu.memref_slice %arg6[%add3A_229, %dma_wait3A_232] : memref<64x80xi32, #tpu.memory_space<vmem>> -> memref<1x80xi32, #tpu.memory_space<vmem>>
      %dma_wait3A_234 = tpu.memref_squeeze %dma_wait3A_233 : memref<1x80xi32, #tpu.memory_space<vmem>> -> memref<80xi32, #tpu.memory_space<vmem>>
      %dma_wait3A_235 = arith.constant 0 : i32
      %dma_wait3A_236 = arith.constant 0 : i32
      %dma_wait3A_237 = tpu.memref_slice %arg2[%dma_wait3A_235, %dma_wait3A_236] : memref<10000x128xf32, #tpu.memory_space<hbm>> -> memref<10000x128xf32, #tpu.memory_space<hbm>>
      tpu.wait_indirect_dma semaphore(%arg14 : memref<!tpu.dma_semaphore, #tpu.memory_space<semaphore_mem>>) src(%dma_wait3A_237 : memref<10000x128xf32, #tpu.memory_space<hbm>>) dst(%arg10 : memref<80x128xf32, #tpu.memory_space<vmem>>)
      %dma_start3A_238 = arith.constant 0 : i32
      %dma_start3A_239 = tpu.memref_slice %arg6[%add3A_231, %dma_start3A_238] : memref<64x80xi32, #tpu.memory_space<vmem>> -> memref<1x80xi32, #tpu.memory_space<vmem>>
      %dma_start3A_240 = tpu.memref_squeeze %dma_start3A_239 : memref<1x80xi32, #tpu.memory_space<vmem>> -> memref<80xi32, #tpu.memory_space<vmem>>
      %dma_start3A_241 = arith.constant 0 : i32
      %dma_start3A_242 = arith.constant 0 : i32
      %dma_start3A_243 = tpu.memref_slice %arg2[%dma_start3A_241, %dma_start3A_242] : memref<10000x128xf32, #tpu.memory_space<hbm>> -> memref<10000x128xf32, #tpu.memory_space<hbm>>
      tpu.enqueue_indirect_dma source(%dma_start3A_243 : memref<10000x128xf32, #tpu.memory_space<hbm>>) target(%arg9 : memref<80x128xf32, #tpu.memory_space<vmem>>) offsets(%dma_start3A_240 : memref<80xi32, #tpu.memory_space<vmem>>) semaphore(%arg13 : memref<!tpu.dma_semaphore, #tpu.memory_space<semaphore_mem>>)
      "tpu.region"() ({
        %run_scoped3A_244 = tpu.sem_alloc : memref<!tpu.dma_semaphore, #tpu.memory_space<semaphore_mem>>
        %dma_start3A_245 = arith.constant 0 : i32
        %dma_start3A_246 = tpu.memref_slice %arg7[%add3A_229, %dma_start3A_245] : memref<64x80xi32, #tpu.memory_space<vmem>> -> memref<1x80xi32, #tpu.memory_space<vmem>>
        %dma_start3A_247 = tpu.memref_squeeze %dma_start3A_246 : memref<1x80xi32, #tpu.memory_space<vmem>> -> memref<80xi32, #tpu.memory_space<vmem>>
        %dma_start3A_248 = arith.constant 0 : i32
        %dma_start3A_249 = arith.constant 0 : i32
        %dma_start3A_250 = tpu.memref_slice %arg11[%dma_start3A_248, %dma_start3A_249] : memref<10240x128xf32, #tpu.memory_space<vmem_shared>> -> memref<10240x128xf32, #tpu.memory_space<vmem_shared>>
        tpu.enqueue_indirect_dma source(%arg10 : memref<80x128xf32, #tpu.memory_space<vmem>>) target(%dma_start3A_250 : memref<10240x128xf32, #tpu.memory_space<vmem_shared>>) offsets(%dma_start3A_247 : memref<80xi32, #tpu.memory_space<vmem>>) semaphore(%run_scoped3A_244 : memref<!tpu.dma_semaphore, #tpu.memory_space<semaphore_mem>>) {add = true}
        %dma_wait3A_251 = arith.constant 0 : i32
        %dma_wait3A_252 = tpu.memref_slice %arg7[%add3A_229, %dma_wait3A_251] : memref<64x80xi32, #tpu.memory_space<vmem>> -> memref<1x80xi32, #tpu.memory_space<vmem>>
        %dma_wait3A_253 = tpu.memref_squeeze %dma_wait3A_252 : memref<1x80xi32, #tpu.memory_space<vmem>> -> memref<80xi32, #tpu.memory_space<vmem>>
        %dma_wait3A_254 = arith.constant 0 : i32
        %dma_wait3A_255 = arith.constant 0 : i32
        %dma_wait3A_256 = tpu.memref_slice %arg11[%dma_wait3A_254, %dma_wait3A_255] : memref<10240x128xf32, #tpu.memory_space<vmem_shared>> -> memref<10240x128xf32, #tpu.memory_space<vmem_shared>>
        tpu.wait_indirect_dma semaphore(%run_scoped3A_244 : memref<!tpu.dma_semaphore, #tpu.memory_space<semaphore_mem>>) src(%arg10 : memref<80x128xf32, #tpu.memory_space<vmem>>) dst(%dma_wait3A_256 : memref<10240x128xf32, #tpu.memory_space<vmem_shared>>)
        tpu.yield
      }) : () -> ()
    }
    %scan3A_57 = arith.constant 20 : i32
    %dma_wait3A = arith.constant 60 : i32
    %dma_wait3A_58 = arith.constant 0 : i32
    %dma_wait3A_59 = tpu.memref_slice %arg6[%dma_wait3A, %dma_wait3A_58] : memref<64x80xi32, #tpu.memory_space<vmem>> -> memref<1x80xi32, #tpu.memory_space<vmem>>
    %dma_wait3A_60 = tpu.memref_squeeze %dma_wait3A_59 : memref<1x80xi32, #tpu.memory_space<vmem>> -> memref<80xi32, #tpu.memory_space<vmem>>
    %dma_wait3A_61 = arith.constant 0 : i32
    %dma_wait3A_62 = arith.constant 0 : i32
    %dma_wait3A_63 = tpu.memref_slice %arg2[%dma_wait3A_61, %dma_wait3A_62] : memref<10000x128xf32, #tpu.memory_space<hbm>> -> memref<10000x128xf32, #tpu.memory_space<hbm>>
    tpu.wait_indirect_dma semaphore(%arg12 : memref<!tpu.dma_semaphore, #tpu.memory_space<semaphore_mem>>) src(%dma_wait3A_63 : memref<10000x128xf32, #tpu.memory_space<hbm>>) dst(%arg8 : memref<80x128xf32, #tpu.memory_space<vmem>>)
    %dma_start3A_64 = arith.constant 62 : i32
    %dma_start3A_65 = arith.constant 0 : i32
    %dma_start3A_66 = tpu.memref_slice %arg6[%dma_start3A_64, %dma_start3A_65] : memref<64x80xi32, #tpu.memory_space<vmem>> -> memref<1x80xi32, #tpu.memory_space<vmem>>
    %dma_start3A_67 = tpu.memref_squeeze %dma_start3A_66 : memref<1x80xi32, #tpu.memory_space<vmem>> -> memref<80xi32, #tpu.memory_space<vmem>>
    %dma_start3A_68 = arith.constant 0 : i32
    %dma_start3A_69 = arith.constant 0 : i32
    %dma_start3A_70 = tpu.memref_slice %arg2[%dma_start3A_68, %dma_start3A_69] : memref<10000x128xf32, #tpu.memory_space<hbm>> -> memref<10000x128xf32, #tpu.memory_space<hbm>>
    tpu.enqueue_indirect_dma source(%dma_start3A_70 : memref<10000x128xf32, #tpu.memory_space<hbm>>) target(%arg10 : memref<80x128xf32, #tpu.memory_space<vmem>>) offsets(%dma_start3A_67 : memref<80xi32, #tpu.memory_space<vmem>>) semaphore(%arg14 : memref<!tpu.dma_semaphore, #tpu.memory_space<semaphore_mem>>)
    %run_scoped3A = arith.constant 60 : i32
    "tpu.region"() ({
      %run_scoped3A_189 = tpu.sem_alloc : memref<!tpu.dma_semaphore, #tpu.memory_space<semaphore_mem>>
      %dma_start3A_190 = arith.constant 0 : i32
      %dma_start3A_191 = tpu.memref_slice %arg7[%run_scoped3A, %dma_start3A_190] : memref<64x80xi32, #tpu.memory_space<vmem>> -> memref<1x80xi32, #tpu.memory_space<vmem>>
      %dma_start3A_192 = tpu.memref_squeeze %dma_start3A_191 : memref<1x80xi32, #tpu.memory_space<vmem>> -> memref<80xi32, #tpu.memory_space<vmem>>
      %dma_start3A_193 = arith.constant 0 : i32
      %dma_start3A_194 = arith.constant 0 : i32
      %dma_start3A_195 = tpu.memref_slice %arg11[%dma_start3A_193, %dma_start3A_194] : memref<10240x128xf32, #tpu.memory_space<vmem_shared>> -> memref<10240x128xf32, #tpu.memory_space<vmem_shared>>
      tpu.enqueue_indirect_dma source(%arg8 : memref<80x128xf32, #tpu.memory_space<vmem>>) target(%dma_start3A_195 : memref<10240x128xf32, #tpu.memory_space<vmem_shared>>) offsets(%dma_start3A_192 : memref<80xi32, #tpu.memory_space<vmem>>) semaphore(%run_scoped3A_189 : memref<!tpu.dma_semaphore, #tpu.memory_space<semaphore_mem>>) {add = true}
      %dma_wait3A_196 = arith.constant 0 : i32
      %dma_wait3A_197 = tpu.memref_slice %arg7[%run_scoped3A, %dma_wait3A_196] : memref<64x80xi32, #tpu.memory_space<vmem>> -> memref<1x80xi32, #tpu.memory_space<vmem>>
      %dma_wait3A_198 = tpu.memref_squeeze %dma_wait3A_197 : memref<1x80xi32, #tpu.memory_space<vmem>> -> memref<80xi32, #tpu.memory_space<vmem>>
      %dma_wait3A_199 = arith.constant 0 : i32
      %dma_wait3A_200 = arith.constant 0 : i32
      %dma_wait3A_201 = tpu.memref_slice %arg11[%dma_wait3A_199, %dma_wait3A_200] : memref<10240x128xf32, #tpu.memory_space<vmem_shared>> -> memref<10240x128xf32, #tpu.memory_space<vmem_shared>>
      tpu.wait_indirect_dma semaphore(%run_scoped3A_189 : memref<!tpu.dma_semaphore, #tpu.memory_space<semaphore_mem>>) src(%arg8 : memref<80x128xf32, #tpu.memory_space<vmem>>) dst(%dma_wait3A_201 : memref<10240x128xf32, #tpu.memory_space<vmem_shared>>)
      tpu.yield
    }) : () -> ()
    %dma_wait3A_71 = arith.constant 61 : i32
    %dma_wait3A_72 = arith.constant 0 : i32
    %dma_wait3A_73 = tpu.memref_slice %arg6[%dma_wait3A_71, %dma_wait3A_72] : memref<64x80xi32, #tpu.memory_space<vmem>> -> memref<1x80xi32, #tpu.memory_space<vmem>>
    %dma_wait3A_74 = tpu.memref_squeeze %dma_wait3A_73 : memref<1x80xi32, #tpu.memory_space<vmem>> -> memref<80xi32, #tpu.memory_space<vmem>>
    %dma_wait3A_75 = arith.constant 0 : i32
    %dma_wait3A_76 = arith.constant 0 : i32
    %dma_wait3A_77 = tpu.memref_slice %arg2[%dma_wait3A_75, %dma_wait3A_76] : memref<10000x128xf32, #tpu.memory_space<hbm>> -> memref<10000x128xf32, #tpu.memory_space<hbm>>
    tpu.wait_indirect_dma semaphore(%arg13 : memref<!tpu.dma_semaphore, #tpu.memory_space<semaphore_mem>>) src(%dma_wait3A_77 : memref<10000x128xf32, #tpu.memory_space<hbm>>) dst(%arg9 : memref<80x128xf32, #tpu.memory_space<vmem>>)
    %dma_start3A_78 = arith.constant 63 : i32
    %dma_start3A_79 = arith.constant 0 : i32
    %dma_start3A_80 = tpu.memref_slice %arg6[%dma_start3A_78, %dma_start3A_79] : memref<64x80xi32, #tpu.memory_space<vmem>> -> memref<1x80xi32, #tpu.memory_space<vmem>>
    %dma_start3A_81 = tpu.memref_squeeze %dma_start3A_80 : memref<1x80xi32, #tpu.memory_space<vmem>> -> memref<80xi32, #tpu.memory_space<vmem>>
    %dma_start3A_82 = arith.constant 0 : i32
    %dma_start3A_83 = arith.constant 0 : i32
    %dma_start3A_84 = tpu.memref_slice %arg2[%dma_start3A_82, %dma_start3A_83] : memref<10000x128xf32, #tpu.memory_space<hbm>> -> memref<10000x128xf32, #tpu.memory_space<hbm>>
    tpu.enqueue_indirect_dma source(%dma_start3A_84 : memref<10000x128xf32, #tpu.memory_space<hbm>>) target(%arg8 : memref<80x128xf32, #tpu.memory_space<vmem>>) offsets(%dma_start3A_81 : memref<80xi32, #tpu.memory_space<vmem>>) semaphore(%arg12 : memref<!tpu.dma_semaphore, #tpu.memory_space<semaphore_mem>>)
    %run_scoped3A_85 = arith.constant 61 : i32
    "tpu.region"() ({
      %run_scoped3A_189 = tpu.sem_alloc : memref<!tpu.dma_semaphore, #tpu.memory_space<semaphore_mem>>
      %dma_start3A_190 = arith.constant 0 : i32
      %dma_start3A_191 = tpu.memref_slice %arg7[%run_scoped3A_85, %dma_start3A_190] : memref<64x80xi32, #tpu.memory_space<vmem>> -> memref<1x80xi32, #tpu.memory_space<vmem>>
      %dma_start3A_192 = tpu.memref_squeeze %dma_start3A_191 : memref<1x80xi32, #tpu.memory_space<vmem>> -> memref<80xi32, #tpu.memory_space<vmem>>
      %dma_start3A_193 = arith.constant 0 : i32
      %dma_start3A_194 = arith.constant 0 : i32
      %dma_start3A_195 = tpu.memref_slice %arg11[%dma_start3A_193, %dma_start3A_194] : memref<10240x128xf32, #tpu.memory_space<vmem_shared>> -> memref<10240x128xf32, #tpu.memory_space<vmem_shared>>
      tpu.enqueue_indirect_dma source(%arg9 : memref<80x128xf32, #tpu.memory_space<vmem>>) target(%dma_start3A_195 : memref<10240x128xf32, #tpu.memory_space<vmem_shared>>) offsets(%dma_start3A_192 : memref<80xi32, #tpu.memory_space<vmem>>) semaphore(%run_scoped3A_189 : memref<!tpu.dma_semaphore, #tpu.memory_space<semaphore_mem>>) {add = true}
      %dma_wait3A_196 = arith.constant 0 : i32
      %dma_wait3A_197 = tpu.memref_slice %arg7[%run_scoped3A_85, %dma_wait3A_196] : memref<64x80xi32, #tpu.memory_space<vmem>> -> memref<1x80xi32, #tpu.memory_space<vmem>>
      %dma_wait3A_198 = tpu.memref_squeeze %dma_wait3A_197 : memref<1x80xi32, #tpu.memory_space<vmem>> -> memref<80xi32, #tpu.memory_space<vmem>>
      %dma_wait3A_199 = arith.constant 0 : i32
      %dma_wait3A_200 = arith.constant 0 : i32
      %dma_wait3A_201 = tpu.memref_slice %arg11[%dma_wait3A_199, %dma_wait3A_200] : memref<10240x128xf32, #tpu.memory_space<vmem_shared>> -> memref<10240x128xf32, #tpu.memory_space<vmem_shared>>
      tpu.wait_indirect_dma semaphore(%run_scoped3A_189 : memref<!tpu.dma_semaphore, #tpu.memory_space<semaphore_mem>>) src(%arg9 : memref<80x128xf32, #tpu.memory_space<vmem>>) dst(%dma_wait3A_201 : memref<10240x128xf32, #tpu.memory_space<vmem_shared>>)
      tpu.yield
    }) : () -> ()
    %dma_wait3A_86 = arith.constant 62 : i32
    %dma_wait3A_87 = arith.constant 0 : i32
    %dma_wait3A_88 = tpu.memref_slice %arg6[%dma_wait3A_86, %dma_wait3A_87] : memref<64x80xi32, #tpu.memory_space<vmem>> -> memref<1x80xi32, #tpu.memory_space<vmem>>
    %dma_wait3A_89 = tpu.memref_squeeze %dma_wait3A_88 : memref<1x80xi32, #tpu.memory_space<vmem>> -> memref<80xi32, #tpu.memory_space<vmem>>
    %dma_wait3A_90 = arith.constant 0 : i32
    %dma_wait3A_91 = arith.constant 0 : i32
    %dma_wait3A_92 = tpu.memref_slice %arg2[%dma_wait3A_90, %dma_wait3A_91] : memref<10000x128xf32, #tpu.memory_space<hbm>> -> memref<10000x128xf32, #tpu.memory_space<hbm>>
    tpu.wait_indirect_dma semaphore(%arg14 : memref<!tpu.dma_semaphore, #tpu.memory_space<semaphore_mem>>) src(%dma_wait3A_92 : memref<10000x128xf32, #tpu.memory_space<hbm>>) dst(%arg10 : memref<80x128xf32, #tpu.memory_space<vmem>>)
    %run_scoped3A_93 = arith.constant 62 : i32
    "tpu.region"() ({
      %run_scoped3A_189 = tpu.sem_alloc : memref<!tpu.dma_semaphore, #tpu.memory_space<semaphore_mem>>
      %dma_start3A_190 = arith.constant 0 : i32
      %dma_start3A_191 = tpu.memref_slice %arg7[%run_scoped3A_93, %dma_start3A_190] : memref<64x80xi32, #tpu.memory_space<vmem>> -> memref<1x80xi32, #tpu.memory_space<vmem>>
      %dma_start3A_192 = tpu.memref_squeeze %dma_start3A_191 : memref<1x80xi32, #tpu.memory_space<vmem>> -> memref<80xi32, #tpu.memory_space<vmem>>
      %dma_start3A_193 = arith.constant 0 : i32
      %dma_start3A_194 = arith.constant 0 : i32
      %dma_start3A_195 = tpu.memref_slice %arg11[%dma_start3A_193, %dma_start3A_194] : memref<10240x128xf32, #tpu.memory_space<vmem_shared>> -> memref<10240x128xf32, #tpu.memory_space<vmem_shared>>
      tpu.enqueue_indirect_dma source(%arg10 : memref<80x128xf32, #tpu.memory_space<vmem>>) target(%dma_start3A_195 : memref<10240x128xf32, #tpu.memory_space<vmem_shared>>) offsets(%dma_start3A_192 : memref<80xi32, #tpu.memory_space<vmem>>) semaphore(%run_scoped3A_189 : memref<!tpu.dma_semaphore, #tpu.memory_space<semaphore_mem>>) {add = true}
      %dma_wait3A_196 = arith.constant 0 : i32
      %dma_wait3A_197 = tpu.memref_slice %arg7[%run_scoped3A_93, %dma_wait3A_196] : memref<64x80xi32, #tpu.memory_space<vmem>> -> memref<1x80xi32, #tpu.memory_space<vmem>>
      %dma_wait3A_198 = tpu.memref_squeeze %dma_wait3A_197 : memref<1x80xi32, #tpu.memory_space<vmem>> -> memref<80xi32, #tpu.memory_space<vmem>>
      %dma_wait3A_199 = arith.constant 0 : i32
      %dma_wait3A_200 = arith.constant 0 : i32
      %dma_wait3A_201 = tpu.memref_slice %arg11[%dma_wait3A_199, %dma_wait3A_200] : memref<10240x128xf32, #tpu.memory_space<vmem_shared>> -> memref<10240x128xf32, #tpu.memory_space<vmem_shared>>
      tpu.wait_indirect_dma semaphore(%run_scoped3A_189 : memref<!tpu.dma_semaphore, #tpu.memory_space<semaphore_mem>>) src(%arg10 : memref<80x128xf32, #tpu.memory_space<vmem>>) dst(%dma_wait3A_201 : memref<10240x128xf32, #tpu.memory_space<vmem_shared>>)
      tpu.yield
    }) : () -> ()
    %dma_wait3A_94 = arith.constant 63 : i32
    %dma_wait3A_95 = arith.constant 0 : i32
    %dma_wait3A_96 = tpu.memref_slice %arg6[%dma_wait3A_94, %dma_wait3A_95] : memref<64x80xi32, #tpu.memory_space<vmem>> -> memref<1x80xi32, #tpu.memory_space<vmem>>
    %dma_wait3A_97 = tpu.memref_squeeze %dma_wait3A_96 : memref<1x80xi32, #tpu.memory_space<vmem>> -> memref<80xi32, #tpu.memory_space<vmem>>
    %dma_wait3A_98 = arith.constant 0 : i32
    %dma_wait3A_99 = arith.constant 0 : i32
    %dma_wait3A_100 = tpu.memref_slice %arg2[%dma_wait3A_98, %dma_wait3A_99] : memref<10000x128xf32, #tpu.memory_space<hbm>> -> memref<10000x128xf32, #tpu.memory_space<hbm>>
    tpu.wait_indirect_dma semaphore(%arg12 : memref<!tpu.dma_semaphore, #tpu.memory_space<semaphore_mem>>) src(%dma_wait3A_100 : memref<10000x128xf32, #tpu.memory_space<hbm>>) dst(%arg8 : memref<80x128xf32, #tpu.memory_space<vmem>>)
    %run_scoped3A_101 = arith.constant 63 : i32
    "tpu.region"() ({
      %run_scoped3A_189 = tpu.sem_alloc : memref<!tpu.dma_semaphore, #tpu.memory_space<semaphore_mem>>
      %dma_start3A_190 = arith.constant 0 : i32
      %dma_start3A_191 = tpu.memref_slice %arg7[%run_scoped3A_101, %dma_start3A_190] : memref<64x80xi32, #tpu.memory_space<vmem>> -> memref<1x80xi32, #tpu.memory_space<vmem>>
      %dma_start3A_192 = tpu.memref_squeeze %dma_start3A_191 : memref<1x80xi32, #tpu.memory_space<vmem>> -> memref<80xi32, #tpu.memory_space<vmem>>
      %dma_start3A_193 = arith.constant 0 : i32
      %dma_start3A_194 = arith.constant 0 : i32
      %dma_start3A_195 = tpu.memref_slice %arg11[%dma_start3A_193, %dma_start3A_194] : memref<10240x128xf32, #tpu.memory_space<vmem_shared>> -> memref<10240x128xf32, #tpu.memory_space<vmem_shared>>
      tpu.enqueue_indirect_dma source(%arg8 : memref<80x128xf32, #tpu.memory_space<vmem>>) target(%dma_start3A_195 : memref<10240x128xf32, #tpu.memory_space<vmem_shared>>) offsets(%dma_start3A_192 : memref<80xi32, #tpu.memory_space<vmem>>) semaphore(%run_scoped3A_189 : memref<!tpu.dma_semaphore, #tpu.memory_space<semaphore_mem>>) {add = true}
      %dma_wait3A_196 = arith.constant 0 : i32
      %dma_wait3A_197 = tpu.memref_slice %arg7[%run_scoped3A_101, %dma_wait3A_196] : memref<64x80xi32, #tpu.memory_space<vmem>> -> memref<1x80xi32, #tpu.memory_space<vmem>>
      %dma_wait3A_198 = tpu.memref_squeeze %dma_wait3A_197 : memref<1x80xi32, #tpu.memory_space<vmem>> -> memref<80xi32, #tpu.memory_space<vmem>>
      %dma_wait3A_199 = arith.constant 0 : i32
      %dma_wait3A_200 = arith.constant 0 : i32
      %dma_wait3A_201 = tpu.memref_slice %arg11[%dma_wait3A_199, %dma_wait3A_200] : memref<10240x128xf32, #tpu.memory_space<vmem_shared>> -> memref<10240x128xf32, #tpu.memory_space<vmem_shared>>
      tpu.wait_indirect_dma semaphore(%run_scoped3A_189 : memref<!tpu.dma_semaphore, #tpu.memory_space<semaphore_mem>>) src(%arg8 : memref<80x128xf32, #tpu.memory_space<vmem>>) dst(%dma_wait3A_201 : memref<10240x128xf32, #tpu.memory_space<vmem_shared>>)
      tpu.yield
    }) : () -> ()
    "tpu.region"() ({
      %run_scoped3A_189 = tpu.sem_alloc : memref<!tpu.dma_semaphore, #tpu.memory_space<semaphore_mem>>
      %dma_start3A_190 = arith.constant 0 : i32
      %dma_start3A_191 = arith.constant 0 : i32
      %dma_start3A_192 = tpu.memref_slice %arg6[%dma_start3A_190, %dma_start3A_191] : memref<64x80xi32, #tpu.memory_space<vmem>> -> memref<61x80xi32, #tpu.memory_space<vmem>>
      %dma_start3A_193 = arith.constant 64 : i32
      %dma_start3A_194 = arith.constant 0 : i32
      %dma_start3A_195 = tpu.memref_slice %arg3[%add3A, %dma_start3A_193, %dma_start3A_194] : memref<32x125x80xi32, #tpu.memory_space<hbm>> -> memref<1x61x80xi32, #tpu.memory_space<hbm>>
      %dma_start3A_196 = tpu.memref_squeeze %dma_start3A_195 : memref<1x61x80xi32, #tpu.memory_space<hbm>> -> memref<61x80xi32, #tpu.memory_space<hbm>>
      %dma_start3A_197 = arith.constant 0 : i32
      %dma_start3A_198 = arith.constant 0 : i32
      %dma_start3A_199 = tpu.memref_slice %arg6[%dma_start3A_197, %dma_start3A_198] : memref<64x80xi32, #tpu.memory_space<vmem>> -> memref<61x80xi32, #tpu.memory_space<vmem>>
      %dma_start3A_200 = arith.constant 64 : i32
      %dma_start3A_201 = arith.constant 0 : i32
      %dma_start3A_202 = tpu.memref_slice %arg3[%add3A, %dma_start3A_200, %dma_start3A_201] : memref<32x125x80xi32, #tpu.memory_space<hbm>> -> memref<1x61x80xi32, #tpu.memory_space<hbm>>
      %dma_start3A_203 = tpu.memref_squeeze %dma_start3A_202 : memref<1x61x80xi32, #tpu.memory_space<hbm>> -> memref<61x80xi32, #tpu.memory_space<hbm>>
      tpu.enqueue_dma source(%dma_start3A_203 : memref<61x80xi32, #tpu.memory_space<hbm>>) target(%dma_start3A_199 : memref<61x80xi32, #tpu.memory_space<vmem>>) target_semaphore(%run_scoped3A_189 : memref<!tpu.dma_semaphore, #tpu.memory_space<semaphore_mem>>)
      %dma_wait3A_204 = arith.constant 0 : i32
      %dma_wait3A_205 = arith.constant 0 : i32
      %dma_wait3A_206 = tpu.memref_slice %arg6[%dma_wait3A_204, %dma_wait3A_205] : memref<64x80xi32, #tpu.memory_space<vmem>> -> memref<61x80xi32, #tpu.memory_space<vmem>>
      %dma_wait3A_207 = arith.constant 64 : i32
      %dma_wait3A_208 = arith.constant 0 : i32
      %dma_wait3A_209 = tpu.memref_slice %arg3[%add3A, %dma_wait3A_207, %dma_wait3A_208] : memref<32x125x80xi32, #tpu.memory_space<hbm>> -> memref<1x61x80xi32, #tpu.memory_space<hbm>>
      %dma_wait3A_210 = tpu.memref_squeeze %dma_wait3A_209 : memref<1x61x80xi32, #tpu.memory_space<hbm>> -> memref<61x80xi32, #tpu.memory_space<hbm>>
      %dma_wait3A_211 = arith.constant 0 : i32
      %dma_wait3A_212 = arith.constant 0 : i32
      %dma_wait3A_213 = tpu.memref_slice %arg6[%dma_wait3A_211, %dma_wait3A_212] : memref<64x80xi32, #tpu.memory_space<vmem>> -> memref<61x80xi32, #tpu.memory_space<vmem>>
      %dma_wait3A_214 = arith.constant 64 : i32
      %dma_wait3A_215 = arith.constant 0 : i32
      %dma_wait3A_216 = tpu.memref_slice %arg3[%add3A, %dma_wait3A_214, %dma_wait3A_215] : memref<32x125x80xi32, #tpu.memory_space<hbm>> -> memref<1x61x80xi32, #tpu.memory_space<hbm>>
      %dma_wait3A_217 = tpu.memref_squeeze %dma_wait3A_216 : memref<1x61x80xi32, #tpu.memory_space<hbm>> -> memref<61x80xi32, #tpu.memory_space<hbm>>
      tpu.wait_dma2 semaphore(%run_scoped3A_189 : memref<!tpu.dma_semaphore, #tpu.memory_space<semaphore_mem>>) src(%dma_wait3A_217 : memref<61x80xi32, #tpu.memory_space<hbm>>) dst(%dma_wait3A_213 : memref<61x80xi32, #tpu.memory_space<vmem>>)
      tpu.yield
    }) : () -> ()
    "tpu.region"() ({
      %run_scoped3A_189 = tpu.sem_alloc : memref<!tpu.dma_semaphore, #tpu.memory_space<semaphore_mem>>
      %dma_start3A_190 = arith.constant 0 : i32
      %dma_start3A_191 = arith.constant 0 : i32
      %dma_start3A_192 = tpu.memref_slice %arg7[%dma_start3A_190, %dma_start3A_191] : memref<64x80xi32, #tpu.memory_space<vmem>> -> memref<61x80xi32, #tpu.memory_space<vmem>>
      %dma_start3A_193 = arith.constant 64 : i32
      %dma_start3A_194 = arith.constant 0 : i32
      %dma_start3A_195 = tpu.memref_slice %arg4[%add3A, %dma_start3A_193, %dma_start3A_194] : memref<32x125x80xi32, #tpu.memory_space<hbm>> -> memref<1x61x80xi32, #tpu.memory_space<hbm>>
      %dma_start3A_196 = tpu.memref_squeeze %dma_start3A_195 : memref<1x61x80xi32, #tpu.memory_space<hbm>> -> memref<61x80xi32, #tpu.memory_space<hbm>>
      %dma_start3A_197 = arith.constant 0 : i32
      %dma_start3A_198 = arith.constant 0 : i32
      %dma_start3A_199 = tpu.memref_slice %arg7[%dma_start3A_197, %dma_start3A_198] : memref<64x80xi32, #tpu.memory_space<vmem>> -> memref<61x80xi32, #tpu.memory_space<vmem>>
      %dma_start3A_200 = arith.constant 64 : i32
      %dma_start3A_201 = arith.constant 0 : i32
      %dma_start3A_202 = tpu.memref_slice %arg4[%add3A, %dma_start3A_200, %dma_start3A_201] : memref<32x125x80xi32, #tpu.memory_space<hbm>> -> memref<1x61x80xi32, #tpu.memory_space<hbm>>
      %dma_start3A_203 = tpu.memref_squeeze %dma_start3A_202 : memref<1x61x80xi32, #tpu.memory_space<hbm>> -> memref<61x80xi32, #tpu.memory_space<hbm>>
      tpu.enqueue_dma source(%dma_start3A_203 : memref<61x80xi32, #tpu.memory_space<hbm>>) target(%dma_start3A_199 : memref<61x80xi32, #tpu.memory_space<vmem>>) target_semaphore(%run_scoped3A_189 : memref<!tpu.dma_semaphore, #tpu.memory_space<semaphore_mem>>)
      %dma_wait3A_204 = arith.constant 0 : i32
      %dma_wait3A_205 = arith.constant 0 : i32
      %dma_wait3A_206 = tpu.memref_slice %arg7[%dma_wait3A_204, %dma_wait3A_205] : memref<64x80xi32, #tpu.memory_space<vmem>> -> memref<61x80xi32, #tpu.memory_space<vmem>>
      %dma_wait3A_207 = arith.constant 64 : i32
      %dma_wait3A_208 = arith.constant 0 : i32
      %dma_wait3A_209 = tpu.memref_slice %arg4[%add3A, %dma_wait3A_207, %dma_wait3A_208] : memref<32x125x80xi32, #tpu.memory_space<hbm>> -> memref<1x61x80xi32, #tpu.memory_space<hbm>>
      %dma_wait3A_210 = tpu.memref_squeeze %dma_wait3A_209 : memref<1x61x80xi32, #tpu.memory_space<hbm>> -> memref<61x80xi32, #tpu.memory_space<hbm>>
      %dma_wait3A_211 = arith.constant 0 : i32
      %dma_wait3A_212 = arith.constant 0 : i32
      %dma_wait3A_213 = tpu.memref_slice %arg7[%dma_wait3A_211, %dma_wait3A_212] : memref<64x80xi32, #tpu.memory_space<vmem>> -> memref<61x80xi32, #tpu.memory_space<vmem>>
      %dma_wait3A_214 = arith.constant 64 : i32
      %dma_wait3A_215 = arith.constant 0 : i32
      %dma_wait3A_216 = tpu.memref_slice %arg4[%add3A, %dma_wait3A_214, %dma_wait3A_215] : memref<32x125x80xi32, #tpu.memory_space<hbm>> -> memref<1x61x80xi32, #tpu.memory_space<hbm>>
      %dma_wait3A_217 = tpu.memref_squeeze %dma_wait3A_216 : memref<1x61x80xi32, #tpu.memory_space<hbm>> -> memref<61x80xi32, #tpu.memory_space<hbm>>
      tpu.wait_dma2 semaphore(%run_scoped3A_189 : memref<!tpu.dma_semaphore, #tpu.memory_space<semaphore_mem>>) src(%dma_wait3A_217 : memref<61x80xi32, #tpu.memory_space<hbm>>) dst(%dma_wait3A_213 : memref<61x80xi32, #tpu.memory_space<vmem>>)
      tpu.yield
    }) : () -> ()
    %dma_start3A_102 = arith.constant 0 : i32
    %dma_start3A_103 = arith.constant 0 : i32
    %dma_start3A_104 = tpu.memref_slice %arg6[%dma_start3A_102, %dma_start3A_103] : memref<64x80xi32, #tpu.memory_space<vmem>> -> memref<1x80xi32, #tpu.memory_space<vmem>>
    %dma_start3A_105 = tpu.memref_squeeze %dma_start3A_104 : memref<1x80xi32, #tpu.memory_space<vmem>> -> memref<80xi32, #tpu.memory_space<vmem>>
    %dma_start3A_106 = arith.constant 0 : i32
    %dma_start3A_107 = arith.constant 0 : i32
    %dma_start3A_108 = tpu.memref_slice %arg2[%dma_start3A_106, %dma_start3A_107] : memref<10000x128xf32, #tpu.memory_space<hbm>> -> memref<10000x128xf32, #tpu.memory_space<hbm>>
    tpu.enqueue_indirect_dma source(%dma_start3A_108 : memref<10000x128xf32, #tpu.memory_space<hbm>>) target(%arg8 : memref<80x128xf32, #tpu.memory_space<vmem>>) offsets(%dma_start3A_105 : memref<80xi32, #tpu.memory_space<vmem>>) semaphore(%arg12 : memref<!tpu.dma_semaphore, #tpu.memory_space<semaphore_mem>>)
    %dma_start3A_109 = arith.constant 1 : i32
    %dma_start3A_110 = arith.constant 0 : i32
    %dma_start3A_111 = tpu.memref_slice %arg6[%dma_start3A_109, %dma_start3A_110] : memref<64x80xi32, #tpu.memory_space<vmem>> -> memref<1x80xi32, #tpu.memory_space<vmem>>
    %dma_start3A_112 = tpu.memref_squeeze %dma_start3A_111 : memref<1x80xi32, #tpu.memory_space<vmem>> -> memref<80xi32, #tpu.memory_space<vmem>>
    %dma_start3A_113 = arith.constant 0 : i32
    %dma_start3A_114 = arith.constant 0 : i32
    %dma_start3A_115 = tpu.memref_slice %arg2[%dma_start3A_113, %dma_start3A_114] : memref<10000x128xf32, #tpu.memory_space<hbm>> -> memref<10000x128xf32, #tpu.memory_space<hbm>>
    tpu.enqueue_indirect_dma source(%dma_start3A_115 : memref<10000x128xf32, #tpu.memory_space<hbm>>) target(%arg9 : memref<80x128xf32, #tpu.memory_space<vmem>>) offsets(%dma_start3A_112 : memref<80xi32, #tpu.memory_space<vmem>>) semaphore(%arg13 : memref<!tpu.dma_semaphore, #tpu.memory_space<semaphore_mem>>)
    %scan3A_116 = arith.constant 0 : i32
    %scan3A_117 = arith.constant 0 : i32
    %scan3A_118 = arith.constant 19 : i32
    %scan3A_119 = arith.addi %scan3A_117, %scan3A_118 : i32
    %scan3A_120 = arith.constant 1 : i32
    scf.for %scan3A_189 = %scan3A_117 to %scan3A_119 step %scan3A_120  : i32 {
      %mul3A_190 = arith.constant 3 : i32
      %mul3A_191 = arith.muli %mul3A_190, %scan3A_189 : i32
      %add3A_192 = arith.constant 0 : i32
      %add3A_193 = arith.addi %mul3A_191, %add3A_192 : i32
      %add3A_194 = arith.constant 2 : i32
      %add3A_195 = arith.addi %add3A_193, %add3A_194 : i32
      %dma_wait3A_196 = arith.constant 0 : i32
      %dma_wait3A_197 = tpu.memref_slice %arg6[%add3A_193, %dma_wait3A_196] : memref<64x80xi32, #tpu.memory_space<vmem>> -> memref<1x80xi32, #tpu.memory_space<vmem>>
      %dma_wait3A_198 = tpu.memref_squeeze %dma_wait3A_197 : memref<1x80xi32, #tpu.memory_space<vmem>> -> memref<80xi32, #tpu.memory_space<vmem>>
      %dma_wait3A_199 = arith.constant 0 : i32
      %dma_wait3A_200 = arith.constant 0 : i32
      %dma_wait3A_201 = tpu.memref_slice %arg2[%dma_wait3A_199, %dma_wait3A_200] : memref<10000x128xf32, #tpu.memory_space<hbm>> -> memref<10000x128xf32, #tpu.memory_space<hbm>>
      tpu.wait_indirect_dma semaphore(%arg12 : memref<!tpu.dma_semaphore, #tpu.memory_space<semaphore_mem>>) src(%dma_wait3A_201 : memref<10000x128xf32, #tpu.memory_space<hbm>>) dst(%arg8 : memref<80x128xf32, #tpu.memory_space<vmem>>)
      %dma_start3A_202 = arith.constant 0 : i32
      %dma_start3A_203 = tpu.memref_slice %arg6[%add3A_195, %dma_start3A_202] : memref<64x80xi32, #tpu.memory_space<vmem>> -> memref<1x80xi32, #tpu.memory_space<vmem>>
      %dma_start3A_204 = tpu.memref_squeeze %dma_start3A_203 : memref<1x80xi32, #tpu.memory_space<vmem>> -> memref<80xi32, #tpu.memory_space<vmem>>
      %dma_start3A_205 = arith.constant 0 : i32
      %dma_start3A_206 = arith.constant 0 : i32
      %dma_start3A_207 = tpu.memref_slice %arg2[%dma_start3A_205, %dma_start3A_206] : memref<10000x128xf32, #tpu.memory_space<hbm>> -> memref<10000x128xf32, #tpu.memory_space<hbm>>
      tpu.enqueue_indirect_dma source(%dma_start3A_207 : memref<10000x128xf32, #tpu.memory_space<hbm>>) target(%arg10 : memref<80x128xf32, #tpu.memory_space<vmem>>) offsets(%dma_start3A_204 : memref<80xi32, #tpu.memory_space<vmem>>) semaphore(%arg14 : memref<!tpu.dma_semaphore, #tpu.memory_space<semaphore_mem>>)
      "tpu.region"() ({
        %run_scoped3A_244 = tpu.sem_alloc : memref<!tpu.dma_semaphore, #tpu.memory_space<semaphore_mem>>
        %dma_start3A_245 = arith.constant 0 : i32
        %dma_start3A_246 = tpu.memref_slice %arg7[%add3A_193, %dma_start3A_245] : memref<64x80xi32, #tpu.memory_space<vmem>> -> memref<1x80xi32, #tpu.memory_space<vmem>>
        %dma_start3A_247 = tpu.memref_squeeze %dma_start3A_246 : memref<1x80xi32, #tpu.memory_space<vmem>> -> memref<80xi32, #tpu.memory_space<vmem>>
        %dma_start3A_248 = arith.constant 0 : i32
        %dma_start3A_249 = arith.constant 0 : i32
        %dma_start3A_250 = tpu.memref_slice %arg11[%dma_start3A_248, %dma_start3A_249] : memref<10240x128xf32, #tpu.memory_space<vmem_shared>> -> memref<10240x128xf32, #tpu.memory_space<vmem_shared>>
        tpu.enqueue_indirect_dma source(%arg8 : memref<80x128xf32, #tpu.memory_space<vmem>>) target(%dma_start3A_250 : memref<10240x128xf32, #tpu.memory_space<vmem_shared>>) offsets(%dma_start3A_247 : memref<80xi32, #tpu.memory_space<vmem>>) semaphore(%run_scoped3A_244 : memref<!tpu.dma_semaphore, #tpu.memory_space<semaphore_mem>>) {add = true}
        %dma_wait3A_251 = arith.constant 0 : i32
        %dma_wait3A_252 = tpu.memref_slice %arg7[%add3A_193, %dma_wait3A_251] : memref<64x80xi32, #tpu.memory_space<vmem>> -> memref<1x80xi32, #tpu.memory_space<vmem>>
        %dma_wait3A_253 = tpu.memref_squeeze %dma_wait3A_252 : memref<1x80xi32, #tpu.memory_space<vmem>> -> memref<80xi32, #tpu.memory_space<vmem>>
        %dma_wait3A_254 = arith.constant 0 : i32
        %dma_wait3A_255 = arith.constant 0 : i32
        %dma_wait3A_256 = tpu.memref_slice %arg11[%dma_wait3A_254, %dma_wait3A_255] : memref<10240x128xf32, #tpu.memory_space<vmem_shared>> -> memref<10240x128xf32, #tpu.memory_space<vmem_shared>>
        tpu.wait_indirect_dma semaphore(%run_scoped3A_244 : memref<!tpu.dma_semaphore, #tpu.memory_space<semaphore_mem>>) src(%arg8 : memref<80x128xf32, #tpu.memory_space<vmem>>) dst(%dma_wait3A_256 : memref<10240x128xf32, #tpu.memory_space<vmem_shared>>)
        tpu.yield
      }) : () -> ()
      %mul3A_208 = arith.constant 3 : i32
      %mul3A_209 = arith.muli %mul3A_208, %scan3A_189 : i32
      %add3A_210 = arith.constant 1 : i32
      %add3A_211 = arith.addi %mul3A_209, %add3A_210 : i32
      %add3A_212 = arith.constant 2 : i32
      %add3A_213 = arith.addi %add3A_211, %add3A_212 : i32
      %dma_wait3A_214 = arith.constant 0 : i32
      %dma_wait3A_215 = tpu.memref_slice %arg6[%add3A_211, %dma_wait3A_214] : memref<64x80xi32, #tpu.memory_space<vmem>> -> memref<1x80xi32, #tpu.memory_space<vmem>>
      %dma_wait3A_216 = tpu.memref_squeeze %dma_wait3A_215 : memref<1x80xi32, #tpu.memory_space<vmem>> -> memref<80xi32, #tpu.memory_space<vmem>>
      %dma_wait3A_217 = arith.constant 0 : i32
      %dma_wait3A_218 = arith.constant 0 : i32
      %dma_wait3A_219 = tpu.memref_slice %arg2[%dma_wait3A_217, %dma_wait3A_218] : memref<10000x128xf32, #tpu.memory_space<hbm>> -> memref<10000x128xf32, #tpu.memory_space<hbm>>
      tpu.wait_indirect_dma semaphore(%arg13 : memref<!tpu.dma_semaphore, #tpu.memory_space<semaphore_mem>>) src(%dma_wait3A_219 : memref<10000x128xf32, #tpu.memory_space<hbm>>) dst(%arg9 : memref<80x128xf32, #tpu.memory_space<vmem>>)
      %dma_start3A_220 = arith.constant 0 : i32
      %dma_start3A_221 = tpu.memref_slice %arg6[%add3A_213, %dma_start3A_220] : memref<64x80xi32, #tpu.memory_space<vmem>> -> memref<1x80xi32, #tpu.memory_space<vmem>>
      %dma_start3A_222 = tpu.memref_squeeze %dma_start3A_221 : memref<1x80xi32, #tpu.memory_space<vmem>> -> memref<80xi32, #tpu.memory_space<vmem>>
      %dma_start3A_223 = arith.constant 0 : i32
      %dma_start3A_224 = arith.constant 0 : i32
      %dma_start3A_225 = tpu.memref_slice %arg2[%dma_start3A_223, %dma_start3A_224] : memref<10000x128xf32, #tpu.memory_space<hbm>> -> memref<10000x128xf32, #tpu.memory_space<hbm>>
      tpu.enqueue_indirect_dma source(%dma_start3A_225 : memref<10000x128xf32, #tpu.memory_space<hbm>>) target(%arg8 : memref<80x128xf32, #tpu.memory_space<vmem>>) offsets(%dma_start3A_222 : memref<80xi32, #tpu.memory_space<vmem>>) semaphore(%arg12 : memref<!tpu.dma_semaphore, #tpu.memory_space<semaphore_mem>>)
      "tpu.region"() ({
        %run_scoped3A_244 = tpu.sem_alloc : memref<!tpu.dma_semaphore, #tpu.memory_space<semaphore_mem>>
        %dma_start3A_245 = arith.constant 0 : i32
        %dma_start3A_246 = tpu.memref_slice %arg7[%add3A_211, %dma_start3A_245] : memref<64x80xi32, #tpu.memory_space<vmem>> -> memref<1x80xi32, #tpu.memory_space<vmem>>
        %dma_start3A_247 = tpu.memref_squeeze %dma_start3A_246 : memref<1x80xi32, #tpu.memory_space<vmem>> -> memref<80xi32, #tpu.memory_space<vmem>>
        %dma_start3A_248 = arith.constant 0 : i32
        %dma_start3A_249 = arith.constant 0 : i32
        %dma_start3A_250 = tpu.memref_slice %arg11[%dma_start3A_248, %dma_start3A_249] : memref<10240x128xf32, #tpu.memory_space<vmem_shared>> -> memref<10240x128xf32, #tpu.memory_space<vmem_shared>>
        tpu.enqueue_indirect_dma source(%arg9 : memref<80x128xf32, #tpu.memory_space<vmem>>) target(%dma_start3A_250 : memref<10240x128xf32, #tpu.memory_space<vmem_shared>>) offsets(%dma_start3A_247 : memref<80xi32, #tpu.memory_space<vmem>>) semaphore(%run_scoped3A_244 : memref<!tpu.dma_semaphore, #tpu.memory_space<semaphore_mem>>) {add = true}
        %dma_wait3A_251 = arith.constant 0 : i32
        %dma_wait3A_252 = tpu.memref_slice %arg7[%add3A_211, %dma_wait3A_251] : memref<64x80xi32, #tpu.memory_space<vmem>> -> memref<1x80xi32, #tpu.memory_space<vmem>>
        %dma_wait3A_253 = tpu.memref_squeeze %dma_wait3A_252 : memref<1x80xi32, #tpu.memory_space<vmem>> -> memref<80xi32, #tpu.memory_space<vmem>>
        %dma_wait3A_254 = arith.constant 0 : i32
        %dma_wait3A_255 = arith.constant 0 : i32
        %dma_wait3A_256 = tpu.memref_slice %arg11[%dma_wait3A_254, %dma_wait3A_255] : memref<10240x128xf32, #tpu.memory_space<vmem_shared>> -> memref<10240x128xf32, #tpu.memory_space<vmem_shared>>
        tpu.wait_indirect_dma semaphore(%run_scoped3A_244 : memref<!tpu.dma_semaphore, #tpu.memory_space<semaphore_mem>>) src(%arg9 : memref<80x128xf32, #tpu.memory_space<vmem>>) dst(%dma_wait3A_256 : memref<10240x128xf32, #tpu.memory_space<vmem_shared>>)
        tpu.yield
      }) : () -> ()
      %mul3A_226 = arith.constant 3 : i32
      %mul3A_227 = arith.muli %mul3A_226, %scan3A_189 : i32
      %add3A_228 = arith.constant 2 : i32
      %add3A_229 = arith.addi %mul3A_227, %add3A_228 : i32
      %add3A_230 = arith.constant 2 : i32
      %add3A_231 = arith.addi %add3A_229, %add3A_230 : i32
      %dma_wait3A_232 = arith.constant 0 : i32
      %dma_wait3A_233 = tpu.memref_slice %arg6[%add3A_229, %dma_wait3A_232] : memref<64x80xi32, #tpu.memory_space<vmem>> -> memref<1x80xi32, #tpu.memory_space<vmem>>
      %dma_wait3A_234 = tpu.memref_squeeze %dma_wait3A_233 : memref<1x80xi32, #tpu.memory_space<vmem>> -> memref<80xi32, #tpu.memory_space<vmem>>
      %dma_wait3A_235 = arith.constant 0 : i32
      %dma_wait3A_236 = arith.constant 0 : i32
      %dma_wait3A_237 = tpu.memref_slice %arg2[%dma_wait3A_235, %dma_wait3A_236] : memref<10000x128xf32, #tpu.memory_space<hbm>> -> memref<10000x128xf32, #tpu.memory_space<hbm>>
      tpu.wait_indirect_dma semaphore(%arg14 : memref<!tpu.dma_semaphore, #tpu.memory_space<semaphore_mem>>) src(%dma_wait3A_237 : memref<10000x128xf32, #tpu.memory_space<hbm>>) dst(%arg10 : memref<80x128xf32, #tpu.memory_space<vmem>>)
      %dma_start3A_238 = arith.constant 0 : i32
      %dma_start3A_239 = tpu.memref_slice %arg6[%add3A_231, %dma_start3A_238] : memref<64x80xi32, #tpu.memory_space<vmem>> -> memref<1x80xi32, #tpu.memory_space<vmem>>
      %dma_start3A_240 = tpu.memref_squeeze %dma_start3A_239 : memref<1x80xi32, #tpu.memory_space<vmem>> -> memref<80xi32, #tpu.memory_space<vmem>>
      %dma_start3A_241 = arith.constant 0 : i32
      %dma_start3A_242 = arith.constant 0 : i32
      %dma_start3A_243 = tpu.memref_slice %arg2[%dma_start3A_241, %dma_start3A_242] : memref<10000x128xf32, #tpu.memory_space<hbm>> -> memref<10000x128xf32, #tpu.memory_space<hbm>>
      tpu.enqueue_indirect_dma source(%dma_start3A_243 : memref<10000x128xf32, #tpu.memory_space<hbm>>) target(%arg9 : memref<80x128xf32, #tpu.memory_space<vmem>>) offsets(%dma_start3A_240 : memref<80xi32, #tpu.memory_space<vmem>>) semaphore(%arg13 : memref<!tpu.dma_semaphore, #tpu.memory_space<semaphore_mem>>)
      "tpu.region"() ({
        %run_scoped3A_244 = tpu.sem_alloc : memref<!tpu.dma_semaphore, #tpu.memory_space<semaphore_mem>>
        %dma_start3A_245 = arith.constant 0 : i32
        %dma_start3A_246 = tpu.memref_slice %arg7[%add3A_229, %dma_start3A_245] : memref<64x80xi32, #tpu.memory_space<vmem>> -> memref<1x80xi32, #tpu.memory_space<vmem>>
        %dma_start3A_247 = tpu.memref_squeeze %dma_start3A_246 : memref<1x80xi32, #tpu.memory_space<vmem>> -> memref<80xi32, #tpu.memory_space<vmem>>
        %dma_start3A_248 = arith.constant 0 : i32
        %dma_start3A_249 = arith.constant 0 : i32
        %dma_start3A_250 = tpu.memref_slice %arg11[%dma_start3A_248, %dma_start3A_249] : memref<10240x128xf32, #tpu.memory_space<vmem_shared>> -> memref<10240x128xf32, #tpu.memory_space<vmem_shared>>
        tpu.enqueue_indirect_dma source(%arg10 : memref<80x128xf32, #tpu.memory_space<vmem>>) target(%dma_start3A_250 : memref<10240x128xf32, #tpu.memory_space<vmem_shared>>) offsets(%dma_start3A_247 : memref<80xi32, #tpu.memory_space<vmem>>) semaphore(%run_scoped3A_244 : memref<!tpu.dma_semaphore, #tpu.memory_space<semaphore_mem>>) {add = true}
        %dma_wait3A_251 = arith.constant 0 : i32
        %dma_wait3A_252 = tpu.memref_slice %arg7[%add3A_229, %dma_wait3A_251] : memref<64x80xi32, #tpu.memory_space<vmem>> -> memref<1x80xi32, #tpu.memory_space<vmem>>
        %dma_wait3A_253 = tpu.memref_squeeze %dma_wait3A_252 : memref<1x80xi32, #tpu.memory_space<vmem>> -> memref<80xi32, #tpu.memory_space<vmem>>
        %dma_wait3A_254 = arith.constant 0 : i32
        %dma_wait3A_255 = arith.constant 0 : i32
        %dma_wait3A_256 = tpu.memref_slice %arg11[%dma_wait3A_254, %dma_wait3A_255] : memref<10240x128xf32, #tpu.memory_space<vmem_shared>> -> memref<10240x128xf32, #tpu.memory_space<vmem_shared>>
        tpu.wait_indirect_dma semaphore(%run_scoped3A_244 : memref<!tpu.dma_semaphore, #tpu.memory_space<semaphore_mem>>) src(%arg10 : memref<80x128xf32, #tpu.memory_space<vmem>>) dst(%dma_wait3A_256 : memref<10240x128xf32, #tpu.memory_space<vmem_shared>>)
        tpu.yield
      }) : () -> ()
    }
    %scan3A_121 = arith.constant 19 : i32
    %dma_wait3A_122 = arith.constant 57 : i32
    %dma_wait3A_123 = arith.constant 0 : i32
    %dma_wait3A_124 = tpu.memref_slice %arg6[%dma_wait3A_122, %dma_wait3A_123] : memref<64x80xi32, #tpu.memory_space<vmem>> -> memref<1x80xi32, #tpu.memory_space<vmem>>
    %dma_wait3A_125 = tpu.memref_squeeze %dma_wait3A_124 : memref<1x80xi32, #tpu.memory_space<vmem>> -> memref<80xi32, #tpu.memory_space<vmem>>
    %dma_wait3A_126 = arith.constant 0 : i32
    %dma_wait3A_127 = arith.constant 0 : i32
    %dma_wait3A_128 = tpu.memref_slice %arg2[%dma_wait3A_126, %dma_wait3A_127] : memref<10000x128xf32, #tpu.memory_space<hbm>> -> memref<10000x128xf32, #tpu.memory_space<hbm>>
    tpu.wait_indirect_dma semaphore(%arg12 : memref<!tpu.dma_semaphore, #tpu.memory_space<semaphore_mem>>) src(%dma_wait3A_128 : memref<10000x128xf32, #tpu.memory_space<hbm>>) dst(%arg8 : memref<80x128xf32, #tpu.memory_space<vmem>>)
    %dma_start3A_129 = arith.constant 59 : i32
    %dma_start3A_130 = arith.constant 0 : i32
    %dma_start3A_131 = tpu.memref_slice %arg6[%dma_start3A_129, %dma_start3A_130] : memref<64x80xi32, #tpu.memory_space<vmem>> -> memref<1x80xi32, #tpu.memory_space<vmem>>
    %dma_start3A_132 = tpu.memref_squeeze %dma_start3A_131 : memref<1x80xi32, #tpu.memory_space<vmem>> -> memref<80xi32, #tpu.memory_space<vmem>>
    %dma_start3A_133 = arith.constant 0 : i32
    %dma_start3A_134 = arith.constant 0 : i32
    %dma_start3A_135 = tpu.memref_slice %arg2[%dma_start3A_133, %dma_start3A_134] : memref<10000x128xf32, #tpu.memory_space<hbm>> -> memref<10000x128xf32, #tpu.memory_space<hbm>>
    tpu.enqueue_indirect_dma source(%dma_start3A_135 : memref<10000x128xf32, #tpu.memory_space<hbm>>) target(%arg10 : memref<80x128xf32, #tpu.memory_space<vmem>>) offsets(%dma_start3A_132 : memref<80xi32, #tpu.memory_space<vmem>>) semaphore(%arg14 : memref<!tpu.dma_semaphore, #tpu.memory_space<semaphore_mem>>)
    %run_scoped3A_136 = arith.constant 57 : i32
    "tpu.region"() ({
      %run_scoped3A_189 = tpu.sem_alloc : memref<!tpu.dma_semaphore, #tpu.memory_space<semaphore_mem>>
      %dma_start3A_190 = arith.constant 0 : i32
      %dma_start3A_191 = tpu.memref_slice %arg7[%run_scoped3A_136, %dma_start3A_190] : memref<64x80xi32, #tpu.memory_space<vmem>> -> memref<1x80xi32, #tpu.memory_space<vmem>>
      %dma_start3A_192 = tpu.memref_squeeze %dma_start3A_191 : memref<1x80xi32, #tpu.memory_space<vmem>> -> memref<80xi32, #tpu.memory_space<vmem>>
      %dma_start3A_193 = arith.constant 0 : i32
      %dma_start3A_194 = arith.constant 0 : i32
      %dma_start3A_195 = tpu.memref_slice %arg11[%dma_start3A_193, %dma_start3A_194] : memref<10240x128xf32, #tpu.memory_space<vmem_shared>> -> memref<10240x128xf32, #tpu.memory_space<vmem_shared>>
      tpu.enqueue_indirect_dma source(%arg8 : memref<80x128xf32, #tpu.memory_space<vmem>>) target(%dma_start3A_195 : memref<10240x128xf32, #tpu.memory_space<vmem_shared>>) offsets(%dma_start3A_192 : memref<80xi32, #tpu.memory_space<vmem>>) semaphore(%run_scoped3A_189 : memref<!tpu.dma_semaphore, #tpu.memory_space<semaphore_mem>>) {add = true}
      %dma_wait3A_196 = arith.constant 0 : i32
      %dma_wait3A_197 = tpu.memref_slice %arg7[%run_scoped3A_136, %dma_wait3A_196] : memref<64x80xi32, #tpu.memory_space<vmem>> -> memref<1x80xi32, #tpu.memory_space<vmem>>
      %dma_wait3A_198 = tpu.memref_squeeze %dma_wait3A_197 : memref<1x80xi32, #tpu.memory_space<vmem>> -> memref<80xi32, #tpu.memory_space<vmem>>
      %dma_wait3A_199 = arith.constant 0 : i32
      %dma_wait3A_200 = arith.constant 0 : i32
      %dma_wait3A_201 = tpu.memref_slice %arg11[%dma_wait3A_199, %dma_wait3A_200] : memref<10240x128xf32, #tpu.memory_space<vmem_shared>> -> memref<10240x128xf32, #tpu.memory_space<vmem_shared>>
      tpu.wait_indirect_dma semaphore(%run_scoped3A_189 : memref<!tpu.dma_semaphore, #tpu.memory_space<semaphore_mem>>) src(%arg8 : memref<80x128xf32, #tpu.memory_space<vmem>>) dst(%dma_wait3A_201 : memref<10240x128xf32, #tpu.memory_space<vmem_shared>>)
      tpu.yield
    }) : () -> ()
    %dma_wait3A_137 = arith.constant 58 : i32
    %dma_wait3A_138 = arith.constant 0 : i32
    %dma_wait3A_139 = tpu.memref_slice %arg6[%dma_wait3A_137, %dma_wait3A_138] : memref<64x80xi32, #tpu.memory_space<vmem>> -> memref<1x80xi32, #tpu.memory_space<vmem>>
    %dma_wait3A_140 = tpu.memref_squeeze %dma_wait3A_139 : memref<1x80xi32, #tpu.memory_space<vmem>> -> memref<80xi32, #tpu.memory_space<vmem>>
    %dma_wait3A_141 = arith.constant 0 : i32
    %dma_wait3A_142 = arith.constant 0 : i32
    %dma_wait3A_143 = tpu.memref_slice %arg2[%dma_wait3A_141, %dma_wait3A_142] : memref<10000x128xf32, #tpu.memory_space<hbm>> -> memref<10000x128xf32, #tpu.memory_space<hbm>>
    tpu.wait_indirect_dma semaphore(%arg13 : memref<!tpu.dma_semaphore, #tpu.memory_space<semaphore_mem>>) src(%dma_wait3A_143 : memref<10000x128xf32, #tpu.memory_space<hbm>>) dst(%arg9 : memref<80x128xf32, #tpu.memory_space<vmem>>)
    %dma_start3A_144 = arith.constant 60 : i32
    %dma_start3A_145 = arith.constant 0 : i32
    %dma_start3A_146 = tpu.memref_slice %arg6[%dma_start3A_144, %dma_start3A_145] : memref<64x80xi32, #tpu.memory_space<vmem>> -> memref<1x80xi32, #tpu.memory_space<vmem>>
    %dma_start3A_147 = tpu.memref_squeeze %dma_start3A_146 : memref<1x80xi32, #tpu.memory_space<vmem>> -> memref<80xi32, #tpu.memory_space<vmem>>
    %dma_start3A_148 = arith.constant 0 : i32
    %dma_start3A_149 = arith.constant 0 : i32
    %dma_start3A_150 = tpu.memref_slice %arg2[%dma_start3A_148, %dma_start3A_149] : memref<10000x128xf32, #tpu.memory_space<hbm>> -> memref<10000x128xf32, #tpu.memory_space<hbm>>
    tpu.enqueue_indirect_dma source(%dma_start3A_150 : memref<10000x128xf32, #tpu.memory_space<hbm>>) target(%arg8 : memref<80x128xf32, #tpu.memory_space<vmem>>) offsets(%dma_start3A_147 : memref<80xi32, #tpu.memory_space<vmem>>) semaphore(%arg12 : memref<!tpu.dma_semaphore, #tpu.memory_space<semaphore_mem>>)
    %run_scoped3A_151 = arith.constant 58 : i32
    "tpu.region"() ({
      %run_scoped3A_189 = tpu.sem_alloc : memref<!tpu.dma_semaphore, #tpu.memory_space<semaphore_mem>>
      %dma_start3A_190 = arith.constant 0 : i32
      %dma_start3A_191 = tpu.memref_slice %arg7[%run_scoped3A_151, %dma_start3A_190] : memref<64x80xi32, #tpu.memory_space<vmem>> -> memref<1x80xi32, #tpu.memory_space<vmem>>
      %dma_start3A_192 = tpu.memref_squeeze %dma_start3A_191 : memref<1x80xi32, #tpu.memory_space<vmem>> -> memref<80xi32, #tpu.memory_space<vmem>>
      %dma_start3A_193 = arith.constant 0 : i32
      %dma_start3A_194 = arith.constant 0 : i32
      %dma_start3A_195 = tpu.memref_slice %arg11[%dma_start3A_193, %dma_start3A_194] : memref<10240x128xf32, #tpu.memory_space<vmem_shared>> -> memref<10240x128xf32, #tpu.memory_space<vmem_shared>>
      tpu.enqueue_indirect_dma source(%arg9 : memref<80x128xf32, #tpu.memory_space<vmem>>) target(%dma_start3A_195 : memref<10240x128xf32, #tpu.memory_space<vmem_shared>>) offsets(%dma_start3A_192 : memref<80xi32, #tpu.memory_space<vmem>>) semaphore(%run_scoped3A_189 : memref<!tpu.dma_semaphore, #tpu.memory_space<semaphore_mem>>) {add = true}
      %dma_wait3A_196 = arith.constant 0 : i32
      %dma_wait3A_197 = tpu.memref_slice %arg7[%run_scoped3A_151, %dma_wait3A_196] : memref<64x80xi32, #tpu.memory_space<vmem>> -> memref<1x80xi32, #tpu.memory_space<vmem>>
      %dma_wait3A_198 = tpu.memref_squeeze %dma_wait3A_197 : memref<1x80xi32, #tpu.memory_space<vmem>> -> memref<80xi32, #tpu.memory_space<vmem>>
      %dma_wait3A_199 = arith.constant 0 : i32
      %dma_wait3A_200 = arith.constant 0 : i32
      %dma_wait3A_201 = tpu.memref_slice %arg11[%dma_wait3A_199, %dma_wait3A_200] : memref<10240x128xf32, #tpu.memory_space<vmem_shared>> -> memref<10240x128xf32, #tpu.memory_space<vmem_shared>>
      tpu.wait_indirect_dma semaphore(%run_scoped3A_189 : memref<!tpu.dma_semaphore, #tpu.memory_space<semaphore_mem>>) src(%arg9 : memref<80x128xf32, #tpu.memory_space<vmem>>) dst(%dma_wait3A_201 : memref<10240x128xf32, #tpu.memory_space<vmem_shared>>)
      tpu.yield
    }) : () -> ()
    %dma_wait3A_152 = arith.constant 59 : i32
    %dma_wait3A_153 = arith.constant 0 : i32
    %dma_wait3A_154 = tpu.memref_slice %arg6[%dma_wait3A_152, %dma_wait3A_153] : memref<64x80xi32, #tpu.memory_space<vmem>> -> memref<1x80xi32, #tpu.memory_space<vmem>>
    %dma_wait3A_155 = tpu.memref_squeeze %dma_wait3A_154 : memref<1x80xi32, #tpu.memory_space<vmem>> -> memref<80xi32, #tpu.memory_space<vmem>>
    %dma_wait3A_156 = arith.constant 0 : i32
    %dma_wait3A_157 = arith.constant 0 : i32
    %dma_wait3A_158 = tpu.memref_slice %arg2[%dma_wait3A_156, %dma_wait3A_157] : memref<10000x128xf32, #tpu.memory_space<hbm>> -> memref<10000x128xf32, #tpu.memory_space<hbm>>
    tpu.wait_indirect_dma semaphore(%arg14 : memref<!tpu.dma_semaphore, #tpu.memory_space<semaphore_mem>>) src(%dma_wait3A_158 : memref<10000x128xf32, #tpu.memory_space<hbm>>) dst(%arg10 : memref<80x128xf32, #tpu.memory_space<vmem>>)
    %run_scoped3A_159 = arith.constant 59 : i32
    "tpu.region"() ({
      %run_scoped3A_189 = tpu.sem_alloc : memref<!tpu.dma_semaphore, #tpu.memory_space<semaphore_mem>>
      %dma_start3A_190 = arith.constant 0 : i32
      %dma_start3A_191 = tpu.memref_slice %arg7[%run_scoped3A_159, %dma_start3A_190] : memref<64x80xi32, #tpu.memory_space<vmem>> -> memref<1x80xi32, #tpu.memory_space<vmem>>
      %dma_start3A_192 = tpu.memref_squeeze %dma_start3A_191 : memref<1x80xi32, #tpu.memory_space<vmem>> -> memref<80xi32, #tpu.memory_space<vmem>>
      %dma_start3A_193 = arith.constant 0 : i32
      %dma_start3A_194 = arith.constant 0 : i32
      %dma_start3A_195 = tpu.memref_slice %arg11[%dma_start3A_193, %dma_start3A_194] : memref<10240x128xf32, #tpu.memory_space<vmem_shared>> -> memref<10240x128xf32, #tpu.memory_space<vmem_shared>>
      tpu.enqueue_indirect_dma source(%arg10 : memref<80x128xf32, #tpu.memory_space<vmem>>) target(%dma_start3A_195 : memref<10240x128xf32, #tpu.memory_space<vmem_shared>>) offsets(%dma_start3A_192 : memref<80xi32, #tpu.memory_space<vmem>>) semaphore(%run_scoped3A_189 : memref<!tpu.dma_semaphore, #tpu.memory_space<semaphore_mem>>) {add = true}
      %dma_wait3A_196 = arith.constant 0 : i32
      %dma_wait3A_197 = tpu.memref_slice %arg7[%run_scoped3A_159, %dma_wait3A_196] : memref<64x80xi32, #tpu.memory_space<vmem>> -> memref<1x80xi32, #tpu.memory_space<vmem>>
      %dma_wait3A_198 = tpu.memref_squeeze %dma_wait3A_197 : memref<1x80xi32, #tpu.memory_space<vmem>> -> memref<80xi32, #tpu.memory_space<vmem>>
      %dma_wait3A_199 = arith.constant 0 : i32
      %dma_wait3A_200 = arith.constant 0 : i32
      %dma_wait3A_201 = tpu.memref_slice %arg11[%dma_wait3A_199, %dma_wait3A_200] : memref<10240x128xf32, #tpu.memory_space<vmem_shared>> -> memref<10240x128xf32, #tpu.memory_space<vmem_shared>>
      tpu.wait_indirect_dma semaphore(%run_scoped3A_189 : memref<!tpu.dma_semaphore, #tpu.memory_space<semaphore_mem>>) src(%arg10 : memref<80x128xf32, #tpu.memory_space<vmem>>) dst(%dma_wait3A_201 : memref<10240x128xf32, #tpu.memory_space<vmem_shared>>)
      tpu.yield
    }) : () -> ()
    %dma_wait3A_160 = arith.constant 60 : i32
    %dma_wait3A_161 = arith.constant 0 : i32
    %dma_wait3A_162 = tpu.memref_slice %arg6[%dma_wait3A_160, %dma_wait3A_161] : memref<64x80xi32, #tpu.memory_space<vmem>> -> memref<1x80xi32, #tpu.memory_space<vmem>>
    %dma_wait3A_163 = tpu.memref_squeeze %dma_wait3A_162 : memref<1x80xi32, #tpu.memory_space<vmem>> -> memref<80xi32, #tpu.memory_space<vmem>>
    %dma_wait3A_164 = arith.constant 0 : i32
    %dma_wait3A_165 = arith.constant 0 : i32
    %dma_wait3A_166 = tpu.memref_slice %arg2[%dma_wait3A_164, %dma_wait3A_165] : memref<10000x128xf32, #tpu.memory_space<hbm>> -> memref<10000x128xf32, #tpu.memory_space<hbm>>
    tpu.wait_indirect_dma semaphore(%arg12 : memref<!tpu.dma_semaphore, #tpu.memory_space<semaphore_mem>>) src(%dma_wait3A_166 : memref<10000x128xf32, #tpu.memory_space<hbm>>) dst(%arg8 : memref<80x128xf32, #tpu.memory_space<vmem>>)
    %run_scoped3A_167 = arith.constant 60 : i32
    "tpu.region"() ({
      %run_scoped3A_189 = tpu.sem_alloc : memref<!tpu.dma_semaphore, #tpu.memory_space<semaphore_mem>>
      %dma_start3A_190 = arith.constant 0 : i32
      %dma_start3A_191 = tpu.memref_slice %arg7[%run_scoped3A_167, %dma_start3A_190] : memref<64x80xi32, #tpu.memory_space<vmem>> -> memref<1x80xi32, #tpu.memory_space<vmem>>
      %dma_start3A_192 = tpu.memref_squeeze %dma_start3A_191 : memref<1x80xi32, #tpu.memory_space<vmem>> -> memref<80xi32, #tpu.memory_space<vmem>>
      %dma_start3A_193 = arith.constant 0 : i32
      %dma_start3A_194 = arith.constant 0 : i32
      %dma_start3A_195 = tpu.memref_slice %arg11[%dma_start3A_193, %dma_start3A_194] : memref<10240x128xf32, #tpu.memory_space<vmem_shared>> -> memref<10240x128xf32, #tpu.memory_space<vmem_shared>>
      tpu.enqueue_indirect_dma source(%arg8 : memref<80x128xf32, #tpu.memory_space<vmem>>) target(%dma_start3A_195 : memref<10240x128xf32, #tpu.memory_space<vmem_shared>>) offsets(%dma_start3A_192 : memref<80xi32, #tpu.memory_space<vmem>>) semaphore(%run_scoped3A_189 : memref<!tpu.dma_semaphore, #tpu.memory_space<semaphore_mem>>) {add = true}
      %dma_wait3A_196 = arith.constant 0 : i32
      %dma_wait3A_197 = tpu.memref_slice %arg7[%run_scoped3A_167, %dma_wait3A_196] : memref<64x80xi32, #tpu.memory_space<vmem>> -> memref<1x80xi32, #tpu.memory_space<vmem>>
      %dma_wait3A_198 = tpu.memref_squeeze %dma_wait3A_197 : memref<1x80xi32, #tpu.memory_space<vmem>> -> memref<80xi32, #tpu.memory_space<vmem>>
      %dma_wait3A_199 = arith.constant 0 : i32
      %dma_wait3A_200 = arith.constant 0 : i32
      %dma_wait3A_201 = tpu.memref_slice %arg11[%dma_wait3A_199, %dma_wait3A_200] : memref<10240x128xf32, #tpu.memory_space<vmem_shared>> -> memref<10240x128xf32, #tpu.memory_space<vmem_shared>>
      tpu.wait_indirect_dma semaphore(%run_scoped3A_189 : memref<!tpu.dma_semaphore, #tpu.memory_space<semaphore_mem>>) src(%arg8 : memref<80x128xf32, #tpu.memory_space<vmem>>) dst(%dma_wait3A_201 : memref<10240x128xf32, #tpu.memory_space<vmem_shared>>)
      tpu.yield
    }) : () -> ()
    %barrier3A_168 = arith.constant 0 : index
    tpu.barrier barrier_id(%barrier3A_168)
    %mul3A_169 = arith.constant 640 : i32
    %mul3A_170 = arith.muli %arg1, %mul3A_169 : i32
    %add3A_171 = arith.constant 0 : i32
    %add3A_172 = arith.addi %mul3A_170, %add3A_171 : i32
    "tpu.region"() ({
      %run_scoped3A_189 = tpu.sem_alloc : memref<!tpu.dma_semaphore, #tpu.memory_space<semaphore_mem>>
      %dma_start3A_190 = arith.constant 0 : i32
      %dma_start3A_191 = tpu.memref_slice %arg5[%arg0, %add3A_172, %dma_start3A_190] : memref<2x10240x128xf32, #tpu.memory_space<hbm>> -> memref<1x128x128xf32, #tpu.memory_space<hbm>>
      %dma_start3A_192 = tpu.memref_squeeze %dma_start3A_191 : memref<1x128x128xf32, #tpu.memory_space<hbm>> -> memref<128x128xf32, #tpu.memory_space<hbm>>
      %dma_start3A_193 = arith.constant 0 : i32
      %dma_start3A_194 = tpu.memref_slice %arg11[%add3A_172, %dma_start3A_193] : memref<10240x128xf32, #tpu.memory_space<vmem_shared>> -> memref<128x128xf32, #tpu.memory_space<vmem_shared>>
      tpu.enqueue_dma source(%dma_start3A_194 : memref<128x128xf32, #tpu.memory_space<vmem_shared>>) target(%dma_start3A_192 : memref<128x128xf32, #tpu.memory_space<hbm>>) target_semaphore(%run_scoped3A_189 : memref<!tpu.dma_semaphore, #tpu.memory_space<semaphore_mem>>)
      %dma_wait3A_195 = arith.constant 0 : i32
      %dma_wait3A_196 = tpu.memref_slice %arg5[%arg0, %add3A_172, %dma_wait3A_195] : memref<2x10240x128xf32, #tpu.memory_space<hbm>> -> memref<1x128x128xf32, #tpu.memory_space<hbm>>
      %dma_wait3A_197 = tpu.memref_squeeze %dma_wait3A_196 : memref<1x128x128xf32, #tpu.memory_space<hbm>> -> memref<128x128xf32, #tpu.memory_space<hbm>>
      %dma_wait3A_198 = arith.constant 0 : i32
      %dma_wait3A_199 = tpu.memref_slice %arg11[%add3A_172, %dma_wait3A_198] : memref<10240x128xf32, #tpu.memory_space<vmem_shared>> -> memref<128x128xf32, #tpu.memory_space<vmem_shared>>
      tpu.wait_dma2 semaphore(%run_scoped3A_189 : memref<!tpu.dma_semaphore, #tpu.memory_space<semaphore_mem>>) src(%dma_wait3A_199 : memref<128x128xf32, #tpu.memory_space<vmem_shared>>) dst(%dma_wait3A_197 : memref<128x128xf32, #tpu.memory_space<hbm>>)
      tpu.yield
    }) : () -> ()
    %mul3A_173 = arith.constant 640 : i32
    %mul3A_174 = arith.muli %arg1, %mul3A_173 : i32
    %add3A_175 = arith.constant 128 : i32
    %add3A_176 = arith.addi %mul3A_174, %add3A_175 : i32
    "tpu.region"() ({
      %run_scoped3A_189 = tpu.sem_alloc : memref<!tpu.dma_semaphore, #tpu.memory_space<semaphore_mem>>
      %dma_start3A_190 = arith.constant 0 : i32
      %dma_start3A_191 = tpu.memref_slice %arg5[%arg0, %add3A_176, %dma_start3A_190] : memref<2x10240x128xf32, #tpu.memory_space<hbm>> -> memref<1x128x128xf32, #tpu.memory_space<hbm>>
      %dma_start3A_192 = tpu.memref_squeeze %dma_start3A_191 : memref<1x128x128xf32, #tpu.memory_space<hbm>> -> memref<128x128xf32, #tpu.memory_space<hbm>>
      %dma_start3A_193 = arith.constant 0 : i32
      %dma_start3A_194 = tpu.memref_slice %arg11[%add3A_176, %dma_start3A_193] : memref<10240x128xf32, #tpu.memory_space<vmem_shared>> -> memref<128x128xf32, #tpu.memory_space<vmem_shared>>
      tpu.enqueue_dma source(%dma_start3A_194 : memref<128x128xf32, #tpu.memory_space<vmem_shared>>) target(%dma_start3A_192 : memref<128x128xf32, #tpu.memory_space<hbm>>) target_semaphore(%run_scoped3A_189 : memref<!tpu.dma_semaphore, #tpu.memory_space<semaphore_mem>>)
      %dma_wait3A_195 = arith.constant 0 : i32
      %dma_wait3A_196 = tpu.memref_slice %arg5[%arg0, %add3A_176, %dma_wait3A_195] : memref<2x10240x128xf32, #tpu.memory_space<hbm>> -> memref<1x128x128xf32, #tpu.memory_space<hbm>>
      %dma_wait3A_197 = tpu.memref_squeeze %dma_wait3A_196 : memref<1x128x128xf32, #tpu.memory_space<hbm>> -> memref<128x128xf32, #tpu.memory_space<hbm>>
      %dma_wait3A_198 = arith.constant 0 : i32
      %dma_wait3A_199 = tpu.memref_slice %arg11[%add3A_176, %dma_wait3A_198] : memref<10240x128xf32, #tpu.memory_space<vmem_shared>> -> memref<128x128xf32, #tpu.memory_space<vmem_shared>>
      tpu.wait_dma2 semaphore(%run_scoped3A_189 : memref<!tpu.dma_semaphore, #tpu.memory_space<semaphore_mem>>) src(%dma_wait3A_199 : memref<128x128xf32, #tpu.memory_space<vmem_shared>>) dst(%dma_wait3A_197 : memref<128x128xf32, #tpu.memory_space<hbm>>)
      tpu.yield
    }) : () -> ()
    %mul3A_177 = arith.constant 640 : i32
    %mul3A_178 = arith.muli %arg1, %mul3A_177 : i32
    %add3A_179 = arith.constant 256 : i32
    %add3A_180 = arith.addi %mul3A_178, %add3A_179 : i32
    "tpu.region"() ({
      %run_scoped3A_189 = tpu.sem_alloc : memref<!tpu.dma_semaphore, #tpu.memory_space<semaphore_mem>>
      %dma_start3A_190 = arith.constant 0 : i32
      %dma_start3A_191 = tpu.memref_slice %arg5[%arg0, %add3A_180, %dma_start3A_190] : memref<2x10240x128xf32, #tpu.memory_space<hbm>> -> memref<1x128x128xf32, #tpu.memory_space<hbm>>
      %dma_start3A_192 = tpu.memref_squeeze %dma_start3A_191 : memref<1x128x128xf32, #tpu.memory_space<hbm>> -> memref<128x128xf32, #tpu.memory_space<hbm>>
      %dma_start3A_193 = arith.constant 0 : i32
      %dma_start3A_194 = tpu.memref_slice %arg11[%add3A_180, %dma_start3A_193] : memref<10240x128xf32, #tpu.memory_space<vmem_shared>> -> memref<128x128xf32, #tpu.memory_space<vmem_shared>>
      tpu.enqueue_dma source(%dma_start3A_194 : memref<128x128xf32, #tpu.memory_space<vmem_shared>>) target(%dma_start3A_192 : memref<128x128xf32, #tpu.memory_space<hbm>>) target_semaphore(%run_scoped3A_189 : memref<!tpu.dma_semaphore, #tpu.memory_space<semaphore_mem>>)
      %dma_wait3A_195 = arith.constant 0 : i32
      %dma_wait3A_196 = tpu.memref_slice %arg5[%arg0, %add3A_180, %dma_wait3A_195] : memref<2x10240x128xf32, #tpu.memory_space<hbm>> -> memref<1x128x128xf32, #tpu.memory_space<hbm>>
      %dma_wait3A_197 = tpu.memref_squeeze %dma_wait3A_196 : memref<1x128x128xf32, #tpu.memory_space<hbm>> -> memref<128x128xf32, #tpu.memory_space<hbm>>
      %dma_wait3A_198 = arith.constant 0 : i32
      %dma_wait3A_199 = tpu.memref_slice %arg11[%add3A_180, %dma_wait3A_198] : memref<10240x128xf32, #tpu.memory_space<vmem_shared>> -> memref<128x128xf32, #tpu.memory_space<vmem_shared>>
      tpu.wait_dma2 semaphore(%run_scoped3A_189 : memref<!tpu.dma_semaphore, #tpu.memory_space<semaphore_mem>>) src(%dma_wait3A_199 : memref<128x128xf32, #tpu.memory_space<vmem_shared>>) dst(%dma_wait3A_197 : memref<128x128xf32, #tpu.memory_space<hbm>>)
      tpu.yield
    }) : () -> ()
    %mul3A_181 = arith.constant 640 : i32
    %mul3A_182 = arith.muli %arg1, %mul3A_181 : i32
    %add3A_183 = arith.constant 384 : i32
    %add3A_184 = arith.addi %mul3A_182, %add3A_183 : i32
    "tpu.region"() ({
      %run_scoped3A_189 = tpu.sem_alloc : memref<!tpu.dma_semaphore, #tpu.memory_space<semaphore_mem>>
      %dma_start3A_190 = arith.constant 0 : i32
      %dma_start3A_191 = tpu.memref_slice %arg5[%arg0, %add3A_184, %dma_start3A_190] : memref<2x10240x128xf32, #tpu.memory_space<hbm>> -> memref<1x128x128xf32, #tpu.memory_space<hbm>>
      %dma_start3A_192 = tpu.memref_squeeze %dma_start3A_191 : memref<1x128x128xf32, #tpu.memory_space<hbm>> -> memref<128x128xf32, #tpu.memory_space<hbm>>
      %dma_start3A_193 = arith.constant 0 : i32
      %dma_start3A_194 = tpu.memref_slice %arg11[%add3A_184, %dma_start3A_193] : memref<10240x128xf32, #tpu.memory_space<vmem_shared>> -> memref<128x128xf32, #tpu.memory_space<vmem_shared>>
      tpu.enqueue_dma source(%dma_start3A_194 : memref<128x128xf32, #tpu.memory_space<vmem_shared>>) target(%dma_start3A_192 : memref<128x128xf32, #tpu.memory_space<hbm>>) target_semaphore(%run_scoped3A_189 : memref<!tpu.dma_semaphore, #tpu.memory_space<semaphore_mem>>)
      %dma_wait3A_195 = arith.constant 0 : i32
      %dma_wait3A_196 = tpu.memref_slice %arg5[%arg0, %add3A_184, %dma_wait3A_195] : memref<2x10240x128xf32, #tpu.memory_space<hbm>> -> memref<1x128x128xf32, #tpu.memory_space<hbm>>
      %dma_wait3A_197 = tpu.memref_squeeze %dma_wait3A_196 : memref<1x128x128xf32, #tpu.memory_space<hbm>> -> memref<128x128xf32, #tpu.memory_space<hbm>>
      %dma_wait3A_198 = arith.constant 0 : i32
      %dma_wait3A_199 = tpu.memref_slice %arg11[%add3A_184, %dma_wait3A_198] : memref<10240x128xf32, #tpu.memory_space<vmem_shared>> -> memref<128x128xf32, #tpu.memory_space<vmem_shared>>
      tpu.wait_dma2 semaphore(%run_scoped3A_189 : memref<!tpu.dma_semaphore, #tpu.memory_space<semaphore_mem>>) src(%dma_wait3A_199 : memref<128x128xf32, #tpu.memory_space<vmem_shared>>) dst(%dma_wait3A_197 : memref<128x128xf32, #tpu.memory_space<hbm>>)
      tpu.yield
    }) : () -> ()
    %mul3A_185 = arith.constant 640 : i32
    %mul3A_186 = arith.muli %arg1, %mul3A_185 : i32
    %add3A_187 = arith.constant 512 : i32
    %add3A_188 = arith.addi %mul3A_186, %add3A_187 : i32
    "tpu.region"() ({
      %run_scoped3A_189 = tpu.sem_alloc : memref<!tpu.dma_semaphore, #tpu.memory_space<semaphore_mem>>
      %dma_start3A_190 = arith.constant 0 : i32
      %dma_start3A_191 = tpu.memref_slice %arg5[%arg0, %add3A_188, %dma_start3A_190] : memref<2x10240x128xf32, #tpu.memory_space<hbm>> -> memref<1x128x128xf32, #tpu.memory_space<hbm>>
      %dma_start3A_192 = tpu.memref_squeeze %dma_start3A_191 : memref<1x128x128xf32, #tpu.memory_space<hbm>> -> memref<128x128xf32, #tpu.memory_space<hbm>>
      %dma_start3A_193 = arith.constant 0 : i32
      %dma_start3A_194 = tpu.memref_slice %arg11[%add3A_188, %dma_start3A_193] : memref<10240x128xf32, #tpu.memory_space<vmem_shared>> -> memref<128x128xf32, #tpu.memory_space<vmem_shared>>
      tpu.enqueue_dma source(%dma_start3A_194 : memref<128x128xf32, #tpu.memory_space<vmem_shared>>) target(%dma_start3A_192 : memref<128x128xf32, #tpu.memory_space<hbm>>) target_semaphore(%run_scoped3A_189 : memref<!tpu.dma_semaphore, #tpu.memory_space<semaphore_mem>>)
      %dma_wait3A_195 = arith.constant 0 : i32
      %dma_wait3A_196 = tpu.memref_slice %arg5[%arg0, %add3A_188, %dma_wait3A_195] : memref<2x10240x128xf32, #tpu.memory_space<hbm>> -> memref<1x128x128xf32, #tpu.memory_space<hbm>>
      %dma_wait3A_197 = tpu.memref_squeeze %dma_wait3A_196 : memref<1x128x128xf32, #tpu.memory_space<hbm>> -> memref<128x128xf32, #tpu.memory_space<hbm>>
      %dma_wait3A_198 = arith.constant 0 : i32
      %dma_wait3A_199 = tpu.memref_slice %arg11[%add3A_188, %dma_wait3A_198] : memref<10240x128xf32, #tpu.memory_space<vmem_shared>> -> memref<128x128xf32, #tpu.memory_space<vmem_shared>>
      tpu.wait_dma2 semaphore(%run_scoped3A_189 : memref<!tpu.dma_semaphore, #tpu.memory_space<semaphore_mem>>) src(%dma_wait3A_199 : memref<128x128xf32, #tpu.memory_space<vmem_shared>>) dst(%dma_wait3A_197 : memref<128x128xf32, #tpu.memory_space<hbm>>)
      tpu.yield
    }) : () -> ()
    return
  }
}

module attributes {stable_mosaic.version = 14 : i64} {
  func.func @_prep_body(%arg0: i32, %arg1: memref<2000x1xf32, #tpu.memory_space<vmem>>, %arg2: memref<2000x1xf32, #tpu.memory_space<vmem>>, %arg3: memref<2000x128xf32, #tpu.memory_space<vmem>>, %arg4: memref<128x128xf32, #tpu.memory_space<vmem>>, %arg5: memref<2000x1xf32, #tpu.memory_space<vmem>>, %arg6: memref<2000x128xf32, #tpu.memory_space<vmem>>) attributes {dimension_semantics = [#tpu.dimension_semantics<arbitrary>], iteration_bounds = array<i64: 5>, scalar_prefetch = 0 : i64, scratch_operands = 0 : i64, tpu.core_type = #tpu.core_type<tc>, window_params = [{transform_indices = @transform_0, window_bounds = array<i64: 2000, 1>}, {transform_indices = @transform_1, window_bounds = array<i64: 2000, 1>}, {transform_indices = @transform_2, window_bounds = array<i64: 2000, 128>}, {pipeline_mode = #tpu.pipeline_mode<synchronous>, transform_indices = @transform_3, window_bounds = array<i64: 128, 128>}, {transform_indices = @transform_4, window_bounds = array<i64: 2000, 1>}, {transform_indices = @transform_5, window_bounds = array<i64: 2000, 128>}]} {
    %get3A = arith.constant 0 : index
    %get3A_0 = arith.constant 0 : index
    %get3A_1 = vector.load %arg1[%get3A, %get3A_0] : memref<2000x1xf32, #tpu.memory_space<vmem>>, vector<2000x1xf32>
    %get3A_2 = arith.constant 0 : index
    %get3A_3 = arith.constant 0 : index
    %get3A_4 = vector.load %arg2[%get3A_2, %get3A_3] : memref<2000x1xf32, #tpu.memory_space<vmem>>, vector<2000x1xf32>
    %add3A = arith.addf %get3A_1, %get3A_4 : vector<2000x1xf32>
    %gt3A = arith.constant 0.000000e+00 : f32
    %gt3A_5 = vector.broadcast %gt3A : f32 to vector<2000x1xf32>
    %gt3A_6 = arith.cmpf ogt, %add3A, %gt3A_5 : vector<2000x1xf32>
    %max3A = arith.constant 1.000000e+00 : f32
    %max3A_7 = vector.broadcast %max3A : f32 to vector<2000x1xf32>
    %max3A_8 = arith.maximumf %add3A, %max3A_7 : vector<2000x1xf32>
    %sqrt3A = math.sqrt %max3A_8 : vector<2000x1xf32>
    %div3A = arith.constant 1.000000e+00 : f32
    %div3A_9 = vector.broadcast %div3A : f32 to vector<2000x1xf32>
    %div3A_10 = arith.divf %div3A_9, %sqrt3A : vector<2000x1xf32>
    %jit3A = arith.constant 0.000000e+00 : f32
    %broadcast_in_dim3A = vector.broadcast %jit3A : f32 to vector<2000x1xf32>
    %select_n3A = arith.select %gt3A_6, %div3A_10, %broadcast_in_dim3A : vector<2000x1xi1>, vector<2000x1xf32>
    %swap3A = arith.constant 0 : index
    %swap3A_11 = arith.constant 0 : index
    %swap3A_12 = vector.load %arg5[%swap3A, %swap3A_11] : memref<2000x1xf32, #tpu.memory_space<vmem>>, vector<2000x1xf32>
    tpu.vector_store %arg5[%swap3A, %swap3A_11], %select_n3A {strides = array<i32>} : memref<2000x1xf32, #tpu.memory_space<vmem>>, vector<2000x1xf32>,
    %get3A_13 = arith.constant 0 : index
    %get3A_14 = arith.constant 0 : index
    %get3A_15 = vector.load %arg3[%get3A_13, %get3A_14] : memref<2000x128xf32, #tpu.memory_space<vmem>>, vector<2000x128xf32>
    %get3A_16 = arith.constant 0 : index
    %get3A_17 = arith.constant 0 : index
    %get3A_18 = vector.load %arg4[%get3A_16, %get3A_17] : memref<128x128xf32, #tpu.memory_space<vmem>>, vector<128x128xf32>
    %dot_general3A = arith.constant dense<0.000000e+00> : vector<2000x128xf32>
    %dot_general3A_19 = tpu.matmul %get3A_15, %get3A_18, %dot_general3A {dimension_numbers = #tpu.dot_dimension_numbers<[1], [0], [0], [1], [0, 0, 1, 1], [], []>, transpose_lhs_hint = false} : vector<2000x128xf32>, vector<128x128xf32>, vector<2000x128xf32> -> vector<2000x128xf32>
    %mul3A = vector.broadcast %select_n3A : vector<2000x1xf32> to vector<2000x128xf32>
    %mul3A_20 = arith.mulf %dot_general3A_19, %mul3A : vector<2000x128xf32>
    %swap3A_21 = arith.constant 0 : index
    %swap3A_22 = arith.constant 0 : index
    %swap3A_23 = vector.load %arg6[%swap3A_21, %swap3A_22] : memref<2000x128xf32, #tpu.memory_space<vmem>>, vector<2000x128xf32>
    tpu.vector_store %arg6[%swap3A_21, %swap3A_22], %mul3A_20 {strides = array<i32>} : memref<2000x128xf32, #tpu.memory_space<vmem>>, vector<2000x128xf32>,
    return
  }
  func.func @transform_0(%arg0: i32) -> (i32, i32) {
    %c0_i32 = arith.constant 0 : i32
    %c0_i32_0 = arith.constant 0 : i32
    return %arg0, %c0_i32 : i32, i32
  }
  func.func @transform_1(%arg0: i32) -> (i32, i32) {
    %c0_i32 = arith.constant 0 : i32
    %c0_i32_0 = arith.constant 0 : i32
    return %arg0, %c0_i32 : i32, i32
  }
  func.func @transform_2(%arg0: i32) -> (i32, i32) {
    %c0_i32 = arith.constant 0 : i32
    %c0_i32_0 = arith.constant 0 : i32
    return %arg0, %c0_i32 : i32, i32
  }
  func.func @transform_3(%arg0: i32) -> (i32, i32) {
    %c0_i32 = arith.constant 0 : i32
    %c0_i32_0 = arith.constant 0 : i32
    %c0_i32_1 = arith.constant 0 : i32
    return %c0_i32, %c0_i32_0 : i32, i32
  }
  func.func @transform_4(%arg0: i32) -> (i32, i32) {
    %c0_i32 = arith.constant 0 : i32
    %c0_i32_0 = arith.constant 0 : i32
    return %arg0, %c0_i32 : i32, i32
  }
  func.func @transform_5(%arg0: i32) -> (i32, i32) {
    %c0_i32 = arith.constant 0 : i32
    %c0_i32_0 = arith.constant 0 : i32
    return %arg0, %c0_i32 : i32, i32
  }
}

module attributes {stable_mosaic.version = 14 : i64} {
  func.func @_mid_body(%arg0: i32, %arg1: memref<2x2000x128xf32, #tpu.memory_space<vmem>>, %arg2: memref<2000x1xf32, #tpu.memory_space<vmem>>, %arg3: memref<1x128xf32, #tpu.memory_space<vmem>>, %arg4: memref<128x128xf32, #tpu.memory_space<vmem>>, %arg5: memref<2000x128xf32, #tpu.memory_space<vmem>>, %arg6: memref<2000x128xf32, #tpu.memory_space<vmem>>) attributes {dimension_semantics = [#tpu.dimension_semantics<arbitrary>], iteration_bounds = array<i64: 5>, scalar_prefetch = 0 : i64, scratch_operands = 0 : i64, tpu.core_type = #tpu.core_type<tc>, window_params = [{transform_indices = @transform_0, window_bounds = array<i64: 2, 2000, 128>}, {transform_indices = @transform_1, window_bounds = array<i64: 2000, 1>}, {pipeline_mode = #tpu.pipeline_mode<synchronous>, transform_indices = @transform_2, window_bounds = array<i64: 1, 128>}, {pipeline_mode = #tpu.pipeline_mode<synchronous>, transform_indices = @transform_3, window_bounds = array<i64: 128, 128>}, {transform_indices = @transform_4, window_bounds = array<i64: 2000, 128>}, {transform_indices = @transform_5, window_bounds = array<i64: 2000, 128>}]} {
    %get3A = arith.constant 0 : index
    %get3A_0 = arith.constant 0 : index
    %get3A_1 = arith.constant 0 : index
    %get3A_2 = vector.load %arg1[%get3A, %get3A_0, %get3A_1] : memref<2x2000x128xf32, #tpu.memory_space<vmem>>, vector<1x2000x128xf32>
    %get3A_3 = vector.shape_cast %get3A_2 : vector<1x2000x128xf32> to vector<2000x128xf32>
    %get3A_4 = arith.constant 1 : index
    %get3A_5 = arith.constant 0 : index
    %get3A_6 = arith.constant 0 : index
    %get3A_7 = vector.load %arg1[%get3A_4, %get3A_5, %get3A_6] : memref<2x2000x128xf32, #tpu.memory_space<vmem>>, vector<1x2000x128xf32>
    %get3A_8 = vector.shape_cast %get3A_7 : vector<1x2000x128xf32> to vector<2000x128xf32>
    %add3A = arith.addf %get3A_3, %get3A_8 : vector<2000x128xf32>
    %get3A_9 = arith.constant 0 : index
    %get3A_10 = arith.constant 0 : index
    %get3A_11 = vector.load %arg2[%get3A_9, %get3A_10] : memref<2000x1xf32, #tpu.memory_space<vmem>>, vector<2000x1xf32>
    %mul3A = vector.broadcast %get3A_11 : vector<2000x1xf32> to vector<2000x128xf32>
    %mul3A_12 = arith.mulf %add3A, %mul3A : vector<2000x128xf32>
    %get3A_13 = arith.constant 0 : index
    %get3A_14 = arith.constant 0 : index
    %get3A_15 = vector.load %arg3[%get3A_13, %get3A_14] : memref<1x128xf32, #tpu.memory_space<vmem>>, vector<1x128xf32>
    %add3A_16 = vector.broadcast %get3A_15 : vector<1x128xf32> to vector<2000x128xf32>
    %add3A_17 = arith.addf %mul3A_12, %add3A_16 : vector<2000x128xf32>
    %max3A = arith.constant 0.000000e+00 : f32
    %max3A_18 = vector.broadcast %max3A : f32 to vector<2000x128xf32>
    %max3A_19 = arith.maximumf %add3A_17, %max3A_18 : vector<2000x128xf32>
    %swap3A = arith.constant 0 : index
    %swap3A_20 = arith.constant 0 : index
    %swap3A_21 = vector.load %arg5[%swap3A, %swap3A_20] : memref<2000x128xf32, #tpu.memory_space<vmem>>, vector<2000x128xf32>
    tpu.vector_store %arg5[%swap3A, %swap3A_20], %max3A_19 {strides = array<i32>} : memref<2000x128xf32, #tpu.memory_space<vmem>>, vector<2000x128xf32>,
    %get3A_22 = arith.constant 0 : index
    %get3A_23 = arith.constant 0 : index
    %get3A_24 = vector.load %arg4[%get3A_22, %get3A_23] : memref<128x128xf32, #tpu.memory_space<vmem>>, vector<128x128xf32>
    %dot_general3A = arith.constant dense<0.000000e+00> : vector<2000x128xf32>
    %dot_general3A_25 = tpu.matmul %max3A_19, %get3A_24, %dot_general3A {dimension_numbers = #tpu.dot_dimension_numbers<[1], [0], [0], [1], [0, 0, 1, 1], [], []>, transpose_lhs_hint = false} : vector<2000x128xf32>, vector<128x128xf32>, vector<2000x128xf32> -> vector<2000x128xf32>
    %get3A_26 = arith.constant 0 : index
    %get3A_27 = arith.constant 0 : index
    %get3A_28 = vector.load %arg2[%get3A_26, %get3A_27] : memref<2000x1xf32, #tpu.memory_space<vmem>>, vector<2000x1xf32>
    %mul3A_29 = vector.broadcast %get3A_28 : vector<2000x1xf32> to vector<2000x128xf32>
    %mul3A_30 = arith.mulf %dot_general3A_25, %mul3A_29 : vector<2000x128xf32>
    %swap3A_31 = arith.constant 0 : index
    %swap3A_32 = arith.constant 0 : index
    %swap3A_33 = vector.load %arg6[%swap3A_31, %swap3A_32] : memref<2000x128xf32, #tpu.memory_space<vmem>>, vector<2000x128xf32>
    tpu.vector_store %arg6[%swap3A_31, %swap3A_32], %mul3A_30 {strides = array<i32>} : memref<2000x128xf32, #tpu.memory_space<vmem>>, vector<2000x128xf32>,
    return
  }
  func.func @transform_0(%arg0: i32) -> (i32, i32, i32) {
    %c0_i32 = arith.constant 0 : i32
    %c0_i32_0 = arith.constant 0 : i32
    %c0_i32_1 = arith.constant 0 : i32
    return %c0_i32, %arg0, %c0_i32_0 : i32, i32, i32
  }
  func.func @transform_1(%arg0: i32) -> (i32, i32) {
    %c0_i32 = arith.constant 0 : i32
    %c0_i32_0 = arith.constant 0 : i32
    return %arg0, %c0_i32 : i32, i32
  }
  func.func @transform_2(%arg0: i32) -> (i32, i32) {
    %c0_i32 = arith.constant 0 : i32
    %c0_i32_0 = arith.constant 0 : i32
    %c0_i32_1 = arith.constant 0 : i32
    return %c0_i32, %c0_i32_0 : i32, i32
  }
  func.func @transform_3(%arg0: i32) -> (i32, i32) {
    %c0_i32 = arith.constant 0 : i32
    %c0_i32_0 = arith.constant 0 : i32
    %c0_i32_1 = arith.constant 0 : i32
    return %c0_i32, %c0_i32_0 : i32, i32
  }
  func.func @transform_4(%arg0: i32) -> (i32, i32) {
    %c0_i32 = arith.constant 0 : i32
    %c0_i32_0 = arith.constant 0 : i32
    return %arg0, %c0_i32 : i32, i32
  }
  func.func @transform_5(%arg0: i32) -> (i32, i32) {
    %c0_i32 = arith.constant 0 : i32
    %c0_i32_0 = arith.constant 0 : i32
    return %arg0, %c0_i32 : i32, i32
  }
}

module attributes {stable_mosaic.version = 14 : i64} {
  func.func @_out_body(%arg0: i32, %arg1: memref<2x2000x128xf32, #tpu.memory_space<vmem>>, %arg2: memref<2000x1xf32, #tpu.memory_space<vmem>>, %arg3: memref<1x128xf32, #tpu.memory_space<vmem>>, %arg4: memref<2000x128xf32, #tpu.memory_space<vmem>>) attributes {dimension_semantics = [#tpu.dimension_semantics<arbitrary>], iteration_bounds = array<i64: 5>, scalar_prefetch = 0 : i64, scratch_operands = 0 : i64, tpu.core_type = #tpu.core_type<tc>, window_params = [{transform_indices = @transform_0, window_bounds = array<i64: 2, 2000, 128>}, {transform_indices = @transform_1, window_bounds = array<i64: 2000, 1>}, {pipeline_mode = #tpu.pipeline_mode<synchronous>, transform_indices = @transform_2, window_bounds = array<i64: 1, 128>}, {transform_indices = @transform_3, window_bounds = array<i64: 2000, 128>}]} {
    %get3A = arith.constant 0 : index
    %get3A_0 = arith.constant 0 : index
    %get3A_1 = arith.constant 0 : index
    %get3A_2 = vector.load %arg1[%get3A, %get3A_0, %get3A_1] : memref<2x2000x128xf32, #tpu.memory_space<vmem>>, vector<1x2000x128xf32>
    %get3A_3 = vector.shape_cast %get3A_2 : vector<1x2000x128xf32> to vector<2000x128xf32>
    %get3A_4 = arith.constant 1 : index
    %get3A_5 = arith.constant 0 : index
    %get3A_6 = arith.constant 0 : index
    %get3A_7 = vector.load %arg1[%get3A_4, %get3A_5, %get3A_6] : memref<2x2000x128xf32, #tpu.memory_space<vmem>>, vector<1x2000x128xf32>
    %get3A_8 = vector.shape_cast %get3A_7 : vector<1x2000x128xf32> to vector<2000x128xf32>
    %add3A = arith.addf %get3A_3, %get3A_8 : vector<2000x128xf32>
    %get3A_9 = arith.constant 0 : index
    %get3A_10 = arith.constant 0 : index
    %get3A_11 = vector.load %arg2[%get3A_9, %get3A_10] : memref<2000x1xf32, #tpu.memory_space<vmem>>, vector<2000x1xf32>
    %mul3A = vector.broadcast %get3A_11 : vector<2000x1xf32> to vector<2000x128xf32>
    %mul3A_12 = arith.mulf %add3A, %mul3A : vector<2000x128xf32>
    %get3A_13 = arith.constant 0 : index
    %get3A_14 = arith.constant 0 : index
    %get3A_15 = vector.load %arg3[%get3A_13, %get3A_14] : memref<1x128xf32, #tpu.memory_space<vmem>>, vector<1x128xf32>
    %add3A_16 = vector.broadcast %get3A_15 : vector<1x128xf32> to vector<2000x128xf32>
    %add3A_17 = arith.addf %mul3A_12, %add3A_16 : vector<2000x128xf32>
    %swap3A = arith.constant 0 : index
    %swap3A_18 = arith.constant 0 : index
    %swap3A_19 = vector.load %arg4[%swap3A, %swap3A_18] : memref<2000x128xf32, #tpu.memory_space<vmem>>, vector<2000x128xf32>
    tpu.vector_store %arg4[%swap3A, %swap3A_18], %add3A_17 {strides = array<i32>} : memref<2000x128xf32, #tpu.memory_space<vmem>>, vector<2000x128xf32>,
    return
  }
  func.func @transform_0(%arg0: i32) -> (i32, i32, i32) {
    %c0_i32 = arith.constant 0 : i32
    %c0_i32_0 = arith.constant 0 : i32
    %c0_i32_1 = arith.constant 0 : i32
    return %c0_i32, %arg0, %c0_i32_0 : i32, i32, i32
  }
  func.func @transform_1(%arg0: i32) -> (i32, i32) {
    %c0_i32 = arith.constant 0 : i32
    %c0_i32_0 = arith.constant 0 : i32
    return %arg0, %c0_i32 : i32, i32
  }
  func.func @transform_2(%arg0: i32) -> (i32, i32) {
    %c0_i32 = arith.constant 0 : i32
    %c0_i32_0 = arith.constant 0 : i32
    %c0_i32_1 = arith.constant 0 : i32
    return %c0_i32, %c0_i32_0 : i32, i32
  }
  func.func @transform_3(%arg0: i32) -> (i32, i32) {
    %c0_i32 = arith.constant 0 : i32
    %c0_i32_0 = arith.constant 0 : i32
    return %arg0, %c0_i32 : i32, i32
  }
}

</mosaic_0001>

<sc_bundles>
// kernel: kernel.11.cloned.1.call-start
scs
__scs_entry_jumppad:
0x0: {  	(pc) =	sbr.rel $0x88, $3  }
0x1: {  	(tag) =	ssettag $0x0;
	lr =	simm.s32 $0x1  }
0x2: {  	[smem:$0x3F9B] =	sst lr;
	_ =	strace $0xD0000000  }
0x3: {  	_ = 	snop  }
0x4: {  	_ = 	snop  }
0x5: {  	_ = 	snop  }
0x6: {  	_ = 	snop  }
0x7: {  	_ = 	snop  }
__scs_overlays_trampoline_lowered:
0x8: {  	[smem:$0x3FAA] =	sst s0  }
0x9: {  	[smem:$0x3FAB] =	sst s1  }
0xa: {  	[smem:$0x3FAC] =	sst s2  }
0xb: {  	[smem:$0x3FAD] =	sst s3  }
0xc: {  	[smem:$0x3FAE] =	sst s4  }
0xd: {  	[smem:$0x3FAF] =	sst s5  }
0xe: {  	[smem:$0x3FB0] =	sst s6  }
0xf: {  	[smem:$0x3FB1] =	sst s7  }
0x10: {  	[smem:$0x3FB2] =	sst s8  }
0x11: {  	[smem:$0x3FB3] =	sst s9;
	s0 =	simm.s32 @!p0 $0x0  }
0x12: {  	s1 =	sld [smem:$0x3F99];
	s0 =	simm.s32 @p0 $0x1  }
0x13: {  	[smem:$0x3FB4] =	sst s0;
	s0 =	simm.s32 @!p1 $0x0  }
0x14: {  	s2 =	sld [smem:$0x3F98];
	s0 =	simm.s32 @p1 $0x1  }
0x15: {  	[smem:$0x3FB5] =	sst s0;
	s0 =	simm.s32 @!p2 $0x0  }
0x16: {  	s3 =	sld [smem:$0x3FDB];
	s0 =	simm.s32 @p2 $0x1  }
0x17: {  	s4 =	simm.s32 $0x1BF5;
	[smem:$0x3FB7] =	sst s0  }
0x18: {  	s0 =	sld [smem:$0x3F9A];
	_ =	swait.ge [sflag:s4], $0x0  }
0x19: {  	s7 =	sld [smem:$0x3F9B]  }
0x1a: {  	s8 =	sadd.s32 $0xFFFFE003, lr  }
0x1b: {  	s9 =	sadd.s32 $0xFFFFFEF7, lr;
	s5 =	simm.s32 $0xFFFFFFFF;
	p2 =	slt.u32 s8, $0xFFFFF086  }
0x1c: {  	p1 =	slt.u32 s9, $0xF7A;
	s5 =	simm.s32 @!p2 $0x0  }
0x1d: {  	s5 =	simm.s32 @p1 $0x1;
	p0 =	seq.s32 s7, s2  }
0x1e: {  	s7 =	smul.u32 @!p0 $0xF7A, s2;
	p2 =	seq.s32 @!p0 s5, $0x0  }
0x1f: {  	s9 =	smul.u32 $0xF7A, s1;
	s8 =	simm.s32 @!p0 $0x1BF5;
	p2 =	por !p2, p0  }
0x20: {  	[sflag:s8] =	ssyncset.s32 @!p0 $0xFFFFF086;
	s6 =	sadd.s32 @!p0 s3, s7;
	s7 =	simm.s32 @!p0 $0x108  }
0x21: {  	s3 =	sadd.s32 s3, s9;
	s6 =	sadd.s32 @!p0 $0x88, s6;
	s7 =	simm.s32 @p2 $0x1082  }
0x22: {  	[simem:s7], [sflag:s8] =	dma.local @!p0 [hbm:s6], $0xF7A  }
0x23: {  	s9 =	sor.u32 $0xD0000000, s2;
	s6 =	simm.s32 $0x108;
	_ =	swait.ge @!p0 [sflag:s8], $0x0  }
0x24: {  	s3 =	sadd.s32 $0x88, s3;
	s6 =	simm.s32 @!p1 $0x1082;
	[sflag:s4] =	ssyncset.s32 $0xFFFFF086  }
0x25: {  	[simem:s6], [sflag:s4] =	dma.local [hbm:s3], $0xF7A  }
0x26: {  	[smem:$0x3F9B] =	sst s1;
	(tag) =	ssettag s2;
	_ =	strace s9  }
0x27: {  	s1 =	sld [smem:$0x3FAB]  }
0x28: {  	s2 =	sld [smem:$0x3FAC]  }
0x29: {  	s4 =	sld [smem:$0x3FAE]  }
0x2a: {  	p0 =	seq.s32 s5, $0x0;
	s5 =	sld [smem:$0x3FAF]  }
0x2b: {  	s6 =	sld [smem:$0x3FB0]  }
0x2c: {  	s7 =	sld [smem:$0x3FB1]  }
0x2d: {  	s3 =	simm.s32 $0x108;
	s8 =	sld [smem:$0x3FB2]  }
0x2e: {  	s3 =	simm.s32 @!p0 $0x1082;
	s9 =	sld [smem:$0x3FB3]  }
0x2f: {  	lr =	sadd.s32 s0, s3;
	s0 =	sld [smem:$0x3FAA]  }
0x30: {  	s3 =	sld [smem:$0x3FAD]  }
0x31: {  	[smem:$0x3FB6] =	sst s10  }
0x32: {  	s10 =	sld [smem:$0x3FB4];
	_ =	sdelay $0x3  }
0x33: {  	p0 =	seq.s32 s10, $0x1;
	s10 =	sld [smem:$0x3FB6];
	_ =	sdelay $0x3  }
0x34: {  	[smem:$0x3FB6] =	sst s10  }
0x35: {  	s10 =	sld [smem:$0x3FB5];
	_ =	sdelay $0x3  }
0x36: {  	p1 =	seq.s32 s10, $0x1;
	s10 =	sld [smem:$0x3FB6];
	_ =	sdelay $0x3  }
0x37: {  	[smem:$0x3FB6] =	sst s10  }
0x38: {  	s10 =	sld [smem:$0x3FB7]  }
0x39: {  	_ = 	snop;
	(pc) =	sbr.ind lr, $3  }
0x3a: {  	_ = 	snop  }
0x3b: {  	_ = 	snop  }
0x3c: {  	p2 =	seq.s32 s10, $0x1;
	s10 =	sld [smem:$0x3FB6]  }
0x3d: {  	_ =	shalt  }
0x3e: {  	_ =	shalt  }
0x3f: {  	_ =	shalt  }
0x40: {  	_ =	shalt  }
0x41: {  	_ =	shalt  }
0x42: {  	_ =	shalt  }
0x43: {  	_ =	shalt  }
0x44: {  	_ =	shalt  }
0x45: {  	_ =	shalt  }
0x46: {  	_ =	shalt  }
0x47: {  	_ =	shalt  }
0x48: {  	_ =	shalt  }
0x49: {  	_ =	shalt  }
0x4a: {  	_ =	shalt  }
0x4b: {  	_ =	shalt  }
0x4c: {  	_ =	shalt  }
0x4d: {  	_ =	shalt  }
0x4e: {  	_ =	shalt  }
0x4f: {  	_ =	shalt  }
0x50: {  	_ =	shalt  }
0x51: {  	_ =	shalt  }
0x52: {  	_ =	shalt  }
0x53: {  	_ =	shalt  }
0x54: {  	_ =	shalt  }
0x55: {  	_ =	shalt  }
0x56: {  	_ =	shalt  }
0x57: {  	_ =	shalt  }
0x58: {  	_ =	shalt  }
0x59: {  	_ =	shalt  }
0x5a: {  	_ =	shalt  }
0x5b: {  	_ =	shalt  }
0x5c: {  	_ =	shalt  }
0x5d: {  	_ =	shalt  }
0x5e: {  	_ =	shalt  }
0x5f: {  	_ =	shalt  }
0x60: {  	_ =	shalt  }
0x61: {  	_ =	shalt  }
0x62: {  	_ =	shalt  }
0x63: {  	_ =	shalt  }
0x64: {  	_ =	shalt  }
0x65: {  	_ =	shalt  }
0x66: {  	_ =	shalt  }
0x67: {  	_ =	shalt  }
0x68: {  	_ =	shalt  }
0x69: {  	_ =	shalt  }
0x6a: {  	_ =	shalt  }
0x6b: {  	_ =	shalt  }
0x6c: {  	_ =	shalt  }
0x6d: {  	_ =	shalt  }
0x6e: {  	_ =	shalt  }
0x6f: {  	_ =	shalt  }
0x70: {  	_ =	shalt  }
0x71: {  	_ =	shalt  }
0x72: {  	_ =	shalt  }
0x73: {  	_ =	shalt  }
0x74: {  	_ =	shalt  }
0x75: {  	_ =	shalt  }
0x76: {  	_ =	shalt  }
0x77: {  	_ =	shalt  }
0x78: {  	_ =	shalt  }
0x79: {  	_ =	shalt  }
0x7a: {  	_ =	shalt  }
0x7b: {  	_ =	shalt  }
0x7c: {  	_ =	shalt  }
0x7d: {  	_ =	shalt  }
0x7e: {  	_ =	shalt  }
0x7f: {  	_ =	shalt  }
0x80: {  	_ =	shalt  }
0x81: {  	_ =	shalt  }
0x82: {  	_ =	shalt  }
0x83: {  	_ =	shalt  }
0x84: {  	_ =	shalt  }
0x85: {  	_ =	shalt  }
0x86: {  	_ =	shalt  }
0x87: {  	_ =	shalt  }
.Lfunc_end0:
.L_simem_size_0:
called_computation.1_lowered:
.L_overlay_start_0:
0x88: {  	s2 =	sld [smem:$0x3FD9]  }
0x89: {  	s3 =	sld [smem:$0x3FFE];
	_ =	sdelay $0x1  }
0x8a: {  	s1 =	srdreg.scid  }
0x8b: {  	s0 =	sand.u32 $0x1, s1  }
0x8c: {  	s14 =	sshll.u32 s0, $0xA;
	s2 =	sadd.s32 s3, s2  }
0x8d: {  	s2 =	sadd.s32 s2, s14  }
0x8e: {  	[smem:$0x3FC2] =	sst s2  }
0x8f: {  	_ = 	snop  }
0x90: {  	s2 =	sld [smem:$0x3FD0];
	_ =	sdelay $0x2  }
0x91: {  	s15 =	simm.s32 $0xA;
	s4 =	simm.s32 $0x10  }
0x92: {  	[smem:s4], [sflag:s15] =	dma.local [hbm:s2], $0x1  }
0x93: {  	_ =	swait.eq [sflag:s15], $0x1  }
0x94: {  	[sflag:s15] =	ssyncset.done $0x0  }
0x95: {  	[sflag:s15] =	ssyncadd.s32 $0xFFFFFFFF  }
0x96: {  	s16 =	sld [smem:$0x11];
	(tm) =	ssettm $0x1  }
0x97: {  	s17 =	sld [smem:$0x3FFB];
	_ =	sdelay $0x3  }
0x98: {  	_ =	strace s17  }
0x99: {  	s3 =	sld [smem:$0x3FFC];
	_ =	sdelay $0x3  }
0x9a: {  	_ =	strace s3  }
0x9b: {  	s3 =	sld [smem:$0x3FFD];
	_ =	sdelay $0x3  }
0x9c: {  	_ =	strace s3  }
0x9d: {  	_ =	strace $0x8FFFFFFF  }
0x9e: {  	s18 =	sld [smem:$0x3FDB];
	_ =	sdelay $0x1  }
0x9f: {  	s19 =	simm.s32 $_scs_section_size  }
0xa0: {  	s5 =	simm.s32 $_size__tile_overlayer_lowered;
	s6 =	simm.s32 $_tile_overlayer_lowered  }
0xa1: {  	s22 =	simm.s32 $0x1BFF;
	s21 =	sshll.u32 s6, $0x1;
	s3 =	sadd.s32 s19, s18  }
0xa2: {  	s7 =	simm.s32 $0x0;
	s20 =	sshll.u32 s5, $0x1;
	s5 =	sadd.s32 s21, s3  }
0xa3: {  	[timem:s7], [sflag:s22] =	dma.local [hbm:s5], s20  }
0xa4: {  	_ =	swait.ge [sflag:s22], s20  }
0xa5: {  	s4 =	ssub.s32 $0x0, s20;
	[sflag:s22] =	ssyncset.done $0x0  }
0xa6: {  	[sflag:s22] =	ssyncadd.s32 s4;
	_ =	sdelay $0x1  }
0xa7: {  	s23 =	simm.s32 $0x1B8B  }
0xa8: {  	_ =	swait.ge [sflag:s23], $0x1  }
0xa9: {  	[sflag:s23] =	ssyncset.done $0x0  }
0xaa: {  	s25 =	simm.s32 $0x1B8E;
	s24 =	sld [smem:$0x3FFE];
	[sflag:s23] =	ssyncadd.s32 $0xFFFFFFFF  }
0xab: {  	s26 =	simm.s32 $execute0_lowered;
	[smem:$0x3FD2] =	sst s25  }
0xac: {  	s5 =	sshll.u32 s26, $0x1;
	_ =	strace $0x80000049;
	[dreg:$0x1] =	wrdreg $0xFFFFFFFF  }
0xad: {  	s28 =	simm.s32 $_size_execute0_lowered;
	s3 =	sadd.s32 s3, s5;
	[dreg:$0x0] =	wrdreg $0x0  }
0xae: {  	s5 =	sshll.u32 s28, $0x1;
	[dreg:$0x2] =	wrdreg s3  }
0xaf: {  	[dreg:$0x3] =	wrdreg s5  }
0xb0: {  	[dreg:$0x4] =	wrdreg $0xC0  }
0xb1: {  	_ =	task [dreg:s7], $0x5FFFF  }
0xb2: {  	[dreg:$0x1] =	wrdreg $0xFFFFFFFF  }
0xb3: {  	[dreg:$0x0] =	wrdreg $0x60  }
0xb4: {  	[dreg:$0x2] =	wrdreg s16  }
0xb5: {  	[dreg:$0x3] =	wrdreg s24  }
0xb6: {  	[dreg:$0x4] =	wrdreg $0xB8000  }
0xb7: {  	[dreg:$0x5] =	wrdreg $0x9  }
0xb8: {  	_ =	task.clear_ibuf [dreg:s7], $0x6FFFF;
	_ =	strace $0x90000049  }
0xb9: {  	s29 =	simm.s32 $0x9;
	_ =	strace $0x8000004B  }
0xba: {  	_ =	swait.ge [sflag:s29], $0x1  }
0xbb: {  	[sflag:s29] =	ssyncadd.s32 $0xFFFFFFFF  }
0xbc: {  	_ =	strace $0x9000004B  }
0xbd: {  	_ =	sfence  }
0xbe: {  	s30 =	sld [smem:$0x0];
	_ =	sdelay $0x2  }
0xbf: {  	s31 =	sshll.u32 s1, $0xD;
	s1 =	sshrl.u32 s1, $0x2  }
0xc0: {  	s3 =	sand.u32 $0x4000, s31;
	s1 =	sadd.s32 s1, s30  }
0xc1: {  	s0 =	sor.u32 s3, s0;
	s1 =	sshll.u32 s1, $0x11  }
0xc2: {  	s0 =	sor.u32 s1, s0  }
0xc3: {  	s0 =	sadd.s32 $0x8F2B, s0  }
0xc4: {  	[sflag:s0] =	ssyncadd.remote.s32 $0x1  }
0xc5: {  	_ =	sfence.sel $0xFFFF  }
0xc6: {  	[dreg:$0x0] =	wrdreg $0xFFFFFFFF;
	(pc) =	sbr.abs _section_cstart, $3  }
0xc7: {  	[dreg:$0x1] =	wrdreg $0xFFFFFFFF  }
0xc8: {  	_ =	task.clear_ibuf [dreg:s7], $0x2FFFF;
	_ =	strace $0x9FFFFFFF  }
0xc9: {  	(tm) =	ssettm $0x7FFFFFFF  }
tec
execute0_lowered:
.L_overlay_start_1:
0x0: {  	(tag) =	ssettag $0x1  }
0x1: {  	s1 =	rddreg [dreg:$0x0]  }
0x2: {  	s0 =	rddreg [dreg:$0x1]  }
0x3: {  	s3 =	rddreg [dreg:$0x2];
	s4 =	simm.s32 $0x0  }
0x4: {  	s2 =	srdreg.scid;
	s11 =	stileid.u32;
	s28 =	simm.s32 $0x4000  }
0x5: {  	s29 =	simm.s32 $0x4;
	s30 =	simm.s32 $0x2000;
	s31 =	simm.s32 $0x50  }
0x6: {  	[smem:$0x7FF] =	sst s4;
	s2 =	sand.u32 $0x1, s2;
	s5 =	smul.u32 $0x50000, s11  }
0x7: {  	s6 =	sadd.s32 $0x11A00, s0;
	s8 =	sadd.s32 $0x1A00, s0;
	s0 =	sadd.s32 $0x21A00, s0  }
0x8: {  	s17 =	sshll.u32 s11, $0xC;
	s18 =	smul.u32 $0x14000, s11;
	_ =	strace $0x8000004A  }
0x9: {  	s7 =	ssub.s32 $0x2, s2;
	s10 =	sshll.u32 s2, $0xB;
	s2 =	smul.u32 $0x140000, s2  }
0xa: {  	s9 =	sshrl.u32 s7, $0x1;
	s5 =	sshrl.u32 s5, $0x2;
	s23 =	sadd.s32 $0x4000, s18  }
0xb: {  	s13 =	sadd.s32 $0xC000, s18;
	s7 =	ssub.s32 s7, s9;
	s5 =	sadd.s32 s5, s3  }
0xc: {  	s9 =	sor.u32 s10, s17;
	s22 =	sadd.s32 s18, s2;
	s14 =	sadd.s32 $0x2800, s5  }
0xd: {  	s25 =	sadd.s32 s2, s23;
	s15 =	sadd.s32 $0x5000, s5;
	[dreg:$0x4] =	wrdreg s14  }
0xe: {  	s10 =	sadd.s32 $0x10000, s18;
	s16 =	sadd.s32 $0x7800, s5;
	[dreg:$0x5] =	wrdreg s15  }
0xf: {  	s23 =	sadd.s32 s23, s3;
	s12 =	sadd.s32 $0xA000, s5;
	[dreg:$0x6] =	wrdreg s16  }
0x10: {  	s19 =	sadd.s32 $0xC800, s5;
	s20 =	sadd.s32 s6, s9;
	[dreg:$0x7] =	wrdreg s12  }
0x11: {  	s21 =	sadd.s32 s8, s9;
	s9 =	sor.u32 $0x400, s9;
	[dreg:$0x8] =	wrdreg s19  }
0x12: {  	s24 =	sshrl.u32 s22, $0x3;
	s26 =	sshrl.u32 s25, $0x3;
	[dreg:$0x9] =	wrdreg s20  }
0x13: {  	s22 =	sadd.s32 s2, s13;
	s25 =	sadd.s32 s13, s3;
	[dreg:$0xa] =	wrdreg s21  }
0x14: {  	s6 =	sadd.s32 s6, s9;
	s14 =	sadd.s32 s8, s9;
	s15 =	sadd.s32 s0, s24  }
0x15: {  	s16 =	sadd.s32 s0, s26;
	s8 =	sadd.s32 $0x8000, s18;
	s11 =	sshrl.u32 s22, $0x3  }
0x16: {  	s20 =	sadd.s32 $0xF000, s5;
	s26 =	sadd.s32 s10, s3;
	s22 =	sshrl.u32 s23, $0x3  }
0x17: {  	[dreg:$0xb] =	wrdreg s6;
	s21 =	sadd.s32 s2, s8;
	s2 =	sadd.s32 s2, s10  }
0x18: {  	s18 =	sadd.s32 s0, s11;
	s24 =	sadd.s32 s8, s3;
	s6 =	simm.s32 $0x1  }
0x19: {  	s8 =	simm.s32 $0x2;
	s10 =	simm.s32 $0x3E00;
	s9 =	sshrl.u32 s21, $0x3  }
0x1a: {  	s2 =	sshrl.u32 s2, $0x3;
	s21 =	smax.u32 s7, $0x1;
	s23 =	sshrl.u32 s24, $0x3  }
0x1b: {  	s24 =	sshrl.u32 s25, $0x3;
	s25 =	sshrl.u32 s26, $0x3;
	s26 =	sadd.s32 $0x11800, s5  }
0x1c: {  	s7 =	simm.s32 $0x9000;
	s17 =	sadd.s32 s0, s9;
	s19 =	sadd.s32 s0, s2  }
0x1d: {  	v0 =	vimm.f32 $0.0e+00;
	s0 =	simm.s32 $0x80;
	s2 =	simm.s32 $0x6800;
	s9 =	simm.s32 $0x3  }
.LBB2_1:
0x1e: {  	s11 =	simm.s32 $0x0;
	s12 =	simm.s32 $0x200  }
.LBB2_2:
0x1f: {  	p0 =	sne.s32 s12, $0x9E00;
	[tilespmem:s11+$0x4070] =	vst v0  }
0x20: {  	[tilespmem:s11+$0x4000] =	vst v0  }
0x21: {  	[tilespmem:s11+$0x4010] =	vst v0  }
.Ltmp0:
0x22: {  	[tilespmem:s11+$0x4020] =	vst v0;
	(pc) =	sbr.rel @p0 .LBB2_2-.Ltmp0, $4  }
0x23: {  	[tilespmem:s11+$0x4030] =	vst v0  }
0x24: {  	[tilespmem:s11+$0x4040] =	vst v0  }
0x25: {  	[tilespmem:s11+$0x4050] =	vst v0  }
0x26: {  	[tilespmem:s11+$0x4060] =	vst v0;
	s11 =	sshra.s32 s12, $0x2;
	s12 =	sadd.s32 $0x200, s12  }
0x27: {  	[tilespmem:s11+$0x4070] =	vst v0  }
0x28: {  	[tilespmem:s11+$0x4000] =	vst v0  }
0x29: {  	[tilespmem:s11+$0x4010] =	vst v0  }
0x2a: {  	[tilespmem:s11+$0x4020] =	vst v0  }
0x2b: {  	[tilespmem:s11+$0x4030] =	vst v0  }
0x2c: {  	[tilespmem:s11+$0x4040] =	vst v0  }
0x2d: {  	[tilespmem:s11+$0x4050] =	vst v0  }
0x2e: {  	[tilespmem:s11+$0x4060] =	vst v0  }
0x2f: {  	[spmem:s5] =	stream.linear.scatter [tilespmem:s28], [sflag:$0x4], $0x2800, $0x38;
	[tilespmem:$0x1F800] =	vst v63  }
0x30: {  	_ =	swait.ge [sflag:s29], $0x2800  }
0x31: {  	[sflag:s29] =	ssyncset.done $0x0  }
0x32: {  	s12 =	rddreg [dreg:$0x4];
	[sflag:s29] =	ssyncadd.s32 $0xFFFFD800  }
0x33: {  	[spmem:s12] =	stream.linear.scatter [tilespmem:s28], [sflag:$0x4], $0x2800, $0x38;
	[tilespmem:$0x1F800] =	vst v63  }
0x34: {  	_ =	swait.ge [sflag:s29], $0x2800  }
0x35: {  	[sflag:s29] =	ssyncset.done $0x0  }
0x36: {  	s13 =	rddreg [dreg:$0x5];
	[sflag:s29] =	ssyncadd.s32 $0xFFFFD800  }
0x37: {  	[spmem:s13] =	stream.linear.scatter [tilespmem:s28], [sflag:$0x4], $0x2800, $0x38;
	[tilespmem:$0x1F800] =	vst v63  }
0x38: {  	_ =	swait.ge [sflag:s29], $0x2800  }
0x39: {  	[sflag:s29] =	ssyncset.done $0x0  }
0x3a: {  	s12 =	rddreg [dreg:$0x6];
	[sflag:s29] =	ssyncadd.s32 $0xFFFFD800  }
0x3b: {  	[spmem:s12] =	stream.linear.scatter [tilespmem:s28], [sflag:$0x4], $0x2800, $0x38;
	[tilespmem:$0x1F800] =	vst v63  }
0x3c: {  	_ =	swait.ge [sflag:s29], $0x2800  }
0x3d: {  	[sflag:s29] =	ssyncset.done $0x0  }
0x3e: {  	s13 =	rddreg [dreg:$0x7];
	[sflag:s29] =	ssyncadd.s32 $0xFFFFD800  }
0x3f: {  	[spmem:s13] =	stream.linear.scatter [tilespmem:s28], [sflag:$0x4], $0x2800, $0x38;
	[tilespmem:$0x1F800] =	vst v63  }
0x40: {  	_ =	swait.ge [sflag:s29], $0x2800  }
0x41: {  	[sflag:s29] =	ssyncset.done $0x0  }
0x42: {  	s12 =	rddreg [dreg:$0x8];
	[sflag:s29] =	ssyncadd.s32 $0xFFFFD800  }
0x43: {  	[spmem:s12] =	stream.linear.scatter [tilespmem:s28], [sflag:$0x4], $0x2800, $0x38;
	[tilespmem:$0x1F800] =	vst v63  }
0x44: {  	_ =	swait.ge [sflag:s29], $0x2800  }
0x45: {  	[sflag:s29] =	ssyncset.done $0x0  }
0x46: {  	[sflag:s29] =	ssyncadd.s32 $0xFFFFD800  }
0x47: {  	[spmem:s20] =	stream.linear.scatter [tilespmem:s28], [sflag:$0x4], $0x2800, $0x38;
	[tilespmem:$0x1F800] =	vst v63  }
0x48: {  	_ =	swait.ge [sflag:s29], $0x2800  }
0x49: {  	[sflag:s29] =	ssyncset.done $0x0  }
0x4a: {  	[sflag:s29] =	ssyncadd.s32 $0xFFFFD800  }
0x4b: {  	[spmem:s26] =	stream.linear.scatter [tilespmem:s28], [sflag:$0x4], $0x2800, $0x38;
	[tilespmem:$0x1F800] =	vst v63  }
0x4c: {  	_ =	swait.ge [sflag:s29], $0x2800  }
0x4d: {  	[sflag:s29] =	ssyncset.done $0x0  }
0x4e: {  	[sflag:s29] =	ssyncadd.s32 $0xFFFFD800  }
0x4f: {  	[bflag:$0x0] =	sbarrier.arrive $0xFFFF  }
0x50: {  	s11 =	simm.s32 $0x0;
	s12 =	rddreg [dreg:$0x9]  }
0x51: {  	[tilespmem:s11], [sflag:$0x4] =	stream.linear.gather [hbm4b:s12+s11], $0x2000, $0x38;
	[tilespmem:$0x1F800] =	vst v63  }
0x52: {  	_ =	swait.ge [sflag:s29], $0x2000  }
0x53: {  	[sflag:s29] =	ssyncset.done $0x0  }
0x54: {  	s13 =	rddreg [dreg:$0xa];
	[sflag:s29] =	ssyncadd.s32 $0xFFFFE000  }
0x55: {  	[tilespmem:s30], [sflag:$0x4] =	stream.linear.gather [hbm4b:s13+s11], $0x2000, $0x38;
	[tilespmem:$0x1F800] =	vst v63  }
0x56: {  	_ =	swait.ge [sflag:s29], $0x2000  }
0x57: {  	[sflag:s29] =	ssyncset.done $0x0  }
0x58: {  	[sflag:s29] =	ssyncadd.s32 $0xFFFFE000  }
0x59: {  	[tilespmem:s28], [sflag:$0x1] =	stream.indirect.gather [hbm4b:s1+s31], $0x80, s11, s31, $0xb8;
	[tilespmem:$0x1F800] =	vst v63  }
0x5a: {  	_ = 	snop  }
0x5b: {  	[tilespmem:s2], [sflag:$0x2] =	stream.indirect.gather [hbm4b:s1+s31], $0x80, s0, s31, $0xb8;
	[tilespmem:$0x1F800] =	vst v63  }
0x5c: {  	_ =	swait.ge [sflag:s6], $0x2800  }
0x5d: {  	[sflag:s6] =	ssyncset.done $0x0  }
0x5e: {  	s12 =	simm.s32 $0x100;
	[sflag:s6] =	ssyncadd.s32 $0xFFFFD800  }
0x5f: {  	[tilespmem:s7], [sflag:$0x3] =	stream.indirect.gather [hbm4b:s1+s31], $0x80, s12, s31, $0xb8;
	[tilespmem:$0x1F800] =	vst v63  }
0x60: {  	s13 =	simm.s32 $0x2000  }
0x61: {  	[spmem:s3] =	stream.indirect.scatter.add.f32 [tilespmem:s28], [sflag:$0x4], $0x80, s13, s31, $0xb8;
	[tilespmem:$0x1F800] =	vst v63  }
0x62: {  	_ =	swait.ge [sflag:s29], $0x2800  }
0x63: {  	[sflag:s29] =	ssyncset.done $0x0  }
0x64: {  	[sflag:s29] =	ssyncadd.s32 $0xFFFFD800  }
0x65: {  	_ =	swait.ge [sflag:s8], $0x2800  }
0x66: {  	[sflag:s8] =	ssyncset.done $0x0  }
0x67: {  	s12 =	simm.s32 $0x180;
	[sflag:s8] =	ssyncadd.s32 $0xFFFFD800  }
0x68: {  	[tilespmem:s28], [sflag:$0x1] =	stream.indirect.gather [hbm4b:s1+s31], $0x80, s12, s31, $0xb8;
	[tilespmem:$0x1F800] =	vst v63  }
0x69: {  	s13 =	simm.s32 $0x2080  }
0x6a: {  	[spmem:s3] =	stream.indirect.scatter.add.f32 [tilespmem:s2], [sflag:$0x4], $0x80, s13, s31, $0xb8;
	[tilespmem:$0x1F800] =	vst v63  }
0x6b: {  	_ =	swait.ge [sflag:s29], $0x2800  }
0x6c: {  	[sflag:s29] =	ssyncset.done $0x0  }
0x6d: {  	[sflag:s29] =	ssyncadd.s32 $0xFFFFD800  }
0x6e: {  	_ =	swait.ge [sflag:s9], $0x2800  }
0x6f: {  	[sflag:s9] =	ssyncset.done $0x0  }
0x70: {  	s12 =	simm.s32 $0x200;
	[sflag:s9] =	ssyncadd.s32 $0xFFFFD800  }
0x71: {  	[tilespmem:s2], [sflag:$0x2] =	stream.indirect.gather [hbm4b:s1+s31], $0x80, s12, s31, $0xb8;
	[tilespmem:$0x1F800] =	vst v63  }
0x72: {  	s13 =	simm.s32 $0x2100  }
0x73: {  	[spmem:s3] =	stream.indirect.scatter.add.f32 [tilespmem:s7], [sflag:$0x4], $0x80, s13, s31, $0xb8;
	[tilespmem:$0x1F800] =	vst v63  }
0x74: {  	_ =	swait.ge [sflag:s29], $0x2800  }
0x75: {  	s11 =	simm.s32 $0x600;
	[sflag:s29] =	ssyncset.done $0x0  }
.LBB2_4:
0x76: {  	p0 =	sne.s32 s11, $0x7200  }
0x77: {  	[sflag:s29] =	ssyncadd.s32 $0xFFFFD800;
	s12 =	smov.u32 s11;
	s11 =	sadd.s32 $0x600, s11  }
0x78: {  	_ = 	snop  }
0x79: {  	_ =	swait.ge [sflag:s6], $0x2800  }
0x7a: {  	s12 =	sshra.s32 s12, $0x2;
	[sflag:s6] =	ssyncset.done $0x0  }
0x7b: {  	s13 =	sadd.s32 $0x100, s12;
	[sflag:s6] =	ssyncadd.s32 $0xFFFFD800  }
0x7c: {  	[tilespmem:s7], [sflag:$0x3] =	stream.indirect.gather [hbm4b:s1+s31], $0x80, s13, s31, $0xb8;
	[tilespmem:$0x1F800] =	vst v63  }
0x7d: {  	s13 =	sadd.s32 $0x2000, s12  }
0x7e: {  	[spmem:s3] =	stream.indirect.scatter.add.f32 [tilespmem:s28], [sflag:$0x4], $0x80, s13, s31, $0xb8;
	[tilespmem:$0x1F800] =	vst v63  }
0x7f: {  	_ =	swait.ge [sflag:s29], $0x2800  }
0x80: {  	[sflag:s29] =	ssyncset.done $0x0  }
0x81: {  	[sflag:s29] =	ssyncadd.s32 $0xFFFFD800  }
0x82: {  	_ =	swait.ge [sflag:s8], $0x2800  }
0x83: {  	[sflag:s8] =	ssyncset.done $0x0  }
0x84: {  	s13 =	sadd.s32 $0x180, s12;
	[sflag:s8] =	ssyncadd.s32 $0xFFFFD800  }
0x85: {  	[tilespmem:s28], [sflag:$0x1] =	stream.indirect.gather [hbm4b:s1+s31], $0x80, s13, s31, $0xb8;
	[tilespmem:$0x1F800] =	vst v63  }
0x86: {  	s13 =	sadd.s32 $0x2080, s12  }
0x87: {  	[spmem:s3] =	stream.indirect.scatter.add.f32 [tilespmem:s2], [sflag:$0x4], $0x80, s13, s31, $0xb8;
	[tilespmem:$0x1F800] =	vst v63  }
0x88: {  	_ =	swait.ge [sflag:s29], $0x2800  }
0x89: {  	[sflag:s29] =	ssyncset.done $0x0  }
0x8a: {  	[sflag:s29] =	ssyncadd.s32 $0xFFFFD800  }
0x8b: {  	_ =	swait.ge [sflag:s9], $0x2800  }
0x8c: {  	[sflag:s9] =	ssyncset.done $0x0  }
0x8d: {  	s13 =	sadd.s32 $0x200, s12;
	[sflag:s9] =	ssyncadd.s32 $0xFFFFD800  }
0x8e: {  	[tilespmem:s2], [sflag:$0x2] =	stream.indirect.gather [hbm4b:s1+s31], $0x80, s13, s31, $0xb8;
	[tilespmem:$0x1F800] =	vst v63  }
.Ltmp1:
0x8f: {  	_ = 	snop;
	(pc) =	sbr.rel @p0 .LBB2_4-.Ltmp1, $4  }
0x90: {  	s12 =	sadd.s32 $0x2100, s12  }
0x91: {  	[spmem:s3] =	stream.indirect.scatter.add.f32 [tilespmem:s7], [sflag:$0x4], $0x80, s12, s31, $0xb8;
	[tilespmem:$0x1F800] =	vst v63  }
0x92: {  	_ =	swait.ge [sflag:s29], $0x2800  }
0x93: {  	[sflag:s29] =	ssyncset.done $0x0  }
0x94: {  	[sflag:s29] =	ssyncadd.s32 $0xFFFFD800  }
0x95: {  	_ =	swait.ge [sflag:s6], $0x2800  }
0x96: {  	[sflag:s6] =	ssyncset.done $0x0  }
0x97: {  	s11 =	simm.s32 $0x1F00;
	[sflag:s6] =	ssyncadd.s32 $0xFFFFD800  }
0x98: {  	[tilespmem:s7], [sflag:$0x3] =	stream.indirect.gather [hbm4b:s1+s31], $0x80, s11, s31, $0xb8;
	[tilespmem:$0x1F800] =	vst v63  }
0x99: {  	_ = 	snop  }
0x9a: {  	[spmem:s3] =	stream.indirect.scatter.add.f32 [tilespmem:s28], [sflag:$0x4], $0x80, s10, s31, $0xb8;
	[tilespmem:$0x1F800] =	vst v63  }
0x9b: {  	_ =	swait.ge [sflag:s29], $0x2800  }
0x9c: {  	[sflag:s29] =	ssyncset.done $0x0  }
0x9d: {  	[sflag:s29] =	ssyncadd.s32 $0xFFFFD800  }
0x9e: {  	_ =	swait.ge [sflag:s8], $0x2800  }
0x9f: {  	[sflag:s8] =	ssyncset.done $0x0  }
0xa0: {  	s13 =	simm.s32 $0x1F80;
	[sflag:s8] =	ssyncadd.s32 $0xFFFFD800  }
0xa1: {  	[tilespmem:s28], [sflag:$0x1] =	stream.indirect.gather [hbm4b:s1+s31], $0x80, s13, s31, $0xb8;
	[tilespmem:$0x1F800] =	vst v63  }
0xa2: {  	s12 =	simm.s32 $0x3E80  }
0xa3: {  	[spmem:s3] =	stream.indirect.scatter.add.f32 [tilespmem:s2], [sflag:$0x4], $0x80, s12, s31, $0xb8;
	[tilespmem:$0x1F800] =	vst v63  }
0xa4: {  	_ =	swait.ge [sflag:s29], $0x2800  }
0xa5: {  	[sflag:s29] =	ssyncset.done $0x0  }
0xa6: {  	[sflag:s29] =	ssyncadd.s32 $0xFFFFD800  }
0xa7: {  	_ =	swait.ge [sflag:s9], $0x2800  }
0xa8: {  	[sflag:s9] =	ssyncset.done $0x0  }
0xa9: {  	s13 =	simm.s32 $0x3F00;
	[sflag:s9] =	ssyncadd.s32 $0xFFFFD800  }
0xaa: {  	[spmem:s3] =	stream.indirect.scatter.add.f32 [tilespmem:s7], [sflag:$0x4], $0x80, s13, s31, $0xb8;
	[tilespmem:$0x1F800] =	vst v63  }
0xab: {  	_ =	swait.ge [sflag:s29], $0x2800  }
0xac: {  	[sflag:s29] =	ssyncset.done $0x0  }
0xad: {  	[sflag:s29] =	ssyncadd.s32 $0xFFFFD800  }
0xae: {  	_ =	swait.ge [sflag:s6], $0x2800  }
0xaf: {  	[sflag:s6] =	ssyncset.done $0x0  }
0xb0: {  	s12 =	simm.s32 $0x3F80;
	[sflag:s6] =	ssyncadd.s32 $0xFFFFD800  }
0xb1: {  	[spmem:s3] =	stream.indirect.scatter.add.f32 [tilespmem:s28], [sflag:$0x4], $0x80, s12, s31, $0xb8;
	[tilespmem:$0x1F800] =	vst v63  }
0xb2: {  	_ =	swait.ge [sflag:s29], $0x2800  }
0xb3: {  	[sflag:s29] =	ssyncset.done $0x0  }
0xb4: {  	s13 =	simm.s32 $0x0;
	s12 =	rddreg [dreg:$0xb];
	[sflag:s29] =	ssyncadd.s32 $0xFFFFD800  }
0xb5: {  	[tilespmem:s13], [sflag:$0x4] =	stream.linear.gather [hbm4b:s12+s13], $0x1E80, $0x38;
	[tilespmem:$0x1F800] =	vst v63  }
0xb6: {  	_ =	swait.ge [sflag:s29], $0x1E80  }
0xb7: {  	[sflag:s29] =	ssyncset.done $0x0  }
0xb8: {  	[sflag:s29] =	ssyncadd.s32 $0xFFFFE180  }
0xb9: {  	[tilespmem:s30], [sflag:$0x4] =	stream.linear.gather [hbm4b:s14+s13], $0x1E80, $0x38;
	[tilespmem:$0x1F800] =	vst v63  }
0xba: {  	_ =	swait.ge [sflag:s29], $0x1E80  }
0xbb: {  	[sflag:s29] =	ssyncset.done $0x0  }
0xbc: {  	[sflag:s29] =	ssyncadd.s32 $0xFFFFE180  }
0xbd: {  	[tilespmem:s28], [sflag:$0x1] =	stream.indirect.gather [hbm4b:s1+s31], $0x80, s13, s31, $0xb8;
	[tilespmem:$0x1F800] =	vst v63  }
0xbe: {  	_ = 	snop  }
0xbf: {  	[tilespmem:s2], [sflag:$0x2] =	stream.indirect.gather [hbm4b:s1+s31], $0x80, s0, s31, $0xb8;
	[tilespmem:$0x1F800] =	vst v63  }
0xc0: {  	_ =	swait.ge [sflag:s6], $0x2800  }
0xc1: {  	[sflag:s6] =	ssyncset.done $0x0  }
0xc2: {  	s12 =	simm.s32 $0x100;
	[sflag:s6] =	ssyncadd.s32 $0xFFFFD800  }
0xc3: {  	[tilespmem:s7], [sflag:$0x3] =	stream.indirect.gather [hbm4b:s1+s31], $0x80, s12, s31, $0xb8;
	[tilespmem:$0x1F800] =	vst v63  }
0xc4: {  	s13 =	simm.s32 $0x2000  }
0xc5: {  	[spmem:s3] =	stream.indirect.scatter.add.f32 [tilespmem:s28], [sflag:$0x4], $0x80, s13, s31, $0xb8;
	[tilespmem:$0x1F800] =	vst v63  }
0xc6: {  	_ =	swait.ge [sflag:s29], $0x2800  }
0xc7: {  	[sflag:s29] =	ssyncset.done $0x0  }
0xc8: {  	[sflag:s29] =	ssyncadd.s32 $0xFFFFD800  }
0xc9: {  	_ =	swait.ge [sflag:s8], $0x2800  }
0xca: {  	[sflag:s8] =	ssyncset.done $0x0  }
0xcb: {  	s12 =	simm.s32 $0x180;
	[sflag:s8] =	ssyncadd.s32 $0xFFFFD800  }
0xcc: {  	[tilespmem:s28], [sflag:$0x1] =	stream.indirect.gather [hbm4b:s1+s31], $0x80, s12, s31, $0xb8;
	[tilespmem:$0x1F800] =	vst v63  }
0xcd: {  	s13 =	simm.s32 $0x2080  }
0xce: {  	[spmem:s3] =	stream.indirect.scatter.add.f32 [tilespmem:s2], [sflag:$0x4], $0x80, s13, s31, $0xb8;
	[tilespmem:$0x1F800] =	vst v63  }
0xcf: {  	_ =	swait.ge [sflag:s29], $0x2800  }
0xd0: {  	[sflag:s29] =	ssyncset.done $0x0  }
0xd1: {  	[sflag:s29] =	ssyncadd.s32 $0xFFFFD800  }
0xd2: {  	_ =	swait.ge [sflag:s9], $0x2800  }
0xd3: {  	[sflag:s9] =	ssyncset.done $0x0  }
0xd4: {  	s12 =	simm.s32 $0x200;
	[sflag:s9] =	ssyncadd.s32 $0xFFFFD800  }
0xd5: {  	[tilespmem:s2], [sflag:$0x2] =	stream.indirect.gather [hbm4b:s1+s31], $0x80, s12, s31, $0xb8;
	[tilespmem:$0x1F800] =	vst v63  }
0xd6: {  	s13 =	simm.s32 $0x2100  }
0xd7: {  	[spmem:s3] =	stream.indirect.scatter.add.f32 [tilespmem:s7], [sflag:$0x4], $0x80, s13, s31, $0xb8;
	[tilespmem:$0x1F800] =	vst v63  }
0xd8: {  	_ =	swait.ge [sflag:s29], $0x2800  }
0xd9: {  	s11 =	simm.s32 $0x600;
	[sflag:s29] =	ssyncset.done $0x0  }
.LBB2_6:
0xda: {  	p0 =	sne.s32 s11, $0x6C00  }
0xdb: {  	[sflag:s29] =	ssyncadd.s32 $0xFFFFD800;
	s12 =	smov.u32 s11;
	s11 =	sadd.s32 $0x600, s11  }
0xdc: {  	_ = 	snop  }
0xdd: {  	_ =	swait.ge [sflag:s6], $0x2800  }
0xde: {  	s12 =	sshra.s32 s12, $0x2;
	[sflag:s6] =	ssyncset.done $0x0  }
0xdf: {  	s13 =	sadd.s32 $0x100, s12;
	[sflag:s6] =	ssyncadd.s32 $0xFFFFD800  }
0xe0: {  	[tilespmem:s7], [sflag:$0x3] =	stream.indirect.gather [hbm4b:s1+s31], $0x80, s13, s31, $0xb8;
	[tilespmem:$0x1F800] =	vst v63  }
0xe1: {  	s13 =	sadd.s32 $0x2000, s12  }
0xe2: {  	[spmem:s3] =	stream.indirect.scatter.add.f32 [tilespmem:s28], [sflag:$0x4], $0x80, s13, s31, $0xb8;
	[tilespmem:$0x1F800] =	vst v63  }
0xe3: {  	_ =	swait.ge [sflag:s29], $0x2800  }
0xe4: {  	[sflag:s29] =	ssyncset.done $0x0  }
0xe5: {  	[sflag:s29] =	ssyncadd.s32 $0xFFFFD800  }
0xe6: {  	_ =	swait.ge [sflag:s8], $0x2800  }
0xe7: {  	[sflag:s8] =	ssyncset.done $0x0  }
0xe8: {  	s13 =	sadd.s32 $0x180, s12;
	[sflag:s8] =	ssyncadd.s32 $0xFFFFD800  }
0xe9: {  	[tilespmem:s28], [sflag:$0x1] =	stream.indirect.gather [hbm4b:s1+s31], $0x80, s13, s31, $0xb8;
	[tilespmem:$0x1F800] =	vst v63  }
0xea: {  	s13 =	sadd.s32 $0x2080, s12  }
0xeb: {  	[spmem:s3] =	stream.indirect.scatter.add.f32 [tilespmem:s2], [sflag:$0x4], $0x80, s13, s31, $0xb8;
	[tilespmem:$0x1F800] =	vst v63  }
0xec: {  	_ =	swait.ge [sflag:s29], $0x2800  }
0xed: {  	[sflag:s29] =	ssyncset.done $0x0  }
0xee: {  	[sflag:s29] =	ssyncadd.s32 $0xFFFFD800  }
0xef: {  	_ =	swait.ge [sflag:s9], $0x2800  }
0xf0: {  	[sflag:s9] =	ssyncset.done $0x0  }
0xf1: {  	s13 =	sadd.s32 $0x200, s12;
	[sflag:s9] =	ssyncadd.s32 $0xFFFFD800  }
0xf2: {  	[tilespmem:s2], [sflag:$0x2] =	stream.indirect.gather [hbm4b:s1+s31], $0x80, s13, s31, $0xb8;
	[tilespmem:$0x1F800] =	vst v63  }
.Ltmp2:
0xf3: {  	_ = 	snop;
	(pc) =	sbr.rel @p0 .LBB2_6-.Ltmp2, $4  }
0xf4: {  	s12 =	sadd.s32 $0x2100, s12  }
0xf5: {  	[spmem:s3] =	stream.indirect.scatter.add.f32 [tilespmem:s7], [sflag:$0x4], $0x80, s12, s31, $0xb8;
	[tilespmem:$0x1F800] =	vst v63  }
0xf6: {  	_ =	swait.ge [sflag:s29], $0x2800  }
0xf7: {  	[sflag:s29] =	ssyncset.done $0x0  }
0xf8: {  	[sflag:s29] =	ssyncadd.s32 $0xFFFFD800  }
0xf9: {  	_ =	swait.ge [sflag:s6], $0x2800  }
0xfa: {  	[sflag:s6] =	ssyncset.done $0x0  }
0xfb: {  	s11 =	simm.s32 $0x1D80;
	[sflag:s6] =	ssyncadd.s32 $0xFFFFD800  }
0xfc: {  	[tilespmem:s7], [sflag:$0x3] =	stream.indirect.gather [hbm4b:s1+s31], $0x80, s11, s31, $0xb8;
	[tilespmem:$0x1F800] =	vst v63  }
0xfd: {  	s13 =	simm.s32 $0x3C80  }
0xfe: {  	[spmem:s3] =	stream.indirect.scatter.add.f32 [tilespmem:s28], [sflag:$0x4], $0x80, s13, s31, $0xb8;
	[tilespmem:$0x1F800] =	vst v63  }
0xff: {  	_ =	swait.ge [sflag:s29], $0x2800  }
0x100: {  	[sflag:s29] =	ssyncset.done $0x0  }
0x101: {  	[sflag:s29] =	ssyncadd.s32 $0xFFFFD800  }
0x102: {  	_ =	swait.ge [sflag:s8], $0x2800  }
0x103: {  	[sflag:s8] =	ssyncset.done $0x0  }
0x104: {  	s12 =	simm.s32 $0x1E00;
	[sflag:s8] =	ssyncadd.s32 $0xFFFFD800  }
0x105: {  	[tilespmem:s28], [sflag:$0x1] =	stream.indirect.gather [hbm4b:s1+s31], $0x80, s12, s31, $0xb8;
	[tilespmem:$0x1F800] =	vst v63  }
0x106: {  	s13 =	simm.s32 $0x3D00  }
0x107: {  	[spmem:s3] =	stream.indirect.scatter.add.f32 [tilespmem:s2], [sflag:$0x4], $0x80, s13, s31, $0xb8;
	[tilespmem:$0x1F800] =	vst v63  }
0x108: {  	_ =	swait.ge [sflag:s29], $0x2800  }
0x109: {  	[sflag:s29] =	ssyncset.done $0x0  }
0x10a: {  	[sflag:s29] =	ssyncadd.s32 $0xFFFFD800  }
0x10b: {  	_ =	swait.ge [sflag:s9], $0x2800  }
0x10c: {  	[sflag:s9] =	ssyncset.done $0x0  }
0x10d: {  	s12 =	simm.s32 $0x3D80;
	[sflag:s9] =	ssyncadd.s32 $0xFFFFD800  }
0x10e: {  	[spmem:s3] =	stream.indirect.scatter.add.f32 [tilespmem:s7], [sflag:$0x4], $0x80, s12, s31, $0xb8;
	[tilespmem:$0x1F800] =	vst v63  }
0x10f: {  	_ =	swait.ge [sflag:s29], $0x2800  }
0x110: {  	[sflag:s29] =	ssyncset.done $0x0  }
0x111: {  	[sflag:s29] =	ssyncadd.s32 $0xFFFFD800  }
0x112: {  	_ =	swait.ge [sflag:s6], $0x2800  }
0x113: {  	[sflag:s6] =	ssyncset.done $0x0  }
0x114: {  	[sflag:s6] =	ssyncadd.s32 $0xFFFFD800  }
0x115: {  	[spmem:s3] =	stream.indirect.scatter.add.f32 [tilespmem:s28], [sflag:$0x4], $0x80, s10, s31, $0xb8;
	[tilespmem:$0x1F800] =	vst v63  }
0x116: {  	_ =	swait.ge [sflag:s29], $0x2800  }
0x117: {  	s13 =	stileid.u32;
	[sflag:s29] =	ssyncset.done $0x0  }
0x118: {  	s11 =	sshll.u32 s13, $0x6;
	[sflag:s29] =	ssyncadd.s32 $0xFFFFD800  }
0x119: {  	s11 =	sor.u32 $0x1C04, s11;
	s12 =	sshrl.u32 s5, $0x3;
	[bflag:$0x0] =	sbarrier.arrive $0xFFFF  }
0x11a: {  	[hbm:s15], [sflag:s11] =	dma.local [spmem:s12], $0x800  }
0x11b: {  	_ =	swait.ge [sflag:s29], $0x800  }
0x11c: {  	[sflag:s29] =	ssyncset.done $0x0  }
0x11d: {  	[sflag:s29] =	ssyncadd.s32 $0xFFFFF800  }
0x11e: {  	[hbm:s16], [sflag:s11] =	dma.local [spmem:s22], $0x800  }
0x11f: {  	_ =	swait.ge [sflag:s29], $0x800  }
0x120: {  	[sflag:s29] =	ssyncset.done $0x0  }
0x121: {  	[sflag:s29] =	ssyncadd.s32 $0xFFFFF800  }
0x122: {  	[hbm:s17], [sflag:s11] =	dma.local [spmem:s23], $0x800  }
0x123: {  	_ =	swait.ge [sflag:s29], $0x800  }
0x124: {  	[sflag:s29] =	ssyncset.done $0x0  }
0x125: {  	[sflag:s29] =	ssyncadd.s32 $0xFFFFF800  }
0x126: {  	[hbm:s18], [sflag:s11] =	dma.local [spmem:s24], $0x800  }
0x127: {  	s4 =	sadd.s32 $0x1, s4;
	_ =	swait.ge [sflag:s29], $0x800  }
0x128: {  	p0 =	sne.s32 s4, s21;
	[sflag:s29] =	ssyncset.done $0x0  }
.Ltmp3:
0x129: {  	[sflag:s29] =	ssyncadd.s32 $0xFFFFF800;
	(pc) =	sbr.rel @p0 .LBB2_1-.Ltmp3, $4  }
0x12a: {  	[hbm:s19], [sflag:s11] =	dma.local [spmem:s25], $0x800  }
0x12b: {  	_ =	swait.ge [sflag:s29], $0x800  }
0x12c: {  	[sflag:s29] =	ssyncset.done $0x0  }
0x12d: {  	[sflag:s29] =	ssyncadd.s32 $0xFFFFF800  }
0x12e: {  	_ =	sfence.sel $0x180000  }
0x12f: {  	[bflag:$0x0] =	sbarrier.arrive $0xFFFF  }
0x130: {  	_ =	strace $0x9000004A  }
0x131: {  	s0 =	stileid.u32;
	[bflag:$0x2] =	sbarrier.arrive $0xFFFF  }
0x132: {  	p0 =	sne.s32 s0, $0x0;
	s0 =	rddreg [dreg:$0x3]  }
0x133: {  	s0 =	sadd.s32 @!p0 $0x100000, s0  }
0x134: {  	[sflag:s0] =	ssyncadd.tile.s32 @!p0 $0x1;
	_ =	shalt  }
.Lfunc_end2:
_tile_overlayer_lowered:
.L_overlay_start_2:
0x135: {  	(tag) =	ssettag $0x2  }
0x136: {  	s0 =	rddreg [dreg:$0x0];
	s2 =	stileid.u32  }
0x137: {  	s1 =	rddreg [dreg:$0x1];
	p0 =	sne.s32 s2, $0x0  }
0x138: {  	s3 =	rddreg [dreg:$0x2];
	[bflag:$0x3] =	sbarrier.arrive $0xFFFF;
	s2 =	simm.s32 @!p0 $0x1C04  }
0x139: {  	[timem:s3], [sflag:s2] =	dma.local @!p0 [hbm:s0], s1  }
0x13a: {  	s0 =	simm.s32 @!p0 $0x4  }
0x13b: {  	_ =	swait.ge @!p0 [sflag:s0], s1  }
0x13c: {  	s1 =	ssub.s32 @!p0 $0x0, s1;
	[sflag:s0] =	ssyncset.done @!p0 $0x0  }
0x13d: {  	[sflag:s0] =	ssyncadd.s32 @!p0 s1  }
0x13e: {  	[bflag:$0x3] =	sbarrier.arrive $0xFFFF  }
0x13f: {  	_ =	shalt  }

// kernel: kernel.14.cloned.1.call-start
scs
__scs_entry_jumppad:
0x0: {  	(pc) =	sbr.rel $0x88, $3  }
0x1: {  	(tag) =	ssettag $0x0;
	lr =	simm.s32 $0x1  }
0x2: {  	[smem:$0x3F9B] =	sst lr;
	_ =	strace $0xD0000000  }
0x3: {  	_ = 	snop  }
0x4: {  	_ = 	snop  }
0x5: {  	_ = 	snop  }
0x6: {  	_ = 	snop  }
0x7: {  	_ = 	snop  }
__scs_overlays_trampoline_lowered:
0x8: {  	[smem:$0x3FAA] =	sst s0  }
0x9: {  	[smem:$0x3FAB] =	sst s1  }
0xa: {  	[smem:$0x3FAC] =	sst s2  }
0xb: {  	[smem:$0x3FAD] =	sst s3  }
0xc: {  	[smem:$0x3FAE] =	sst s4  }
0xd: {  	[smem:$0x3FAF] =	sst s5  }
0xe: {  	[smem:$0x3FB0] =	sst s6  }
0xf: {  	[smem:$0x3FB1] =	sst s7  }
0x10: {  	[smem:$0x3FB2] =	sst s8  }
0x11: {  	[smem:$0x3FB3] =	sst s9;
	s0 =	simm.s32 @!p0 $0x0  }
0x12: {  	s1 =	sld [smem:$0x3F99];
	s0 =	simm.s32 @p0 $0x1  }
0x13: {  	[smem:$0x3FB4] =	sst s0;
	s0 =	simm.s32 @!p1 $0x0  }
0x14: {  	s2 =	sld [smem:$0x3F98];
	s0 =	simm.s32 @p1 $0x1  }
0x15: {  	[smem:$0x3FB5] =	sst s0;
	s0 =	simm.s32 @!p2 $0x0  }
0x16: {  	s3 =	sld [smem:$0x3FDB];
	s0 =	simm.s32 @p2 $0x1  }
0x17: {  	s4 =	simm.s32 $0x1BF5;
	[smem:$0x3FB7] =	sst s0  }
0x18: {  	s0 =	sld [smem:$0x3F9A];
	_ =	swait.ge [sflag:s4], $0x0  }
0x19: {  	s7 =	sld [smem:$0x3F9B]  }
0x1a: {  	s8 =	sadd.s32 $0xFFFFE003, lr  }
0x1b: {  	s9 =	sadd.s32 $0xFFFFFEF7, lr;
	s5 =	simm.s32 $0xFFFFFFFF;
	p2 =	slt.u32 s8, $0xFFFFF086  }
0x1c: {  	p1 =	slt.u32 s9, $0xF7A;
	s5 =	simm.s32 @!p2 $0x0  }
0x1d: {  	s5 =	simm.s32 @p1 $0x1;
	p0 =	seq.s32 s7, s2  }
0x1e: {  	s7 =	smul.u32 @!p0 $0xF7A, s2;
	p2 =	seq.s32 @!p0 s5, $0x0  }
0x1f: {  	s9 =	smul.u32 $0xF7A, s1;
	s8 =	simm.s32 @!p0 $0x1BF5;
	p2 =	por !p2, p0  }
0x20: {  	[sflag:s8] =	ssyncset.s32 @!p0 $0xFFFFF086;
	s6 =	sadd.s32 @!p0 s3, s7;
	s7 =	simm.s32 @!p0 $0x108  }
0x21: {  	s3 =	sadd.s32 s3, s9;
	s6 =	sadd.s32 @!p0 $0x88, s6;
	s7 =	simm.s32 @p2 $0x1082  }
0x22: {  	[simem:s7], [sflag:s8] =	dma.local @!p0 [hbm:s6], $0xF7A  }
0x23: {  	s9 =	sor.u32 $0xD0000000, s2;
	s6 =	simm.s32 $0x108;
	_ =	swait.ge @!p0 [sflag:s8], $0x0  }
0x24: {  	s3 =	sadd.s32 $0x88, s3;
	s6 =	simm.s32 @!p1 $0x1082;
	[sflag:s4] =	ssyncset.s32 $0xFFFFF086  }
0x25: {  	[simem:s6], [sflag:s4] =	dma.local [hbm:s3], $0xF7A  }
0x26: {  	[smem:$0x3F9B] =	sst s1;
	(tag) =	ssettag s2;
	_ =	strace s9  }
0x27: {  	s1 =	sld [smem:$0x3FAB]  }
0x28: {  	s2 =	sld [smem:$0x3FAC]  }
0x29: {  	s4 =	sld [smem:$0x3FAE]  }
0x2a: {  	p0 =	seq.s32 s5, $0x0;
	s5 =	sld [smem:$0x3FAF]  }
0x2b: {  	s6 =	sld [smem:$0x3FB0]  }
0x2c: {  	s7 =	sld [smem:$0x3FB1]  }
0x2d: {  	s3 =	simm.s32 $0x108;
	s8 =	sld [smem:$0x3FB2]  }
0x2e: {  	s3 =	simm.s32 @!p0 $0x1082;
	s9 =	sld [smem:$0x3FB3]  }
0x2f: {  	lr =	sadd.s32 s0, s3;
	s0 =	sld [smem:$0x3FAA]  }
0x30: {  	s3 =	sld [smem:$0x3FAD]  }
0x31: {  	[smem:$0x3FB6] =	sst s10  }
0x32: {  	s10 =	sld [smem:$0x3FB4];
	_ =	sdelay $0x3  }
0x33: {  	p0 =	seq.s32 s10, $0x1;
	s10 =	sld [smem:$0x3FB6];
	_ =	sdelay $0x3  }
0x34: {  	[smem:$0x3FB6] =	sst s10  }
0x35: {  	s10 =	sld [smem:$0x3FB5];
	_ =	sdelay $0x3  }
0x36: {  	p1 =	seq.s32 s10, $0x1;
	s10 =	sld [smem:$0x3FB6];
	_ =	sdelay $0x3  }
0x37: {  	[smem:$0x3FB6] =	sst s10  }
0x38: {  	s10 =	sld [smem:$0x3FB7]  }
0x39: {  	_ = 	snop;
	(pc) =	sbr.ind lr, $3  }
0x3a: {  	_ = 	snop  }
0x3b: {  	_ = 	snop  }
0x3c: {  	p2 =	seq.s32 s10, $0x1;
	s10 =	sld [smem:$0x3FB6]  }
0x3d: {  	_ =	shalt  }
0x3e: {  	_ =	shalt  }
0x3f: {  	_ =	shalt  }
0x40: {  	_ =	shalt  }
0x41: {  	_ =	shalt  }
0x42: {  	_ =	shalt  }
0x43: {  	_ =	shalt  }
0x44: {  	_ =	shalt  }
0x45: {  	_ =	shalt  }
0x46: {  	_ =	shalt  }
0x47: {  	_ =	shalt  }
0x48: {  	_ =	shalt  }
0x49: {  	_ =	shalt  }
0x4a: {  	_ =	shalt  }
0x4b: {  	_ =	shalt  }
0x4c: {  	_ =	shalt  }
0x4d: {  	_ =	shalt  }
0x4e: {  	_ =	shalt  }
0x4f: {  	_ =	shalt  }
0x50: {  	_ =	shalt  }
0x51: {  	_ =	shalt  }
0x52: {  	_ =	shalt  }
0x53: {  	_ =	shalt  }
0x54: {  	_ =	shalt  }
0x55: {  	_ =	shalt  }
0x56: {  	_ =	shalt  }
0x57: {  	_ =	shalt  }
0x58: {  	_ =	shalt  }
0x59: {  	_ =	shalt  }
0x5a: {  	_ =	shalt  }
0x5b: {  	_ =	shalt  }
0x5c: {  	_ =	shalt  }
0x5d: {  	_ =	shalt  }
0x5e: {  	_ =	shalt  }
0x5f: {  	_ =	shalt  }
0x60: {  	_ =	shalt  }
0x61: {  	_ =	shalt  }
0x62: {  	_ =	shalt  }
0x63: {  	_ =	shalt  }
0x64: {  	_ =	shalt  }
0x65: {  	_ =	shalt  }
0x66: {  	_ =	shalt  }
0x67: {  	_ =	shalt  }
0x68: {  	_ =	shalt  }
0x69: {  	_ =	shalt  }
0x6a: {  	_ =	shalt  }
0x6b: {  	_ =	shalt  }
0x6c: {  	_ =	shalt  }
0x6d: {  	_ =	shalt  }
0x6e: {  	_ =	shalt  }
0x6f: {  	_ =	shalt  }
0x70: {  	_ =	shalt  }
0x71: {  	_ =	shalt  }
0x72: {  	_ =	shalt  }
0x73: {  	_ =	shalt  }
0x74: {  	_ =	shalt  }
0x75: {  	_ =	shalt  }
0x76: {  	_ =	shalt  }
0x77: {  	_ =	shalt  }
0x78: {  	_ =	shalt  }
0x79: {  	_ =	shalt  }
0x7a: {  	_ =	shalt  }
0x7b: {  	_ =	shalt  }
0x7c: {  	_ =	shalt  }
0x7d: {  	_ =	shalt  }
0x7e: {  	_ =	shalt  }
0x7f: {  	_ =	shalt  }
0x80: {  	_ =	shalt  }
0x81: {  	_ =	shalt  }
0x82: {  	_ =	shalt  }
0x83: {  	_ =	shalt  }
0x84: {  	_ =	shalt  }
0x85: {  	_ =	shalt  }
0x86: {  	_ =	shalt  }
0x87: {  	_ =	shalt  }
.Lfunc_end0:
.L_simem_size_0:
called_computation.2_lowered:
.L_overlay_start_0:
0x88: {  	s2 =	sld [smem:$0x3FD9]  }
0x89: {  	s3 =	sld [smem:$0x3FFE];
	_ =	sdelay $0x1  }
0x8a: {  	s1 =	srdreg.scid  }
0x8b: {  	s0 =	sand.u32 $0x1, s1  }
0x8c: {  	s14 =	sshll.u32 s0, $0xA;
	s2 =	sadd.s32 s3, s2  }
0x8d: {  	s2 =	sadd.s32 s2, s14  }
0x8e: {  	[smem:$0x3FC2] =	sst s2  }
0x8f: {  	_ = 	snop  }
0x90: {  	s2 =	sld [smem:$0x3FD0];
	_ =	sdelay $0x2  }
0x91: {  	s15 =	simm.s32 $0xA;
	s4 =	simm.s32 $0x10  }
0x92: {  	[smem:s4], [sflag:s15] =	dma.local [hbm:s2], $0x1  }
0x93: {  	_ =	swait.eq [sflag:s15], $0x1  }
0x94: {  	[sflag:s15] =	ssyncset.done $0x0  }
0x95: {  	[sflag:s15] =	ssyncadd.s32 $0xFFFFFFFF  }
0x96: {  	s16 =	sld [smem:$0x11];
	(tm) =	ssettm $0x1  }
0x97: {  	s17 =	sld [smem:$0x3FFB];
	_ =	sdelay $0x3  }
0x98: {  	_ =	strace s17  }
0x99: {  	s3 =	sld [smem:$0x3FFC];
	_ =	sdelay $0x3  }
0x9a: {  	_ =	strace s3  }
0x9b: {  	s3 =	sld [smem:$0x3FFD];
	_ =	sdelay $0x3  }
0x9c: {  	_ =	strace s3  }
0x9d: {  	_ =	strace $0x8FFFFFFF  }
0x9e: {  	s18 =	sld [smem:$0x3FDB];
	_ =	sdelay $0x1  }
0x9f: {  	s19 =	simm.s32 $_scs_section_size  }
0xa0: {  	s5 =	simm.s32 $_size__tile_overlayer_lowered;
	s6 =	simm.s32 $_tile_overlayer_lowered  }
0xa1: {  	s22 =	simm.s32 $0x1BFF;
	s21 =	sshll.u32 s6, $0x1;
	s3 =	sadd.s32 s19, s18  }
0xa2: {  	s7 =	simm.s32 $0x0;
	s20 =	sshll.u32 s5, $0x1;
	s5 =	sadd.s32 s21, s3  }
0xa3: {  	[timem:s7], [sflag:s22] =	dma.local [hbm:s5], s20  }
0xa4: {  	_ =	swait.ge [sflag:s22], s20  }
0xa5: {  	s4 =	ssub.s32 $0x0, s20;
	[sflag:s22] =	ssyncset.done $0x0  }
0xa6: {  	[sflag:s22] =	ssyncadd.s32 s4;
	_ =	sdelay $0x1  }
0xa7: {  	s23 =	simm.s32 $0x1B8B  }
0xa8: {  	_ =	swait.ge [sflag:s23], $0x1  }
0xa9: {  	[sflag:s23] =	ssyncset.done $0x0  }
0xaa: {  	s25 =	simm.s32 $0x1B8E;
	s24 =	sld [smem:$0x3FFE];
	[sflag:s23] =	ssyncadd.s32 $0xFFFFFFFF  }
0xab: {  	s26 =	simm.s32 $execute0_lowered;
	[smem:$0x3FD2] =	sst s25  }
0xac: {  	s5 =	sshll.u32 s26, $0x1;
	_ =	strace $0x8000004C;
	[dreg:$0x1] =	wrdreg $0xFFFFFFFF  }
0xad: {  	s28 =	simm.s32 $_size_execute0_lowered;
	s3 =	sadd.s32 s3, s5;
	[dreg:$0x0] =	wrdreg $0x0  }
0xae: {  	s5 =	sshll.u32 s28, $0x1;
	[dreg:$0x2] =	wrdreg s3  }
0xaf: {  	[dreg:$0x3] =	wrdreg s5  }
0xb0: {  	[dreg:$0x4] =	wrdreg $0xC0  }
0xb1: {  	_ =	task [dreg:s7], $0x5FFFF  }
0xb2: {  	[dreg:$0x1] =	wrdreg $0xFFFFFFFF  }
0xb3: {  	[dreg:$0x0] =	wrdreg $0x60  }
0xb4: {  	[dreg:$0x2] =	wrdreg s16  }
0xb5: {  	[dreg:$0x3] =	wrdreg s24  }
0xb6: {  	[dreg:$0x4] =	wrdreg $0xB8000  }
0xb7: {  	[dreg:$0x5] =	wrdreg $0x9  }
0xb8: {  	_ =	task.clear_ibuf [dreg:s7], $0x6FFFF;
	_ =	strace $0x9000004C  }
0xb9: {  	s29 =	simm.s32 $0x9;
	_ =	strace $0x8000004E  }
0xba: {  	_ =	swait.ge [sflag:s29], $0x1  }
0xbb: {  	[sflag:s29] =	ssyncadd.s32 $0xFFFFFFFF  }
0xbc: {  	_ =	strace $0x9000004E  }
0xbd: {  	_ =	sfence  }
0xbe: {  	s30 =	sld [smem:$0x0];
	_ =	sdelay $0x2  }
0xbf: {  	s31 =	sshll.u32 s1, $0xD;
	s1 =	sshrl.u32 s1, $0x2  }
0xc0: {  	s3 =	sand.u32 $0x4000, s31;
	s1 =	sadd.s32 s1, s30  }
0xc1: {  	s0 =	sor.u32 s3, s0;
	s1 =	sshll.u32 s1, $0x11  }
0xc2: {  	s0 =	sor.u32 s1, s0  }
0xc3: {  	s0 =	sadd.s32 $0x8F2B, s0  }
0xc4: {  	[sflag:s0] =	ssyncadd.remote.s32 $0x1  }
0xc5: {  	_ =	sfence.sel $0xFFFF  }
0xc6: {  	[dreg:$0x0] =	wrdreg $0xFFFFFFFF;
	(pc) =	sbr.abs _section_cstart, $3  }
0xc7: {  	[dreg:$0x1] =	wrdreg $0xFFFFFFFF  }
0xc8: {  	_ =	task.clear_ibuf [dreg:s7], $0x2FFFF;
	_ =	strace $0x9FFFFFFF  }
0xc9: {  	(tm) =	ssettm $0x7FFFFFFF  }
tec
execute0_lowered:
.L_overlay_start_1:
0x0: {  	(tag) =	ssettag $0x1  }
0x1: {  	s1 =	rddreg [dreg:$0x0]  }
0x2: {  	s0 =	rddreg [dreg:$0x1]  }
0x3: {  	s3 =	rddreg [dreg:$0x2];
	s4 =	simm.s32 $0x0  }
0x4: {  	s2 =	srdreg.scid;
	s11 =	stileid.u32;
	s28 =	simm.s32 $0x4000  }
0x5: {  	s29 =	simm.s32 $0x4;
	s30 =	simm.s32 $0x2000;
	s31 =	simm.s32 $0x50  }
0x6: {  	[smem:$0x7FF] =	sst s4;
	s2 =	sand.u32 $0x1, s2;
	s5 =	smul.u32 $0x50000, s11  }
0x7: {  	s6 =	sadd.s32 $0x11A00, s0;
	s8 =	sadd.s32 $0x1A00, s0;
	s0 =	sadd.s32 $0x21A00, s0  }
0x8: {  	s17 =	sshll.u32 s11, $0xC;
	s18 =	smul.u32 $0x14000, s11;
	_ =	strace $0x8000004D  }
0x9: {  	s7 =	ssub.s32 $0x2, s2;
	s10 =	sshll.u32 s2, $0xB;
	s2 =	smul.u32 $0x140000, s2  }
0xa: {  	s9 =	sshrl.u32 s7, $0x1;
	s5 =	sshrl.u32 s5, $0x2;
	s23 =	sadd.s32 $0x4000, s18  }
0xb: {  	s13 =	sadd.s32 $0xC000, s18;
	s7 =	ssub.s32 s7, s9;
	s5 =	sadd.s32 s5, s3  }
0xc: {  	s9 =	sor.u32 s10, s17;
	s22 =	sadd.s32 s18, s2;
	s14 =	sadd.s32 $0x2800, s5  }
0xd: {  	s25 =	sadd.s32 s2, s23;
	s15 =	sadd.s32 $0x5000, s5;
	[dreg:$0x4] =	wrdreg s14  }
0xe: {  	s10 =	sadd.s32 $0x10000, s18;
	s16 =	sadd.s32 $0x7800, s5;
	[dreg:$0x5] =	wrdreg s15  }
0xf: {  	s23 =	sadd.s32 s23, s3;
	s12 =	sadd.s32 $0xA000, s5;
	[dreg:$0x6] =	wrdreg s16  }
0x10: {  	s19 =	sadd.s32 $0xC800, s5;
	s20 =	sadd.s32 s6, s9;
	[dreg:$0x7] =	wrdreg s12  }
0x11: {  	s21 =	sadd.s32 s8, s9;
	s9 =	sor.u32 $0x400, s9;
	[dreg:$0x8] =	wrdreg s19  }
0x12: {  	s24 =	sshrl.u32 s22, $0x3;
	s26 =	sshrl.u32 s25, $0x3;
	[dreg:$0x9] =	wrdreg s20  }
0x13: {  	s22 =	sadd.s32 s2, s13;
	s25 =	sadd.s32 s13, s3;
	[dreg:$0xa] =	wrdreg s21  }
0x14: {  	s6 =	sadd.s32 s6, s9;
	s14 =	sadd.s32 s8, s9;
	s15 =	sadd.s32 s0, s24  }
0x15: {  	s16 =	sadd.s32 s0, s26;
	s8 =	sadd.s32 $0x8000, s18;
	s11 =	sshrl.u32 s22, $0x3  }
0x16: {  	s20 =	sadd.s32 $0xF000, s5;
	s26 =	sadd.s32 s10, s3;
	s22 =	sshrl.u32 s23, $0x3  }
0x17: {  	[dreg:$0xb] =	wrdreg s6;
	s21 =	sadd.s32 s2, s8;
	s2 =	sadd.s32 s2, s10  }
0x18: {  	s18 =	sadd.s32 s0, s11;
	s24 =	sadd.s32 s8, s3;
	s6 =	simm.s32 $0x1  }
0x19: {  	s8 =	simm.s32 $0x2;
	s10 =	simm.s32 $0x3E00;
	s9 =	sshrl.u32 s21, $0x3  }
0x1a: {  	s2 =	sshrl.u32 s2, $0x3;
	s21 =	smax.u32 s7, $0x1;
	s23 =	sshrl.u32 s24, $0x3  }
0x1b: {  	s24 =	sshrl.u32 s25, $0x3;
	s25 =	sshrl.u32 s26, $0x3;
	s26 =	sadd.s32 $0x11800, s5  }
0x1c: {  	s7 =	simm.s32 $0x9000;
	s17 =	sadd.s32 s0, s9;
	s19 =	sadd.s32 s0, s2  }
0x1d: {  	v0 =	vimm.f32 $0.0e+00;
	s0 =	simm.s32 $0x80;
	s2 =	simm.s32 $0x6800;
	s9 =	simm.s32 $0x3  }
.LBB2_1:
0x1e: {  	s11 =	simm.s32 $0x0;
	s12 =	simm.s32 $0x200  }
.LBB2_2:
0x1f: {  	p0 =	sne.s32 s12, $0x9E00;
	[tilespmem:s11+$0x4070] =	vst v0  }
0x20: {  	[tilespmem:s11+$0x4000] =	vst v0  }
0x21: {  	[tilespmem:s11+$0x4010] =	vst v0  }
.Ltmp0:
0x22: {  	[tilespmem:s11+$0x4020] =	vst v0;
	(pc) =	sbr.rel @p0 .LBB2_2-.Ltmp0, $4  }
0x23: {  	[tilespmem:s11+$0x4030] =	vst v0  }
0x24: {  	[tilespmem:s11+$0x4040] =	vst v0  }
0x25: {  	[tilespmem:s11+$0x4050] =	vst v0  }
0x26: {  	[tilespmem:s11+$0x4060] =	vst v0;
	s11 =	sshra.s32 s12, $0x2;
	s12 =	sadd.s32 $0x200, s12  }
0x27: {  	[tilespmem:s11+$0x4070] =	vst v0  }
0x28: {  	[tilespmem:s11+$0x4000] =	vst v0  }
0x29: {  	[tilespmem:s11+$0x4010] =	vst v0  }
0x2a: {  	[tilespmem:s11+$0x4020] =	vst v0  }
0x2b: {  	[tilespmem:s11+$0x4030] =	vst v0  }
0x2c: {  	[tilespmem:s11+$0x4040] =	vst v0  }
0x2d: {  	[tilespmem:s11+$0x4050] =	vst v0  }
0x2e: {  	[tilespmem:s11+$0x4060] =	vst v0  }
0x2f: {  	[spmem:s5] =	stream.linear.scatter [tilespmem:s28], [sflag:$0x4], $0x2800, $0x38;
	[tilespmem:$0x1F800] =	vst v63  }
0x30: {  	_ =	swait.ge [sflag:s29], $0x2800  }
0x31: {  	[sflag:s29] =	ssyncset.done $0x0  }
0x32: {  	s12 =	rddreg [dreg:$0x4];
	[sflag:s29] =	ssyncadd.s32 $0xFFFFD800  }
0x33: {  	[spmem:s12] =	stream.linear.scatter [tilespmem:s28], [sflag:$0x4], $0x2800, $0x38;
	[tilespmem:$0x1F800] =	vst v63  }
0x34: {  	_ =	swait.ge [sflag:s29], $0x2800  }
0x35: {  	[sflag:s29] =	ssyncset.done $0x0  }
0x36: {  	s13 =	rddreg [dreg:$0x5];
	[sflag:s29] =	ssyncadd.s32 $0xFFFFD800  }
0x37: {  	[spmem:s13] =	stream.linear.scatter [tilespmem:s28], [sflag:$0x4], $0x2800, $0x38;
	[tilespmem:$0x1F800] =	vst v63  }
0x38: {  	_ =	swait.ge [sflag:s29], $0x2800  }
0x39: {  	[sflag:s29] =	ssyncset.done $0x0  }
0x3a: {  	s12 =	rddreg [dreg:$0x6];
	[sflag:s29] =	ssyncadd.s32 $0xFFFFD800  }
0x3b: {  	[spmem:s12] =	stream.linear.scatter [tilespmem:s28], [sflag:$0x4], $0x2800, $0x38;
	[tilespmem:$0x1F800] =	vst v63  }
0x3c: {  	_ =	swait.ge [sflag:s29], $0x2800  }
0x3d: {  	[sflag:s29] =	ssyncset.done $0x0  }
0x3e: {  	s13 =	rddreg [dreg:$0x7];
	[sflag:s29] =	ssyncadd.s32 $0xFFFFD800  }
0x3f: {  	[spmem:s13] =	stream.linear.scatter [tilespmem:s28], [sflag:$0x4], $0x2800, $0x38;
	[tilespmem:$0x1F800] =	vst v63  }
0x40: {  	_ =	swait.ge [sflag:s29], $0x2800  }
0x41: {  	[sflag:s29] =	ssyncset.done $0x0  }
0x42: {  	s12 =	rddreg [dreg:$0x8];
	[sflag:s29] =	ssyncadd.s32 $0xFFFFD800  }
0x43: {  	[spmem:s12] =	stream.linear.scatter [tilespmem:s28], [sflag:$0x4], $0x2800, $0x38;
	[tilespmem:$0x1F800] =	vst v63  }
0x44: {  	_ =	swait.ge [sflag:s29], $0x2800  }
0x45: {  	[sflag:s29] =	ssyncset.done $0x0  }
0x46: {  	[sflag:s29] =	ssyncadd.s32 $0xFFFFD800  }
0x47: {  	[spmem:s20] =	stream.linear.scatter [tilespmem:s28], [sflag:$0x4], $0x2800, $0x38;
	[tilespmem:$0x1F800] =	vst v63  }
0x48: {  	_ =	swait.ge [sflag:s29], $0x2800  }
0x49: {  	[sflag:s29] =	ssyncset.done $0x0  }
0x4a: {  	[sflag:s29] =	ssyncadd.s32 $0xFFFFD800  }
0x4b: {  	[spmem:s26] =	stream.linear.scatter [tilespmem:s28], [sflag:$0x4], $0x2800, $0x38;
	[tilespmem:$0x1F800] =	vst v63  }
0x4c: {  	_ =	swait.ge [sflag:s29], $0x2800  }
0x4d: {  	[sflag:s29] =	ssyncset.done $0x0  }
0x4e: {  	[sflag:s29] =	ssyncadd.s32 $0xFFFFD800  }
0x4f: {  	[bflag:$0x0] =	sbarrier.arrive $0xFFFF  }
0x50: {  	s11 =	simm.s32 $0x0;
	s12 =	rddreg [dreg:$0x9]  }
0x51: {  	[tilespmem:s11], [sflag:$0x4] =	stream.linear.gather [hbm4b:s12+s11], $0x2000, $0x38;
	[tilespmem:$0x1F800] =	vst v63  }
0x52: {  	_ =	swait.ge [sflag:s29], $0x2000  }
0x53: {  	[sflag:s29] =	ssyncset.done $0x0  }
0x54: {  	s13 =	rddreg [dreg:$0xa];
	[sflag:s29] =	ssyncadd.s32 $0xFFFFE000  }
0x55: {  	[tilespmem:s30], [sflag:$0x4] =	stream.linear.gather [hbm4b:s13+s11], $0x2000, $0x38;
	[tilespmem:$0x1F800] =	vst v63  }
0x56: {  	_ =	swait.ge [sflag:s29], $0x2000  }
0x57: {  	[sflag:s29] =	ssyncset.done $0x0  }
0x58: {  	[sflag:s29] =	ssyncadd.s32 $0xFFFFE000  }
0x59: {  	[tilespmem:s28], [sflag:$0x1] =	stream.indirect.gather [hbm4b:s1+s31], $0x80, s11, s31, $0xb8;
	[tilespmem:$0x1F800] =	vst v63  }
0x5a: {  	_ = 	snop  }
0x5b: {  	[tilespmem:s2], [sflag:$0x2] =	stream.indirect.gather [hbm4b:s1+s31], $0x80, s0, s31, $0xb8;
	[tilespmem:$0x1F800] =	vst v63  }
0x5c: {  	_ =	swait.ge [sflag:s6], $0x2800  }
0x5d: {  	[sflag:s6] =	ssyncset.done $0x0  }
0x5e: {  	s12 =	simm.s32 $0x100;
	[sflag:s6] =	ssyncadd.s32 $0xFFFFD800  }
0x5f: {  	[tilespmem:s7], [sflag:$0x3] =	stream.indirect.gather [hbm4b:s1+s31], $0x80, s12, s31, $0xb8;
	[tilespmem:$0x1F800] =	vst v63  }
0x60: {  	s13 =	simm.s32 $0x2000  }
0x61: {  	[spmem:s3] =	stream.indirect.scatter.add.f32 [tilespmem:s28], [sflag:$0x4], $0x80, s13, s31, $0xb8;
	[tilespmem:$0x1F800] =	vst v63  }
0x62: {  	_ =	swait.ge [sflag:s29], $0x2800  }
0x63: {  	[sflag:s29] =	ssyncset.done $0x0  }
0x64: {  	[sflag:s29] =	ssyncadd.s32 $0xFFFFD800  }
0x65: {  	_ =	swait.ge [sflag:s8], $0x2800  }
0x66: {  	[sflag:s8] =	ssyncset.done $0x0  }
0x67: {  	s12 =	simm.s32 $0x180;
	[sflag:s8] =	ssyncadd.s32 $0xFFFFD800  }
0x68: {  	[tilespmem:s28], [sflag:$0x1] =	stream.indirect.gather [hbm4b:s1+s31], $0x80, s12, s31, $0xb8;
	[tilespmem:$0x1F800] =	vst v63  }
0x69: {  	s13 =	simm.s32 $0x2080  }
0x6a: {  	[spmem:s3] =	stream.indirect.scatter.add.f32 [tilespmem:s2], [sflag:$0x4], $0x80, s13, s31, $0xb8;
	[tilespmem:$0x1F800] =	vst v63  }
0x6b: {  	_ =	swait.ge [sflag:s29], $0x2800  }
0x6c: {  	[sflag:s29] =	ssyncset.done $0x0  }
0x6d: {  	[sflag:s29] =	ssyncadd.s32 $0xFFFFD800  }
0x6e: {  	_ =	swait.ge [sflag:s9], $0x2800  }
0x6f: {  	[sflag:s9] =	ssyncset.done $0x0  }
0x70: {  	s12 =	simm.s32 $0x200;
	[sflag:s9] =	ssyncadd.s32 $0xFFFFD800  }
0x71: {  	[tilespmem:s2], [sflag:$0x2] =	stream.indirect.gather [hbm4b:s1+s31], $0x80, s12, s31, $0xb8;
	[tilespmem:$0x1F800] =	vst v63  }
0x72: {  	s13 =	simm.s32 $0x2100  }
0x73: {  	[spmem:s3] =	stream.indirect.scatter.add.f32 [tilespmem:s7], [sflag:$0x4], $0x80, s13, s31, $0xb8;
	[tilespmem:$0x1F800] =	vst v63  }
0x74: {  	_ =	swait.ge [sflag:s29], $0x2800  }
0x75: {  	s11 =	simm.s32 $0x600;
	[sflag:s29] =	ssyncset.done $0x0  }
.LBB2_4:
0x76: {  	p0 =	sne.s32 s11, $0x7200  }
0x77: {  	[sflag:s29] =	ssyncadd.s32 $0xFFFFD800;
	s12 =	smov.u32 s11;
	s11 =	sadd.s32 $0x600, s11  }
0x78: {  	_ = 	snop  }
0x79: {  	_ =	swait.ge [sflag:s6], $0x2800  }
0x7a: {  	s12 =	sshra.s32 s12, $0x2;
	[sflag:s6] =	ssyncset.done $0x0  }
0x7b: {  	s13 =	sadd.s32 $0x100, s12;
	[sflag:s6] =	ssyncadd.s32 $0xFFFFD800  }
0x7c: {  	[tilespmem:s7], [sflag:$0x3] =	stream.indirect.gather [hbm4b:s1+s31], $0x80, s13, s31, $0xb8;
	[tilespmem:$0x1F800] =	vst v63  }
0x7d: {  	s13 =	sadd.s32 $0x2000, s12  }
0x7e: {  	[spmem:s3] =	stream.indirect.scatter.add.f32 [tilespmem:s28], [sflag:$0x4], $0x80, s13, s31, $0xb8;
	[tilespmem:$0x1F800] =	vst v63  }
0x7f: {  	_ =	swait.ge [sflag:s29], $0x2800  }
0x80: {  	[sflag:s29] =	ssyncset.done $0x0  }
0x81: {  	[sflag:s29] =	ssyncadd.s32 $0xFFFFD800  }
0x82: {  	_ =	swait.ge [sflag:s8], $0x2800  }
0x83: {  	[sflag:s8] =	ssyncset.done $0x0  }
0x84: {  	s13 =	sadd.s32 $0x180, s12;
	[sflag:s8] =	ssyncadd.s32 $0xFFFFD800  }
0x85: {  	[tilespmem:s28], [sflag:$0x1] =	stream.indirect.gather [hbm4b:s1+s31], $0x80, s13, s31, $0xb8;
	[tilespmem:$0x1F800] =	vst v63  }
0x86: {  	s13 =	sadd.s32 $0x2080, s12  }
0x87: {  	[spmem:s3] =	stream.indirect.scatter.add.f32 [tilespmem:s2], [sflag:$0x4], $0x80, s13, s31, $0xb8;
	[tilespmem:$0x1F800] =	vst v63  }
0x88: {  	_ =	swait.ge [sflag:s29], $0x2800  }
0x89: {  	[sflag:s29] =	ssyncset.done $0x0  }
0x8a: {  	[sflag:s29] =	ssyncadd.s32 $0xFFFFD800  }
0x8b: {  	_ =	swait.ge [sflag:s9], $0x2800  }
0x8c: {  	[sflag:s9] =	ssyncset.done $0x0  }
0x8d: {  	s13 =	sadd.s32 $0x200, s12;
	[sflag:s9] =	ssyncadd.s32 $0xFFFFD800  }
0x8e: {  	[tilespmem:s2], [sflag:$0x2] =	stream.indirect.gather [hbm4b:s1+s31], $0x80, s13, s31, $0xb8;
	[tilespmem:$0x1F800] =	vst v63  }
.Ltmp1:
0x8f: {  	_ = 	snop;
	(pc) =	sbr.rel @p0 .LBB2_4-.Ltmp1, $4  }
0x90: {  	s12 =	sadd.s32 $0x2100, s12  }
0x91: {  	[spmem:s3] =	stream.indirect.scatter.add.f32 [tilespmem:s7], [sflag:$0x4], $0x80, s12, s31, $0xb8;
	[tilespmem:$0x1F800] =	vst v63  }
0x92: {  	_ =	swait.ge [sflag:s29], $0x2800  }
0x93: {  	[sflag:s29] =	ssyncset.done $0x0  }
0x94: {  	[sflag:s29] =	ssyncadd.s32 $0xFFFFD800  }
0x95: {  	_ =	swait.ge [sflag:s6], $0x2800  }
0x96: {  	[sflag:s6] =	ssyncset.done $0x0  }
0x97: {  	s11 =	simm.s32 $0x1F00;
	[sflag:s6] =	ssyncadd.s32 $0xFFFFD800  }
0x98: {  	[tilespmem:s7], [sflag:$0x3] =	stream.indirect.gather [hbm4b:s1+s31], $0x80, s11, s31, $0xb8;
	[tilespmem:$0x1F800] =	vst v63  }
0x99: {  	_ = 	snop  }
0x9a: {  	[spmem:s3] =	stream.indirect.scatter.add.f32 [tilespmem:s28], [sflag:$0x4], $0x80, s10, s31, $0xb8;
	[tilespmem:$0x1F800] =	vst v63  }
0x9b: {  	_ =	swait.ge [sflag:s29], $0x2800  }
0x9c: {  	[sflag:s29] =	ssyncset.done $0x0  }
0x9d: {  	[sflag:s29] =	ssyncadd.s32 $0xFFFFD800  }
0x9e: {  	_ =	swait.ge [sflag:s8], $0x2800  }
0x9f: {  	[sflag:s8] =	ssyncset.done $0x0  }
0xa0: {  	s13 =	simm.s32 $0x1F80;
	[sflag:s8] =	ssyncadd.s32 $0xFFFFD800  }
0xa1: {  	[tilespmem:s28], [sflag:$0x1] =	stream.indirect.gather [hbm4b:s1+s31], $0x80, s13, s31, $0xb8;
	[tilespmem:$0x1F800] =	vst v63  }
0xa2: {  	s12 =	simm.s32 $0x3E80  }
0xa3: {  	[spmem:s3] =	stream.indirect.scatter.add.f32 [tilespmem:s2], [sflag:$0x4], $0x80, s12, s31, $0xb8;
	[tilespmem:$0x1F800] =	vst v63  }
0xa4: {  	_ =	swait.ge [sflag:s29], $0x2800  }
0xa5: {  	[sflag:s29] =	ssyncset.done $0x0  }
0xa6: {  	[sflag:s29] =	ssyncadd.s32 $0xFFFFD800  }
0xa7: {  	_ =	swait.ge [sflag:s9], $0x2800  }
0xa8: {  	[sflag:s9] =	ssyncset.done $0x0  }
0xa9: {  	s13 =	simm.s32 $0x3F00;
	[sflag:s9] =	ssyncadd.s32 $0xFFFFD800  }
0xaa: {  	[spmem:s3] =	stream.indirect.scatter.add.f32 [tilespmem:s7], [sflag:$0x4], $0x80, s13, s31, $0xb8;
	[tilespmem:$0x1F800] =	vst v63  }
0xab: {  	_ =	swait.ge [sflag:s29], $0x2800  }
0xac: {  	[sflag:s29] =	ssyncset.done $0x0  }
0xad: {  	[sflag:s29] =	ssyncadd.s32 $0xFFFFD800  }
0xae: {  	_ =	swait.ge [sflag:s6], $0x2800  }
0xaf: {  	[sflag:s6] =	ssyncset.done $0x0  }
0xb0: {  	s12 =	simm.s32 $0x3F80;
	[sflag:s6] =	ssyncadd.s32 $0xFFFFD800  }
0xb1: {  	[spmem:s3] =	stream.indirect.scatter.add.f32 [tilespmem:s28], [sflag:$0x4], $0x80, s12, s31, $0xb8;
	[tilespmem:$0x1F800] =	vst v63  }
0xb2: {  	_ =	swait.ge [sflag:s29], $0x2800  }
0xb3: {  	[sflag:s29] =	ssyncset.done $0x0  }
0xb4: {  	s13 =	simm.s32 $0x0;
	s12 =	rddreg [dreg:$0xb];
	[sflag:s29] =	ssyncadd.s32 $0xFFFFD800  }
0xb5: {  	[tilespmem:s13], [sflag:$0x4] =	stream.linear.gather [hbm4b:s12+s13], $0x1E80, $0x38;
	[tilespmem:$0x1F800] =	vst v63  }
0xb6: {  	_ =	swait.ge [sflag:s29], $0x1E80  }
0xb7: {  	[sflag:s29] =	ssyncset.done $0x0  }
0xb8: {  	[sflag:s29] =	ssyncadd.s32 $0xFFFFE180  }
0xb9: {  	[tilespmem:s30], [sflag:$0x4] =	stream.linear.gather [hbm4b:s14+s13], $0x1E80, $0x38;
	[tilespmem:$0x1F800] =	vst v63  }
0xba: {  	_ =	swait.ge [sflag:s29], $0x1E80  }
0xbb: {  	[sflag:s29] =	ssyncset.done $0x0  }
0xbc: {  	[sflag:s29] =	ssyncadd.s32 $0xFFFFE180  }
0xbd: {  	[tilespmem:s28], [sflag:$0x1] =	stream.indirect.gather [hbm4b:s1+s31], $0x80, s13, s31, $0xb8;
	[tilespmem:$0x1F800] =	vst v63  }
0xbe: {  	_ = 	snop  }
0xbf: {  	[tilespmem:s2], [sflag:$0x2] =	stream.indirect.gather [hbm4b:s1+s31], $0x80, s0, s31, $0xb8;
	[tilespmem:$0x1F800] =	vst v63  }
0xc0: {  	_ =	swait.ge [sflag:s6], $0x2800  }
0xc1: {  	[sflag:s6] =	ssyncset.done $0x0  }
0xc2: {  	s12 =	simm.s32 $0x100;
	[sflag:s6] =	ssyncadd.s32 $0xFFFFD800  }
0xc3: {  	[tilespmem:s7], [sflag:$0x3] =	stream.indirect.gather [hbm4b:s1+s31], $0x80, s12, s31, $0xb8;
	[tilespmem:$0x1F800] =	vst v63  }
0xc4: {  	s13 =	simm.s32 $0x2000  }
0xc5: {  	[spmem:s3] =	stream.indirect.scatter.add.f32 [tilespmem:s28], [sflag:$0x4], $0x80, s13, s31, $0xb8;
	[tilespmem:$0x1F800] =	vst v63  }
0xc6: {  	_ =	swait.ge [sflag:s29], $0x2800  }
0xc7: {  	[sflag:s29] =	ssyncset.done $0x0  }
0xc8: {  	[sflag:s29] =	ssyncadd.s32 $0xFFFFD800  }
0xc9: {  	_ =	swait.ge [sflag:s8], $0x2800  }
0xca: {  	[sflag:s8] =	ssyncset.done $0x0  }
0xcb: {  	s12 =	simm.s32 $0x180;
	[sflag:s8] =	ssyncadd.s32 $0xFFFFD800  }
0xcc: {  	[tilespmem:s28], [sflag:$0x1] =	stream.indirect.gather [hbm4b:s1+s31], $0x80, s12, s31, $0xb8;
	[tilespmem:$0x1F800] =	vst v63  }
0xcd: {  	s13 =	simm.s32 $0x2080  }
0xce: {  	[spmem:s3] =	stream.indirect.scatter.add.f32 [tilespmem:s2], [sflag:$0x4], $0x80, s13, s31, $0xb8;
	[tilespmem:$0x1F800] =	vst v63  }
0xcf: {  	_ =	swait.ge [sflag:s29], $0x2800  }
0xd0: {  	[sflag:s29] =	ssyncset.done $0x0  }
0xd1: {  	[sflag:s29] =	ssyncadd.s32 $0xFFFFD800  }
0xd2: {  	_ =	swait.ge [sflag:s9], $0x2800  }
0xd3: {  	[sflag:s9] =	ssyncset.done $0x0  }
0xd4: {  	s12 =	simm.s32 $0x200;
	[sflag:s9] =	ssyncadd.s32 $0xFFFFD800  }
0xd5: {  	[tilespmem:s2], [sflag:$0x2] =	stream.indirect.gather [hbm4b:s1+s31], $0x80, s12, s31, $0xb8;
	[tilespmem:$0x1F800] =	vst v63  }
0xd6: {  	s13 =	simm.s32 $0x2100  }
0xd7: {  	[spmem:s3] =	stream.indirect.scatter.add.f32 [tilespmem:s7], [sflag:$0x4], $0x80, s13, s31, $0xb8;
	[tilespmem:$0x1F800] =	vst v63  }
0xd8: {  	_ =	swait.ge [sflag:s29], $0x2800  }
0xd9: {  	s11 =	simm.s32 $0x600;
	[sflag:s29] =	ssyncset.done $0x0  }
.LBB2_6:
0xda: {  	p0 =	sne.s32 s11, $0x6C00  }
0xdb: {  	[sflag:s29] =	ssyncadd.s32 $0xFFFFD800;
	s12 =	smov.u32 s11;
	s11 =	sadd.s32 $0x600, s11  }
0xdc: {  	_ = 	snop  }
0xdd: {  	_ =	swait.ge [sflag:s6], $0x2800  }
0xde: {  	s12 =	sshra.s32 s12, $0x2;
	[sflag:s6] =	ssyncset.done $0x0  }
0xdf: {  	s13 =	sadd.s32 $0x100, s12;
	[sflag:s6] =	ssyncadd.s32 $0xFFFFD800  }
0xe0: {  	[tilespmem:s7], [sflag:$0x3] =	stream.indirect.gather [hbm4b:s1+s31], $0x80, s13, s31, $0xb8;
	[tilespmem:$0x1F800] =	vst v63  }
0xe1: {  	s13 =	sadd.s32 $0x2000, s12  }
0xe2: {  	[spmem:s3] =	stream.indirect.scatter.add.f32 [tilespmem:s28], [sflag:$0x4], $0x80, s13, s31, $0xb8;
	[tilespmem:$0x1F800] =	vst v63  }
0xe3: {  	_ =	swait.ge [sflag:s29], $0x2800  }
0xe4: {  	[sflag:s29] =	ssyncset.done $0x0  }
0xe5: {  	[sflag:s29] =	ssyncadd.s32 $0xFFFFD800  }
0xe6: {  	_ =	swait.ge [sflag:s8], $0x2800  }
0xe7: {  	[sflag:s8] =	ssyncset.done $0x0  }
0xe8: {  	s13 =	sadd.s32 $0x180, s12;
	[sflag:s8] =	ssyncadd.s32 $0xFFFFD800  }
0xe9: {  	[tilespmem:s28], [sflag:$0x1] =	stream.indirect.gather [hbm4b:s1+s31], $0x80, s13, s31, $0xb8;
	[tilespmem:$0x1F800] =	vst v63  }
0xea: {  	s13 =	sadd.s32 $0x2080, s12  }
0xeb: {  	[spmem:s3] =	stream.indirect.scatter.add.f32 [tilespmem:s2], [sflag:$0x4], $0x80, s13, s31, $0xb8;
	[tilespmem:$0x1F800] =	vst v63  }
0xec: {  	_ =	swait.ge [sflag:s29], $0x2800  }
0xed: {  	[sflag:s29] =	ssyncset.done $0x0  }
0xee: {  	[sflag:s29] =	ssyncadd.s32 $0xFFFFD800  }
0xef: {  	_ =	swait.ge [sflag:s9], $0x2800  }
0xf0: {  	[sflag:s9] =	ssyncset.done $0x0  }
0xf1: {  	s13 =	sadd.s32 $0x200, s12;
	[sflag:s9] =	ssyncadd.s32 $0xFFFFD800  }
0xf2: {  	[tilespmem:s2], [sflag:$0x2] =	stream.indirect.gather [hbm4b:s1+s31], $0x80, s13, s31, $0xb8;
	[tilespmem:$0x1F800] =	vst v63  }
.Ltmp2:
0xf3: {  	_ = 	snop;
	(pc) =	sbr.rel @p0 .LBB2_6-.Ltmp2, $4  }
0xf4: {  	s12 =	sadd.s32 $0x2100, s12  }
0xf5: {  	[spmem:s3] =	stream.indirect.scatter.add.f32 [tilespmem:s7], [sflag:$0x4], $0x80, s12, s31, $0xb8;
	[tilespmem:$0x1F800] =	vst v63  }
0xf6: {  	_ =	swait.ge [sflag:s29], $0x2800  }
0xf7: {  	[sflag:s29] =	ssyncset.done $0x0  }
0xf8: {  	[sflag:s29] =	ssyncadd.s32 $0xFFFFD800  }
0xf9: {  	_ =	swait.ge [sflag:s6], $0x2800  }
0xfa: {  	[sflag:s6] =	ssyncset.done $0x0  }
0xfb: {  	s11 =	simm.s32 $0x1D80;
	[sflag:s6] =	ssyncadd.s32 $0xFFFFD800  }
0xfc: {  	[tilespmem:s7], [sflag:$0x3] =	stream.indirect.gather [hbm4b:s1+s31], $0x80, s11, s31, $0xb8;
	[tilespmem:$0x1F800] =	vst v63  }
0xfd: {  	s13 =	simm.s32 $0x3C80  }
0xfe: {  	[spmem:s3] =	stream.indirect.scatter.add.f32 [tilespmem:s28], [sflag:$0x4], $0x80, s13, s31, $0xb8;
	[tilespmem:$0x1F800] =	vst v63  }
0xff: {  	_ =	swait.ge [sflag:s29], $0x2800  }
0x100: {  	[sflag:s29] =	ssyncset.done $0x0  }
0x101: {  	[sflag:s29] =	ssyncadd.s32 $0xFFFFD800  }
0x102: {  	_ =	swait.ge [sflag:s8], $0x2800  }
0x103: {  	[sflag:s8] =	ssyncset.done $0x0  }
0x104: {  	s12 =	simm.s32 $0x1E00;
	[sflag:s8] =	ssyncadd.s32 $0xFFFFD800  }
0x105: {  	[tilespmem:s28], [sflag:$0x1] =	stream.indirect.gather [hbm4b:s1+s31], $0x80, s12, s31, $0xb8;
	[tilespmem:$0x1F800] =	vst v63  }
0x106: {  	s13 =	simm.s32 $0x3D00  }
0x107: {  	[spmem:s3] =	stream.indirect.scatter.add.f32 [tilespmem:s2], [sflag:$0x4], $0x80, s13, s31, $0xb8;
	[tilespmem:$0x1F800] =	vst v63  }
0x108: {  	_ =	swait.ge [sflag:s29], $0x2800  }
0x109: {  	[sflag:s29] =	ssyncset.done $0x0  }
0x10a: {  	[sflag:s29] =	ssyncadd.s32 $0xFFFFD800  }
0x10b: {  	_ =	swait.ge [sflag:s9], $0x2800  }
0x10c: {  	[sflag:s9] =	ssyncset.done $0x0  }
0x10d: {  	s12 =	simm.s32 $0x3D80;
	[sflag:s9] =	ssyncadd.s32 $0xFFFFD800  }
0x10e: {  	[spmem:s3] =	stream.indirect.scatter.add.f32 [tilespmem:s7], [sflag:$0x4], $0x80, s12, s31, $0xb8;
	[tilespmem:$0x1F800] =	vst v63  }
0x10f: {  	_ =	swait.ge [sflag:s29], $0x2800  }
0x110: {  	[sflag:s29] =	ssyncset.done $0x0  }
0x111: {  	[sflag:s29] =	ssyncadd.s32 $0xFFFFD800  }
0x112: {  	_ =	swait.ge [sflag:s6], $0x2800  }
0x113: {  	[sflag:s6] =	ssyncset.done $0x0  }
0x114: {  	[sflag:s6] =	ssyncadd.s32 $0xFFFFD800  }
0x115: {  	[spmem:s3] =	stream.indirect.scatter.add.f32 [tilespmem:s28], [sflag:$0x4], $0x80, s10, s31, $0xb8;
	[tilespmem:$0x1F800] =	vst v63  }
0x116: {  	_ =	swait.ge [sflag:s29], $0x2800  }
0x117: {  	s13 =	stileid.u32;
	[sflag:s29] =	ssyncset.done $0x0  }
0x118: {  	s11 =	sshll.u32 s13, $0x6;
	[sflag:s29] =	ssyncadd.s32 $0xFFFFD800  }
0x119: {  	s11 =	sor.u32 $0x1C04, s11;
	s12 =	sshrl.u32 s5, $0x3;
	[bflag:$0x0] =	sbarrier.arrive $0xFFFF  }
0x11a: {  	[hbm:s15], [sflag:s11] =	dma.local [spmem:s12], $0x800  }
0x11b: {  	_ =	swait.ge [sflag:s29], $0x800  }
0x11c: {  	[sflag:s29] =	ssyncset.done $0x0  }
0x11d: {  	[sflag:s29] =	ssyncadd.s32 $0xFFFFF800  }
0x11e: {  	[hbm:s16], [sflag:s11] =	dma.local [spmem:s22], $0x800  }
0x11f: {  	_ =	swait.ge [sflag:s29], $0x800  }
0x120: {  	[sflag:s29] =	ssyncset.done $0x0  }
0x121: {  	[sflag:s29] =	ssyncadd.s32 $0xFFFFF800  }
0x122: {  	[hbm:s17], [sflag:s11] =	dma.local [spmem:s23], $0x800  }
0x123: {  	_ =	swait.ge [sflag:s29], $0x800  }
0x124: {  	[sflag:s29] =	ssyncset.done $0x0  }
0x125: {  	[sflag:s29] =	ssyncadd.s32 $0xFFFFF800  }
0x126: {  	[hbm:s18], [sflag:s11] =	dma.local [spmem:s24], $0x800  }
0x127: {  	s4 =	sadd.s32 $0x1, s4;
	_ =	swait.ge [sflag:s29], $0x800  }
0x128: {  	p0 =	sne.s32 s4, s21;
	[sflag:s29] =	ssyncset.done $0x0  }
.Ltmp3:
0x129: {  	[sflag:s29] =	ssyncadd.s32 $0xFFFFF800;
	(pc) =	sbr.rel @p0 .LBB2_1-.Ltmp3, $4  }
0x12a: {  	[hbm:s19], [sflag:s11] =	dma.local [spmem:s25], $0x800  }
0x12b: {  	_ =	swait.ge [sflag:s29], $0x800  }
0x12c: {  	[sflag:s29] =	ssyncset.done $0x0  }
0x12d: {  	[sflag:s29] =	ssyncadd.s32 $0xFFFFF800  }
0x12e: {  	_ =	sfence.sel $0x180000  }
0x12f: {  	[bflag:$0x0] =	sbarrier.arrive $0xFFFF  }
0x130: {  	_ =	strace $0x9000004D  }
0x131: {  	s0 =	stileid.u32;
	[bflag:$0x2] =	sbarrier.arrive $0xFFFF  }
0x132: {  	p0 =	sne.s32 s0, $0x0;
	s0 =	rddreg [dreg:$0x3]  }
0x133: {  	s0 =	sadd.s32 @!p0 $0x100000, s0  }
0x134: {  	[sflag:s0] =	ssyncadd.tile.s32 @!p0 $0x1;
	_ =	shalt  }
.Lfunc_end2:
_tile_overlayer_lowered:
.L_overlay_start_2:
0x135: {  	(tag) =	ssettag $0x2  }
0x136: {  	s0 =	rddreg [dreg:$0x0];
	s2 =	stileid.u32  }
0x137: {  	s1 =	rddreg [dreg:$0x1];
	p0 =	sne.s32 s2, $0x0  }
0x138: {  	s3 =	rddreg [dreg:$0x2];
	[bflag:$0x3] =	sbarrier.arrive $0xFFFF;
	s2 =	simm.s32 @!p0 $0x1C04  }
0x139: {  	[timem:s3], [sflag:s2] =	dma.local @!p0 [hbm:s0], s1  }
0x13a: {  	s0 =	simm.s32 @!p0 $0x4  }
0x13b: {  	_ =	swait.ge @!p0 [sflag:s0], s1  }
0x13c: {  	s1 =	ssub.s32 @!p0 $0x0, s1;
	[sflag:s0] =	ssyncset.done @!p0 $0x0  }
0x13d: {  	[sflag:s0] =	ssyncadd.s32 @!p0 s1  }
0x13e: {  	[bflag:$0x3] =	sbarrier.arrive $0xFFFF  }
0x13f: {  	_ =	shalt  }

// kernel: kernel.8.cloned.1.call-start
scs
__scs_entry_jumppad:
0x0: {  	(pc) =	sbr.rel $0x88, $3  }
0x1: {  	(tag) =	ssettag $0x0;
	lr =	simm.s32 $0x1  }
0x2: {  	[smem:$0x3F9B] =	sst lr;
	_ =	strace $0xD0000000  }
0x3: {  	_ = 	snop  }
0x4: {  	_ = 	snop  }
0x5: {  	_ = 	snop  }
0x6: {  	_ = 	snop  }
0x7: {  	_ = 	snop  }
__scs_overlays_trampoline_lowered:
0x8: {  	[smem:$0x3FAA] =	sst s0  }
0x9: {  	[smem:$0x3FAB] =	sst s1  }
0xa: {  	[smem:$0x3FAC] =	sst s2  }
0xb: {  	[smem:$0x3FAD] =	sst s3  }
0xc: {  	[smem:$0x3FAE] =	sst s4  }
0xd: {  	[smem:$0x3FAF] =	sst s5  }
0xe: {  	[smem:$0x3FB0] =	sst s6  }
0xf: {  	[smem:$0x3FB1] =	sst s7  }
0x10: {  	[smem:$0x3FB2] =	sst s8  }
0x11: {  	[smem:$0x3FB3] =	sst s9;
	s0 =	simm.s32 @!p0 $0x0  }
0x12: {  	s1 =	sld [smem:$0x3F99];
	s0 =	simm.s32 @p0 $0x1  }
0x13: {  	[smem:$0x3FB4] =	sst s0;
	s0 =	simm.s32 @!p1 $0x0  }
0x14: {  	s2 =	sld [smem:$0x3F98];
	s0 =	simm.s32 @p1 $0x1  }
0x15: {  	[smem:$0x3FB5] =	sst s0;
	s0 =	simm.s32 @!p2 $0x0  }
0x16: {  	s3 =	sld [smem:$0x3FDB];
	s0 =	simm.s32 @p2 $0x1  }
0x17: {  	s4 =	simm.s32 $0x1BF5;
	[smem:$0x3FB7] =	sst s0  }
0x18: {  	s0 =	sld [smem:$0x3F9A];
	_ =	swait.ge [sflag:s4], $0x0  }
0x19: {  	s7 =	sld [smem:$0x3F9B]  }
0x1a: {  	s8 =	sadd.s32 $0xFFFFE003, lr  }
0x1b: {  	s9 =	sadd.s32 $0xFFFFFEF7, lr;
	s5 =	simm.s32 $0xFFFFFFFF;
	p2 =	slt.u32 s8, $0xFFFFF086  }
0x1c: {  	p1 =	slt.u32 s9, $0xF7A;
	s5 =	simm.s32 @!p2 $0x0  }
0x1d: {  	s5 =	simm.s32 @p1 $0x1;
	p0 =	seq.s32 s7, s2  }
0x1e: {  	s7 =	smul.u32 @!p0 $0xF7A, s2;
	p2 =	seq.s32 @!p0 s5, $0x0  }
0x1f: {  	s9 =	smul.u32 $0xF7A, s1;
	s8 =	simm.s32 @!p0 $0x1BF5;
	p2 =	por !p2, p0  }
0x20: {  	[sflag:s8] =	ssyncset.s32 @!p0 $0xFFFFF086;
	s6 =	sadd.s32 @!p0 s3, s7;
	s7 =	simm.s32 @!p0 $0x108  }
0x21: {  	s3 =	sadd.s32 s3, s9;
	s6 =	sadd.s32 @!p0 $0x88, s6;
	s7 =	simm.s32 @p2 $0x1082  }
0x22: {  	[simem:s7], [sflag:s8] =	dma.local @!p0 [hbm:s6], $0xF7A  }
0x23: {  	s9 =	sor.u32 $0xD0000000, s2;
	s6 =	simm.s32 $0x108;
	_ =	swait.ge @!p0 [sflag:s8], $0x0  }
0x24: {  	s3 =	sadd.s32 $0x88, s3;
	s6 =	simm.s32 @!p1 $0x1082;
	[sflag:s4] =	ssyncset.s32 $0xFFFFF086  }
0x25: {  	[simem:s6], [sflag:s4] =	dma.local [hbm:s3], $0xF7A  }
0x26: {  	[smem:$0x3F9B] =	sst s1;
	(tag) =	ssettag s2;
	_ =	strace s9  }
0x27: {  	s1 =	sld [smem:$0x3FAB]  }
0x28: {  	s2 =	sld [smem:$0x3FAC]  }
0x29: {  	s4 =	sld [smem:$0x3FAE]  }
0x2a: {  	p0 =	seq.s32 s5, $0x0;
	s5 =	sld [smem:$0x3FAF]  }
0x2b: {  	s6 =	sld [smem:$0x3FB0]  }
0x2c: {  	s7 =	sld [smem:$0x3FB1]  }
0x2d: {  	s3 =	simm.s32 $0x108;
	s8 =	sld [smem:$0x3FB2]  }
0x2e: {  	s3 =	simm.s32 @!p0 $0x1082;
	s9 =	sld [smem:$0x3FB3]  }
0x2f: {  	lr =	sadd.s32 s0, s3;
	s0 =	sld [smem:$0x3FAA]  }
0x30: {  	s3 =	sld [smem:$0x3FAD]  }
0x31: {  	[smem:$0x3FB6] =	sst s10  }
0x32: {  	s10 =	sld [smem:$0x3FB4];
	_ =	sdelay $0x3  }
0x33: {  	p0 =	seq.s32 s10, $0x1;
	s10 =	sld [smem:$0x3FB6];
	_ =	sdelay $0x3  }
0x34: {  	[smem:$0x3FB6] =	sst s10  }
0x35: {  	s10 =	sld [smem:$0x3FB5];
	_ =	sdelay $0x3  }
0x36: {  	p1 =	seq.s32 s10, $0x1;
	s10 =	sld [smem:$0x3FB6];
	_ =	sdelay $0x3  }
0x37: {  	[smem:$0x3FB6] =	sst s10  }
0x38: {  	s10 =	sld [smem:$0x3FB7]  }
0x39: {  	_ = 	snop;
	(pc) =	sbr.ind lr, $3  }
0x3a: {  	_ = 	snop  }
0x3b: {  	_ = 	snop  }
0x3c: {  	p2 =	seq.s32 s10, $0x1;
	s10 =	sld [smem:$0x3FB6]  }
0x3d: {  	_ =	shalt  }
0x3e: {  	_ =	shalt  }
0x3f: {  	_ =	shalt  }
0x40: {  	_ =	shalt  }
0x41: {  	_ =	shalt  }
0x42: {  	_ =	shalt  }
0x43: {  	_ =	shalt  }
0x44: {  	_ =	shalt  }
0x45: {  	_ =	shalt  }
0x46: {  	_ =	shalt  }
0x47: {  	_ =	shalt  }
0x48: {  	_ =	shalt  }
0x49: {  	_ =	shalt  }
0x4a: {  	_ =	shalt  }
0x4b: {  	_ =	shalt  }
0x4c: {  	_ =	shalt  }
0x4d: {  	_ =	shalt  }
0x4e: {  	_ =	shalt  }
0x4f: {  	_ =	shalt  }
0x50: {  	_ =	shalt  }
0x51: {  	_ =	shalt  }
0x52: {  	_ =	shalt  }
0x53: {  	_ =	shalt  }
0x54: {  	_ =	shalt  }
0x55: {  	_ =	shalt  }
0x56: {  	_ =	shalt  }
0x57: {  	_ =	shalt  }
0x58: {  	_ =	shalt  }
0x59: {  	_ =	shalt  }
0x5a: {  	_ =	shalt  }
0x5b: {  	_ =	shalt  }
0x5c: {  	_ =	shalt  }
0x5d: {  	_ =	shalt  }
0x5e: {  	_ =	shalt  }
0x5f: {  	_ =	shalt  }
0x60: {  	_ =	shalt  }
0x61: {  	_ =	shalt  }
0x62: {  	_ =	shalt  }
0x63: {  	_ =	shalt  }
0x64: {  	_ =	shalt  }
0x65: {  	_ =	shalt  }
0x66: {  	_ =	shalt  }
0x67: {  	_ =	shalt  }
0x68: {  	_ =	shalt  }
0x69: {  	_ =	shalt  }
0x6a: {  	_ =	shalt  }
0x6b: {  	_ =	shalt  }
0x6c: {  	_ =	shalt  }
0x6d: {  	_ =	shalt  }
0x6e: {  	_ =	shalt  }
0x6f: {  	_ =	shalt  }
0x70: {  	_ =	shalt  }
0x71: {  	_ =	shalt  }
0x72: {  	_ =	shalt  }
0x73: {  	_ =	shalt  }
0x74: {  	_ =	shalt  }
0x75: {  	_ =	shalt  }
0x76: {  	_ =	shalt  }
0x77: {  	_ =	shalt  }
0x78: {  	_ =	shalt  }
0x79: {  	_ =	shalt  }
0x7a: {  	_ =	shalt  }
0x7b: {  	_ =	shalt  }
0x7c: {  	_ =	shalt  }
0x7d: {  	_ =	shalt  }
0x7e: {  	_ =	shalt  }
0x7f: {  	_ =	shalt  }
0x80: {  	_ =	shalt  }
0x81: {  	_ =	shalt  }
0x82: {  	_ =	shalt  }
0x83: {  	_ =	shalt  }
0x84: {  	_ =	shalt  }
0x85: {  	_ =	shalt  }
0x86: {  	_ =	shalt  }
0x87: {  	_ =	shalt  }
.Lfunc_end0:
.L_simem_size_0:
called_computation_lowered:
.L_overlay_start_0:
0x88: {  	s2 =	sld [smem:$0x3FD9]  }
0x89: {  	s3 =	sld [smem:$0x3FFE];
	_ =	sdelay $0x1  }
0x8a: {  	s1 =	srdreg.scid  }
0x8b: {  	s0 =	sand.u32 $0x1, s1  }
0x8c: {  	s14 =	sshll.u32 s0, $0xA;
	s2 =	sadd.s32 s3, s2  }
0x8d: {  	s2 =	sadd.s32 s2, s14  }
0x8e: {  	[smem:$0x3FC2] =	sst s2  }
0x8f: {  	_ = 	snop  }
0x90: {  	s2 =	sld [smem:$0x3FD0];
	_ =	sdelay $0x2  }
0x91: {  	s15 =	simm.s32 $0xA;
	s4 =	simm.s32 $0x10  }
0x92: {  	[smem:s4], [sflag:s15] =	dma.local [hbm:s2], $0x1  }
0x93: {  	_ =	swait.eq [sflag:s15], $0x1  }
0x94: {  	[sflag:s15] =	ssyncset.done $0x0  }
0x95: {  	[sflag:s15] =	ssyncadd.s32 $0xFFFFFFFF  }
0x96: {  	s16 =	sld [smem:$0x11];
	(tm) =	ssettm $0x1  }
0x97: {  	s17 =	sld [smem:$0x3FFB];
	_ =	sdelay $0x3  }
0x98: {  	_ =	strace s17  }
0x99: {  	s3 =	sld [smem:$0x3FFC];
	_ =	sdelay $0x3  }
0x9a: {  	_ =	strace s3  }
0x9b: {  	s3 =	sld [smem:$0x3FFD];
	_ =	sdelay $0x3  }
0x9c: {  	_ =	strace s3  }
0x9d: {  	_ =	strace $0x8FFFFFFF  }
0x9e: {  	s18 =	sld [smem:$0x3FDB];
	_ =	sdelay $0x1  }
0x9f: {  	s19 =	simm.s32 $_scs_section_size  }
0xa0: {  	s5 =	simm.s32 $_size__tile_overlayer_lowered;
	s6 =	simm.s32 $_tile_overlayer_lowered  }
0xa1: {  	s22 =	simm.s32 $0x1BFF;
	s21 =	sshll.u32 s6, $0x1;
	s3 =	sadd.s32 s19, s18  }
0xa2: {  	s7 =	simm.s32 $0x0;
	s20 =	sshll.u32 s5, $0x1;
	s5 =	sadd.s32 s21, s3  }
0xa3: {  	[timem:s7], [sflag:s22] =	dma.local [hbm:s5], s20  }
0xa4: {  	_ =	swait.ge [sflag:s22], s20  }
0xa5: {  	s4 =	ssub.s32 $0x0, s20;
	[sflag:s22] =	ssyncset.done $0x0  }
0xa6: {  	[sflag:s22] =	ssyncadd.s32 s4;
	_ =	sdelay $0x1  }
0xa7: {  	s23 =	simm.s32 $0x1B8B  }
0xa8: {  	_ =	swait.ge [sflag:s23], $0x1  }
0xa9: {  	[sflag:s23] =	ssyncset.done $0x0  }
0xaa: {  	s25 =	simm.s32 $0x1B8E;
	s24 =	sld [smem:$0x3FFE];
	[sflag:s23] =	ssyncadd.s32 $0xFFFFFFFF  }
0xab: {  	s26 =	simm.s32 $execute0_lowered;
	[smem:$0x3FD2] =	sst s25  }
0xac: {  	s5 =	sshll.u32 s26, $0x1;
	_ =	strace $0x80000046;
	[dreg:$0x1] =	wrdreg $0xFFFFFFFF  }
0xad: {  	s28 =	simm.s32 $_size_execute0_lowered;
	s3 =	sadd.s32 s3, s5;
	[dreg:$0x0] =	wrdreg $0x0  }
0xae: {  	s5 =	sshll.u32 s28, $0x1;
	[dreg:$0x2] =	wrdreg s3  }
0xaf: {  	[dreg:$0x3] =	wrdreg s5  }
0xb0: {  	[dreg:$0x4] =	wrdreg $0xC0  }
0xb1: {  	_ =	task [dreg:s7], $0x5FFFF  }
0xb2: {  	[dreg:$0x1] =	wrdreg $0xFFFFFFFF  }
0xb3: {  	[dreg:$0x0] =	wrdreg $0x60  }
0xb4: {  	[dreg:$0x2] =	wrdreg s24  }
0xb5: {  	[dreg:$0x3] =	wrdreg s16  }
0xb6: {  	[dreg:$0x4] =	wrdreg $0x41000  }
0xb7: {  	[dreg:$0x5] =	wrdreg $0x9  }
0xb8: {  	_ =	task.clear_ibuf [dreg:s7], $0x6FFFF;
	_ =	strace $0x90000046  }
0xb9: {  	s29 =	simm.s32 $0x9;
	_ =	strace $0x80000048  }
0xba: {  	_ =	swait.ge [sflag:s29], $0x1  }
0xbb: {  	[sflag:s29] =	ssyncadd.s32 $0xFFFFFFFF  }
0xbc: {  	_ =	strace $0x90000048  }
0xbd: {  	_ =	sfence  }
0xbe: {  	s30 =	sld [smem:$0x0];
	_ =	sdelay $0x2  }
0xbf: {  	s31 =	sshll.u32 s1, $0xD;
	s1 =	sshrl.u32 s1, $0x2  }
0xc0: {  	s3 =	sand.u32 $0x4000, s31;
	s1 =	sadd.s32 s1, s30  }
0xc1: {  	s0 =	sor.u32 s3, s0;
	s1 =	sshll.u32 s1, $0x11  }
0xc2: {  	s0 =	sor.u32 s1, s0  }
0xc3: {  	s0 =	sadd.s32 $0x8F2B, s0  }
0xc4: {  	[sflag:s0] =	ssyncadd.remote.s32 $0x1  }
0xc5: {  	_ =	sfence.sel $0xFFFF  }
0xc6: {  	[dreg:$0x0] =	wrdreg $0xFFFFFFFF;
	(pc) =	sbr.abs _section_cstart, $3  }
0xc7: {  	[dreg:$0x1] =	wrdreg $0xFFFFFFFF  }
0xc8: {  	_ =	task.clear_ibuf [dreg:s7], $0x2FFFF;
	_ =	strace $0x9FFFFFFF  }
0xc9: {  	(tm) =	ssettm $0x7FFFFFFF  }
tec
execute0_lowered:
.L_overlay_start_1:
0x0: {  	(tag) =	ssettag $0x1  }
0x1: {  	s4 =	rddreg [dreg:$0x0]  }
0x2: {  	s13 =	rddreg [dreg:$0x1]  }
0x3: {  	s1 =	rddreg [dreg:$0x2]  }
0x4: {  	s0 =	rddreg [dreg:$0x3];
	s2 =	srdreg.scid  }
0x5: {  	s3 =	simm.s32 $0x0;
	s17 =	simm.s32 $0x50;
	s18 =	simm.s32 $0x4000  }
0x6: {  	s19 =	simm.s32 $0x1;
	s22 =	simm.s32 $0x0;
	s7 =	sand.u32 $0x1, s2  }
0x7: {  	s2 =	stileid.u32;
	[smem:$0x7FF] =	sst s3;
	s5 =	ssub.s32 $0x2, s7  }
0x8: {  	s11 =	smul.u32 $0x280, s2;
	_ =	strace $0x80000047;
	s6 =	sshll.u32 s7, $0xB  }
0x9: {  	s15 =	smul.u32 $0x2800, s7;
	s16 =	sshll.u32 s2, $0xC;
	s20 =	sshll.u32 s2, $0x6  }
0xa: {  	s8 =	sshrl.u32 s5, $0x1;
	s12 =	sadd.s32 s6, s4;
	s20 =	sor.u32 $0x1C02, s20  }
0xb: {  	s14 =	ssub.s32 s5, s8;
	s4 =	sadd.s32 s11, s1;
	s15 =	sadd.s32 s11, s15  }
0xc: {  	s12 =	sadd.s32 s16, s12;
	s16 =	simm.s32 $0x2;
	s5 =	sadd.s32 $0x50, s4  }
0xd: {  	s6 =	sadd.s32 $0xA0, s4;
	s7 =	sadd.s32 $0xF0, s4;
	s8 =	sadd.s32 $0x140, s4  }
0xe: {  	s9 =	sadd.s32 $0x190, s4;
	s10 =	sadd.s32 $0x1E0, s4;
	s11 =	sadd.s32 $0x230, s4  }
0xf: {  	s15 =	sshrl.u32 s15, $0x3;
	s12 =	sadd.s32 $0x1A00, s12;
	s14 =	smax.u32 s14, $0x1  }
0x10: {  	v0 =	vimm.f32 $1.000000000e+00;
	v1 =	vimm.f32 $0.0e+00;
	s21 =	sshrl.u32 s4, $0x3;
	s13 =	sadd.s32 s13, s15;
	s15 =	simm.s32 $0x4080  }
.LBB2_1:
0x11: {  	[tilespmem:$0x4000] =	vst v0  }
0x12: {  	[tilespmem:$0x4080] =	vst v1  }
0x13: {  	[tilespmem:$0x4010] =	vst v0  }
0x14: {  	[tilespmem:$0x4090] =	vst v1  }
0x15: {  	[tilespmem:$0x4020] =	vst v0  }
0x16: {  	[tilespmem:$0x40A0] =	vst v1  }
0x17: {  	[tilespmem:$0x4030] =	vst v0  }
0x18: {  	[tilespmem:$0x40B0] =	vst v1  }
0x19: {  	[tilespmem:$0x4040] =	vst v0  }
0x1a: {  	[tilespmem:$0x40C0] =	vst v1  }
0x1b: {  	[spmem:s4] =	stream.linear.scatter [tilespmem:s15], [sflag:$0x2], $0x50, $0x38;
	[tilespmem:$0x4380] =	vst v63  }
0x1c: {  	_ =	swait.ge [sflag:s16], $0x50  }
0x1d: {  	[sflag:s16] =	ssyncset.done $0x0  }
0x1e: {  	[sflag:s16] =	ssyncadd.s32 $0xFFFFFFB0  }
0x1f: {  	[spmem:s5] =	stream.linear.scatter [tilespmem:s15], [sflag:$0x2], $0x50, $0x38;
	[tilespmem:$0x4380] =	vst v63  }
0x20: {  	_ =	swait.ge [sflag:s16], $0x50  }
0x21: {  	[sflag:s16] =	ssyncset.done $0x0  }
0x22: {  	[sflag:s16] =	ssyncadd.s32 $0xFFFFFFB0  }
0x23: {  	[spmem:s6] =	stream.linear.scatter [tilespmem:s15], [sflag:$0x2], $0x50, $0x38;
	[tilespmem:$0x4380] =	vst v63  }
0x24: {  	_ =	swait.ge [sflag:s16], $0x50  }
0x25: {  	[sflag:s16] =	ssyncset.done $0x0  }
0x26: {  	[sflag:s16] =	ssyncadd.s32 $0xFFFFFFB0  }
0x27: {  	[spmem:s7] =	stream.linear.scatter [tilespmem:s15], [sflag:$0x2], $0x50, $0x38;
	[tilespmem:$0x4380] =	vst v63  }
0x28: {  	_ =	swait.ge [sflag:s16], $0x50  }
0x29: {  	[sflag:s16] =	ssyncset.done $0x0  }
0x2a: {  	[sflag:s16] =	ssyncadd.s32 $0xFFFFFFB0  }
0x2b: {  	[spmem:s8] =	stream.linear.scatter [tilespmem:s15], [sflag:$0x2], $0x50, $0x38;
	[tilespmem:$0x4380] =	vst v63  }
0x2c: {  	_ =	swait.ge [sflag:s16], $0x50  }
0x2d: {  	[sflag:s16] =	ssyncset.done $0x0  }
0x2e: {  	[sflag:s16] =	ssyncadd.s32 $0xFFFFFFB0  }
0x2f: {  	[spmem:s9] =	stream.linear.scatter [tilespmem:s15], [sflag:$0x2], $0x50, $0x38;
	[tilespmem:$0x4380] =	vst v63  }
0x30: {  	_ =	swait.ge [sflag:s16], $0x50  }
0x31: {  	[sflag:s16] =	ssyncset.done $0x0  }
0x32: {  	[sflag:s16] =	ssyncadd.s32 $0xFFFFFFB0  }
0x33: {  	[spmem:s10] =	stream.linear.scatter [tilespmem:s15], [sflag:$0x2], $0x50, $0x38;
	[tilespmem:$0x4380] =	vst v63  }
0x34: {  	_ =	swait.ge [sflag:s16], $0x50  }
0x35: {  	[sflag:s16] =	ssyncset.done $0x0  }
0x36: {  	[sflag:s16] =	ssyncadd.s32 $0xFFFFFFB0  }
0x37: {  	[spmem:s11] =	stream.linear.scatter [tilespmem:s15], [sflag:$0x2], $0x50, $0x38;
	[tilespmem:$0x4380] =	vst v63  }
0x38: {  	_ =	swait.ge [sflag:s16], $0x50  }
0x39: {  	[sflag:s16] =	ssyncset.done $0x0  }
0x3a: {  	[sflag:s16] =	ssyncadd.s32 $0xFFFFFFB0  }
0x3b: {  	[bflag:$0x0] =	sbarrier.arrive $0xFFFF  }
0x3c: {  	[tilespmem:s3], [sflag:$0x2] =	stream.linear.gather [hbm4b:s12+s3], $0x3E80, $0x38;
	[tilespmem:$0x4380] =	vst v63  }
0x3d: {  	_ =	swait.ge [sflag:s16], $0x3E80  }
0x3e: {  	[sflag:s16] =	ssyncset.done $0x0  }
0x3f: {  	s23 =	simm.s32 $0x0;
	[sflag:s16] =	ssyncadd.s32 $0xFFFFC180  }
.LBB2_2:
0x40: {  	p0 =	sne.s32 s23, $0xF800  }
.Ltmp0:
0x41: {  	_ = 	snop;
	(pc) =	sbr.rel @p0 .LBB2_2-.Ltmp0, $3  }
0x42: {  	_ =	sdelay $0x1  }
0x43: {  	s24 =	sshra.s32 s23, $0x2;
	s23 =	sadd.s32 $0x200, s23  }
0x44: {  	[spmem:s1] =	stream.indirect.scatter.add.f32 [tilespmem:s18], [sflag:$0x1], $0x1, s24, s17, $0xb8;
	[tilespmem:$0x4380] =	vst v63  }
0x45: {  	_ =	swait.ge [sflag:s19], $0x50  }
0x46: {  	s23 =	simm.s32 $0x7C;
	[sflag:s19] =	ssyncset.done $0x0  }
.LBB2_4:
0x47: {  	p0 =	sne.s32 s23, $0x1;
	s23 =	sadd.s32 $0xFFFFFFFF, s23;
	[sflag:s19] =	ssyncadd.s32 $0xFFFFFFB0  }
.Ltmp1:
0x48: {  	(pc) =	sbr.rel @p0 .LBB2_4-.Ltmp1, $3  }
0x49: {  	_ =	sdelay $0x1  }
0x4a: {  	_ =	swait.ge [sflag:s19], $0x50  }
0x4b: {  	[sflag:s19] =	ssyncset.done $0x0  }
0x4c: {  	s22 =	sadd.s32 $0x1, s22  }
0x4d: {  	[sflag:s19] =	ssyncadd.s32 $0xFFFFFFB0;
	p0 =	sne.s32 s22, s14  }
.Ltmp2:
0x4e: {  	[bflag:$0x0] =	sbarrier.arrive $0xFFFF;
	(pc) =	sbr.rel @p0 .LBB2_1-.Ltmp2, $4  }
0x4f: {  	[hbm:s13], [sflag:s20] =	dma.local [spmem:s21], $0x50  }
0x50: {  	_ =	swait.ge [sflag:s16], $0x50  }
0x51: {  	[sflag:s16] =	ssyncset.done $0x0  }
0x52: {  	[sflag:s16] =	ssyncadd.s32 $0xFFFFFFB0  }
0x53: {  	_ =	sfence.sel $0x180000  }
0x54: {  	[bflag:$0x0] =	sbarrier.arrive $0xFFFF  }
0x55: {  	p0 =	sne.s32 s2, $0x0;
	_ =	strace $0x90000047  }
0x56: {  	s0 =	sadd.s32 @!p0 $0x100000, s0;
	[bflag:$0x2] =	sbarrier.arrive $0xFFFF  }
0x57: {  	[sflag:s0] =	ssyncadd.tile.s32 @!p0 $0x1;
	_ =	shalt  }
.Lfunc_end2:
_tile_overlayer_lowered:
.L_overlay_start_2:
0x58: {  	(tag) =	ssettag $0x2  }
0x59: {  	s0 =	rddreg [dreg:$0x0];
	s2 =	stileid.u32  }
0x5a: {  	s1 =	rddreg [dreg:$0x1];
	p0 =	sne.s32 s2, $0x0  }
0x5b: {  	s3 =	rddreg [dreg:$0x2];
	[bflag:$0x3] =	sbarrier.arrive $0xFFFF;
	s2 =	simm.s32 @!p0 $0x1C02  }
0x5c: {  	[timem:s3], [sflag:s2] =	dma.local @!p0 [hbm:s0], s1  }
0x5d: {  	s0 =	simm.s32 @!p0 $0x2  }
0x5e: {  	_ =	swait.ge @!p0 [sflag:s0], s1  }
0x5f: {  	s1 =	ssub.s32 @!p0 $0x0, s1;
	[sflag:s0] =	ssyncset.done @!p0 $0x0  }
0x60: {  	[sflag:s0] =	ssyncadd.s32 @!p0 s1  }
0x61: {  	[bflag:$0x3] =	sbarrier.arrive $0xFFFF  }
0x62: {  	_ =	shalt  }

</sc_bundles>
